<compile_context>
chip_gen: v7x
topology: tpu7x:2x2x1
jax: 0.10.2.dev20260603
libtpu: 0.0.44.dev20260713+nightly
codegen_flags: <defaults>
</compile_context>

<pallas_src>
import functools

import numpy as np

import jax
import jax.numpy as jnp
from jax import lax
from jax.experimental import pallas as pl
from jax.experimental.pallas import tpu as pltpu
from jax.experimental.pallas import tpu_sc as plsc

L = 16


def _pos_encoding_table_np(seq_len, d_model):
    pos = np.arange(seq_len, dtype=np.float64)[:, None]
    _2i = np.arange(0, d_model, 2, dtype=np.float64)
    angle = pos / np.power(10000.0, _2i / d_model)
    pe = np.empty((seq_len, d_model), dtype=np.float32)
    pe[:, 0::2] = np.sin(angle.astype(np.float32))
    pe[:, 1::2] = np.cos(angle.astype(np.float32))
    return pe


def _rsqrt16(v):
    half = v * 0.5
    i = plsc.bitcast(v, jnp.int32)
    i = 0x5F3759DF - (i >> 1)
    r = plsc.bitcast(i, jnp.float32)
    r = r * (1.5 - half * r * r)
    r = r * (1.5 - half * r * r)
    r = r * (1.5 - half * r * r)
    return r


def _make_sc_kernel(B, S, D, V, SB):
    info = plsc.get_sparse_core_info()
    NC, NS = info.num_cores, info.num_subcores
    NW = NC * NS
    assert S % NW == 0
    s_per_w = S // NW
    assert s_per_w % SB == 0 and SB == L
    n_sb = s_per_w // SB
    n_slices = D // L
    n_ch = n_sb * B
    assert n_ch % 2 == 0 and B % 2 == 0
    n_pairs = n_ch // 2

    mesh = plsc.VectorSubcoreMesh(core_axis_name="c", subcore_axis_name="s")

    @functools.partial(
        pl.kernel,
        mesh=mesh,
        out_type=jax.ShapeDtypeStruct((B, S, D), jnp.float32),
        compiler_params=pltpu.CompilerParams(needs_layout_passes=False),
        scratch_types=[
            pltpu.VMEM((B * (S // NW),), jnp.int32),
            pltpu.VMEM((SB, D), jnp.float32),
            pltpu.VMEM((SB, D), jnp.float32),
            pltpu.VMEM((SB, D), jnp.float32),
            pltpu.VMEM((D,), jnp.float32),
            pltpu.VMEM((D,), jnp.float32),
            pltpu.SemaphoreType.DMA,
            pltpu.SemaphoreType.DMA,
            pltpu.SemaphoreType.DMA,
            pltpu.SemaphoreType.DMA,
        ],
    )
    def k(table_hbm, ids_hbm, pe_hbm, gamma_hbm, beta_hbm, out_hbm,
          ids_all, pe_v, rows0, rows1, gamma_v, beta_v,
          sg0, sg1, sw0, sw1):
        wid = lax.axis_index("s") * NC + lax.axis_index("c")
        s0 = wid * s_per_w

        pltpu.sync_copy(gamma_hbm, gamma_v)
        pltpu.sync_copy(beta_hbm, beta_v)
        for b_ in range(B):
            pltpu.sync_copy(ids_hbm.at[b_, pl.ds(s0, s_per_w)],
                            ids_all.at[pl.ds(b_ * s_per_w, s_per_w)])

        inv_d = jnp.float32(1.0 / D)
        lanes = lax.iota(jnp.int32, L)
        zf = jnp.zeros((L,), jnp.float32)
        rows = (rows0, rows1)
        sgs = (sg0, sg1)
        sws = (sw0, sw1)

        def start_gather(kk, off):
            pltpu.make_async_copy(table_hbm.at[ids_all.at[pl.ds(off, SB)]],
                                  rows[kk], sgs[kk]).start()

        def wait_gather(kk, off):
            pltpu.make_async_copy(table_hbm.at[ids_all.at[pl.ds(off, SB)]],
                                  rows[kk], sgs[kk]).wait()

        def start_writeout(kk, b, s_base):
            pltpu.make_async_copy(rows[kk], out_hbm.at[b, pl.ds(s_base, SB)],
                                  sws[kk]).start()

        def wait_writeout(kk, b, s_base):
            pltpu.make_async_copy(rows[kk], out_hbm.at[b, pl.ds(s_base, SB)],
                                  sws[kk]).wait()

        def process(rows_v):
            def t_body(t, carry):
                sum_vec, ssq_vec = carry
                a = [zf, zf, zf, zf]
                q = [zf, zf, zf, zf]
                for j in range(n_slices):
                    sl = pl.ds(j * L, L)
                    y = rows_v[t, sl] + pe_v[t, sl]
                    rows_v[t, sl] = y
                    a[j % 4] = a[j % 4] + y
                    q[j % 4] = q[j % 4] + y * y
                s = jnp.sum((a[0] + a[1]) + (a[2] + a[3]))
                ss = jnp.sum((q[0] + q[1]) + (q[2] + q[3]))
                lane = lanes == t
                return (jnp.where(lane, s, sum_vec),
                        jnp.where(lane, ss, ssq_vec))

            sum_vec, ssq_vec = lax.fori_loop(0, SB, t_body, (zf, zf))
            mean_vec = sum_vec * inv_d
            var_vec = ssq_vec * inv_d - mean_vec * mean_vec
            rinv_vec = _rsqrt16(var_vec + jnp.float32(1e-5))

            msp = [jnp.full((L,), mean_vec[t], jnp.float32) for t in range(SB)]
            rsp = [jnp.full((L,), rinv_vec[t], jnp.float32) for t in range(SB)]

            def j_body(j, _):
                sl = pl.ds(j * L, L)
                gj = gamma_v[sl]
                bj = beta_v[sl]
                for t in range(SB):
                    y = rows_v[t, sl]
                    rows_v[t, sl] = (y - msp[t]) * rsp[t] * gj + bj
                return 0

            lax.fori_loop(0, n_slices, j_body, 0)

        start_gather(0, 0)

        def pair_body(p, _):
            g0 = p * 2
            b0 = g0 % B
            b1 = b0 + 1
            sb_l = (g0 // B) * SB
            s_base = s0 + sb_l
            off0 = b0 * s_per_w + sb_l
            off1 = off0 + s_per_w

            wait_gather(0, off0)

            @pl.when(b0 == 0)
            def _():
                pltpu.sync_copy(pe_hbm.at[pl.ds(s_base, SB)], pe_v)

            @pl.when(p > 0)
            def _():
                wait_writeout(1, b1, s_base)
            start_gather(1, off1)

            process(rows0)
            start_writeout(0, b0, s_base)

            wait_gather(1, off1)

            @pl.when(p + 1 < n_pairs)
            def _():
                g_n = g0 + 2
                wait_writeout(0, b0, s_base)
                start_gather(0, (g_n % B) * s_per_w + (g_n // B) * SB)

            process(rows1)
            start_writeout(1, b1, s_base)
            return 0

        lax.fori_loop(0, n_pairs, pair_body, 0)
        wait_writeout(0, B - 2, s0 + (s_per_w - SB))
        wait_writeout(1, B - 1, s0 + (s_per_w - SB))

    return k


def kernel(trg_ids, emb_table, gamma, beta):
    B, S = trg_ids.shape
    V, D = emb_table.shape
    pe = jnp.asarray(_pos_encoding_table_np(S, D))
    k = _make_sc_kernel(B, S, D, V, SB=16)
    return k(emb_table, trg_ids.astype(jnp.int32), pe, gamma, beta)

# --- scband reference (transcript-rebuilt; emitter-appended) ---
"""Pipeline reference for scband-transformer-embedding-83915071029757 (READ-ONLY COPY).

The authoritative reference and input builder live on the scoring server;
editing this copy changes nothing except your own understanding.
"""

import jax, jax.numpy as jnp
import numpy as np

VOCAB = 100000
D_MODEL = 1024
BATCH = 4
SEQ = 4096


def setup_inputs(seed: int = 0) -> dict:
    key = jax.random.key(seed)
    k1, k2, k3 = jax.random.split(key, 3)
    trg_ids = jax.random.randint(k1, (BATCH, SEQ), 0, VOCAB, dtype=jnp.int64 if jax.config.jax_enable_x64 else jnp.int32)
    emb_table = jax.random.normal(k2, (VOCAB, D_MODEL), dtype=jnp.float32)
    gamma = jnp.ones((D_MODEL,), dtype=jnp.float32)
    beta = jnp.zeros((D_MODEL,), dtype=jnp.float32)
    return {"trg_ids": trg_ids, "emb_table": emb_table, "gamma": gamma, "beta": beta}


def _pos_encoding(seq_len, d_model):
    pos = jnp.arange(seq_len, dtype=jnp.float32)[:, None]
    _2i = jnp.arange(0, d_model, 2, dtype=jnp.float32)
    angle = pos / jnp.power(10000.0, _2i / d_model)
    pe = jnp.zeros((seq_len, d_model), dtype=jnp.float32)
    pe = pe.at[:, 0::2].set(jnp.sin(angle))
    pe = pe.at[:, 1::2].set(jnp.cos(angle))
    return pe


def reference(trg_ids, emb_table, gamma, beta):
    d_model = emb_table.shape[1]
    seq_len = trg_ids.shape[1]
    # embedding lookup (gather)
    emb = jnp.take(emb_table, trg_ids, axis=0)
    # positional encoding (non-trainable buffer)
    pe = _pos_encoding(seq_len, d_model)
    feat = emb + pe[None, :, :]
    # dropout with drop_prob=0.0 is identity
    # LayerNorm over last dim (eps=1e-5, biased variance, as in torch)
    mean = jnp.mean(feat, axis=-1, keepdims=True)
    var = jnp.mean((feat - mean) ** 2, axis=-1, keepdims=True)
    feat = (feat - mean) / jnp.sqrt(var + 1e-5)
    feat = feat * gamma + beta
    return feat

if __name__ == "__main__":
    import jax
    _d = setup_inputs()
    print(jax.jit(kernel)(*tuple(_d.values())))

</pallas_src>

<mosaic_0001>
#map = affine_map<(d0, d1) -> (0, 0)>
#map1 = affine_map<(d0, d1) -> (0)>
#map2 = affine_map<(d0, d1) -> (0, 0, 0)>
module attributes {stable_mosaic.version = 14 : i64} {
  func.func @k(%arg0: i32, %arg1: i32, %arg2: memref<100000x1024xf32, #tpu.memory_space<hbm>>, %arg3: memref<4x4096xi32, #tpu.memory_space<hbm>>, %arg4: memref<4096x1024xf32, #tpu.memory_space<hbm>>, %arg5: memref<1024xf32, #tpu.memory_space<hbm>>, %arg6: memref<1024xf32, #tpu.memory_space<hbm>>, %arg7: memref<4x4096x1024xf32, #tpu.memory_space<hbm>>, %arg8: memref<512xi32, #tpu.memory_space<vmem>>, %arg9: memref<16x1024xf32, #tpu.memory_space<vmem>>, %arg10: memref<16x1024xf32, #tpu.memory_space<vmem>>, %arg11: memref<16x1024xf32, #tpu.memory_space<vmem>>, %arg12: memref<1024xf32, #tpu.memory_space<vmem>>, %arg13: memref<1024xf32, #tpu.memory_space<vmem>>, %arg14: memref<!tpu.dma_semaphore, #tpu.memory_space<semaphore_mem>>, %arg15: memref<!tpu.dma_semaphore, #tpu.memory_space<semaphore_mem>>, %arg16: memref<!tpu.dma_semaphore, #tpu.memory_space<semaphore_mem>>, %arg17: memref<!tpu.dma_semaphore, #tpu.memory_space<semaphore_mem>>) attributes {dimension_semantics = [#tpu.dimension_semantics<core_parallel>, #tpu.dimension_semantics<subcore_parallel>], iteration_bounds = array<i64: 2, 16>, scalar_prefetch = 0 : i64, scratch_operands = 10 : i64, tpu.core_type = #tpu.core_type<sc_vector_subcore>, window_params = [{transform_indices = #map}, {transform_indices = #map}, {transform_indices = #map}, {transform_indices = #map1}, {transform_indices = #map1}, {transform_indices = #map2}]} {
    %mul3A = arith.constant 2 : i32
    %mul3A_0 = arith.muli %arg1, %mul3A : i32
    %add3A = arith.addi %mul3A_0, %arg0 : i32
    %mul3A_1 = arith.constant 128 : i32
    %mul3A_2 = arith.muli %add3A, %mul3A_1 : i32
    "tpu.region"() ({
      %run_scoped3A_35 = tpu.sem_alloc : memref<!tpu.dma_semaphore, #tpu.memory_space<semaphore_mem>>
      tpu.enqueue_dma source(%arg5 : memref<1024xf32, #tpu.memory_space<hbm>>) target(%arg12 : memref<1024xf32, #tpu.memory_space<vmem>>) target_semaphore(%run_scoped3A_35 : memref<!tpu.dma_semaphore, #tpu.memory_space<semaphore_mem>>)
      tpu.wait_dma2 semaphore(%run_scoped3A_35 : memref<!tpu.dma_semaphore, #tpu.memory_space<semaphore_mem>>) src(%arg5 : memref<1024xf32, #tpu.memory_space<hbm>>) dst(%arg12 : memref<1024xf32, #tpu.memory_space<vmem>>)
      tpu.yield
    }) : () -> ()
    "tpu.region"() ({
      %run_scoped3A_35 = tpu.sem_alloc : memref<!tpu.dma_semaphore, #tpu.memory_space<semaphore_mem>>
      tpu.enqueue_dma source(%arg6 : memref<1024xf32, #tpu.memory_space<hbm>>) target(%arg13 : memref<1024xf32, #tpu.memory_space<vmem>>) target_semaphore(%run_scoped3A_35 : memref<!tpu.dma_semaphore, #tpu.memory_space<semaphore_mem>>)
      tpu.wait_dma2 semaphore(%run_scoped3A_35 : memref<!tpu.dma_semaphore, #tpu.memory_space<semaphore_mem>>) src(%arg6 : memref<1024xf32, #tpu.memory_space<hbm>>) dst(%arg13 : memref<1024xf32, #tpu.memory_space<vmem>>)
      tpu.yield
    }) : () -> ()
    %run_scoped3A = arith.constant 0 : i32
    "tpu.region"() ({
      %run_scoped3A_35 = tpu.sem_alloc : memref<!tpu.dma_semaphore, #tpu.memory_space<semaphore_mem>>
      %dma_start3A_36 = arith.constant 0 : i32
      %dma_start3A_37 = tpu.memref_slice %arg8[%dma_start3A_36] : memref<512xi32, #tpu.memory_space<vmem>> -> memref<128xi32, #tpu.memory_space<vmem>>
      %dma_start3A_38 = tpu.memref_slice %arg3[%run_scoped3A, %mul3A_2] : memref<4x4096xi32, #tpu.memory_space<hbm>> -> memref<1x128xi32, #tpu.memory_space<hbm>>
      %dma_start3A_39 = tpu.memref_squeeze %dma_start3A_38 : memref<1x128xi32, #tpu.memory_space<hbm>> -> memref<128xi32, #tpu.memory_space<hbm>>
      %dma_start3A_40 = arith.constant 0 : i32
      %dma_start3A_41 = tpu.memref_slice %arg8[%dma_start3A_40] : memref<512xi32, #tpu.memory_space<vmem>> -> memref<128xi32, #tpu.memory_space<vmem>>
      %dma_start3A_42 = tpu.memref_slice %arg3[%run_scoped3A, %mul3A_2] : memref<4x4096xi32, #tpu.memory_space<hbm>> -> memref<1x128xi32, #tpu.memory_space<hbm>>
      %dma_start3A_43 = tpu.memref_squeeze %dma_start3A_42 : memref<1x128xi32, #tpu.memory_space<hbm>> -> memref<128xi32, #tpu.memory_space<hbm>>
      tpu.enqueue_dma source(%dma_start3A_43 : memref<128xi32, #tpu.memory_space<hbm>>) target(%dma_start3A_41 : memref<128xi32, #tpu.memory_space<vmem>>) target_semaphore(%run_scoped3A_35 : memref<!tpu.dma_semaphore, #tpu.memory_space<semaphore_mem>>)
      %dma_wait3A_44 = arith.constant 0 : i32
      %dma_wait3A_45 = tpu.memref_slice %arg8[%dma_wait3A_44] : memref<512xi32, #tpu.memory_space<vmem>> -> memref<128xi32, #tpu.memory_space<vmem>>
      %dma_wait3A_46 = tpu.memref_slice %arg3[%run_scoped3A, %mul3A_2] : memref<4x4096xi32, #tpu.memory_space<hbm>> -> memref<1x128xi32, #tpu.memory_space<hbm>>
      %dma_wait3A_47 = tpu.memref_squeeze %dma_wait3A_46 : memref<1x128xi32, #tpu.memory_space<hbm>> -> memref<128xi32, #tpu.memory_space<hbm>>
      %dma_wait3A_48 = arith.constant 0 : i32
      %dma_wait3A_49 = tpu.memref_slice %arg8[%dma_wait3A_48] : memref<512xi32, #tpu.memory_space<vmem>> -> memref<128xi32, #tpu.memory_space<vmem>>
      %dma_wait3A_50 = tpu.memref_slice %arg3[%run_scoped3A, %mul3A_2] : memref<4x4096xi32, #tpu.memory_space<hbm>> -> memref<1x128xi32, #tpu.memory_space<hbm>>
      %dma_wait3A_51 = tpu.memref_squeeze %dma_wait3A_50 : memref<1x128xi32, #tpu.memory_space<hbm>> -> memref<128xi32, #tpu.memory_space<hbm>>
      tpu.wait_dma2 semaphore(%run_scoped3A_35 : memref<!tpu.dma_semaphore, #tpu.memory_space<semaphore_mem>>) src(%dma_wait3A_51 : memref<128xi32, #tpu.memory_space<hbm>>) dst(%dma_wait3A_49 : memref<128xi32, #tpu.memory_space<vmem>>)
      tpu.yield
    }) : () -> ()
    %run_scoped3A_3 = arith.constant 1 : i32
    "tpu.region"() ({
      %run_scoped3A_35 = tpu.sem_alloc : memref<!tpu.dma_semaphore, #tpu.memory_space<semaphore_mem>>
      %dma_start3A_36 = arith.constant 128 : i32
      %dma_start3A_37 = tpu.memref_slice %arg8[%dma_start3A_36] : memref<512xi32, #tpu.memory_space<vmem>> -> memref<128xi32, #tpu.memory_space<vmem>>
      %dma_start3A_38 = tpu.memref_slice %arg3[%run_scoped3A_3, %mul3A_2] : memref<4x4096xi32, #tpu.memory_space<hbm>> -> memref<1x128xi32, #tpu.memory_space<hbm>>
      %dma_start3A_39 = tpu.memref_squeeze %dma_start3A_38 : memref<1x128xi32, #tpu.memory_space<hbm>> -> memref<128xi32, #tpu.memory_space<hbm>>
      %dma_start3A_40 = arith.constant 128 : i32
      %dma_start3A_41 = tpu.memref_slice %arg8[%dma_start3A_40] : memref<512xi32, #tpu.memory_space<vmem>> -> memref<128xi32, #tpu.memory_space<vmem>>
      %dma_start3A_42 = tpu.memref_slice %arg3[%run_scoped3A_3, %mul3A_2] : memref<4x4096xi32, #tpu.memory_space<hbm>> -> memref<1x128xi32, #tpu.memory_space<hbm>>
      %dma_start3A_43 = tpu.memref_squeeze %dma_start3A_42 : memref<1x128xi32, #tpu.memory_space<hbm>> -> memref<128xi32, #tpu.memory_space<hbm>>
      tpu.enqueue_dma source(%dma_start3A_43 : memref<128xi32, #tpu.memory_space<hbm>>) target(%dma_start3A_41 : memref<128xi32, #tpu.memory_space<vmem>>) target_semaphore(%run_scoped3A_35 : memref<!tpu.dma_semaphore, #tpu.memory_space<semaphore_mem>>)
      %dma_wait3A_44 = arith.constant 128 : i32
      %dma_wait3A_45 = tpu.memref_slice %arg8[%dma_wait3A_44] : memref<512xi32, #tpu.memory_space<vmem>> -> memref<128xi32, #tpu.memory_space<vmem>>
      %dma_wait3A_46 = tpu.memref_slice %arg3[%run_scoped3A_3, %mul3A_2] : memref<4x4096xi32, #tpu.memory_space<hbm>> -> memref<1x128xi32, #tpu.memory_space<hbm>>
      %dma_wait3A_47 = tpu.memref_squeeze %dma_wait3A_46 : memref<1x128xi32, #tpu.memory_space<hbm>> -> memref<128xi32, #tpu.memory_space<hbm>>
      %dma_wait3A_48 = arith.constant 128 : i32
      %dma_wait3A_49 = tpu.memref_slice %arg8[%dma_wait3A_48] : memref<512xi32, #tpu.memory_space<vmem>> -> memref<128xi32, #tpu.memory_space<vmem>>
      %dma_wait3A_50 = tpu.memref_slice %arg3[%run_scoped3A_3, %mul3A_2] : memref<4x4096xi32, #tpu.memory_space<hbm>> -> memref<1x128xi32, #tpu.memory_space<hbm>>
      %dma_wait3A_51 = tpu.memref_squeeze %dma_wait3A_50 : memref<1x128xi32, #tpu.memory_space<hbm>> -> memref<128xi32, #tpu.memory_space<hbm>>
      tpu.wait_dma2 semaphore(%run_scoped3A_35 : memref<!tpu.dma_semaphore, #tpu.memory_space<semaphore_mem>>) src(%dma_wait3A_51 : memref<128xi32, #tpu.memory_space<hbm>>) dst(%dma_wait3A_49 : memref<128xi32, #tpu.memory_space<vmem>>)
      tpu.yield
    }) : () -> ()
    %run_scoped3A_4 = arith.constant 2 : i32
    "tpu.region"() ({
      %run_scoped3A_35 = tpu.sem_alloc : memref<!tpu.dma_semaphore, #tpu.memory_space<semaphore_mem>>
      %dma_start3A_36 = arith.constant 256 : i32
      %dma_start3A_37 = tpu.memref_slice %arg8[%dma_start3A_36] : memref<512xi32, #tpu.memory_space<vmem>> -> memref<128xi32, #tpu.memory_space<vmem>>
      %dma_start3A_38 = tpu.memref_slice %arg3[%run_scoped3A_4, %mul3A_2] : memref<4x4096xi32, #tpu.memory_space<hbm>> -> memref<1x128xi32, #tpu.memory_space<hbm>>
      %dma_start3A_39 = tpu.memref_squeeze %dma_start3A_38 : memref<1x128xi32, #tpu.memory_space<hbm>> -> memref<128xi32, #tpu.memory_space<hbm>>
      %dma_start3A_40 = arith.constant 256 : i32
      %dma_start3A_41 = tpu.memref_slice %arg8[%dma_start3A_40] : memref<512xi32, #tpu.memory_space<vmem>> -> memref<128xi32, #tpu.memory_space<vmem>>
      %dma_start3A_42 = tpu.memref_slice %arg3[%run_scoped3A_4, %mul3A_2] : memref<4x4096xi32, #tpu.memory_space<hbm>> -> memref<1x128xi32, #tpu.memory_space<hbm>>
      %dma_start3A_43 = tpu.memref_squeeze %dma_start3A_42 : memref<1x128xi32, #tpu.memory_space<hbm>> -> memref<128xi32, #tpu.memory_space<hbm>>
      tpu.enqueue_dma source(%dma_start3A_43 : memref<128xi32, #tpu.memory_space<hbm>>) target(%dma_start3A_41 : memref<128xi32, #tpu.memory_space<vmem>>) target_semaphore(%run_scoped3A_35 : memref<!tpu.dma_semaphore, #tpu.memory_space<semaphore_mem>>)
      %dma_wait3A_44 = arith.constant 256 : i32
      %dma_wait3A_45 = tpu.memref_slice %arg8[%dma_wait3A_44] : memref<512xi32, #tpu.memory_space<vmem>> -> memref<128xi32, #tpu.memory_space<vmem>>
      %dma_wait3A_46 = tpu.memref_slice %arg3[%run_scoped3A_4, %mul3A_2] : memref<4x4096xi32, #tpu.memory_space<hbm>> -> memref<1x128xi32, #tpu.memory_space<hbm>>
      %dma_wait3A_47 = tpu.memref_squeeze %dma_wait3A_46 : memref<1x128xi32, #tpu.memory_space<hbm>> -> memref<128xi32, #tpu.memory_space<hbm>>
      %dma_wait3A_48 = arith.constant 256 : i32
      %dma_wait3A_49 = tpu.memref_slice %arg8[%dma_wait3A_48] : memref<512xi32, #tpu.memory_space<vmem>> -> memref<128xi32, #tpu.memory_space<vmem>>
      %dma_wait3A_50 = tpu.memref_slice %arg3[%run_scoped3A_4, %mul3A_2] : memref<4x4096xi32, #tpu.memory_space<hbm>> -> memref<1x128xi32, #tpu.memory_space<hbm>>
      %dma_wait3A_51 = tpu.memref_squeeze %dma_wait3A_50 : memref<1x128xi32, #tpu.memory_space<hbm>> -> memref<128xi32, #tpu.memory_space<hbm>>
      tpu.wait_dma2 semaphore(%run_scoped3A_35 : memref<!tpu.dma_semaphore, #tpu.memory_space<semaphore_mem>>) src(%dma_wait3A_51 : memref<128xi32, #tpu.memory_space<hbm>>) dst(%dma_wait3A_49 : memref<128xi32, #tpu.memory_space<vmem>>)
      tpu.yield
    }) : () -> ()
    %run_scoped3A_5 = arith.constant 3 : i32
    "tpu.region"() ({
      %run_scoped3A_35 = tpu.sem_alloc : memref<!tpu.dma_semaphore, #tpu.memory_space<semaphore_mem>>
      %dma_start3A_36 = arith.constant 384 : i32
      %dma_start3A_37 = tpu.memref_slice %arg8[%dma_start3A_36] : memref<512xi32, #tpu.memory_space<vmem>> -> memref<128xi32, #tpu.memory_space<vmem>>
      %dma_start3A_38 = tpu.memref_slice %arg3[%run_scoped3A_5, %mul3A_2] : memref<4x4096xi32, #tpu.memory_space<hbm>> -> memref<1x128xi32, #tpu.memory_space<hbm>>
      %dma_start3A_39 = tpu.memref_squeeze %dma_start3A_38 : memref<1x128xi32, #tpu.memory_space<hbm>> -> memref<128xi32, #tpu.memory_space<hbm>>
      %dma_start3A_40 = arith.constant 384 : i32
      %dma_start3A_41 = tpu.memref_slice %arg8[%dma_start3A_40] : memref<512xi32, #tpu.memory_space<vmem>> -> memref<128xi32, #tpu.memory_space<vmem>>
      %dma_start3A_42 = tpu.memref_slice %arg3[%run_scoped3A_5, %mul3A_2] : memref<4x4096xi32, #tpu.memory_space<hbm>> -> memref<1x128xi32, #tpu.memory_space<hbm>>
      %dma_start3A_43 = tpu.memref_squeeze %dma_start3A_42 : memref<1x128xi32, #tpu.memory_space<hbm>> -> memref<128xi32, #tpu.memory_space<hbm>>
      tpu.enqueue_dma source(%dma_start3A_43 : memref<128xi32, #tpu.memory_space<hbm>>) target(%dma_start3A_41 : memref<128xi32, #tpu.memory_space<vmem>>) target_semaphore(%run_scoped3A_35 : memref<!tpu.dma_semaphore, #tpu.memory_space<semaphore_mem>>)
      %dma_wait3A_44 = arith.constant 384 : i32
      %dma_wait3A_45 = tpu.memref_slice %arg8[%dma_wait3A_44] : memref<512xi32, #tpu.memory_space<vmem>> -> memref<128xi32, #tpu.memory_space<vmem>>
      %dma_wait3A_46 = tpu.memref_slice %arg3[%run_scoped3A_5, %mul3A_2] : memref<4x4096xi32, #tpu.memory_space<hbm>> -> memref<1x128xi32, #tpu.memory_space<hbm>>
      %dma_wait3A_47 = tpu.memref_squeeze %dma_wait3A_46 : memref<1x128xi32, #tpu.memory_space<hbm>> -> memref<128xi32, #tpu.memory_space<hbm>>
      %dma_wait3A_48 = arith.constant 384 : i32
      %dma_wait3A_49 = tpu.memref_slice %arg8[%dma_wait3A_48] : memref<512xi32, #tpu.memory_space<vmem>> -> memref<128xi32, #tpu.memory_space<vmem>>
      %dma_wait3A_50 = tpu.memref_slice %arg3[%run_scoped3A_5, %mul3A_2] : memref<4x4096xi32, #tpu.memory_space<hbm>> -> memref<1x128xi32, #tpu.memory_space<hbm>>
      %dma_wait3A_51 = tpu.memref_squeeze %dma_wait3A_50 : memref<1x128xi32, #tpu.memory_space<hbm>> -> memref<128xi32, #tpu.memory_space<hbm>>
      tpu.wait_dma2 semaphore(%run_scoped3A_35 : memref<!tpu.dma_semaphore, #tpu.memory_space<semaphore_mem>>) src(%dma_wait3A_51 : memref<128xi32, #tpu.memory_space<hbm>>) dst(%dma_wait3A_49 : memref<128xi32, #tpu.memory_space<vmem>>)
      tpu.yield
    }) : () -> ()
    %iota3A = tpu.iota {dimensions = array<i32: 0>} : vector<16xi32>
    %broadcast_in_dim3A = arith.constant 0.000000e+00 : f32
    %broadcast_in_dim3A_6 = vector.broadcast %broadcast_in_dim3A : f32 to vector<16xf32>
    %dma_start3A = arith.constant 0 : i32
    %dma_start3A_7 = tpu.memref_slice %arg8[%dma_start3A] : memref<512xi32, #tpu.memory_space<vmem>> -> memref<16xi32, #tpu.memory_space<vmem>>
    %dma_start3A_8 = arith.constant 0 : i32
    %dma_start3A_9 = arith.constant 0 : i32
    %dma_start3A_10 = tpu.memref_slice %arg2[%dma_start3A_8, %dma_start3A_9] : memref<100000x1024xf32, #tpu.memory_space<hbm>> -> memref<100000x1024xf32, #tpu.memory_space<hbm>>
    tpu.enqueue_indirect_dma source(%dma_start3A_10 : memref<100000x1024xf32, #tpu.memory_space<hbm>>) target(%arg10 : memref<16x1024xf32, #tpu.memory_space<vmem>>) offsets(%dma_start3A_7 : memref<16xi32, #tpu.memory_space<vmem>>) semaphore(%arg14 : memref<!tpu.dma_semaphore, #tpu.memory_space<semaphore_mem>>)
    %scan3A = arith.constant 9.765625E-4 : f32
    %scan3A_11 = arith.constant 0 : i32
    %scan3A_12 = arith.constant 0 : i32
    %scan3A_13 = arith.constant 16 : i32
    %scan3A_14 = arith.addi %scan3A_12, %scan3A_13 : i32
    %scan3A_15 = arith.constant 1 : i32
    %scan3A_16 = scf.for %scan3A_35 = %scan3A_12 to %scan3A_14 step %scan3A_15 iter_args(%scan3A_36 = %scan3A_11) -> (i32)  : i32 {
      %mul3A_37 = arith.constant 2 : i32
      %mul3A_38 = arith.muli %scan3A_35, %mul3A_37 : i32
      %jit3A = arith.constant 4 : i32
      %eq3A = arith.constant 0 : i32
      %eq3A_39 = arith.cmpi eq, %jit3A, %eq3A : i32
      %jit3A_40 = arith.constant 1 : i32
      %select_n3A = arith.select %eq3A_39, %jit3A_40, %jit3A : i32
      %rem3A = arith.remsi %mul3A_38, %select_n3A : i32
      %ne3A = arith.constant 0 : i32
      %ne3A_41 = arith.cmpi ne, %rem3A, %ne3A : i32
      %lt3A = arith.constant 0 : i32
      %lt3A_42 = arith.cmpi slt, %rem3A, %lt3A : i32
      %lt3A_43 = arith.constant 0 : i32
      %lt3A_44 = arith.cmpi slt, %select_n3A, %lt3A_43 : i32
      %ne3A_45 = arith.xori %lt3A_42, %lt3A_44 : i1
      %and3A = arith.andi %ne3A_45, %ne3A_41 : i1
      %add3A_46 = arith.addi %rem3A, %select_n3A : i32
      %select_n3A_47 = arith.select %and3A, %add3A_46, %rem3A : i32
      %add3A_48 = arith.constant 1 : i32
      %add3A_49 = arith.addi %select_n3A_47, %add3A_48 : i32
      %jit3A_50 = arith.constant 4 : i32
      %div3A = arith.divsi %mul3A_38, %jit3A_50 : i32
      %sign3A = arith.constant 0 : i32
      %sign3A_51 = arith.cmpi sgt, %mul3A_38, %sign3A : i32
      %sign3A_52 = arith.extui %sign3A_51 : i1 to i32
      %sign3A_53 = arith.constant 0 : i32
      %sign3A_54 = arith.cmpi slt, %mul3A_38, %sign3A_53 : i32
      %sign3A_55 = arith.extui %sign3A_54 : i1 to i32
      %sign3A_56 = arith.subi %sign3A_52, %sign3A_55 : i32
      %sign3A_57 = arith.constant 0 : i32
      %sign3A_58 = arith.cmpi sgt, %jit3A_50, %sign3A_57 : i32
      %sign3A_59 = arith.extui %sign3A_58 : i1 to i32
      %sign3A_60 = arith.constant 0 : i32
      %sign3A_61 = arith.cmpi slt, %jit3A_50, %sign3A_60 : i32
      %sign3A_62 = arith.extui %sign3A_61 : i1 to i32
      %sign3A_63 = arith.subi %sign3A_59, %sign3A_62 : i32
      %ne3A_64 = arith.cmpi ne, %sign3A_56, %sign3A_63 : i32
      %rem3A_65 = arith.remsi %mul3A_38, %jit3A_50 : i32
      %ne3A_66 = arith.constant 0 : i32
      %ne3A_67 = arith.cmpi ne, %rem3A_65, %ne3A_66 : i32
      %and3A_68 = arith.andi %ne3A_64, %ne3A_67 : i1
      %sub3A = arith.constant 1 : i32
      %sub3A_69 = arith.subi %div3A, %sub3A : i32
      %select_n3A_70 = arith.select %and3A_68, %sub3A_69, %div3A : i32
      %mul3A_71 = arith.constant 16 : i32
      %mul3A_72 = arith.muli %select_n3A_70, %mul3A_71 : i32
      %add3A_73 = arith.addi %mul3A_2, %mul3A_72 : i32
      %mul3A_74 = arith.constant 128 : i32
      %mul3A_75 = arith.muli %select_n3A_47, %mul3A_74 : i32
      %add3A_76 = arith.addi %mul3A_75, %mul3A_72 : i32
      %add3A_77 = arith.constant 128 : i32
      %add3A_78 = arith.addi %add3A_76, %add3A_77 : i32
      %dma_wait3A_79 = tpu.memref_slice %arg8[%add3A_76] : memref<512xi32, #tpu.memory_space<vmem>> -> memref<16xi32, #tpu.memory_space<vmem>>
      %dma_wait3A_80 = arith.constant 0 : i32
      %dma_wait3A_81 = arith.constant 0 : i32
      %dma_wait3A_82 = tpu.memref_slice %arg2[%dma_wait3A_80, %dma_wait3A_81] : memref<100000x1024xf32, #tpu.memory_space<hbm>> -> memref<100000x1024xf32, #tpu.memory_space<hbm>>
      tpu.wait_indirect_dma semaphore(%arg14 : memref<!tpu.dma_semaphore, #tpu.memory_space<semaphore_mem>>) src(%dma_wait3A_82 : memref<100000x1024xf32, #tpu.memory_space<hbm>>) dst(%arg10 : memref<16x1024xf32, #tpu.memory_space<vmem>>)
      %eq3A_83 = arith.constant 0 : i32
      %eq3A_84 = arith.cmpi eq, %select_n3A_47, %eq3A_83 : i32
      %convert_element_type3A = arith.extui %eq3A_84 : i1 to i32
      %cond3A = arith.constant 0 : i32
      %cond3A_85 = arith.cmpi ne, %convert_element_type3A, %cond3A : i32
      scf.if %cond3A_85 {
        "tpu.region"() ({
          %run_scoped3A_408 = tpu.sem_alloc : memref<!tpu.dma_semaphore, #tpu.memory_space<semaphore_mem>>
          %dma_start3A_409 = arith.constant 0 : i32
          %dma_start3A_410 = tpu.memref_slice %arg4[%add3A_73, %dma_start3A_409] : memref<4096x1024xf32, #tpu.memory_space<hbm>> -> memref<16x1024xf32, #tpu.memory_space<hbm>>
          %dma_start3A_411 = arith.constant 0 : i32
          %dma_start3A_412 = tpu.memref_slice %arg4[%add3A_73, %dma_start3A_411] : memref<4096x1024xf32, #tpu.memory_space<hbm>> -> memref<16x1024xf32, #tpu.memory_space<hbm>>
          tpu.enqueue_dma source(%dma_start3A_412 : memref<16x1024xf32, #tpu.memory_space<hbm>>) target(%arg9 : memref<16x1024xf32, #tpu.memory_space<vmem>>) target_semaphore(%run_scoped3A_408 : memref<!tpu.dma_semaphore, #tpu.memory_space<semaphore_mem>>)
          %dma_wait3A_413 = arith.constant 0 : i32
          %dma_wait3A_414 = tpu.memref_slice %arg4[%add3A_73, %dma_wait3A_413] : memref<4096x1024xf32, #tpu.memory_space<hbm>> -> memref<16x1024xf32, #tpu.memory_space<hbm>>
          %dma_wait3A_415 = arith.constant 0 : i32
          %dma_wait3A_416 = tpu.memref_slice %arg4[%add3A_73, %dma_wait3A_415] : memref<4096x1024xf32, #tpu.memory_space<hbm>> -> memref<16x1024xf32, #tpu.memory_space<hbm>>
          tpu.wait_dma2 semaphore(%run_scoped3A_408 : memref<!tpu.dma_semaphore, #tpu.memory_space<semaphore_mem>>) src(%dma_wait3A_416 : memref<16x1024xf32, #tpu.memory_space<hbm>>) dst(%arg9 : memref<16x1024xf32, #tpu.memory_space<vmem>>)
          tpu.yield
        }) : () -> ()
      } else {
      }
      %gt3A = arith.constant 0 : i32
      %gt3A_86 = arith.cmpi sgt, %scan3A_35, %gt3A : i32
      %convert_element_type3A_87 = arith.extui %gt3A_86 : i1 to i32
      %cond3A_88 = arith.constant 0 : i32
      %cond3A_89 = arith.cmpi ne, %convert_element_type3A_87, %cond3A_88 : i32
      scf.if %cond3A_89 {
        %dma_wait3A_408 = arith.constant 0 : i32
        %dma_wait3A_409 = tpu.memref_slice %arg7[%add3A_49, %add3A_73, %dma_wait3A_408] : memref<4x4096x1024xf32, #tpu.memory_space<hbm>> -> memref<1x16x1024xf32, #tpu.memory_space<hbm>>
        %dma_wait3A_410 = tpu.memref_squeeze %dma_wait3A_409 : memref<1x16x1024xf32, #tpu.memory_space<hbm>> -> memref<16x1024xf32, #tpu.memory_space<hbm>>
        %dma_wait3A_411 = arith.constant 0 : i32
        %dma_wait3A_412 = tpu.memref_slice %arg7[%add3A_49, %add3A_73, %dma_wait3A_411] : memref<4x4096x1024xf32, #tpu.memory_space<hbm>> -> memref<1x16x1024xf32, #tpu.memory_space<hbm>>
        %dma_wait3A_413 = tpu.memref_squeeze %dma_wait3A_412 : memref<1x16x1024xf32, #tpu.memory_space<hbm>> -> memref<16x1024xf32, #tpu.memory_space<hbm>>
        tpu.wait_dma2 semaphore(%arg17 : memref<!tpu.dma_semaphore, #tpu.memory_space<semaphore_mem>>) src(%arg11 : memref<16x1024xf32, #tpu.memory_space<vmem>>) dst(%dma_wait3A_413 : memref<16x1024xf32, #tpu.memory_space<hbm>>)
      } else {
      }
      %dma_start3A_90 = tpu.memref_slice %arg8[%add3A_78] : memref<512xi32, #tpu.memory_space<vmem>> -> memref<16xi32, #tpu.memory_space<vmem>>
      %dma_start3A_91 = arith.constant 0 : i32
      %dma_start3A_92 = arith.constant 0 : i32
      %dma_start3A_93 = tpu.memref_slice %arg2[%dma_start3A_91, %dma_start3A_92] : memref<100000x1024xf32, #tpu.memory_space<hbm>> -> memref<100000x1024xf32, #tpu.memory_space<hbm>>
      tpu.enqueue_indirect_dma source(%dma_start3A_93 : memref<100000x1024xf32, #tpu.memory_space<hbm>>) target(%arg11 : memref<16x1024xf32, #tpu.memory_space<vmem>>) offsets(%dma_start3A_90 : memref<16xi32, #tpu.memory_space<vmem>>) semaphore(%arg15 : memref<!tpu.dma_semaphore, #tpu.memory_space<semaphore_mem>>)
      %scan3A_94 = arith.constant 0 : i32
      %scan3A_95 = arith.constant 16 : i32
      %scan3A_96 = arith.addi %scan3A_94, %scan3A_95 : i32
      %scan3A_97 = arith.constant 1 : i32
      %scan3A_98:2 = scf.for %scan3A_408 = %scan3A_94 to %scan3A_96 step %scan3A_97 iter_args(%scan3A_409 = %broadcast_in_dim3A_6, %scan3A_410 = %broadcast_in_dim3A_6) -> (vector<16xf32>, vector<16xf32>)  : i32 {
        %get3A = arith.index_cast %scan3A_408 : i32 to index
        %get3A_411 = arith.constant 0 : index
        %get3A_412 = tpu.vector_load %arg10[%get3A, %get3A_411] {strides = array<i32>} : memref<16x1024xf32, #tpu.memory_space<vmem>>, vector<16xf32>,
        %get3A_413 = arith.index_cast %scan3A_408 : i32 to index
        %get3A_414 = arith.constant 0 : index
        %get3A_415 = tpu.vector_load %arg9[%get3A_413, %get3A_414] {strides = array<i32>} : memref<16x1024xf32, #tpu.memory_space<vmem>>, vector<16xf32>,
        %add3A_416 = arith.addf %get3A_412, %get3A_415 : vector<16xf32>
        %swap3A = arith.index_cast %scan3A_408 : i32 to index
        %swap3A_417 = arith.constant 0 : index
        %swap3A_418 = tpu.vector_load %arg10[%swap3A, %swap3A_417] {strides = array<i32>} : memref<16x1024xf32, #tpu.memory_space<vmem>>, vector<16xf32>,
        tpu.vector_store %arg10[%swap3A, %swap3A_417], %add3A_416 {strides = array<i32>} : memref<16x1024xf32, #tpu.memory_space<vmem>>, vector<16xf32>,
        %add3A_419 = arith.addf %broadcast_in_dim3A_6, %add3A_416 : vector<16xf32>
        %mul3A_420 = arith.mulf %add3A_416, %add3A_416 : vector<16xf32>
        %add3A_421 = arith.addf %broadcast_in_dim3A_6, %mul3A_420 : vector<16xf32>
        %get3A_422 = arith.index_cast %scan3A_408 : i32 to index
        %get3A_423 = arith.constant 16 : index
        %get3A_424 = tpu.vector_load %arg10[%get3A_422, %get3A_423] {strides = array<i32>} : memref<16x1024xf32, #tpu.memory_space<vmem>>, vector<16xf32>,
        %get3A_425 = arith.index_cast %scan3A_408 : i32 to index
        %get3A_426 = arith.constant 16 : index
        %get3A_427 = tpu.vector_load %arg9[%get3A_425, %get3A_426] {strides = array<i32>} : memref<16x1024xf32, #tpu.memory_space<vmem>>, vector<16xf32>,
        %add3A_428 = arith.addf %get3A_424, %get3A_427 : vector<16xf32>
        %swap3A_429 = arith.index_cast %scan3A_408 : i32 to index
        %swap3A_430 = arith.constant 16 : index
        %swap3A_431 = tpu.vector_load %arg10[%swap3A_429, %swap3A_430] {strides = array<i32>} : memref<16x1024xf32, #tpu.memory_space<vmem>>, vector<16xf32>,
        tpu.vector_store %arg10[%swap3A_429, %swap3A_430], %add3A_428 {strides = array<i32>} : memref<16x1024xf32, #tpu.memory_space<vmem>>, vector<16xf32>,
        %add3A_432 = arith.addf %broadcast_in_dim3A_6, %add3A_428 : vector<16xf32>
        %mul3A_433 = arith.mulf %add3A_428, %add3A_428 : vector<16xf32>
        %add3A_434 = arith.addf %broadcast_in_dim3A_6, %mul3A_433 : vector<16xf32>
        %get3A_435 = arith.index_cast %scan3A_408 : i32 to index
        %get3A_436 = arith.constant 32 : index
        %get3A_437 = tpu.vector_load %arg10[%get3A_435, %get3A_436] {strides = array<i32>} : memref<16x1024xf32, #tpu.memory_space<vmem>>, vector<16xf32>,
        %get3A_438 = arith.index_cast %scan3A_408 : i32 to index
        %get3A_439 = arith.constant 32 : index
        %get3A_440 = tpu.vector_load %arg9[%get3A_438, %get3A_439] {strides = array<i32>} : memref<16x1024xf32, #tpu.memory_space<vmem>>, vector<16xf32>,
        %add3A_441 = arith.addf %get3A_437, %get3A_440 : vector<16xf32>
        %swap3A_442 = arith.index_cast %scan3A_408 : i32 to index
        %swap3A_443 = arith.constant 32 : index
        %swap3A_444 = tpu.vector_load %arg10[%swap3A_442, %swap3A_443] {strides = array<i32>} : memref<16x1024xf32, #tpu.memory_space<vmem>>, vector<16xf32>,
        tpu.vector_store %arg10[%swap3A_442, %swap3A_443], %add3A_441 {strides = array<i32>} : memref<16x1024xf32, #tpu.memory_space<vmem>>, vector<16xf32>,
        %add3A_445 = arith.addf %broadcast_in_dim3A_6, %add3A_441 : vector<16xf32>
        %mul3A_446 = arith.mulf %add3A_441, %add3A_441 : vector<16xf32>
        %add3A_447 = arith.addf %broadcast_in_dim3A_6, %mul3A_446 : vector<16xf32>
        %get3A_448 = arith.index_cast %scan3A_408 : i32 to index
        %get3A_449 = arith.constant 48 : index
        %get3A_450 = tpu.vector_load %arg10[%get3A_448, %get3A_449] {strides = array<i32>} : memref<16x1024xf32, #tpu.memory_space<vmem>>, vector<16xf32>,
        %get3A_451 = arith.index_cast %scan3A_408 : i32 to index
        %get3A_452 = arith.constant 48 : index
        %get3A_453 = tpu.vector_load %arg9[%get3A_451, %get3A_452] {strides = array<i32>} : memref<16x1024xf32, #tpu.memory_space<vmem>>, vector<16xf32>,
        %add3A_454 = arith.addf %get3A_450, %get3A_453 : vector<16xf32>
        %swap3A_455 = arith.index_cast %scan3A_408 : i32 to index
        %swap3A_456 = arith.constant 48 : index
        %swap3A_457 = tpu.vector_load %arg10[%swap3A_455, %swap3A_456] {strides = array<i32>} : memref<16x1024xf32, #tpu.memory_space<vmem>>, vector<16xf32>,
        tpu.vector_store %arg10[%swap3A_455, %swap3A_456], %add3A_454 {strides = array<i32>} : memref<16x1024xf32, #tpu.memory_space<vmem>>, vector<16xf32>,
        %add3A_458 = arith.addf %broadcast_in_dim3A_6, %add3A_454 : vector<16xf32>
        %mul3A_459 = arith.mulf %add3A_454, %add3A_454 : vector<16xf32>
        %add3A_460 = arith.addf %broadcast_in_dim3A_6, %mul3A_459 : vector<16xf32>
        %get3A_461 = arith.index_cast %scan3A_408 : i32 to index
        %get3A_462 = arith.constant 64 : index
        %get3A_463 = tpu.vector_load %arg10[%get3A_461, %get3A_462] {strides = array<i32>} : memref<16x1024xf32, #tpu.memory_space<vmem>>, vector<16xf32>,
        %get3A_464 = arith.index_cast %scan3A_408 : i32 to index
        %get3A_465 = arith.constant 64 : index
        %get3A_466 = tpu.vector_load %arg9[%get3A_464, %get3A_465] {strides = array<i32>} : memref<16x1024xf32, #tpu.memory_space<vmem>>, vector<16xf32>,
        %add3A_467 = arith.addf %get3A_463, %get3A_466 : vector<16xf32>
        %swap3A_468 = arith.index_cast %scan3A_408 : i32 to index
        %swap3A_469 = arith.constant 64 : index
        %swap3A_470 = tpu.vector_load %arg10[%swap3A_468, %swap3A_469] {strides = array<i32>} : memref<16x1024xf32, #tpu.memory_space<vmem>>, vector<16xf32>,
        tpu.vector_store %arg10[%swap3A_468, %swap3A_469], %add3A_467 {strides = array<i32>} : memref<16x1024xf32, #tpu.memory_space<vmem>>, vector<16xf32>,
        %add3A_471 = arith.addf %add3A_419, %add3A_467 : vector<16xf32>
        %mul3A_472 = arith.mulf %add3A_467, %add3A_467 : vector<16xf32>
        %add3A_473 = arith.addf %add3A_421, %mul3A_472 : vector<16xf32>
        %get3A_474 = arith.index_cast %scan3A_408 : i32 to index
        %get3A_475 = arith.constant 80 : index
        %get3A_476 = tpu.vector_load %arg10[%get3A_474, %get3A_475] {strides = array<i32>} : memref<16x1024xf32, #tpu.memory_space<vmem>>, vector<16xf32>,
        %get3A_477 = arith.index_cast %scan3A_408 : i32 to index
        %get3A_478 = arith.constant 80 : index
        %get3A_479 = tpu.vector_load %arg9[%get3A_477, %get3A_478] {strides = array<i32>} : memref<16x1024xf32, #tpu.memory_space<vmem>>, vector<16xf32>,
        %add3A_480 = arith.addf %get3A_476, %get3A_479 : vector<16xf32>
        %swap3A_481 = arith.index_cast %scan3A_408 : i32 to index
        %swap3A_482 = arith.constant 80 : index
        %swap3A_483 = tpu.vector_load %arg10[%swap3A_481, %swap3A_482] {strides = array<i32>} : memref<16x1024xf32, #tpu.memory_space<vmem>>, vector<16xf32>,
        tpu.vector_store %arg10[%swap3A_481, %swap3A_482], %add3A_480 {strides = array<i32>} : memref<16x1024xf32, #tpu.memory_space<vmem>>, vector<16xf32>,
        %add3A_484 = arith.addf %add3A_432, %add3A_480 : vector<16xf32>
        %mul3A_485 = arith.mulf %add3A_480, %add3A_480 : vector<16xf32>
        %add3A_486 = arith.addf %add3A_434, %mul3A_485 : vector<16xf32>
        %get3A_487 = arith.index_cast %scan3A_408 : i32 to index
        %get3A_488 = arith.constant 96 : index
        %get3A_489 = tpu.vector_load %arg10[%get3A_487, %get3A_488] {strides = array<i32>} : memref<16x1024xf32, #tpu.memory_space<vmem>>, vector<16xf32>,
        %get3A_490 = arith.index_cast %scan3A_408 : i32 to index
        %get3A_491 = arith.constant 96 : index
        %get3A_492 = tpu.vector_load %arg9[%get3A_490, %get3A_491] {strides = array<i32>} : memref<16x1024xf32, #tpu.memory_space<vmem>>, vector<16xf32>,
        %add3A_493 = arith.addf %get3A_489, %get3A_492 : vector<16xf32>
        %swap3A_494 = arith.index_cast %scan3A_408 : i32 to index
        %swap3A_495 = arith.constant 96 : index
        %swap3A_496 = tpu.vector_load %arg10[%swap3A_494, %swap3A_495] {strides = array<i32>} : memref<16x1024xf32, #tpu.memory_space<vmem>>, vector<16xf32>,
        tpu.vector_store %arg10[%swap3A_494, %swap3A_495], %add3A_493 {strides = array<i32>} : memref<16x1024xf32, #tpu.memory_space<vmem>>, vector<16xf32>,
        %add3A_497 = arith.addf %add3A_445, %add3A_493 : vector<16xf32>
        %mul3A_498 = arith.mulf %add3A_493, %add3A_493 : vector<16xf32>
        %add3A_499 = arith.addf %add3A_447, %mul3A_498 : vector<16xf32>
        %get3A_500 = arith.index_cast %scan3A_408 : i32 to index
        %get3A_501 = arith.constant 112 : index
        %get3A_502 = tpu.vector_load %arg10[%get3A_500, %get3A_501] {strides = array<i32>} : memref<16x1024xf32, #tpu.memory_space<vmem>>, vector<16xf32>,
        %get3A_503 = arith.index_cast %scan3A_408 : i32 to index
        %get3A_504 = arith.constant 112 : index
        %get3A_505 = tpu.vector_load %arg9[%get3A_503, %get3A_504] {strides = array<i32>} : memref<16x1024xf32, #tpu.memory_space<vmem>>, vector<16xf32>,
        %add3A_506 = arith.addf %get3A_502, %get3A_505 : vector<16xf32>
        %swap3A_507 = arith.index_cast %scan3A_408 : i32 to index
        %swap3A_508 = arith.constant 112 : index
        %swap3A_509 = tpu.vector_load %arg10[%swap3A_507, %swap3A_508] {strides = array<i32>} : memref<16x1024xf32, #tpu.memory_space<vmem>>, vector<16xf32>,
        tpu.vector_store %arg10[%swap3A_507, %swap3A_508], %add3A_506 {strides = array<i32>} : memref<16x1024xf32, #tpu.memory_space<vmem>>, vector<16xf32>,
        %add3A_510 = arith.addf %add3A_458, %add3A_506 : vector<16xf32>
        %mul3A_511 = arith.mulf %add3A_506, %add3A_506 : vector<16xf32>
        %add3A_512 = arith.addf %add3A_460, %mul3A_511 : vector<16xf32>
        %get3A_513 = arith.index_cast %scan3A_408 : i32 to index
        %get3A_514 = arith.constant 128 : index
        %get3A_515 = tpu.vector_load %arg10[%get3A_513, %get3A_514] {strides = array<i32>} : memref<16x1024xf32, #tpu.memory_space<vmem>>, vector<16xf32>,
        %get3A_516 = arith.index_cast %scan3A_408 : i32 to index
        %get3A_517 = arith.constant 128 : index
        %get3A_518 = tpu.vector_load %arg9[%get3A_516, %get3A_517] {strides = array<i32>} : memref<16x1024xf32, #tpu.memory_space<vmem>>, vector<16xf32>,
        %add3A_519 = arith.addf %get3A_515, %get3A_518 : vector<16xf32>
        %swap3A_520 = arith.index_cast %scan3A_408 : i32 to index
        %swap3A_521 = arith.constant 128 : index
        %swap3A_522 = tpu.vector_load %arg10[%swap3A_520, %swap3A_521] {strides = array<i32>} : memref<16x1024xf32, #tpu.memory_space<vmem>>, vector<16xf32>,
        tpu.vector_store %arg10[%swap3A_520, %swap3A_521], %add3A_519 {strides = array<i32>} : memref<16x1024xf32, #tpu.memory_space<vmem>>, vector<16xf32>,
        %add3A_523 = arith.addf %add3A_471, %add3A_519 : vector<16xf32>
        %mul3A_524 = arith.mulf %add3A_519, %add3A_519 : vector<16xf32>
        %add3A_525 = arith.addf %add3A_473, %mul3A_524 : vector<16xf32>
        %get3A_526 = arith.index_cast %scan3A_408 : i32 to index
        %get3A_527 = arith.constant 144 : index
        %get3A_528 = tpu.vector_load %arg10[%get3A_526, %get3A_527] {strides = array<i32>} : memref<16x1024xf32, #tpu.memory_space<vmem>>, vector<16xf32>,
        %get3A_529 = arith.index_cast %scan3A_408 : i32 to index
        %get3A_530 = arith.constant 144 : index
        %get3A_531 = tpu.vector_load %arg9[%get3A_529, %get3A_530] {strides = array<i32>} : memref<16x1024xf32, #tpu.memory_space<vmem>>, vector<16xf32>,
        %add3A_532 = arith.addf %get3A_528, %get3A_531 : vector<16xf32>
        %swap3A_533 = arith.index_cast %scan3A_408 : i32 to index
        %swap3A_534 = arith.constant 144 : index
        %swap3A_535 = tpu.vector_load %arg10[%swap3A_533, %swap3A_534] {strides = array<i32>} : memref<16x1024xf32, #tpu.memory_space<vmem>>, vector<16xf32>,
        tpu.vector_store %arg10[%swap3A_533, %swap3A_534], %add3A_532 {strides = array<i32>} : memref<16x1024xf32, #tpu.memory_space<vmem>>, vector<16xf32>,
        %add3A_536 = arith.addf %add3A_484, %add3A_532 : vector<16xf32>
        %mul3A_537 = arith.mulf %add3A_532, %add3A_532 : vector<16xf32>
        %add3A_538 = arith.addf %add3A_486, %mul3A_537 : vector<16xf32>
        %get3A_539 = arith.index_cast %scan3A_408 : i32 to index
        %get3A_540 = arith.constant 160 : index
        %get3A_541 = tpu.vector_load %arg10[%get3A_539, %get3A_540] {strides = array<i32>} : memref<16x1024xf32, #tpu.memory_space<vmem>>, vector<16xf32>,
        %get3A_542 = arith.index_cast %scan3A_408 : i32 to index
        %get3A_543 = arith.constant 160 : index
        %get3A_544 = tpu.vector_load %arg9[%get3A_542, %get3A_543] {strides = array<i32>} : memref<16x1024xf32, #tpu.memory_space<vmem>>, vector<16xf32>,
        %add3A_545 = arith.addf %get3A_541, %get3A_544 : vector<16xf32>
        %swap3A_546 = arith.index_cast %scan3A_408 : i32 to index
        %swap3A_547 = arith.constant 160 : index
        %swap3A_548 = tpu.vector_load %arg10[%swap3A_546, %swap3A_547] {strides = array<i32>} : memref<16x1024xf32, #tpu.memory_space<vmem>>, vector<16xf32>,
        tpu.vector_store %arg10[%swap3A_546, %swap3A_547], %add3A_545 {strides = array<i32>} : memref<16x1024xf32, #tpu.memory_space<vmem>>, vector<16xf32>,
        %add3A_549 = arith.addf %add3A_497, %add3A_545 : vector<16xf32>
        %mul3A_550 = arith.mulf %add3A_545, %add3A_545 : vector<16xf32>
        %add3A_551 = arith.addf %add3A_499, %mul3A_550 : vector<16xf32>
        %get3A_552 = arith.index_cast %scan3A_408 : i32 to index
        %get3A_553 = arith.constant 176 : index
        %get3A_554 = tpu.vector_load %arg10[%get3A_552, %get3A_553] {strides = array<i32>} : memref<16x1024xf32, #tpu.memory_space<vmem>>, vector<16xf32>,
        %get3A_555 = arith.index_cast %scan3A_408 : i32 to index
        %get3A_556 = arith.constant 176 : index
        %get3A_557 = tpu.vector_load %arg9[%get3A_555, %get3A_556] {strides = array<i32>} : memref<16x1024xf32, #tpu.memory_space<vmem>>, vector<16xf32>,
        %add3A_558 = arith.addf %get3A_554, %get3A_557 : vector<16xf32>
        %swap3A_559 = arith.index_cast %scan3A_408 : i32 to index
        %swap3A_560 = arith.constant 176 : index
        %swap3A_561 = tpu.vector_load %arg10[%swap3A_559, %swap3A_560] {strides = array<i32>} : memref<16x1024xf32, #tpu.memory_space<vmem>>, vector<16xf32>,
        tpu.vector_store %arg10[%swap3A_559, %swap3A_560], %add3A_558 {strides = array<i32>} : memref<16x1024xf32, #tpu.memory_space<vmem>>, vector<16xf32>,
        %add3A_562 = arith.addf %add3A_510, %add3A_558 : vector<16xf32>
        %mul3A_563 = arith.mulf %add3A_558, %add3A_558 : vector<16xf32>
        %add3A_564 = arith.addf %add3A_512, %mul3A_563 : vector<16xf32>
        %get3A_565 = arith.index_cast %scan3A_408 : i32 to index
        %get3A_566 = arith.constant 192 : index
        %get3A_567 = tpu.vector_load %arg10[%get3A_565, %get3A_566] {strides = array<i32>} : memref<16x1024xf32, #tpu.memory_space<vmem>>, vector<16xf32>,
        %get3A_568 = arith.index_cast %scan3A_408 : i32 to index
        %get3A_569 = arith.constant 192 : index
        %get3A_570 = tpu.vector_load %arg9[%get3A_568, %get3A_569] {strides = array<i32>} : memref<16x1024xf32, #tpu.memory_space<vmem>>, vector<16xf32>,
        %add3A_571 = arith.addf %get3A_567, %get3A_570 : vector<16xf32>
        %swap3A_572 = arith.index_cast %scan3A_408 : i32 to index
        %swap3A_573 = arith.constant 192 : index
        %swap3A_574 = tpu.vector_load %arg10[%swap3A_572, %swap3A_573] {strides = array<i32>} : memref<16x1024xf32, #tpu.memory_space<vmem>>, vector<16xf32>,
        tpu.vector_store %arg10[%swap3A_572, %swap3A_573], %add3A_571 {strides = array<i32>} : memref<16x1024xf32, #tpu.memory_space<vmem>>, vector<16xf32>,
        %add3A_575 = arith.addf %add3A_523, %add3A_571 : vector<16xf32>
        %mul3A_576 = arith.mulf %add3A_571, %add3A_571 : vector<16xf32>
        %add3A_577 = arith.addf %add3A_525, %mul3A_576 : vector<16xf32>
        %get3A_578 = arith.index_cast %scan3A_408 : i32 to index
        %get3A_579 = arith.constant 208 : index
        %get3A_580 = tpu.vector_load %arg10[%get3A_578, %get3A_579] {strides = array<i32>} : memref<16x1024xf32, #tpu.memory_space<vmem>>, vector<16xf32>,
        %get3A_581 = arith.index_cast %scan3A_408 : i32 to index
        %get3A_582 = arith.constant 208 : index
        %get3A_583 = tpu.vector_load %arg9[%get3A_581, %get3A_582] {strides = array<i32>} : memref<16x1024xf32, #tpu.memory_space<vmem>>, vector<16xf32>,
        %add3A_584 = arith.addf %get3A_580, %get3A_583 : vector<16xf32>
        %swap3A_585 = arith.index_cast %scan3A_408 : i32 to index
        %swap3A_586 = arith.constant 208 : index
        %swap3A_587 = tpu.vector_load %arg10[%swap3A_585, %swap3A_586] {strides = array<i32>} : memref<16x1024xf32, #tpu.memory_space<vmem>>, vector<16xf32>,
        tpu.vector_store %arg10[%swap3A_585, %swap3A_586], %add3A_584 {strides = array<i32>} : memref<16x1024xf32, #tpu.memory_space<vmem>>, vector<16xf32>,
        %add3A_588 = arith.addf %add3A_536, %add3A_584 : vector<16xf32>
        %mul3A_589 = arith.mulf %add3A_584, %add3A_584 : vector<16xf32>
        %add3A_590 = arith.addf %add3A_538, %mul3A_589 : vector<16xf32>
        %get3A_591 = arith.index_cast %scan3A_408 : i32 to index
        %get3A_592 = arith.constant 224 : index
        %get3A_593 = tpu.vector_load %arg10[%get3A_591, %get3A_592] {strides = array<i32>} : memref<16x1024xf32, #tpu.memory_space<vmem>>, vector<16xf32>,
        %get3A_594 = arith.index_cast %scan3A_408 : i32 to index
        %get3A_595 = arith.constant 224 : index
        %get3A_596 = tpu.vector_load %arg9[%get3A_594, %get3A_595] {strides = array<i32>} : memref<16x1024xf32, #tpu.memory_space<vmem>>, vector<16xf32>,
        %add3A_597 = arith.addf %get3A_593, %get3A_596 : vector<16xf32>
        %swap3A_598 = arith.index_cast %scan3A_408 : i32 to index
        %swap3A_599 = arith.constant 224 : index
        %swap3A_600 = tpu.vector_load %arg10[%swap3A_598, %swap3A_599] {strides = array<i32>} : memref<16x1024xf32, #tpu.memory_space<vmem>>, vector<16xf32>,
        tpu.vector_store %arg10[%swap3A_598, %swap3A_599], %add3A_597 {strides = array<i32>} : memref<16x1024xf32, #tpu.memory_space<vmem>>, vector<16xf32>,
        %add3A_601 = arith.addf %add3A_549, %add3A_597 : vector<16xf32>
        %mul3A_602 = arith.mulf %add3A_597, %add3A_597 : vector<16xf32>
        %add3A_603 = arith.addf %add3A_551, %mul3A_602 : vector<16xf32>
        %get3A_604 = arith.index_cast %scan3A_408 : i32 to index
        %get3A_605 = arith.constant 240 : index
        %get3A_606 = tpu.vector_load %arg10[%get3A_604, %get3A_605] {strides = array<i32>} : memref<16x1024xf32, #tpu.memory_space<vmem>>, vector<16xf32>,
        %get3A_607 = arith.index_cast %scan3A_408 : i32 to index
        %get3A_608 = arith.constant 240 : index
        %get3A_609 = tpu.vector_load %arg9[%get3A_607, %get3A_608] {strides = array<i32>} : memref<16x1024xf32, #tpu.memory_space<vmem>>, vector<16xf32>,
        %add3A_610 = arith.addf %get3A_606, %get3A_609 : vector<16xf32>
        %swap3A_611 = arith.index_cast %scan3A_408 : i32 to index
        %swap3A_612 = arith.constant 240 : index
        %swap3A_613 = tpu.vector_load %arg10[%swap3A_611, %swap3A_612] {strides = array<i32>} : memref<16x1024xf32, #tpu.memory_space<vmem>>, vector<16xf32>,
        tpu.vector_store %arg10[%swap3A_611, %swap3A_612], %add3A_610 {strides = array<i32>} : memref<16x1024xf32, #tpu.memory_space<vmem>>, vector<16xf32>,
        %add3A_614 = arith.addf %add3A_562, %add3A_610 : vector<16xf32>
        %mul3A_615 = arith.mulf %add3A_610, %add3A_610 : vector<16xf32>
        %add3A_616 = arith.addf %add3A_564, %mul3A_615 : vector<16xf32>
        %get3A_617 = arith.index_cast %scan3A_408 : i32 to index
        %get3A_618 = arith.constant 256 : index
        %get3A_619 = tpu.vector_load %arg10[%get3A_617, %get3A_618] {strides = array<i32>} : memref<16x1024xf32, #tpu.memory_space<vmem>>, vector<16xf32>,
        %get3A_620 = arith.index_cast %scan3A_408 : i32 to index
        %get3A_621 = arith.constant 256 : index
        %get3A_622 = tpu.vector_load %arg9[%get3A_620, %get3A_621] {strides = array<i32>} : memref<16x1024xf32, #tpu.memory_space<vmem>>, vector<16xf32>,
        %add3A_623 = arith.addf %get3A_619, %get3A_622 : vector<16xf32>
        %swap3A_624 = arith.index_cast %scan3A_408 : i32 to index
        %swap3A_625 = arith.constant 256 : index
        %swap3A_626 = tpu.vector_load %arg10[%swap3A_624, %swap3A_625] {strides = array<i32>} : memref<16x1024xf32, #tpu.memory_space<vmem>>, vector<16xf32>,
        tpu.vector_store %arg10[%swap3A_624, %swap3A_625], %add3A_623 {strides = array<i32>} : memref<16x1024xf32, #tpu.memory_space<vmem>>, vector<16xf32>,
        %add3A_627 = arith.addf %add3A_575, %add3A_623 : vector<16xf32>
        %mul3A_628 = arith.mulf %add3A_623, %add3A_623 : vector<16xf32>
        %add3A_629 = arith.addf %add3A_577, %mul3A_628 : vector<16xf32>
        %get3A_630 = arith.index_cast %scan3A_408 : i32 to index
        %get3A_631 = arith.constant 272 : index
        %get3A_632 = tpu.vector_load %arg10[%get3A_630, %get3A_631] {strides = array<i32>} : memref<16x1024xf32, #tpu.memory_space<vmem>>, vector<16xf32>,
        %get3A_633 = arith.index_cast %scan3A_408 : i32 to index
        %get3A_634 = arith.constant 272 : index
        %get3A_635 = tpu.vector_load %arg9[%get3A_633, %get3A_634] {strides = array<i32>} : memref<16x1024xf32, #tpu.memory_space<vmem>>, vector<16xf32>,
        %add3A_636 = arith.addf %get3A_632, %get3A_635 : vector<16xf32>
        %swap3A_637 = arith.index_cast %scan3A_408 : i32 to index
        %swap3A_638 = arith.constant 272 : index
        %swap3A_639 = tpu.vector_load %arg10[%swap3A_637, %swap3A_638] {strides = array<i32>} : memref<16x1024xf32, #tpu.memory_space<vmem>>, vector<16xf32>,
        tpu.vector_store %arg10[%swap3A_637, %swap3A_638], %add3A_636 {strides = array<i32>} : memref<16x1024xf32, #tpu.memory_space<vmem>>, vector<16xf32>,
        %add3A_640 = arith.addf %add3A_588, %add3A_636 : vector<16xf32>
        %mul3A_641 = arith.mulf %add3A_636, %add3A_636 : vector<16xf32>
        %add3A_642 = arith.addf %add3A_590, %mul3A_641 : vector<16xf32>
        %get3A_643 = arith.index_cast %scan3A_408 : i32 to index
        %get3A_644 = arith.constant 288 : index
        %get3A_645 = tpu.vector_load %arg10[%get3A_643, %get3A_644] {strides = array<i32>} : memref<16x1024xf32, #tpu.memory_space<vmem>>, vector<16xf32>,
        %get3A_646 = arith.index_cast %scan3A_408 : i32 to index
        %get3A_647 = arith.constant 288 : index
        %get3A_648 = tpu.vector_load %arg9[%get3A_646, %get3A_647] {strides = array<i32>} : memref<16x1024xf32, #tpu.memory_space<vmem>>, vector<16xf32>,
        %add3A_649 = arith.addf %get3A_645, %get3A_648 : vector<16xf32>
        %swap3A_650 = arith.index_cast %scan3A_408 : i32 to index
        %swap3A_651 = arith.constant 288 : index
        %swap3A_652 = tpu.vector_load %arg10[%swap3A_650, %swap3A_651] {strides = array<i32>} : memref<16x1024xf32, #tpu.memory_space<vmem>>, vector<16xf32>,
        tpu.vector_store %arg10[%swap3A_650, %swap3A_651], %add3A_649 {strides = array<i32>} : memref<16x1024xf32, #tpu.memory_space<vmem>>, vector<16xf32>,
        %add3A_653 = arith.addf %add3A_601, %add3A_649 : vector<16xf32>
        %mul3A_654 = arith.mulf %add3A_649, %add3A_649 : vector<16xf32>
        %add3A_655 = arith.addf %add3A_603, %mul3A_654 : vector<16xf32>
        %get3A_656 = arith.index_cast %scan3A_408 : i32 to index
        %get3A_657 = arith.constant 304 : index
        %get3A_658 = tpu.vector_load %arg10[%get3A_656, %get3A_657] {strides = array<i32>} : memref<16x1024xf32, #tpu.memory_space<vmem>>, vector<16xf32>,
        %get3A_659 = arith.index_cast %scan3A_408 : i32 to index
        %get3A_660 = arith.constant 304 : index
        %get3A_661 = tpu.vector_load %arg9[%get3A_659, %get3A_660] {strides = array<i32>} : memref<16x1024xf32, #tpu.memory_space<vmem>>, vector<16xf32>,
        %add3A_662 = arith.addf %get3A_658, %get3A_661 : vector<16xf32>
        %swap3A_663 = arith.index_cast %scan3A_408 : i32 to index
        %swap3A_664 = arith.constant 304 : index
        %swap3A_665 = tpu.vector_load %arg10[%swap3A_663, %swap3A_664] {strides = array<i32>} : memref<16x1024xf32, #tpu.memory_space<vmem>>, vector<16xf32>,
        tpu.vector_store %arg10[%swap3A_663, %swap3A_664], %add3A_662 {strides = array<i32>} : memref<16x1024xf32, #tpu.memory_space<vmem>>, vector<16xf32>,
        %add3A_666 = arith.addf %add3A_614, %add3A_662 : vector<16xf32>
        %mul3A_667 = arith.mulf %add3A_662, %add3A_662 : vector<16xf32>
        %add3A_668 = arith.addf %add3A_616, %mul3A_667 : vector<16xf32>
        %get3A_669 = arith.index_cast %scan3A_408 : i32 to index
        %get3A_670 = arith.constant 320 : index
        %get3A_671 = tpu.vector_load %arg10[%get3A_669, %get3A_670] {strides = array<i32>} : memref<16x1024xf32, #tpu.memory_space<vmem>>, vector<16xf32>,
        %get3A_672 = arith.index_cast %scan3A_408 : i32 to index
        %get3A_673 = arith.constant 320 : index
        %get3A_674 = tpu.vector_load %arg9[%get3A_672, %get3A_673] {strides = array<i32>} : memref<16x1024xf32, #tpu.memory_space<vmem>>, vector<16xf32>,
        %add3A_675 = arith.addf %get3A_671, %get3A_674 : vector<16xf32>
        %swap3A_676 = arith.index_cast %scan3A_408 : i32 to index
        %swap3A_677 = arith.constant 320 : index
        %swap3A_678 = tpu.vector_load %arg10[%swap3A_676, %swap3A_677] {strides = array<i32>} : memref<16x1024xf32, #tpu.memory_space<vmem>>, vector<16xf32>,
        tpu.vector_store %arg10[%swap3A_676, %swap3A_677], %add3A_675 {strides = array<i32>} : memref<16x1024xf32, #tpu.memory_space<vmem>>, vector<16xf32>,
        %add3A_679 = arith.addf %add3A_627, %add3A_675 : vector<16xf32>
        %mul3A_680 = arith.mulf %add3A_675, %add3A_675 : vector<16xf32>
        %add3A_681 = arith.addf %add3A_629, %mul3A_680 : vector<16xf32>
        %get3A_682 = arith.index_cast %scan3A_408 : i32 to index
        %get3A_683 = arith.constant 336 : index
        %get3A_684 = tpu.vector_load %arg10[%get3A_682, %get3A_683] {strides = array<i32>} : memref<16x1024xf32, #tpu.memory_space<vmem>>, vector<16xf32>,
        %get3A_685 = arith.index_cast %scan3A_408 : i32 to index
        %get3A_686 = arith.constant 336 : index
        %get3A_687 = tpu.vector_load %arg9[%get3A_685, %get3A_686] {strides = array<i32>} : memref<16x1024xf32, #tpu.memory_space<vmem>>, vector<16xf32>,
        %add3A_688 = arith.addf %get3A_684, %get3A_687 : vector<16xf32>
        %swap3A_689 = arith.index_cast %scan3A_408 : i32 to index
        %swap3A_690 = arith.constant 336 : index
        %swap3A_691 = tpu.vector_load %arg10[%swap3A_689, %swap3A_690] {strides = array<i32>} : memref<16x1024xf32, #tpu.memory_space<vmem>>, vector<16xf32>,
        tpu.vector_store %arg10[%swap3A_689, %swap3A_690], %add3A_688 {strides = array<i32>} : memref<16x1024xf32, #tpu.memory_space<vmem>>, vector<16xf32>,
        %add3A_692 = arith.addf %add3A_640, %add3A_688 : vector<16xf32>
        %mul3A_693 = arith.mulf %add3A_688, %add3A_688 : vector<16xf32>
        %add3A_694 = arith.addf %add3A_642, %mul3A_693 : vector<16xf32>
        %get3A_695 = arith.index_cast %scan3A_408 : i32 to index
        %get3A_696 = arith.constant 352 : index
        %get3A_697 = tpu.vector_load %arg10[%get3A_695, %get3A_696] {strides = array<i32>} : memref<16x1024xf32, #tpu.memory_space<vmem>>, vector<16xf32>,
        %get3A_698 = arith.index_cast %scan3A_408 : i32 to index
        %get3A_699 = arith.constant 352 : index
        %get3A_700 = tpu.vector_load %arg9[%get3A_698, %get3A_699] {strides = array<i32>} : memref<16x1024xf32, #tpu.memory_space<vmem>>, vector<16xf32>,
        %add3A_701 = arith.addf %get3A_697, %get3A_700 : vector<16xf32>
        %swap3A_702 = arith.index_cast %scan3A_408 : i32 to index
        %swap3A_703 = arith.constant 352 : index
        %swap3A_704 = tpu.vector_load %arg10[%swap3A_702, %swap3A_703] {strides = array<i32>} : memref<16x1024xf32, #tpu.memory_space<vmem>>, vector<16xf32>,
        tpu.vector_store %arg10[%swap3A_702, %swap3A_703], %add3A_701 {strides = array<i32>} : memref<16x1024xf32, #tpu.memory_space<vmem>>, vector<16xf32>,
        %add3A_705 = arith.addf %add3A_653, %add3A_701 : vector<16xf32>
        %mul3A_706 = arith.mulf %add3A_701, %add3A_701 : vector<16xf32>
        %add3A_707 = arith.addf %add3A_655, %mul3A_706 : vector<16xf32>
        %get3A_708 = arith.index_cast %scan3A_408 : i32 to index
        %get3A_709 = arith.constant 368 : index
        %get3A_710 = tpu.vector_load %arg10[%get3A_708, %get3A_709] {strides = array<i32>} : memref<16x1024xf32, #tpu.memory_space<vmem>>, vector<16xf32>,
        %get3A_711 = arith.index_cast %scan3A_408 : i32 to index
        %get3A_712 = arith.constant 368 : index
        %get3A_713 = tpu.vector_load %arg9[%get3A_711, %get3A_712] {strides = array<i32>} : memref<16x1024xf32, #tpu.memory_space<vmem>>, vector<16xf32>,
        %add3A_714 = arith.addf %get3A_710, %get3A_713 : vector<16xf32>
        %swap3A_715 = arith.index_cast %scan3A_408 : i32 to index
        %swap3A_716 = arith.constant 368 : index
        %swap3A_717 = tpu.vector_load %arg10[%swap3A_715, %swap3A_716] {strides = array<i32>} : memref<16x1024xf32, #tpu.memory_space<vmem>>, vector<16xf32>,
        tpu.vector_store %arg10[%swap3A_715, %swap3A_716], %add3A_714 {strides = array<i32>} : memref<16x1024xf32, #tpu.memory_space<vmem>>, vector<16xf32>,
        %add3A_718 = arith.addf %add3A_666, %add3A_714 : vector<16xf32>
        %mul3A_719 = arith.mulf %add3A_714, %add3A_714 : vector<16xf32>
        %add3A_720 = arith.addf %add3A_668, %mul3A_719 : vector<16xf32>
        %get3A_721 = arith.index_cast %scan3A_408 : i32 to index
        %get3A_722 = arith.constant 384 : index
        %get3A_723 = tpu.vector_load %arg10[%get3A_721, %get3A_722] {strides = array<i32>} : memref<16x1024xf32, #tpu.memory_space<vmem>>, vector<16xf32>,
        %get3A_724 = arith.index_cast %scan3A_408 : i32 to index
        %get3A_725 = arith.constant 384 : index
        %get3A_726 = tpu.vector_load %arg9[%get3A_724, %get3A_725] {strides = array<i32>} : memref<16x1024xf32, #tpu.memory_space<vmem>>, vector<16xf32>,
        %add3A_727 = arith.addf %get3A_723, %get3A_726 : vector<16xf32>
        %swap3A_728 = arith.index_cast %scan3A_408 : i32 to index
        %swap3A_729 = arith.constant 384 : index
        %swap3A_730 = tpu.vector_load %arg10[%swap3A_728, %swap3A_729] {strides = array<i32>} : memref<16x1024xf32, #tpu.memory_space<vmem>>, vector<16xf32>,
        tpu.vector_store %arg10[%swap3A_728, %swap3A_729], %add3A_727 {strides = array<i32>} : memref<16x1024xf32, #tpu.memory_space<vmem>>, vector<16xf32>,
        %add3A_731 = arith.addf %add3A_679, %add3A_727 : vector<16xf32>
        %mul3A_732 = arith.mulf %add3A_727, %add3A_727 : vector<16xf32>
        %add3A_733 = arith.addf %add3A_681, %mul3A_732 : vector<16xf32>
        %get3A_734 = arith.index_cast %scan3A_408 : i32 to index
        %get3A_735 = arith.constant 400 : index
        %get3A_736 = tpu.vector_load %arg10[%get3A_734, %get3A_735] {strides = array<i32>} : memref<16x1024xf32, #tpu.memory_space<vmem>>, vector<16xf32>,
        %get3A_737 = arith.index_cast %scan3A_408 : i32 to index
        %get3A_738 = arith.constant 400 : index
        %get3A_739 = tpu.vector_load %arg9[%get3A_737, %get3A_738] {strides = array<i32>} : memref<16x1024xf32, #tpu.memory_space<vmem>>, vector<16xf32>,
        %add3A_740 = arith.addf %get3A_736, %get3A_739 : vector<16xf32>
        %swap3A_741 = arith.index_cast %scan3A_408 : i32 to index
        %swap3A_742 = arith.constant 400 : index
        %swap3A_743 = tpu.vector_load %arg10[%swap3A_741, %swap3A_742] {strides = array<i32>} : memref<16x1024xf32, #tpu.memory_space<vmem>>, vector<16xf32>,
        tpu.vector_store %arg10[%swap3A_741, %swap3A_742], %add3A_740 {strides = array<i32>} : memref<16x1024xf32, #tpu.memory_space<vmem>>, vector<16xf32>,
        %add3A_744 = arith.addf %add3A_692, %add3A_740 : vector<16xf32>
        %mul3A_745 = arith.mulf %add3A_740, %add3A_740 : vector<16xf32>
        %add3A_746 = arith.addf %add3A_694, %mul3A_745 : vector<16xf32>
        %get3A_747 = arith.index_cast %scan3A_408 : i32 to index
        %get3A_748 = arith.constant 416 : index
        %get3A_749 = tpu.vector_load %arg10[%get3A_747, %get3A_748] {strides = array<i32>} : memref<16x1024xf32, #tpu.memory_space<vmem>>, vector<16xf32>,
        %get3A_750 = arith.index_cast %scan3A_408 : i32 to index
        %get3A_751 = arith.constant 416 : index
        %get3A_752 = tpu.vector_load %arg9[%get3A_750, %get3A_751] {strides = array<i32>} : memref<16x1024xf32, #tpu.memory_space<vmem>>, vector<16xf32>,
        %add3A_753 = arith.addf %get3A_749, %get3A_752 : vector<16xf32>
        %swap3A_754 = arith.index_cast %scan3A_408 : i32 to index
        %swap3A_755 = arith.constant 416 : index
        %swap3A_756 = tpu.vector_load %arg10[%swap3A_754, %swap3A_755] {strides = array<i32>} : memref<16x1024xf32, #tpu.memory_space<vmem>>, vector<16xf32>,
        tpu.vector_store %arg10[%swap3A_754, %swap3A_755], %add3A_753 {strides = array<i32>} : memref<16x1024xf32, #tpu.memory_space<vmem>>, vector<16xf32>,
        %add3A_757 = arith.addf %add3A_705, %add3A_753 : vector<16xf32>
        %mul3A_758 = arith.mulf %add3A_753, %add3A_753 : vector<16xf32>
        %add3A_759 = arith.addf %add3A_707, %mul3A_758 : vector<16xf32>
        %get3A_760 = arith.index_cast %scan3A_408 : i32 to index
        %get3A_761 = arith.constant 432 : index
        %get3A_762 = tpu.vector_load %arg10[%get3A_760, %get3A_761] {strides = array<i32>} : memref<16x1024xf32, #tpu.memory_space<vmem>>, vector<16xf32>,
        %get3A_763 = arith.index_cast %scan3A_408 : i32 to index
        %get3A_764 = arith.constant 432 : index
        %get3A_765 = tpu.vector_load %arg9[%get3A_763, %get3A_764] {strides = array<i32>} : memref<16x1024xf32, #tpu.memory_space<vmem>>, vector<16xf32>,
        %add3A_766 = arith.addf %get3A_762, %get3A_765 : vector<16xf32>
        %swap3A_767 = arith.index_cast %scan3A_408 : i32 to index
        %swap3A_768 = arith.constant 432 : index
        %swap3A_769 = tpu.vector_load %arg10[%swap3A_767, %swap3A_768] {strides = array<i32>} : memref<16x1024xf32, #tpu.memory_space<vmem>>, vector<16xf32>,
        tpu.vector_store %arg10[%swap3A_767, %swap3A_768], %add3A_766 {strides = array<i32>} : memref<16x1024xf32, #tpu.memory_space<vmem>>, vector<16xf32>,
        %add3A_770 = arith.addf %add3A_718, %add3A_766 : vector<16xf32>
        %mul3A_771 = arith.mulf %add3A_766, %add3A_766 : vector<16xf32>
        %add3A_772 = arith.addf %add3A_720, %mul3A_771 : vector<16xf32>
        %get3A_773 = arith.index_cast %scan3A_408 : i32 to index
        %get3A_774 = arith.constant 448 : index
        %get3A_775 = tpu.vector_load %arg10[%get3A_773, %get3A_774] {strides = array<i32>} : memref<16x1024xf32, #tpu.memory_space<vmem>>, vector<16xf32>,
        %get3A_776 = arith.index_cast %scan3A_408 : i32 to index
        %get3A_777 = arith.constant 448 : index
        %get3A_778 = tpu.vector_load %arg9[%get3A_776, %get3A_777] {strides = array<i32>} : memref<16x1024xf32, #tpu.memory_space<vmem>>, vector<16xf32>,
        %add3A_779 = arith.addf %get3A_775, %get3A_778 : vector<16xf32>
        %swap3A_780 = arith.index_cast %scan3A_408 : i32 to index
        %swap3A_781 = arith.constant 448 : index
        %swap3A_782 = tpu.vector_load %arg10[%swap3A_780, %swap3A_781] {strides = array<i32>} : memref<16x1024xf32, #tpu.memory_space<vmem>>, vector<16xf32>,
        tpu.vector_store %arg10[%swap3A_780, %swap3A_781], %add3A_779 {strides = array<i32>} : memref<16x1024xf32, #tpu.memory_space<vmem>>, vector<16xf32>,
        %add3A_783 = arith.addf %add3A_731, %add3A_779 : vector<16xf32>
        %mul3A_784 = arith.mulf %add3A_779, %add3A_779 : vector<16xf32>
        %add3A_785 = arith.addf %add3A_733, %mul3A_784 : vector<16xf32>
        %get3A_786 = arith.index_cast %scan3A_408 : i32 to index
        %get3A_787 = arith.constant 464 : index
        %get3A_788 = tpu.vector_load %arg10[%get3A_786, %get3A_787] {strides = array<i32>} : memref<16x1024xf32, #tpu.memory_space<vmem>>, vector<16xf32>,
        %get3A_789 = arith.index_cast %scan3A_408 : i32 to index
        %get3A_790 = arith.constant 464 : index
        %get3A_791 = tpu.vector_load %arg9[%get3A_789, %get3A_790] {strides = array<i32>} : memref<16x1024xf32, #tpu.memory_space<vmem>>, vector<16xf32>,
        %add3A_792 = arith.addf %get3A_788, %get3A_791 : vector<16xf32>
        %swap3A_793 = arith.index_cast %scan3A_408 : i32 to index
        %swap3A_794 = arith.constant 464 : index
        %swap3A_795 = tpu.vector_load %arg10[%swap3A_793, %swap3A_794] {strides = array<i32>} : memref<16x1024xf32, #tpu.memory_space<vmem>>, vector<16xf32>,
        tpu.vector_store %arg10[%swap3A_793, %swap3A_794], %add3A_792 {strides = array<i32>} : memref<16x1024xf32, #tpu.memory_space<vmem>>, vector<16xf32>,
        %add3A_796 = arith.addf %add3A_744, %add3A_792 : vector<16xf32>
        %mul3A_797 = arith.mulf %add3A_792, %add3A_792 : vector<16xf32>
        %add3A_798 = arith.addf %add3A_746, %mul3A_797 : vector<16xf32>
        %get3A_799 = arith.index_cast %scan3A_408 : i32 to index
        %get3A_800 = arith.constant 480 : index
        %get3A_801 = tpu.vector_load %arg10[%get3A_799, %get3A_800] {strides = array<i32>} : memref<16x1024xf32, #tpu.memory_space<vmem>>, vector<16xf32>,
        %get3A_802 = arith.index_cast %scan3A_408 : i32 to index
        %get3A_803 = arith.constant 480 : index
        %get3A_804 = tpu.vector_load %arg9[%get3A_802, %get3A_803] {strides = array<i32>} : memref<16x1024xf32, #tpu.memory_space<vmem>>, vector<16xf32>,
        %add3A_805 = arith.addf %get3A_801, %get3A_804 : vector<16xf32>
        %swap3A_806 = arith.index_cast %scan3A_408 : i32 to index
        %swap3A_807 = arith.constant 480 : index
        %swap3A_808 = tpu.vector_load %arg10[%swap3A_806, %swap3A_807] {strides = array<i32>} : memref<16x1024xf32, #tpu.memory_space<vmem>>, vector<16xf32>,
        tpu.vector_store %arg10[%swap3A_806, %swap3A_807], %add3A_805 {strides = array<i32>} : memref<16x1024xf32, #tpu.memory_space<vmem>>, vector<16xf32>,
        %add3A_809 = arith.addf %add3A_757, %add3A_805 : vector<16xf32>
        %mul3A_810 = arith.mulf %add3A_805, %add3A_805 : vector<16xf32>
        %add3A_811 = arith.addf %add3A_759, %mul3A_810 : vector<16xf32>
        %get3A_812 = arith.index_cast %scan3A_408 : i32 to index
        %get3A_813 = arith.constant 496 : index
        %get3A_814 = tpu.vector_load %arg10[%get3A_812, %get3A_813] {strides = array<i32>} : memref<16x1024xf32, #tpu.memory_space<vmem>>, vector<16xf32>,
        %get3A_815 = arith.index_cast %scan3A_408 : i32 to index
        %get3A_816 = arith.constant 496 : index
        %get3A_817 = tpu.vector_load %arg9[%get3A_815, %get3A_816] {strides = array<i32>} : memref<16x1024xf32, #tpu.memory_space<vmem>>, vector<16xf32>,
        %add3A_818 = arith.addf %get3A_814, %get3A_817 : vector<16xf32>
        %swap3A_819 = arith.index_cast %scan3A_408 : i32 to index
        %swap3A_820 = arith.constant 496 : index
        %swap3A_821 = tpu.vector_load %arg10[%swap3A_819, %swap3A_820] {strides = array<i32>} : memref<16x1024xf32, #tpu.memory_space<vmem>>, vector<16xf32>,
        tpu.vector_store %arg10[%swap3A_819, %swap3A_820], %add3A_818 {strides = array<i32>} : memref<16x1024xf32, #tpu.memory_space<vmem>>, vector<16xf32>,
        %add3A_822 = arith.addf %add3A_770, %add3A_818 : vector<16xf32>
        %mul3A_823 = arith.mulf %add3A_818, %add3A_818 : vector<16xf32>
        %add3A_824 = arith.addf %add3A_772, %mul3A_823 : vector<16xf32>
        %get3A_825 = arith.index_cast %scan3A_408 : i32 to index
        %get3A_826 = arith.constant 512 : index
        %get3A_827 = tpu.vector_load %arg10[%get3A_825, %get3A_826] {strides = array<i32>} : memref<16x1024xf32, #tpu.memory_space<vmem>>, vector<16xf32>,
        %get3A_828 = arith.index_cast %scan3A_408 : i32 to index
        %get3A_829 = arith.constant 512 : index
        %get3A_830 = tpu.vector_load %arg9[%get3A_828, %get3A_829] {strides = array<i32>} : memref<16x1024xf32, #tpu.memory_space<vmem>>, vector<16xf32>,
        %add3A_831 = arith.addf %get3A_827, %get3A_830 : vector<16xf32>
        %swap3A_832 = arith.index_cast %scan3A_408 : i32 to index
        %swap3A_833 = arith.constant 512 : index
        %swap3A_834 = tpu.vector_load %arg10[%swap3A_832, %swap3A_833] {strides = array<i32>} : memref<16x1024xf32, #tpu.memory_space<vmem>>, vector<16xf32>,
        tpu.vector_store %arg10[%swap3A_832, %swap3A_833], %add3A_831 {strides = array<i32>} : memref<16x1024xf32, #tpu.memory_space<vmem>>, vector<16xf32>,
        %add3A_835 = arith.addf %add3A_783, %add3A_831 : vector<16xf32>
        %mul3A_836 = arith.mulf %add3A_831, %add3A_831 : vector<16xf32>
        %add3A_837 = arith.addf %add3A_785, %mul3A_836 : vector<16xf32>
        %get3A_838 = arith.index_cast %scan3A_408 : i32 to index
        %get3A_839 = arith.constant 528 : index
        %get3A_840 = tpu.vector_load %arg10[%get3A_838, %get3A_839] {strides = array<i32>} : memref<16x1024xf32, #tpu.memory_space<vmem>>, vector<16xf32>,
        %get3A_841 = arith.index_cast %scan3A_408 : i32 to index
        %get3A_842 = arith.constant 528 : index
        %get3A_843 = tpu.vector_load %arg9[%get3A_841, %get3A_842] {strides = array<i32>} : memref<16x1024xf32, #tpu.memory_space<vmem>>, vector<16xf32>,
        %add3A_844 = arith.addf %get3A_840, %get3A_843 : vector<16xf32>
        %swap3A_845 = arith.index_cast %scan3A_408 : i32 to index
        %swap3A_846 = arith.constant 528 : index
        %swap3A_847 = tpu.vector_load %arg10[%swap3A_845, %swap3A_846] {strides = array<i32>} : memref<16x1024xf32, #tpu.memory_space<vmem>>, vector<16xf32>,
        tpu.vector_store %arg10[%swap3A_845, %swap3A_846], %add3A_844 {strides = array<i32>} : memref<16x1024xf32, #tpu.memory_space<vmem>>, vector<16xf32>,
        %add3A_848 = arith.addf %add3A_796, %add3A_844 : vector<16xf32>
        %mul3A_849 = arith.mulf %add3A_844, %add3A_844 : vector<16xf32>
        %add3A_850 = arith.addf %add3A_798, %mul3A_849 : vector<16xf32>
        %get3A_851 = arith.index_cast %scan3A_408 : i32 to index
        %get3A_852 = arith.constant 544 : index
        %get3A_853 = tpu.vector_load %arg10[%get3A_851, %get3A_852] {strides = array<i32>} : memref<16x1024xf32, #tpu.memory_space<vmem>>, vector<16xf32>,
        %get3A_854 = arith.index_cast %scan3A_408 : i32 to index
        %get3A_855 = arith.constant 544 : index
        %get3A_856 = tpu.vector_load %arg9[%get3A_854, %get3A_855] {strides = array<i32>} : memref<16x1024xf32, #tpu.memory_space<vmem>>, vector<16xf32>,
        %add3A_857 = arith.addf %get3A_853, %get3A_856 : vector<16xf32>
        %swap3A_858 = arith.index_cast %scan3A_408 : i32 to index
        %swap3A_859 = arith.constant 544 : index
        %swap3A_860 = tpu.vector_load %arg10[%swap3A_858, %swap3A_859] {strides = array<i32>} : memref<16x1024xf32, #tpu.memory_space<vmem>>, vector<16xf32>,
        tpu.vector_store %arg10[%swap3A_858, %swap3A_859], %add3A_857 {strides = array<i32>} : memref<16x1024xf32, #tpu.memory_space<vmem>>, vector<16xf32>,
        %add3A_861 = arith.addf %add3A_809, %add3A_857 : vector<16xf32>
        %mul3A_862 = arith.mulf %add3A_857, %add3A_857 : vector<16xf32>
        %add3A_863 = arith.addf %add3A_811, %mul3A_862 : vector<16xf32>
        %get3A_864 = arith.index_cast %scan3A_408 : i32 to index
        %get3A_865 = arith.constant 560 : index
        %get3A_866 = tpu.vector_load %arg10[%get3A_864, %get3A_865] {strides = array<i32>} : memref<16x1024xf32, #tpu.memory_space<vmem>>, vector<16xf32>,
        %get3A_867 = arith.index_cast %scan3A_408 : i32 to index
        %get3A_868 = arith.constant 560 : index
        %get3A_869 = tpu.vector_load %arg9[%get3A_867, %get3A_868] {strides = array<i32>} : memref<16x1024xf32, #tpu.memory_space<vmem>>, vector<16xf32>,
        %add3A_870 = arith.addf %get3A_866, %get3A_869 : vector<16xf32>
        %swap3A_871 = arith.index_cast %scan3A_408 : i32 to index
        %swap3A_872 = arith.constant 560 : index
        %swap3A_873 = tpu.vector_load %arg10[%swap3A_871, %swap3A_872] {strides = array<i32>} : memref<16x1024xf32, #tpu.memory_space<vmem>>, vector<16xf32>,
        tpu.vector_store %arg10[%swap3A_871, %swap3A_872], %add3A_870 {strides = array<i32>} : memref<16x1024xf32, #tpu.memory_space<vmem>>, vector<16xf32>,
        %add3A_874 = arith.addf %add3A_822, %add3A_870 : vector<16xf32>
        %mul3A_875 = arith.mulf %add3A_870, %add3A_870 : vector<16xf32>
        %add3A_876 = arith.addf %add3A_824, %mul3A_875 : vector<16xf32>
        %get3A_877 = arith.index_cast %scan3A_408 : i32 to index
        %get3A_878 = arith.constant 576 : index
        %get3A_879 = tpu.vector_load %arg10[%get3A_877, %get3A_878] {strides = array<i32>} : memref<16x1024xf32, #tpu.memory_space<vmem>>, vector<16xf32>,
        %get3A_880 = arith.index_cast %scan3A_408 : i32 to index
        %get3A_881 = arith.constant 576 : index
        %get3A_882 = tpu.vector_load %arg9[%get3A_880, %get3A_881] {strides = array<i32>} : memref<16x1024xf32, #tpu.memory_space<vmem>>, vector<16xf32>,
        %add3A_883 = arith.addf %get3A_879, %get3A_882 : vector<16xf32>
        %swap3A_884 = arith.index_cast %scan3A_408 : i32 to index
        %swap3A_885 = arith.constant 576 : index
        %swap3A_886 = tpu.vector_load %arg10[%swap3A_884, %swap3A_885] {strides = array<i32>} : memref<16x1024xf32, #tpu.memory_space<vmem>>, vector<16xf32>,
        tpu.vector_store %arg10[%swap3A_884, %swap3A_885], %add3A_883 {strides = array<i32>} : memref<16x1024xf32, #tpu.memory_space<vmem>>, vector<16xf32>,
        %add3A_887 = arith.addf %add3A_835, %add3A_883 : vector<16xf32>
        %mul3A_888 = arith.mulf %add3A_883, %add3A_883 : vector<16xf32>
        %add3A_889 = arith.addf %add3A_837, %mul3A_888 : vector<16xf32>
        %get3A_890 = arith.index_cast %scan3A_408 : i32 to index
        %get3A_891 = arith.constant 592 : index
        %get3A_892 = tpu.vector_load %arg10[%get3A_890, %get3A_891] {strides = array<i32>} : memref<16x1024xf32, #tpu.memory_space<vmem>>, vector<16xf32>,
        %get3A_893 = arith.index_cast %scan3A_408 : i32 to index
        %get3A_894 = arith.constant 592 : index
        %get3A_895 = tpu.vector_load %arg9[%get3A_893, %get3A_894] {strides = array<i32>} : memref<16x1024xf32, #tpu.memory_space<vmem>>, vector<16xf32>,
        %add3A_896 = arith.addf %get3A_892, %get3A_895 : vector<16xf32>
        %swap3A_897 = arith.index_cast %scan3A_408 : i32 to index
        %swap3A_898 = arith.constant 592 : index
        %swap3A_899 = tpu.vector_load %arg10[%swap3A_897, %swap3A_898] {strides = array<i32>} : memref<16x1024xf32, #tpu.memory_space<vmem>>, vector<16xf32>,
        tpu.vector_store %arg10[%swap3A_897, %swap3A_898], %add3A_896 {strides = array<i32>} : memref<16x1024xf32, #tpu.memory_space<vmem>>, vector<16xf32>,
        %add3A_900 = arith.addf %add3A_848, %add3A_896 : vector<16xf32>
        %mul3A_901 = arith.mulf %add3A_896, %add3A_896 : vector<16xf32>
        %add3A_902 = arith.addf %add3A_850, %mul3A_901 : vector<16xf32>
        %get3A_903 = arith.index_cast %scan3A_408 : i32 to index
        %get3A_904 = arith.constant 608 : index
        %get3A_905 = tpu.vector_load %arg10[%get3A_903, %get3A_904] {strides = array<i32>} : memref<16x1024xf32, #tpu.memory_space<vmem>>, vector<16xf32>,
        %get3A_906 = arith.index_cast %scan3A_408 : i32 to index
        %get3A_907 = arith.constant 608 : index
        %get3A_908 = tpu.vector_load %arg9[%get3A_906, %get3A_907] {strides = array<i32>} : memref<16x1024xf32, #tpu.memory_space<vmem>>, vector<16xf32>,
        %add3A_909 = arith.addf %get3A_905, %get3A_908 : vector<16xf32>
        %swap3A_910 = arith.index_cast %scan3A_408 : i32 to index
        %swap3A_911 = arith.constant 608 : index
        %swap3A_912 = tpu.vector_load %arg10[%swap3A_910, %swap3A_911] {strides = array<i32>} : memref<16x1024xf32, #tpu.memory_space<vmem>>, vector<16xf32>,
        tpu.vector_store %arg10[%swap3A_910, %swap3A_911], %add3A_909 {strides = array<i32>} : memref<16x1024xf32, #tpu.memory_space<vmem>>, vector<16xf32>,
        %add3A_913 = arith.addf %add3A_861, %add3A_909 : vector<16xf32>
        %mul3A_914 = arith.mulf %add3A_909, %add3A_909 : vector<16xf32>
        %add3A_915 = arith.addf %add3A_863, %mul3A_914 : vector<16xf32>
        %get3A_916 = arith.index_cast %scan3A_408 : i32 to index
        %get3A_917 = arith.constant 624 : index
        %get3A_918 = tpu.vector_load %arg10[%get3A_916, %get3A_917] {strides = array<i32>} : memref<16x1024xf32, #tpu.memory_space<vmem>>, vector<16xf32>,
        %get3A_919 = arith.index_cast %scan3A_408 : i32 to index
        %get3A_920 = arith.constant 624 : index
        %get3A_921 = tpu.vector_load %arg9[%get3A_919, %get3A_920] {strides = array<i32>} : memref<16x1024xf32, #tpu.memory_space<vmem>>, vector<16xf32>,
        %add3A_922 = arith.addf %get3A_918, %get3A_921 : vector<16xf32>
        %swap3A_923 = arith.index_cast %scan3A_408 : i32 to index
        %swap3A_924 = arith.constant 624 : index
        %swap3A_925 = tpu.vector_load %arg10[%swap3A_923, %swap3A_924] {strides = array<i32>} : memref<16x1024xf32, #tpu.memory_space<vmem>>, vector<16xf32>,
        tpu.vector_store %arg10[%swap3A_923, %swap3A_924], %add3A_922 {strides = array<i32>} : memref<16x1024xf32, #tpu.memory_space<vmem>>, vector<16xf32>,
        %add3A_926 = arith.addf %add3A_874, %add3A_922 : vector<16xf32>
        %mul3A_927 = arith.mulf %add3A_922, %add3A_922 : vector<16xf32>
        %add3A_928 = arith.addf %add3A_876, %mul3A_927 : vector<16xf32>
        %get3A_929 = arith.index_cast %scan3A_408 : i32 to index
        %get3A_930 = arith.constant 640 : index
        %get3A_931 = tpu.vector_load %arg10[%get3A_929, %get3A_930] {strides = array<i32>} : memref<16x1024xf32, #tpu.memory_space<vmem>>, vector<16xf32>,
        %get3A_932 = arith.index_cast %scan3A_408 : i32 to index
        %get3A_933 = arith.constant 640 : index
        %get3A_934 = tpu.vector_load %arg9[%get3A_932, %get3A_933] {strides = array<i32>} : memref<16x1024xf32, #tpu.memory_space<vmem>>, vector<16xf32>,
        %add3A_935 = arith.addf %get3A_931, %get3A_934 : vector<16xf32>
        %swap3A_936 = arith.index_cast %scan3A_408 : i32 to index
        %swap3A_937 = arith.constant 640 : index
        %swap3A_938 = tpu.vector_load %arg10[%swap3A_936, %swap3A_937] {strides = array<i32>} : memref<16x1024xf32, #tpu.memory_space<vmem>>, vector<16xf32>,
        tpu.vector_store %arg10[%swap3A_936, %swap3A_937], %add3A_935 {strides = array<i32>} : memref<16x1024xf32, #tpu.memory_space<vmem>>, vector<16xf32>,
        %add3A_939 = arith.addf %add3A_887, %add3A_935 : vector<16xf32>
        %mul3A_940 = arith.mulf %add3A_935, %add3A_935 : vector<16xf32>
        %add3A_941 = arith.addf %add3A_889, %mul3A_940 : vector<16xf32>
        %get3A_942 = arith.index_cast %scan3A_408 : i32 to index
        %get3A_943 = arith.constant 656 : index
        %get3A_944 = tpu.vector_load %arg10[%get3A_942, %get3A_943] {strides = array<i32>} : memref<16x1024xf32, #tpu.memory_space<vmem>>, vector<16xf32>,
        %get3A_945 = arith.index_cast %scan3A_408 : i32 to index
        %get3A_946 = arith.constant 656 : index
        %get3A_947 = tpu.vector_load %arg9[%get3A_945, %get3A_946] {strides = array<i32>} : memref<16x1024xf32, #tpu.memory_space<vmem>>, vector<16xf32>,
        %add3A_948 = arith.addf %get3A_944, %get3A_947 : vector<16xf32>
        %swap3A_949 = arith.index_cast %scan3A_408 : i32 to index
        %swap3A_950 = arith.constant 656 : index
        %swap3A_951 = tpu.vector_load %arg10[%swap3A_949, %swap3A_950] {strides = array<i32>} : memref<16x1024xf32, #tpu.memory_space<vmem>>, vector<16xf32>,
        tpu.vector_store %arg10[%swap3A_949, %swap3A_950], %add3A_948 {strides = array<i32>} : memref<16x1024xf32, #tpu.memory_space<vmem>>, vector<16xf32>,
        %add3A_952 = arith.addf %add3A_900, %add3A_948 : vector<16xf32>
        %mul3A_953 = arith.mulf %add3A_948, %add3A_948 : vector<16xf32>
        %add3A_954 = arith.addf %add3A_902, %mul3A_953 : vector<16xf32>
        %get3A_955 = arith.index_cast %scan3A_408 : i32 to index
        %get3A_956 = arith.constant 672 : index
        %get3A_957 = tpu.vector_load %arg10[%get3A_955, %get3A_956] {strides = array<i32>} : memref<16x1024xf32, #tpu.memory_space<vmem>>, vector<16xf32>,
        %get3A_958 = arith.index_cast %scan3A_408 : i32 to index
        %get3A_959 = arith.constant 672 : index
        %get3A_960 = tpu.vector_load %arg9[%get3A_958, %get3A_959] {strides = array<i32>} : memref<16x1024xf32, #tpu.memory_space<vmem>>, vector<16xf32>,
        %add3A_961 = arith.addf %get3A_957, %get3A_960 : vector<16xf32>
        %swap3A_962 = arith.index_cast %scan3A_408 : i32 to index
        %swap3A_963 = arith.constant 672 : index
        %swap3A_964 = tpu.vector_load %arg10[%swap3A_962, %swap3A_963] {strides = array<i32>} : memref<16x1024xf32, #tpu.memory_space<vmem>>, vector<16xf32>,
        tpu.vector_store %arg10[%swap3A_962, %swap3A_963], %add3A_961 {strides = array<i32>} : memref<16x1024xf32, #tpu.memory_space<vmem>>, vector<16xf32>,
        %add3A_965 = arith.addf %add3A_913, %add3A_961 : vector<16xf32>
        %mul3A_966 = arith.mulf %add3A_961, %add3A_961 : vector<16xf32>
        %add3A_967 = arith.addf %add3A_915, %mul3A_966 : vector<16xf32>
        %get3A_968 = arith.index_cast %scan3A_408 : i32 to index
        %get3A_969 = arith.constant 688 : index
        %get3A_970 = tpu.vector_load %arg10[%get3A_968, %get3A_969] {strides = array<i32>} : memref<16x1024xf32, #tpu.memory_space<vmem>>, vector<16xf32>,
        %get3A_971 = arith.index_cast %scan3A_408 : i32 to index
        %get3A_972 = arith.constant 688 : index
        %get3A_973 = tpu.vector_load %arg9[%get3A_971, %get3A_972] {strides = array<i32>} : memref<16x1024xf32, #tpu.memory_space<vmem>>, vector<16xf32>,
        %add3A_974 = arith.addf %get3A_970, %get3A_973 : vector<16xf32>
        %swap3A_975 = arith.index_cast %scan3A_408 : i32 to index
        %swap3A_976 = arith.constant 688 : index
        %swap3A_977 = tpu.vector_load %arg10[%swap3A_975, %swap3A_976] {strides = array<i32>} : memref<16x1024xf32, #tpu.memory_space<vmem>>, vector<16xf32>,
        tpu.vector_store %arg10[%swap3A_975, %swap3A_976], %add3A_974 {strides = array<i32>} : memref<16x1024xf32, #tpu.memory_space<vmem>>, vector<16xf32>,
        %add3A_978 = arith.addf %add3A_926, %add3A_974 : vector<16xf32>
        %mul3A_979 = arith.mulf %add3A_974, %add3A_974 : vector<16xf32>
        %add3A_980 = arith.addf %add3A_928, %mul3A_979 : vector<16xf32>
        %get3A_981 = arith.index_cast %scan3A_408 : i32 to index
        %get3A_982 = arith.constant 704 : index
        %get3A_983 = tpu.vector_load %arg10[%get3A_981, %get3A_982] {strides = array<i32>} : memref<16x1024xf32, #tpu.memory_space<vmem>>, vector<16xf32>,
        %get3A_984 = arith.index_cast %scan3A_408 : i32 to index
        %get3A_985 = arith.constant 704 : index
        %get3A_986 = tpu.vector_load %arg9[%get3A_984, %get3A_985] {strides = array<i32>} : memref<16x1024xf32, #tpu.memory_space<vmem>>, vector<16xf32>,
        %add3A_987 = arith.addf %get3A_983, %get3A_986 : vector<16xf32>
        %swap3A_988 = arith.index_cast %scan3A_408 : i32 to index
        %swap3A_989 = arith.constant 704 : index
        %swap3A_990 = tpu.vector_load %arg10[%swap3A_988, %swap3A_989] {strides = array<i32>} : memref<16x1024xf32, #tpu.memory_space<vmem>>, vector<16xf32>,
        tpu.vector_store %arg10[%swap3A_988, %swap3A_989], %add3A_987 {strides = array<i32>} : memref<16x1024xf32, #tpu.memory_space<vmem>>, vector<16xf32>,
        %add3A_991 = arith.addf %add3A_939, %add3A_987 : vector<16xf32>
        %mul3A_992 = arith.mulf %add3A_987, %add3A_987 : vector<16xf32>
        %add3A_993 = arith.addf %add3A_941, %mul3A_992 : vector<16xf32>
        %get3A_994 = arith.index_cast %scan3A_408 : i32 to index
        %get3A_995 = arith.constant 720 : index
        %get3A_996 = tpu.vector_load %arg10[%get3A_994, %get3A_995] {strides = array<i32>} : memref<16x1024xf32, #tpu.memory_space<vmem>>, vector<16xf32>,
        %get3A_997 = arith.index_cast %scan3A_408 : i32 to index
        %get3A_998 = arith.constant 720 : index
        %get3A_999 = tpu.vector_load %arg9[%get3A_997, %get3A_998] {strides = array<i32>} : memref<16x1024xf32, #tpu.memory_space<vmem>>, vector<16xf32>,
        %add3A_1000 = arith.addf %get3A_996, %get3A_999 : vector<16xf32>
        %swap3A_1001 = arith.index_cast %scan3A_408 : i32 to index
        %swap3A_1002 = arith.constant 720 : index
        %swap3A_1003 = tpu.vector_load %arg10[%swap3A_1001, %swap3A_1002] {strides = array<i32>} : memref<16x1024xf32, #tpu.memory_space<vmem>>, vector<16xf32>,
        tpu.vector_store %arg10[%swap3A_1001, %swap3A_1002], %add3A_1000 {strides = array<i32>} : memref<16x1024xf32, #tpu.memory_space<vmem>>, vector<16xf32>,
        %add3A_1004 = arith.addf %add3A_952, %add3A_1000 : vector<16xf32>
        %mul3A_1005 = arith.mulf %add3A_1000, %add3A_1000 : vector<16xf32>
        %add3A_1006 = arith.addf %add3A_954, %mul3A_1005 : vector<16xf32>
        %get3A_1007 = arith.index_cast %scan3A_408 : i32 to index
        %get3A_1008 = arith.constant 736 : index
        %get3A_1009 = tpu.vector_load %arg10[%get3A_1007, %get3A_1008] {strides = array<i32>} : memref<16x1024xf32, #tpu.memory_space<vmem>>, vector<16xf32>,
        %get3A_1010 = arith.index_cast %scan3A_408 : i32 to index
        %get3A_1011 = arith.constant 736 : index
        %get3A_1012 = tpu.vector_load %arg9[%get3A_1010, %get3A_1011] {strides = array<i32>} : memref<16x1024xf32, #tpu.memory_space<vmem>>, vector<16xf32>,
        %add3A_1013 = arith.addf %get3A_1009, %get3A_1012 : vector<16xf32>
        %swap3A_1014 = arith.index_cast %scan3A_408 : i32 to index
        %swap3A_1015 = arith.constant 736 : index
        %swap3A_1016 = tpu.vector_load %arg10[%swap3A_1014, %swap3A_1015] {strides = array<i32>} : memref<16x1024xf32, #tpu.memory_space<vmem>>, vector<16xf32>,
        tpu.vector_store %arg10[%swap3A_1014, %swap3A_1015], %add3A_1013 {strides = array<i32>} : memref<16x1024xf32, #tpu.memory_space<vmem>>, vector<16xf32>,
        %add3A_1017 = arith.addf %add3A_965, %add3A_1013 : vector<16xf32>
        %mul3A_1018 = arith.mulf %add3A_1013, %add3A_1013 : vector<16xf32>
        %add3A_1019 = arith.addf %add3A_967, %mul3A_1018 : vector<16xf32>
        %get3A_1020 = arith.index_cast %scan3A_408 : i32 to index
        %get3A_1021 = arith.constant 752 : index
        %get3A_1022 = tpu.vector_load %arg10[%get3A_1020, %get3A_1021] {strides = array<i32>} : memref<16x1024xf32, #tpu.memory_space<vmem>>, vector<16xf32>,
        %get3A_1023 = arith.index_cast %scan3A_408 : i32 to index
        %get3A_1024 = arith.constant 752 : index
        %get3A_1025 = tpu.vector_load %arg9[%get3A_1023, %get3A_1024] {strides = array<i32>} : memref<16x1024xf32, #tpu.memory_space<vmem>>, vector<16xf32>,
        %add3A_1026 = arith.addf %get3A_1022, %get3A_1025 : vector<16xf32>
        %swap3A_1027 = arith.index_cast %scan3A_408 : i32 to index
        %swap3A_1028 = arith.constant 752 : index
        %swap3A_1029 = tpu.vector_load %arg10[%swap3A_1027, %swap3A_1028] {strides = array<i32>} : memref<16x1024xf32, #tpu.memory_space<vmem>>, vector<16xf32>,
        tpu.vector_store %arg10[%swap3A_1027, %swap3A_1028], %add3A_1026 {strides = array<i32>} : memref<16x1024xf32, #tpu.memory_space<vmem>>, vector<16xf32>,
        %add3A_1030 = arith.addf %add3A_978, %add3A_1026 : vector<16xf32>
        %mul3A_1031 = arith.mulf %add3A_1026, %add3A_1026 : vector<16xf32>
        %add3A_1032 = arith.addf %add3A_980, %mul3A_1031 : vector<16xf32>
        %get3A_1033 = arith.index_cast %scan3A_408 : i32 to index
        %get3A_1034 = arith.constant 768 : index
        %get3A_1035 = tpu.vector_load %arg10[%get3A_1033, %get3A_1034] {strides = array<i32>} : memref<16x1024xf32, #tpu.memory_space<vmem>>, vector<16xf32>,
        %get3A_1036 = arith.index_cast %scan3A_408 : i32 to index
        %get3A_1037 = arith.constant 768 : index
        %get3A_1038 = tpu.vector_load %arg9[%get3A_1036, %get3A_1037] {strides = array<i32>} : memref<16x1024xf32, #tpu.memory_space<vmem>>, vector<16xf32>,
        %add3A_1039 = arith.addf %get3A_1035, %get3A_1038 : vector<16xf32>
        %swap3A_1040 = arith.index_cast %scan3A_408 : i32 to index
        %swap3A_1041 = arith.constant 768 : index
        %swap3A_1042 = tpu.vector_load %arg10[%swap3A_1040, %swap3A_1041] {strides = array<i32>} : memref<16x1024xf32, #tpu.memory_space<vmem>>, vector<16xf32>,
        tpu.vector_store %arg10[%swap3A_1040, %swap3A_1041], %add3A_1039 {strides = array<i32>} : memref<16x1024xf32, #tpu.memory_space<vmem>>, vector<16xf32>,
        %add3A_1043 = arith.addf %add3A_991, %add3A_1039 : vector<16xf32>
        %mul3A_1044 = arith.mulf %add3A_1039, %add3A_1039 : vector<16xf32>
        %add3A_1045 = arith.addf %add3A_993, %mul3A_1044 : vector<16xf32>
        %get3A_1046 = arith.index_cast %scan3A_408 : i32 to index
        %get3A_1047 = arith.constant 784 : index
        %get3A_1048 = tpu.vector_load %arg10[%get3A_1046, %get3A_1047] {strides = array<i32>} : memref<16x1024xf32, #tpu.memory_space<vmem>>, vector<16xf32>,
        %get3A_1049 = arith.index_cast %scan3A_408 : i32 to index
        %get3A_1050 = arith.constant 784 : index
        %get3A_1051 = tpu.vector_load %arg9[%get3A_1049, %get3A_1050] {strides = array<i32>} : memref<16x1024xf32, #tpu.memory_space<vmem>>, vector<16xf32>,
        %add3A_1052 = arith.addf %get3A_1048, %get3A_1051 : vector<16xf32>
        %swap3A_1053 = arith.index_cast %scan3A_408 : i32 to index
        %swap3A_1054 = arith.constant 784 : index
        %swap3A_1055 = tpu.vector_load %arg10[%swap3A_1053, %swap3A_1054] {strides = array<i32>} : memref<16x1024xf32, #tpu.memory_space<vmem>>, vector<16xf32>,
        tpu.vector_store %arg10[%swap3A_1053, %swap3A_1054], %add3A_1052 {strides = array<i32>} : memref<16x1024xf32, #tpu.memory_space<vmem>>, vector<16xf32>,
        %add3A_1056 = arith.addf %add3A_1004, %add3A_1052 : vector<16xf32>
        %mul3A_1057 = arith.mulf %add3A_1052, %add3A_1052 : vector<16xf32>
        %add3A_1058 = arith.addf %add3A_1006, %mul3A_1057 : vector<16xf32>
        %get3A_1059 = arith.index_cast %scan3A_408 : i32 to index
        %get3A_1060 = arith.constant 800 : index
        %get3A_1061 = tpu.vector_load %arg10[%get3A_1059, %get3A_1060] {strides = array<i32>} : memref<16x1024xf32, #tpu.memory_space<vmem>>, vector<16xf32>,
        %get3A_1062 = arith.index_cast %scan3A_408 : i32 to index
        %get3A_1063 = arith.constant 800 : index
        %get3A_1064 = tpu.vector_load %arg9[%get3A_1062, %get3A_1063] {strides = array<i32>} : memref<16x1024xf32, #tpu.memory_space<vmem>>, vector<16xf32>,
        %add3A_1065 = arith.addf %get3A_1061, %get3A_1064 : vector<16xf32>
        %swap3A_1066 = arith.index_cast %scan3A_408 : i32 to index
        %swap3A_1067 = arith.constant 800 : index
        %swap3A_1068 = tpu.vector_load %arg10[%swap3A_1066, %swap3A_1067] {strides = array<i32>} : memref<16x1024xf32, #tpu.memory_space<vmem>>, vector<16xf32>,
        tpu.vector_store %arg10[%swap3A_1066, %swap3A_1067], %add3A_1065 {strides = array<i32>} : memref<16x1024xf32, #tpu.memory_space<vmem>>, vector<16xf32>,
        %add3A_1069 = arith.addf %add3A_1017, %add3A_1065 : vector<16xf32>
        %mul3A_1070 = arith.mulf %add3A_1065, %add3A_1065 : vector<16xf32>
        %add3A_1071 = arith.addf %add3A_1019, %mul3A_1070 : vector<16xf32>
        %get3A_1072 = arith.index_cast %scan3A_408 : i32 to index
        %get3A_1073 = arith.constant 816 : index
        %get3A_1074 = tpu.vector_load %arg10[%get3A_1072, %get3A_1073] {strides = array<i32>} : memref<16x1024xf32, #tpu.memory_space<vmem>>, vector<16xf32>,
        %get3A_1075 = arith.index_cast %scan3A_408 : i32 to index
        %get3A_1076 = arith.constant 816 : index
        %get3A_1077 = tpu.vector_load %arg9[%get3A_1075, %get3A_1076] {strides = array<i32>} : memref<16x1024xf32, #tpu.memory_space<vmem>>, vector<16xf32>,
        %add3A_1078 = arith.addf %get3A_1074, %get3A_1077 : vector<16xf32>
        %swap3A_1079 = arith.index_cast %scan3A_408 : i32 to index
        %swap3A_1080 = arith.constant 816 : index
        %swap3A_1081 = tpu.vector_load %arg10[%swap3A_1079, %swap3A_1080] {strides = array<i32>} : memref<16x1024xf32, #tpu.memory_space<vmem>>, vector<16xf32>,
        tpu.vector_store %arg10[%swap3A_1079, %swap3A_1080], %add3A_1078 {strides = array<i32>} : memref<16x1024xf32, #tpu.memory_space<vmem>>, vector<16xf32>,
        %add3A_1082 = arith.addf %add3A_1030, %add3A_1078 : vector<16xf32>
        %mul3A_1083 = arith.mulf %add3A_1078, %add3A_1078 : vector<16xf32>
        %add3A_1084 = arith.addf %add3A_1032, %mul3A_1083 : vector<16xf32>
        %get3A_1085 = arith.index_cast %scan3A_408 : i32 to index
        %get3A_1086 = arith.constant 832 : index
        %get3A_1087 = tpu.vector_load %arg10[%get3A_1085, %get3A_1086] {strides = array<i32>} : memref<16x1024xf32, #tpu.memory_space<vmem>>, vector<16xf32>,
        %get3A_1088 = arith.index_cast %scan3A_408 : i32 to index
        %get3A_1089 = arith.constant 832 : index
        %get3A_1090 = tpu.vector_load %arg9[%get3A_1088, %get3A_1089] {strides = array<i32>} : memref<16x1024xf32, #tpu.memory_space<vmem>>, vector<16xf32>,
        %add3A_1091 = arith.addf %get3A_1087, %get3A_1090 : vector<16xf32>
        %swap3A_1092 = arith.index_cast %scan3A_408 : i32 to index
        %swap3A_1093 = arith.constant 832 : index
        %swap3A_1094 = tpu.vector_load %arg10[%swap3A_1092, %swap3A_1093] {strides = array<i32>} : memref<16x1024xf32, #tpu.memory_space<vmem>>, vector<16xf32>,
        tpu.vector_store %arg10[%swap3A_1092, %swap3A_1093], %add3A_1091 {strides = array<i32>} : memref<16x1024xf32, #tpu.memory_space<vmem>>, vector<16xf32>,
        %add3A_1095 = arith.addf %add3A_1043, %add3A_1091 : vector<16xf32>
        %mul3A_1096 = arith.mulf %add3A_1091, %add3A_1091 : vector<16xf32>
        %add3A_1097 = arith.addf %add3A_1045, %mul3A_1096 : vector<16xf32>
        %get3A_1098 = arith.index_cast %scan3A_408 : i32 to index
        %get3A_1099 = arith.constant 848 : index
        %get3A_1100 = tpu.vector_load %arg10[%get3A_1098, %get3A_1099] {strides = array<i32>} : memref<16x1024xf32, #tpu.memory_space<vmem>>, vector<16xf32>,
        %get3A_1101 = arith.index_cast %scan3A_408 : i32 to index
        %get3A_1102 = arith.constant 848 : index
        %get3A_1103 = tpu.vector_load %arg9[%get3A_1101, %get3A_1102] {strides = array<i32>} : memref<16x1024xf32, #tpu.memory_space<vmem>>, vector<16xf32>,
        %add3A_1104 = arith.addf %get3A_1100, %get3A_1103 : vector<16xf32>
        %swap3A_1105 = arith.index_cast %scan3A_408 : i32 to index
        %swap3A_1106 = arith.constant 848 : index
        %swap3A_1107 = tpu.vector_load %arg10[%swap3A_1105, %swap3A_1106] {strides = array<i32>} : memref<16x1024xf32, #tpu.memory_space<vmem>>, vector<16xf32>,
        tpu.vector_store %arg10[%swap3A_1105, %swap3A_1106], %add3A_1104 {strides = array<i32>} : memref<16x1024xf32, #tpu.memory_space<vmem>>, vector<16xf32>,
        %add3A_1108 = arith.addf %add3A_1056, %add3A_1104 : vector<16xf32>
        %mul3A_1109 = arith.mulf %add3A_1104, %add3A_1104 : vector<16xf32>
        %add3A_1110 = arith.addf %add3A_1058, %mul3A_1109 : vector<16xf32>
        %get3A_1111 = arith.index_cast %scan3A_408 : i32 to index
        %get3A_1112 = arith.constant 864 : index
        %get3A_1113 = tpu.vector_load %arg10[%get3A_1111, %get3A_1112] {strides = array<i32>} : memref<16x1024xf32, #tpu.memory_space<vmem>>, vector<16xf32>,
        %get3A_1114 = arith.index_cast %scan3A_408 : i32 to index
        %get3A_1115 = arith.constant 864 : index
        %get3A_1116 = tpu.vector_load %arg9[%get3A_1114, %get3A_1115] {strides = array<i32>} : memref<16x1024xf32, #tpu.memory_space<vmem>>, vector<16xf32>,
        %add3A_1117 = arith.addf %get3A_1113, %get3A_1116 : vector<16xf32>
        %swap3A_1118 = arith.index_cast %scan3A_408 : i32 to index
        %swap3A_1119 = arith.constant 864 : index
        %swap3A_1120 = tpu.vector_load %arg10[%swap3A_1118, %swap3A_1119] {strides = array<i32>} : memref<16x1024xf32, #tpu.memory_space<vmem>>, vector<16xf32>,
        tpu.vector_store %arg10[%swap3A_1118, %swap3A_1119], %add3A_1117 {strides = array<i32>} : memref<16x1024xf32, #tpu.memory_space<vmem>>, vector<16xf32>,
        %add3A_1121 = arith.addf %add3A_1069, %add3A_1117 : vector<16xf32>
        %mul3A_1122 = arith.mulf %add3A_1117, %add3A_1117 : vector<16xf32>
        %add3A_1123 = arith.addf %add3A_1071, %mul3A_1122 : vector<16xf32>
        %get3A_1124 = arith.index_cast %scan3A_408 : i32 to index
        %get3A_1125 = arith.constant 880 : index
        %get3A_1126 = tpu.vector_load %arg10[%get3A_1124, %get3A_1125] {strides = array<i32>} : memref<16x1024xf32, #tpu.memory_space<vmem>>, vector<16xf32>,
        %get3A_1127 = arith.index_cast %scan3A_408 : i32 to index
        %get3A_1128 = arith.constant 880 : index
        %get3A_1129 = tpu.vector_load %arg9[%get3A_1127, %get3A_1128] {strides = array<i32>} : memref<16x1024xf32, #tpu.memory_space<vmem>>, vector<16xf32>,
        %add3A_1130 = arith.addf %get3A_1126, %get3A_1129 : vector<16xf32>
        %swap3A_1131 = arith.index_cast %scan3A_408 : i32 to index
        %swap3A_1132 = arith.constant 880 : index
        %swap3A_1133 = tpu.vector_load %arg10[%swap3A_1131, %swap3A_1132] {strides = array<i32>} : memref<16x1024xf32, #tpu.memory_space<vmem>>, vector<16xf32>,
        tpu.vector_store %arg10[%swap3A_1131, %swap3A_1132], %add3A_1130 {strides = array<i32>} : memref<16x1024xf32, #tpu.memory_space<vmem>>, vector<16xf32>,
        %add3A_1134 = arith.addf %add3A_1082, %add3A_1130 : vector<16xf32>
        %mul3A_1135 = arith.mulf %add3A_1130, %add3A_1130 : vector<16xf32>
        %add3A_1136 = arith.addf %add3A_1084, %mul3A_1135 : vector<16xf32>
        %get3A_1137 = arith.index_cast %scan3A_408 : i32 to index
        %get3A_1138 = arith.constant 896 : index
        %get3A_1139 = tpu.vector_load %arg10[%get3A_1137, %get3A_1138] {strides = array<i32>} : memref<16x1024xf32, #tpu.memory_space<vmem>>, vector<16xf32>,
        %get3A_1140 = arith.index_cast %scan3A_408 : i32 to index
        %get3A_1141 = arith.constant 896 : index
        %get3A_1142 = tpu.vector_load %arg9[%get3A_1140, %get3A_1141] {strides = array<i32>} : memref<16x1024xf32, #tpu.memory_space<vmem>>, vector<16xf32>,
        %add3A_1143 = arith.addf %get3A_1139, %get3A_1142 : vector<16xf32>
        %swap3A_1144 = arith.index_cast %scan3A_408 : i32 to index
        %swap3A_1145 = arith.constant 896 : index
        %swap3A_1146 = tpu.vector_load %arg10[%swap3A_1144, %swap3A_1145] {strides = array<i32>} : memref<16x1024xf32, #tpu.memory_space<vmem>>, vector<16xf32>,
        tpu.vector_store %arg10[%swap3A_1144, %swap3A_1145], %add3A_1143 {strides = array<i32>} : memref<16x1024xf32, #tpu.memory_space<vmem>>, vector<16xf32>,
        %add3A_1147 = arith.addf %add3A_1095, %add3A_1143 : vector<16xf32>
        %mul3A_1148 = arith.mulf %add3A_1143, %add3A_1143 : vector<16xf32>
        %add3A_1149 = arith.addf %add3A_1097, %mul3A_1148 : vector<16xf32>
        %get3A_1150 = arith.index_cast %scan3A_408 : i32 to index
        %get3A_1151 = arith.constant 912 : index
        %get3A_1152 = tpu.vector_load %arg10[%get3A_1150, %get3A_1151] {strides = array<i32>} : memref<16x1024xf32, #tpu.memory_space<vmem>>, vector<16xf32>,
        %get3A_1153 = arith.index_cast %scan3A_408 : i32 to index
        %get3A_1154 = arith.constant 912 : index
        %get3A_1155 = tpu.vector_load %arg9[%get3A_1153, %get3A_1154] {strides = array<i32>} : memref<16x1024xf32, #tpu.memory_space<vmem>>, vector<16xf32>,
        %add3A_1156 = arith.addf %get3A_1152, %get3A_1155 : vector<16xf32>
        %swap3A_1157 = arith.index_cast %scan3A_408 : i32 to index
        %swap3A_1158 = arith.constant 912 : index
        %swap3A_1159 = tpu.vector_load %arg10[%swap3A_1157, %swap3A_1158] {strides = array<i32>} : memref<16x1024xf32, #tpu.memory_space<vmem>>, vector<16xf32>,
        tpu.vector_store %arg10[%swap3A_1157, %swap3A_1158], %add3A_1156 {strides = array<i32>} : memref<16x1024xf32, #tpu.memory_space<vmem>>, vector<16xf32>,
        %add3A_1160 = arith.addf %add3A_1108, %add3A_1156 : vector<16xf32>
        %mul3A_1161 = arith.mulf %add3A_1156, %add3A_1156 : vector<16xf32>
        %add3A_1162 = arith.addf %add3A_1110, %mul3A_1161 : vector<16xf32>
        %get3A_1163 = arith.index_cast %scan3A_408 : i32 to index
        %get3A_1164 = arith.constant 928 : index
        %get3A_1165 = tpu.vector_load %arg10[%get3A_1163, %get3A_1164] {strides = array<i32>} : memref<16x1024xf32, #tpu.memory_space<vmem>>, vector<16xf32>,
        %get3A_1166 = arith.index_cast %scan3A_408 : i32 to index
        %get3A_1167 = arith.constant 928 : index
        %get3A_1168 = tpu.vector_load %arg9[%get3A_1166, %get3A_1167] {strides = array<i32>} : memref<16x1024xf32, #tpu.memory_space<vmem>>, vector<16xf32>,
        %add3A_1169 = arith.addf %get3A_1165, %get3A_1168 : vector<16xf32>
        %swap3A_1170 = arith.index_cast %scan3A_408 : i32 to index
        %swap3A_1171 = arith.constant 928 : index
        %swap3A_1172 = tpu.vector_load %arg10[%swap3A_1170, %swap3A_1171] {strides = array<i32>} : memref<16x1024xf32, #tpu.memory_space<vmem>>, vector<16xf32>,
        tpu.vector_store %arg10[%swap3A_1170, %swap3A_1171], %add3A_1169 {strides = array<i32>} : memref<16x1024xf32, #tpu.memory_space<vmem>>, vector<16xf32>,
        %add3A_1173 = arith.addf %add3A_1121, %add3A_1169 : vector<16xf32>
        %mul3A_1174 = arith.mulf %add3A_1169, %add3A_1169 : vector<16xf32>
        %add3A_1175 = arith.addf %add3A_1123, %mul3A_1174 : vector<16xf32>
        %get3A_1176 = arith.index_cast %scan3A_408 : i32 to index
        %get3A_1177 = arith.constant 944 : index
        %get3A_1178 = tpu.vector_load %arg10[%get3A_1176, %get3A_1177] {strides = array<i32>} : memref<16x1024xf32, #tpu.memory_space<vmem>>, vector<16xf32>,
        %get3A_1179 = arith.index_cast %scan3A_408 : i32 to index
        %get3A_1180 = arith.constant 944 : index
        %get3A_1181 = tpu.vector_load %arg9[%get3A_1179, %get3A_1180] {strides = array<i32>} : memref<16x1024xf32, #tpu.memory_space<vmem>>, vector<16xf32>,
        %add3A_1182 = arith.addf %get3A_1178, %get3A_1181 : vector<16xf32>
        %swap3A_1183 = arith.index_cast %scan3A_408 : i32 to index
        %swap3A_1184 = arith.constant 944 : index
        %swap3A_1185 = tpu.vector_load %arg10[%swap3A_1183, %swap3A_1184] {strides = array<i32>} : memref<16x1024xf32, #tpu.memory_space<vmem>>, vector<16xf32>,
        tpu.vector_store %arg10[%swap3A_1183, %swap3A_1184], %add3A_1182 {strides = array<i32>} : memref<16x1024xf32, #tpu.memory_space<vmem>>, vector<16xf32>,
        %add3A_1186 = arith.addf %add3A_1134, %add3A_1182 : vector<16xf32>
        %mul3A_1187 = arith.mulf %add3A_1182, %add3A_1182 : vector<16xf32>
        %add3A_1188 = arith.addf %add3A_1136, %mul3A_1187 : vector<16xf32>
        %get3A_1189 = arith.index_cast %scan3A_408 : i32 to index
        %get3A_1190 = arith.constant 960 : index
        %get3A_1191 = tpu.vector_load %arg10[%get3A_1189, %get3A_1190] {strides = array<i32>} : memref<16x1024xf32, #tpu.memory_space<vmem>>, vector<16xf32>,
        %get3A_1192 = arith.index_cast %scan3A_408 : i32 to index
        %get3A_1193 = arith.constant 960 : index
        %get3A_1194 = tpu.vector_load %arg9[%get3A_1192, %get3A_1193] {strides = array<i32>} : memref<16x1024xf32, #tpu.memory_space<vmem>>, vector<16xf32>,
        %add3A_1195 = arith.addf %get3A_1191, %get3A_1194 : vector<16xf32>
        %swap3A_1196 = arith.index_cast %scan3A_408 : i32 to index
        %swap3A_1197 = arith.constant 960 : index
        %swap3A_1198 = tpu.vector_load %arg10[%swap3A_1196, %swap3A_1197] {strides = array<i32>} : memref<16x1024xf32, #tpu.memory_space<vmem>>, vector<16xf32>,
        tpu.vector_store %arg10[%swap3A_1196, %swap3A_1197], %add3A_1195 {strides = array<i32>} : memref<16x1024xf32, #tpu.memory_space<vmem>>, vector<16xf32>,
        %add3A_1199 = arith.addf %add3A_1147, %add3A_1195 : vector<16xf32>
        %mul3A_1200 = arith.mulf %add3A_1195, %add3A_1195 : vector<16xf32>
        %add3A_1201 = arith.addf %add3A_1149, %mul3A_1200 : vector<16xf32>
        %get3A_1202 = arith.index_cast %scan3A_408 : i32 to index
        %get3A_1203 = arith.constant 976 : index
        %get3A_1204 = tpu.vector_load %arg10[%get3A_1202, %get3A_1203] {strides = array<i32>} : memref<16x1024xf32, #tpu.memory_space<vmem>>, vector<16xf32>,
        %get3A_1205 = arith.index_cast %scan3A_408 : i32 to index
        %get3A_1206 = arith.constant 976 : index
        %get3A_1207 = tpu.vector_load %arg9[%get3A_1205, %get3A_1206] {strides = array<i32>} : memref<16x1024xf32, #tpu.memory_space<vmem>>, vector<16xf32>,
        %add3A_1208 = arith.addf %get3A_1204, %get3A_1207 : vector<16xf32>
        %swap3A_1209 = arith.index_cast %scan3A_408 : i32 to index
        %swap3A_1210 = arith.constant 976 : index
        %swap3A_1211 = tpu.vector_load %arg10[%swap3A_1209, %swap3A_1210] {strides = array<i32>} : memref<16x1024xf32, #tpu.memory_space<vmem>>, vector<16xf32>,
        tpu.vector_store %arg10[%swap3A_1209, %swap3A_1210], %add3A_1208 {strides = array<i32>} : memref<16x1024xf32, #tpu.memory_space<vmem>>, vector<16xf32>,
        %add3A_1212 = arith.addf %add3A_1160, %add3A_1208 : vector<16xf32>
        %mul3A_1213 = arith.mulf %add3A_1208, %add3A_1208 : vector<16xf32>
        %add3A_1214 = arith.addf %add3A_1162, %mul3A_1213 : vector<16xf32>
        %get3A_1215 = arith.index_cast %scan3A_408 : i32 to index
        %get3A_1216 = arith.constant 992 : index
        %get3A_1217 = tpu.vector_load %arg10[%get3A_1215, %get3A_1216] {strides = array<i32>} : memref<16x1024xf32, #tpu.memory_space<vmem>>, vector<16xf32>,
        %get3A_1218 = arith.index_cast %scan3A_408 : i32 to index
        %get3A_1219 = arith.constant 992 : index
        %get3A_1220 = tpu.vector_load %arg9[%get3A_1218, %get3A_1219] {strides = array<i32>} : memref<16x1024xf32, #tpu.memory_space<vmem>>, vector<16xf32>,
        %add3A_1221 = arith.addf %get3A_1217, %get3A_1220 : vector<16xf32>
        %swap3A_1222 = arith.index_cast %scan3A_408 : i32 to index
        %swap3A_1223 = arith.constant 992 : index
        %swap3A_1224 = tpu.vector_load %arg10[%swap3A_1222, %swap3A_1223] {strides = array<i32>} : memref<16x1024xf32, #tpu.memory_space<vmem>>, vector<16xf32>,
        tpu.vector_store %arg10[%swap3A_1222, %swap3A_1223], %add3A_1221 {strides = array<i32>} : memref<16x1024xf32, #tpu.memory_space<vmem>>, vector<16xf32>,
        %add3A_1225 = arith.addf %add3A_1173, %add3A_1221 : vector<16xf32>
        %mul3A_1226 = arith.mulf %add3A_1221, %add3A_1221 : vector<16xf32>
        %add3A_1227 = arith.addf %add3A_1175, %mul3A_1226 : vector<16xf32>
        %get3A_1228 = arith.index_cast %scan3A_408 : i32 to index
        %get3A_1229 = arith.constant 1008 : index
        %get3A_1230 = tpu.vector_load %arg10[%get3A_1228, %get3A_1229] {strides = array<i32>} : memref<16x1024xf32, #tpu.memory_space<vmem>>, vector<16xf32>,
        %get3A_1231 = arith.index_cast %scan3A_408 : i32 to index
        %get3A_1232 = arith.constant 1008 : index
        %get3A_1233 = tpu.vector_load %arg9[%get3A_1231, %get3A_1232] {strides = array<i32>} : memref<16x1024xf32, #tpu.memory_space<vmem>>, vector<16xf32>,
        %add3A_1234 = arith.addf %get3A_1230, %get3A_1233 : vector<16xf32>
        %swap3A_1235 = arith.index_cast %scan3A_408 : i32 to index
        %swap3A_1236 = arith.constant 1008 : index
        %swap3A_1237 = tpu.vector_load %arg10[%swap3A_1235, %swap3A_1236] {strides = array<i32>} : memref<16x1024xf32, #tpu.memory_space<vmem>>, vector<16xf32>,
        tpu.vector_store %arg10[%swap3A_1235, %swap3A_1236], %add3A_1234 {strides = array<i32>} : memref<16x1024xf32, #tpu.memory_space<vmem>>, vector<16xf32>,
        %add3A_1238 = arith.addf %add3A_1186, %add3A_1234 : vector<16xf32>
        %mul3A_1239 = arith.mulf %add3A_1234, %add3A_1234 : vector<16xf32>
        %add3A_1240 = arith.addf %add3A_1188, %mul3A_1239 : vector<16xf32>
        %add3A_1241 = arith.addf %add3A_1199, %add3A_1212 : vector<16xf32>
        %add3A_1242 = arith.addf %add3A_1225, %add3A_1238 : vector<16xf32>
        %add3A_1243 = arith.addf %add3A_1241, %add3A_1242 : vector<16xf32>
        %reduce_sum3A = arith.constant true
        %reduce_sum3A_1244 = vector.broadcast %reduce_sum3A : i1 to vector<16xi1>
        %reduce_sum3A_1245 = tpu.scan <sum>, %add3A_1243 masked %reduce_sum3A_1244 : vector<16xf32>, vector<16xi1> -> vector<16xf32>
        %reduce_sum3A_1246 = vector.extract %reduce_sum3A_1245[15] : f32 from vector<16xf32>
        %add3A_1247 = arith.addf %add3A_1201, %add3A_1214 : vector<16xf32>
        %add3A_1248 = arith.addf %add3A_1227, %add3A_1240 : vector<16xf32>
        %add3A_1249 = arith.addf %add3A_1247, %add3A_1248 : vector<16xf32>
        %reduce_sum3A_1250 = arith.constant true
        %reduce_sum3A_1251 = vector.broadcast %reduce_sum3A_1250 : i1 to vector<16xi1>
        %reduce_sum3A_1252 = tpu.scan <sum>, %add3A_1249 masked %reduce_sum3A_1251 : vector<16xf32>, vector<16xi1> -> vector<16xf32>
        %reduce_sum3A_1253 = vector.extract %reduce_sum3A_1252[15] : f32 from vector<16xf32>
        %eq3A_1254 = vector.broadcast %scan3A_408 : i32 to vector<16xi32>
        %eq3A_1255 = arith.cmpi eq, %iota3A, %eq3A_1254 : vector<16xi32>
        %broadcast_in_dim3A_1256 = vector.broadcast %reduce_sum3A_1246 : f32 to vector<16xf32>
        %select_n3A_1257 = arith.select %eq3A_1255, %broadcast_in_dim3A_1256, %scan3A_409 : vector<16xi1>, vector<16xf32>
        %broadcast_in_dim3A_1258 = vector.broadcast %reduce_sum3A_1253 : f32 to vector<16xf32>
        %select_n3A_1259 = arith.select %eq3A_1255, %broadcast_in_dim3A_1258, %scan3A_410 : vector<16xi1>, vector<16xf32>
        scf.yield %select_n3A_1257, %select_n3A_1259 : vector<16xf32>, vector<16xf32>
      }
      %scan3A_99 = arith.constant 16 : i32
      %mul3A_100 = vector.broadcast %scan3A : f32 to vector<16xf32>
      %mul3A_101 = arith.mulf %scan3A_98#0, %mul3A_100 : vector<16xf32>
      %mul3A_102 = vector.broadcast %scan3A : f32 to vector<16xf32>
      %mul3A_103 = arith.mulf %scan3A_98#1, %mul3A_102 : vector<16xf32>
      %mul3A_104 = arith.mulf %mul3A_101, %mul3A_101 : vector<16xf32>
      %sub3A_105 = arith.subf %mul3A_103, %mul3A_104 : vector<16xf32>
      %add3A_106 = arith.constant 9.99999974E-6 : f32
      %add3A_107 = vector.broadcast %add3A_106 : f32 to vector<16xf32>
      %add3A_108 = arith.addf %sub3A_105, %add3A_107 : vector<16xf32>
      %mul3A_109 = arith.constant 5.000000e-01 : f32
      %mul3A_110 = vector.broadcast %mul3A_109 : f32 to vector<16xf32>
      %mul3A_111 = arith.mulf %add3A_108, %mul3A_110 : vector<16xf32>
      %bitcast3A = vector.bitcast %add3A_108 : vector<16xf32> to vector<16xi32>
      %shift_right_arithmetic3A = arith.constant 1 : i32
      %shift_right_arithmetic3A_112 = vector.broadcast %shift_right_arithmetic3A : i32 to vector<16xi32>
      %shift_right_arithmetic3A_113 = arith.shrsi %bitcast3A, %shift_right_arithmetic3A_112 : vector<16xi32>
      %sub3A_114 = arith.constant 1597463007 : i32
      %sub3A_115 = vector.broadcast %sub3A_114 : i32 to vector<16xi32>
      %sub3A_116 = arith.subi %sub3A_115, %shift_right_arithmetic3A_113 : vector<16xi32>
      %bitcast3A_117 = vector.bitcast %sub3A_116 : vector<16xi32> to vector<16xf32>
      %mul3A_118 = arith.mulf %mul3A_111, %bitcast3A_117 : vector<16xf32>
      %mul3A_119 = arith.mulf %mul3A_118, %bitcast3A_117 : vector<16xf32>
      %sub3A_120 = arith.constant 1.500000e+00 : f32
      %sub3A_121 = vector.broadcast %sub3A_120 : f32 to vector<16xf32>
      %sub3A_122 = arith.subf %sub3A_121, %mul3A_119 : vector<16xf32>
      %mul3A_123 = arith.mulf %bitcast3A_117, %sub3A_122 : vector<16xf32>
      %mul3A_124 = arith.mulf %mul3A_111, %mul3A_123 : vector<16xf32>
      %mul3A_125 = arith.mulf %mul3A_124, %mul3A_123 : vector<16xf32>
      %sub3A_126 = arith.constant 1.500000e+00 : f32
      %sub3A_127 = vector.broadcast %sub3A_126 : f32 to vector<16xf32>
      %sub3A_128 = arith.subf %sub3A_127, %mul3A_125 : vector<16xf32>
      %mul3A_129 = arith.mulf %mul3A_123, %sub3A_128 : vector<16xf32>
      %mul3A_130 = arith.mulf %mul3A_111, %mul3A_129 : vector<16xf32>
      %mul3A_131 = arith.mulf %mul3A_130, %mul3A_129 : vector<16xf32>
      %sub3A_132 = arith.constant 1.500000e+00 : f32
      %sub3A_133 = vector.broadcast %sub3A_132 : f32 to vector<16xf32>
      %sub3A_134 = arith.subf %sub3A_133, %mul3A_131 : vector<16xf32>
      %mul3A_135 = arith.mulf %mul3A_129, %sub3A_134 : vector<16xf32>
      %slice3A = vector.extract_strided_slice %mul3A_101 {offsets = [0], sizes = [1], strides = [1]} : vector<16xf32> to vector<1xf32>
      %squeeze3A = vector.extract %slice3A[0] : f32 from vector<1xf32>
      %broadcast_in_dim3A_136 = vector.broadcast %squeeze3A : f32 to vector<16xf32>
      %slice3A_137 = vector.extract_strided_slice %mul3A_101 {offsets = [1], sizes = [1], strides = [1]} : vector<16xf32> to vector<1xf32>
      %squeeze3A_138 = vector.extract %slice3A_137[0] : f32 from vector<1xf32>
      %broadcast_in_dim3A_139 = vector.broadcast %squeeze3A_138 : f32 to vector<16xf32>
      %slice3A_140 = vector.extract_strided_slice %mul3A_101 {offsets = [2], sizes = [1], strides = [1]} : vector<16xf32> to vector<1xf32>
      %squeeze3A_141 = vector.extract %slice3A_140[0] : f32 from vector<1xf32>
      %broadcast_in_dim3A_142 = vector.broadcast %squeeze3A_141 : f32 to vector<16xf32>
      %slice3A_143 = vector.extract_strided_slice %mul3A_101 {offsets = [3], sizes = [1], strides = [1]} : vector<16xf32> to vector<1xf32>
      %squeeze3A_144 = vector.extract %slice3A_143[0] : f32 from vector<1xf32>
      %broadcast_in_dim3A_145 = vector.broadcast %squeeze3A_144 : f32 to vector<16xf32>
      %slice3A_146 = vector.extract_strided_slice %mul3A_101 {offsets = [4], sizes = [1], strides = [1]} : vector<16xf32> to vector<1xf32>
      %squeeze3A_147 = vector.extract %slice3A_146[0] : f32 from vector<1xf32>
      %broadcast_in_dim3A_148 = vector.broadcast %squeeze3A_147 : f32 to vector<16xf32>
      %slice3A_149 = vector.extract_strided_slice %mul3A_101 {offsets = [5], sizes = [1], strides = [1]} : vector<16xf32> to vector<1xf32>
      %squeeze3A_150 = vector.extract %slice3A_149[0] : f32 from vector<1xf32>
      %broadcast_in_dim3A_151 = vector.broadcast %squeeze3A_150 : f32 to vector<16xf32>
      %slice3A_152 = vector.extract_strided_slice %mul3A_101 {offsets = [6], sizes = [1], strides = [1]} : vector<16xf32> to vector<1xf32>
      %squeeze3A_153 = vector.extract %slice3A_152[0] : f32 from vector<1xf32>
      %broadcast_in_dim3A_154 = vector.broadcast %squeeze3A_153 : f32 to vector<16xf32>
      %slice3A_155 = vector.extract_strided_slice %mul3A_101 {offsets = [7], sizes = [1], strides = [1]} : vector<16xf32> to vector<1xf32>
      %squeeze3A_156 = vector.extract %slice3A_155[0] : f32 from vector<1xf32>
      %broadcast_in_dim3A_157 = vector.broadcast %squeeze3A_156 : f32 to vector<16xf32>
      %slice3A_158 = vector.extract_strided_slice %mul3A_101 {offsets = [8], sizes = [1], strides = [1]} : vector<16xf32> to vector<1xf32>
      %squeeze3A_159 = vector.extract %slice3A_158[0] : f32 from vector<1xf32>
      %broadcast_in_dim3A_160 = vector.broadcast %squeeze3A_159 : f32 to vector<16xf32>
      %slice3A_161 = vector.extract_strided_slice %mul3A_101 {offsets = [9], sizes = [1], strides = [1]} : vector<16xf32> to vector<1xf32>
      %squeeze3A_162 = vector.extract %slice3A_161[0] : f32 from vector<1xf32>
      %broadcast_in_dim3A_163 = vector.broadcast %squeeze3A_162 : f32 to vector<16xf32>
      %slice3A_164 = vector.extract_strided_slice %mul3A_101 {offsets = [10], sizes = [1], strides = [1]} : vector<16xf32> to vector<1xf32>
      %squeeze3A_165 = vector.extract %slice3A_164[0] : f32 from vector<1xf32>
      %broadcast_in_dim3A_166 = vector.broadcast %squeeze3A_165 : f32 to vector<16xf32>
      %slice3A_167 = vector.extract_strided_slice %mul3A_101 {offsets = [11], sizes = [1], strides = [1]} : vector<16xf32> to vector<1xf32>
      %squeeze3A_168 = vector.extract %slice3A_167[0] : f32 from vector<1xf32>
      %broadcast_in_dim3A_169 = vector.broadcast %squeeze3A_168 : f32 to vector<16xf32>
      %slice3A_170 = vector.extract_strided_slice %mul3A_101 {offsets = [12], sizes = [1], strides = [1]} : vector<16xf32> to vector<1xf32>
      %squeeze3A_171 = vector.extract %slice3A_170[0] : f32 from vector<1xf32>
      %broadcast_in_dim3A_172 = vector.broadcast %squeeze3A_171 : f32 to vector<16xf32>
      %slice3A_173 = vector.extract_strided_slice %mul3A_101 {offsets = [13], sizes = [1], strides = [1]} : vector<16xf32> to vector<1xf32>
      %squeeze3A_174 = vector.extract %slice3A_173[0] : f32 from vector<1xf32>
      %broadcast_in_dim3A_175 = vector.broadcast %squeeze3A_174 : f32 to vector<16xf32>
      %slice3A_176 = vector.extract_strided_slice %mul3A_101 {offsets = [14], sizes = [1], strides = [1]} : vector<16xf32> to vector<1xf32>
      %squeeze3A_177 = vector.extract %slice3A_176[0] : f32 from vector<1xf32>
      %broadcast_in_dim3A_178 = vector.broadcast %squeeze3A_177 : f32 to vector<16xf32>
      %slice3A_179 = vector.extract_strided_slice %mul3A_101 {offsets = [15], sizes = [1], strides = [1]} : vector<16xf32> to vector<1xf32>
      %squeeze3A_180 = vector.extract %slice3A_179[0] : f32 from vector<1xf32>
      %broadcast_in_dim3A_181 = vector.broadcast %squeeze3A_180 : f32 to vector<16xf32>
      %slice3A_182 = vector.extract_strided_slice %mul3A_135 {offsets = [0], sizes = [1], strides = [1]} : vector<16xf32> to vector<1xf32>
      %squeeze3A_183 = vector.extract %slice3A_182[0] : f32 from vector<1xf32>
      %broadcast_in_dim3A_184 = vector.broadcast %squeeze3A_183 : f32 to vector<16xf32>
      %slice3A_185 = vector.extract_strided_slice %mul3A_135 {offsets = [1], sizes = [1], strides = [1]} : vector<16xf32> to vector<1xf32>
      %squeeze3A_186 = vector.extract %slice3A_185[0] : f32 from vector<1xf32>
      %broadcast_in_dim3A_187 = vector.broadcast %squeeze3A_186 : f32 to vector<16xf32>
      %slice3A_188 = vector.extract_strided_slice %mul3A_135 {offsets = [2], sizes = [1], strides = [1]} : vector<16xf32> to vector<1xf32>
      %squeeze3A_189 = vector.extract %slice3A_188[0] : f32 from vector<1xf32>
      %broadcast_in_dim3A_190 = vector.broadcast %squeeze3A_189 : f32 to vector<16xf32>
      %slice3A_191 = vector.extract_strided_slice %mul3A_135 {offsets = [3], sizes = [1], strides = [1]} : vector<16xf32> to vector<1xf32>
      %squeeze3A_192 = vector.extract %slice3A_191[0] : f32 from vector<1xf32>
      %broadcast_in_dim3A_193 = vector.broadcast %squeeze3A_192 : f32 to vector<16xf32>
      %slice3A_194 = vector.extract_strided_slice %mul3A_135 {offsets = [4], sizes = [1], strides = [1]} : vector<16xf32> to vector<1xf32>
      %squeeze3A_195 = vector.extract %slice3A_194[0] : f32 from vector<1xf32>
      %broadcast_in_dim3A_196 = vector.broadcast %squeeze3A_195 : f32 to vector<16xf32>
      %slice3A_197 = vector.extract_strided_slice %mul3A_135 {offsets = [5], sizes = [1], strides = [1]} : vector<16xf32> to vector<1xf32>
      %squeeze3A_198 = vector.extract %slice3A_197[0] : f32 from vector<1xf32>
      %broadcast_in_dim3A_199 = vector.broadcast %squeeze3A_198 : f32 to vector<16xf32>
      %slice3A_200 = vector.extract_strided_slice %mul3A_135 {offsets = [6], sizes = [1], strides = [1]} : vector<16xf32> to vector<1xf32>
      %squeeze3A_201 = vector.extract %slice3A_200[0] : f32 from vector<1xf32>
      %broadcast_in_dim3A_202 = vector.broadcast %squeeze3A_201 : f32 to vector<16xf32>
      %slice3A_203 = vector.extract_strided_slice %mul3A_135 {offsets = [7], sizes = [1], strides = [1]} : vector<16xf32> to vector<1xf32>
      %squeeze3A_204 = vector.extract %slice3A_203[0] : f32 from vector<1xf32>
      %broadcast_in_dim3A_205 = vector.broadcast %squeeze3A_204 : f32 to vector<16xf32>
      %slice3A_206 = vector.extract_strided_slice %mul3A_135 {offsets = [8], sizes = [1], strides = [1]} : vector<16xf32> to vector<1xf32>
      %squeeze3A_207 = vector.extract %slice3A_206[0] : f32 from vector<1xf32>
      %broadcast_in_dim3A_208 = vector.broadcast %squeeze3A_207 : f32 to vector<16xf32>
      %slice3A_209 = vector.extract_strided_slice %mul3A_135 {offsets = [9], sizes = [1], strides = [1]} : vector<16xf32> to vector<1xf32>
      %squeeze3A_210 = vector.extract %slice3A_209[0] : f32 from vector<1xf32>
      %broadcast_in_dim3A_211 = vector.broadcast %squeeze3A_210 : f32 to vector<16xf32>
      %slice3A_212 = vector.extract_strided_slice %mul3A_135 {offsets = [10], sizes = [1], strides = [1]} : vector<16xf32> to vector<1xf32>
      %squeeze3A_213 = vector.extract %slice3A_212[0] : f32 from vector<1xf32>
      %broadcast_in_dim3A_214 = vector.broadcast %squeeze3A_213 : f32 to vector<16xf32>
      %slice3A_215 = vector.extract_strided_slice %mul3A_135 {offsets = [11], sizes = [1], strides = [1]} : vector<16xf32> to vector<1xf32>
      %squeeze3A_216 = vector.extract %slice3A_215[0] : f32 from vector<1xf32>
      %broadcast_in_dim3A_217 = vector.broadcast %squeeze3A_216 : f32 to vector<16xf32>
      %slice3A_218 = vector.extract_strided_slice %mul3A_135 {offsets = [12], sizes = [1], strides = [1]} : vector<16xf32> to vector<1xf32>
      %squeeze3A_219 = vector.extract %slice3A_218[0] : f32 from vector<1xf32>
      %broadcast_in_dim3A_220 = vector.broadcast %squeeze3A_219 : f32 to vector<16xf32>
      %slice3A_221 = vector.extract_strided_slice %mul3A_135 {offsets = [13], sizes = [1], strides = [1]} : vector<16xf32> to vector<1xf32>
      %squeeze3A_222 = vector.extract %slice3A_221[0] : f32 from vector<1xf32>
      %broadcast_in_dim3A_223 = vector.broadcast %squeeze3A_222 : f32 to vector<16xf32>
      %slice3A_224 = vector.extract_strided_slice %mul3A_135 {offsets = [14], sizes = [1], strides = [1]} : vector<16xf32> to vector<1xf32>
      %squeeze3A_225 = vector.extract %slice3A_224[0] : f32 from vector<1xf32>
      %broadcast_in_dim3A_226 = vector.broadcast %squeeze3A_225 : f32 to vector<16xf32>
      %slice3A_227 = vector.extract_strided_slice %mul3A_135 {offsets = [15], sizes = [1], strides = [1]} : vector<16xf32> to vector<1xf32>
      %squeeze3A_228 = vector.extract %slice3A_227[0] : f32 from vector<1xf32>
      %broadcast_in_dim3A_229 = vector.broadcast %squeeze3A_228 : f32 to vector<16xf32>
      %scan3A_230 = arith.constant 0 : i32
      %scan3A_231 = arith.constant 0 : i32
      %scan3A_232 = arith.constant 64 : i32
      %scan3A_233 = arith.addi %scan3A_231, %scan3A_232 : i32
      %scan3A_234 = arith.constant 1 : i32
      %scan3A_235 = scf.for %scan3A_408 = %scan3A_231 to %scan3A_233 step %scan3A_234 iter_args(%scan3A_409 = %scan3A_230) -> (i32)  : i32 {
        %mul3A_410 = arith.constant 16 : i32
        %mul3A_411 = arith.muli %scan3A_408, %mul3A_410 : i32
        %get3A = arith.index_cast %mul3A_411 : i32 to index
        %get3A_412 = tpu.vector_load %arg12[%get3A] {strides = array<i32>} : memref<1024xf32, #tpu.memory_space<vmem>>, vector<16xf32>,
        %get3A_413 = arith.index_cast %mul3A_411 : i32 to index
        %get3A_414 = tpu.vector_load %arg13[%get3A_413] {strides = array<i32>} : memref<1024xf32, #tpu.memory_space<vmem>>, vector<16xf32>,
        %get3A_415 = arith.constant 0 : i32
        %get3A_416 = arith.index_cast %get3A_415 : i32 to index
        %get3A_417 = arith.index_cast %mul3A_411 : i32 to index
        %get3A_418 = tpu.vector_load %arg10[%get3A_416, %get3A_417] {strides = array<i32>} : memref<16x1024xf32, #tpu.memory_space<vmem>>, vector<16xf32>,
        %sub3A_419 = arith.subf %get3A_418, %broadcast_in_dim3A_136 : vector<16xf32>
        %mul3A_420 = arith.mulf %sub3A_419, %broadcast_in_dim3A_184 : vector<16xf32>
        %mul3A_421 = arith.mulf %mul3A_420, %get3A_412 : vector<16xf32>
        %add3A_422 = arith.addf %mul3A_421, %get3A_414 : vector<16xf32>
        %swap3A = arith.constant 0 : i32
        %swap3A_423 = arith.index_cast %swap3A : i32 to index
        %swap3A_424 = arith.index_cast %mul3A_411 : i32 to index
        %swap3A_425 = tpu.vector_load %arg10[%swap3A_423, %swap3A_424] {strides = array<i32>} : memref<16x1024xf32, #tpu.memory_space<vmem>>, vector<16xf32>,
        tpu.vector_store %arg10[%swap3A_423, %swap3A_424], %add3A_422 {strides = array<i32>} : memref<16x1024xf32, #tpu.memory_space<vmem>>, vector<16xf32>,
        %get3A_426 = arith.constant 1 : i32
        %get3A_427 = arith.index_cast %get3A_426 : i32 to index
        %get3A_428 = arith.index_cast %mul3A_411 : i32 to index
        %get3A_429 = tpu.vector_load %arg10[%get3A_427, %get3A_428] {strides = array<i32>} : memref<16x1024xf32, #tpu.memory_space<vmem>>, vector<16xf32>,
        %sub3A_430 = arith.subf %get3A_429, %broadcast_in_dim3A_139 : vector<16xf32>
        %mul3A_431 = arith.mulf %sub3A_430, %broadcast_in_dim3A_187 : vector<16xf32>
        %mul3A_432 = arith.mulf %mul3A_431, %get3A_412 : vector<16xf32>
        %add3A_433 = arith.addf %mul3A_432, %get3A_414 : vector<16xf32>
        %swap3A_434 = arith.constant 1 : i32
        %swap3A_435 = arith.index_cast %swap3A_434 : i32 to index
        %swap3A_436 = arith.index_cast %mul3A_411 : i32 to index
        %swap3A_437 = tpu.vector_load %arg10[%swap3A_435, %swap3A_436] {strides = array<i32>} : memref<16x1024xf32, #tpu.memory_space<vmem>>, vector<16xf32>,
        tpu.vector_store %arg10[%swap3A_435, %swap3A_436], %add3A_433 {strides = array<i32>} : memref<16x1024xf32, #tpu.memory_space<vmem>>, vector<16xf32>,
        %get3A_438 = arith.constant 2 : i32
        %get3A_439 = arith.index_cast %get3A_438 : i32 to index
        %get3A_440 = arith.index_cast %mul3A_411 : i32 to index
        %get3A_441 = tpu.vector_load %arg10[%get3A_439, %get3A_440] {strides = array<i32>} : memref<16x1024xf32, #tpu.memory_space<vmem>>, vector<16xf32>,
        %sub3A_442 = arith.subf %get3A_441, %broadcast_in_dim3A_142 : vector<16xf32>
        %mul3A_443 = arith.mulf %sub3A_442, %broadcast_in_dim3A_190 : vector<16xf32>
        %mul3A_444 = arith.mulf %mul3A_443, %get3A_412 : vector<16xf32>
        %add3A_445 = arith.addf %mul3A_444, %get3A_414 : vector<16xf32>
        %swap3A_446 = arith.constant 2 : i32
        %swap3A_447 = arith.index_cast %swap3A_446 : i32 to index
        %swap3A_448 = arith.index_cast %mul3A_411 : i32 to index
        %swap3A_449 = tpu.vector_load %arg10[%swap3A_447, %swap3A_448] {strides = array<i32>} : memref<16x1024xf32, #tpu.memory_space<vmem>>, vector<16xf32>,
        tpu.vector_store %arg10[%swap3A_447, %swap3A_448], %add3A_445 {strides = array<i32>} : memref<16x1024xf32, #tpu.memory_space<vmem>>, vector<16xf32>,
        %get3A_450 = arith.constant 3 : i32
        %get3A_451 = arith.index_cast %get3A_450 : i32 to index
        %get3A_452 = arith.index_cast %mul3A_411 : i32 to index
        %get3A_453 = tpu.vector_load %arg10[%get3A_451, %get3A_452] {strides = array<i32>} : memref<16x1024xf32, #tpu.memory_space<vmem>>, vector<16xf32>,
        %sub3A_454 = arith.subf %get3A_453, %broadcast_in_dim3A_145 : vector<16xf32>
        %mul3A_455 = arith.mulf %sub3A_454, %broadcast_in_dim3A_193 : vector<16xf32>
        %mul3A_456 = arith.mulf %mul3A_455, %get3A_412 : vector<16xf32>
        %add3A_457 = arith.addf %mul3A_456, %get3A_414 : vector<16xf32>
        %swap3A_458 = arith.constant 3 : i32
        %swap3A_459 = arith.index_cast %swap3A_458 : i32 to index
        %swap3A_460 = arith.index_cast %mul3A_411 : i32 to index
        %swap3A_461 = tpu.vector_load %arg10[%swap3A_459, %swap3A_460] {strides = array<i32>} : memref<16x1024xf32, #tpu.memory_space<vmem>>, vector<16xf32>,
        tpu.vector_store %arg10[%swap3A_459, %swap3A_460], %add3A_457 {strides = array<i32>} : memref<16x1024xf32, #tpu.memory_space<vmem>>, vector<16xf32>,
        %get3A_462 = arith.constant 4 : i32
        %get3A_463 = arith.index_cast %get3A_462 : i32 to index
        %get3A_464 = arith.index_cast %mul3A_411 : i32 to index
        %get3A_465 = tpu.vector_load %arg10[%get3A_463, %get3A_464] {strides = array<i32>} : memref<16x1024xf32, #tpu.memory_space<vmem>>, vector<16xf32>,
        %sub3A_466 = arith.subf %get3A_465, %broadcast_in_dim3A_148 : vector<16xf32>
        %mul3A_467 = arith.mulf %sub3A_466, %broadcast_in_dim3A_196 : vector<16xf32>
        %mul3A_468 = arith.mulf %mul3A_467, %get3A_412 : vector<16xf32>
        %add3A_469 = arith.addf %mul3A_468, %get3A_414 : vector<16xf32>
        %swap3A_470 = arith.constant 4 : i32
        %swap3A_471 = arith.index_cast %swap3A_470 : i32 to index
        %swap3A_472 = arith.index_cast %mul3A_411 : i32 to index
        %swap3A_473 = tpu.vector_load %arg10[%swap3A_471, %swap3A_472] {strides = array<i32>} : memref<16x1024xf32, #tpu.memory_space<vmem>>, vector<16xf32>,
        tpu.vector_store %arg10[%swap3A_471, %swap3A_472], %add3A_469 {strides = array<i32>} : memref<16x1024xf32, #tpu.memory_space<vmem>>, vector<16xf32>,
        %get3A_474 = arith.constant 5 : i32
        %get3A_475 = arith.index_cast %get3A_474 : i32 to index
        %get3A_476 = arith.index_cast %mul3A_411 : i32 to index
        %get3A_477 = tpu.vector_load %arg10[%get3A_475, %get3A_476] {strides = array<i32>} : memref<16x1024xf32, #tpu.memory_space<vmem>>, vector<16xf32>,
        %sub3A_478 = arith.subf %get3A_477, %broadcast_in_dim3A_151 : vector<16xf32>
        %mul3A_479 = arith.mulf %sub3A_478, %broadcast_in_dim3A_199 : vector<16xf32>
        %mul3A_480 = arith.mulf %mul3A_479, %get3A_412 : vector<16xf32>
        %add3A_481 = arith.addf %mul3A_480, %get3A_414 : vector<16xf32>
        %swap3A_482 = arith.constant 5 : i32
        %swap3A_483 = arith.index_cast %swap3A_482 : i32 to index
        %swap3A_484 = arith.index_cast %mul3A_411 : i32 to index
        %swap3A_485 = tpu.vector_load %arg10[%swap3A_483, %swap3A_484] {strides = array<i32>} : memref<16x1024xf32, #tpu.memory_space<vmem>>, vector<16xf32>,
        tpu.vector_store %arg10[%swap3A_483, %swap3A_484], %add3A_481 {strides = array<i32>} : memref<16x1024xf32, #tpu.memory_space<vmem>>, vector<16xf32>,
        %get3A_486 = arith.constant 6 : i32
        %get3A_487 = arith.index_cast %get3A_486 : i32 to index
        %get3A_488 = arith.index_cast %mul3A_411 : i32 to index
        %get3A_489 = tpu.vector_load %arg10[%get3A_487, %get3A_488] {strides = array<i32>} : memref<16x1024xf32, #tpu.memory_space<vmem>>, vector<16xf32>,
        %sub3A_490 = arith.subf %get3A_489, %broadcast_in_dim3A_154 : vector<16xf32>
        %mul3A_491 = arith.mulf %sub3A_490, %broadcast_in_dim3A_202 : vector<16xf32>
        %mul3A_492 = arith.mulf %mul3A_491, %get3A_412 : vector<16xf32>
        %add3A_493 = arith.addf %mul3A_492, %get3A_414 : vector<16xf32>
        %swap3A_494 = arith.constant 6 : i32
        %swap3A_495 = arith.index_cast %swap3A_494 : i32 to index
        %swap3A_496 = arith.index_cast %mul3A_411 : i32 to index
        %swap3A_497 = tpu.vector_load %arg10[%swap3A_495, %swap3A_496] {strides = array<i32>} : memref<16x1024xf32, #tpu.memory_space<vmem>>, vector<16xf32>,
        tpu.vector_store %arg10[%swap3A_495, %swap3A_496], %add3A_493 {strides = array<i32>} : memref<16x1024xf32, #tpu.memory_space<vmem>>, vector<16xf32>,
        %get3A_498 = arith.constant 7 : i32
        %get3A_499 = arith.index_cast %get3A_498 : i32 to index
        %get3A_500 = arith.index_cast %mul3A_411 : i32 to index
        %get3A_501 = tpu.vector_load %arg10[%get3A_499, %get3A_500] {strides = array<i32>} : memref<16x1024xf32, #tpu.memory_space<vmem>>, vector<16xf32>,
        %sub3A_502 = arith.subf %get3A_501, %broadcast_in_dim3A_157 : vector<16xf32>
        %mul3A_503 = arith.mulf %sub3A_502, %broadcast_in_dim3A_205 : vector<16xf32>
        %mul3A_504 = arith.mulf %mul3A_503, %get3A_412 : vector<16xf32>
        %add3A_505 = arith.addf %mul3A_504, %get3A_414 : vector<16xf32>
        %swap3A_506 = arith.constant 7 : i32
        %swap3A_507 = arith.index_cast %swap3A_506 : i32 to index
        %swap3A_508 = arith.index_cast %mul3A_411 : i32 to index
        %swap3A_509 = tpu.vector_load %arg10[%swap3A_507, %swap3A_508] {strides = array<i32>} : memref<16x1024xf32, #tpu.memory_space<vmem>>, vector<16xf32>,
        tpu.vector_store %arg10[%swap3A_507, %swap3A_508], %add3A_505 {strides = array<i32>} : memref<16x1024xf32, #tpu.memory_space<vmem>>, vector<16xf32>,
        %get3A_510 = arith.constant 8 : i32
        %get3A_511 = arith.index_cast %get3A_510 : i32 to index
        %get3A_512 = arith.index_cast %mul3A_411 : i32 to index
        %get3A_513 = tpu.vector_load %arg10[%get3A_511, %get3A_512] {strides = array<i32>} : memref<16x1024xf32, #tpu.memory_space<vmem>>, vector<16xf32>,
        %sub3A_514 = arith.subf %get3A_513, %broadcast_in_dim3A_160 : vector<16xf32>
        %mul3A_515 = arith.mulf %sub3A_514, %broadcast_in_dim3A_208 : vector<16xf32>
        %mul3A_516 = arith.mulf %mul3A_515, %get3A_412 : vector<16xf32>
        %add3A_517 = arith.addf %mul3A_516, %get3A_414 : vector<16xf32>
        %swap3A_518 = arith.constant 8 : i32
        %swap3A_519 = arith.index_cast %swap3A_518 : i32 to index
        %swap3A_520 = arith.index_cast %mul3A_411 : i32 to index
        %swap3A_521 = tpu.vector_load %arg10[%swap3A_519, %swap3A_520] {strides = array<i32>} : memref<16x1024xf32, #tpu.memory_space<vmem>>, vector<16xf32>,
        tpu.vector_store %arg10[%swap3A_519, %swap3A_520], %add3A_517 {strides = array<i32>} : memref<16x1024xf32, #tpu.memory_space<vmem>>, vector<16xf32>,
        %get3A_522 = arith.constant 9 : i32
        %get3A_523 = arith.index_cast %get3A_522 : i32 to index
        %get3A_524 = arith.index_cast %mul3A_411 : i32 to index
        %get3A_525 = tpu.vector_load %arg10[%get3A_523, %get3A_524] {strides = array<i32>} : memref<16x1024xf32, #tpu.memory_space<vmem>>, vector<16xf32>,
        %sub3A_526 = arith.subf %get3A_525, %broadcast_in_dim3A_163 : vector<16xf32>
        %mul3A_527 = arith.mulf %sub3A_526, %broadcast_in_dim3A_211 : vector<16xf32>
        %mul3A_528 = arith.mulf %mul3A_527, %get3A_412 : vector<16xf32>
        %add3A_529 = arith.addf %mul3A_528, %get3A_414 : vector<16xf32>
        %swap3A_530 = arith.constant 9 : i32
        %swap3A_531 = arith.index_cast %swap3A_530 : i32 to index
        %swap3A_532 = arith.index_cast %mul3A_411 : i32 to index
        %swap3A_533 = tpu.vector_load %arg10[%swap3A_531, %swap3A_532] {strides = array<i32>} : memref<16x1024xf32, #tpu.memory_space<vmem>>, vector<16xf32>,
        tpu.vector_store %arg10[%swap3A_531, %swap3A_532], %add3A_529 {strides = array<i32>} : memref<16x1024xf32, #tpu.memory_space<vmem>>, vector<16xf32>,
        %get3A_534 = arith.constant 10 : i32
        %get3A_535 = arith.index_cast %get3A_534 : i32 to index
        %get3A_536 = arith.index_cast %mul3A_411 : i32 to index
        %get3A_537 = tpu.vector_load %arg10[%get3A_535, %get3A_536] {strides = array<i32>} : memref<16x1024xf32, #tpu.memory_space<vmem>>, vector<16xf32>,
        %sub3A_538 = arith.subf %get3A_537, %broadcast_in_dim3A_166 : vector<16xf32>
        %mul3A_539 = arith.mulf %sub3A_538, %broadcast_in_dim3A_214 : vector<16xf32>
        %mul3A_540 = arith.mulf %mul3A_539, %get3A_412 : vector<16xf32>
        %add3A_541 = arith.addf %mul3A_540, %get3A_414 : vector<16xf32>
        %swap3A_542 = arith.constant 10 : i32
        %swap3A_543 = arith.index_cast %swap3A_542 : i32 to index
        %swap3A_544 = arith.index_cast %mul3A_411 : i32 to index
        %swap3A_545 = tpu.vector_load %arg10[%swap3A_543, %swap3A_544] {strides = array<i32>} : memref<16x1024xf32, #tpu.memory_space<vmem>>, vector<16xf32>,
        tpu.vector_store %arg10[%swap3A_543, %swap3A_544], %add3A_541 {strides = array<i32>} : memref<16x1024xf32, #tpu.memory_space<vmem>>, vector<16xf32>,
        %get3A_546 = arith.constant 11 : i32
        %get3A_547 = arith.index_cast %get3A_546 : i32 to index
        %get3A_548 = arith.index_cast %mul3A_411 : i32 to index
        %get3A_549 = tpu.vector_load %arg10[%get3A_547, %get3A_548] {strides = array<i32>} : memref<16x1024xf32, #tpu.memory_space<vmem>>, vector<16xf32>,
        %sub3A_550 = arith.subf %get3A_549, %broadcast_in_dim3A_169 : vector<16xf32>
        %mul3A_551 = arith.mulf %sub3A_550, %broadcast_in_dim3A_217 : vector<16xf32>
        %mul3A_552 = arith.mulf %mul3A_551, %get3A_412 : vector<16xf32>
        %add3A_553 = arith.addf %mul3A_552, %get3A_414 : vector<16xf32>
        %swap3A_554 = arith.constant 11 : i32
        %swap3A_555 = arith.index_cast %swap3A_554 : i32 to index
        %swap3A_556 = arith.index_cast %mul3A_411 : i32 to index
        %swap3A_557 = tpu.vector_load %arg10[%swap3A_555, %swap3A_556] {strides = array<i32>} : memref<16x1024xf32, #tpu.memory_space<vmem>>, vector<16xf32>,
        tpu.vector_store %arg10[%swap3A_555, %swap3A_556], %add3A_553 {strides = array<i32>} : memref<16x1024xf32, #tpu.memory_space<vmem>>, vector<16xf32>,
        %get3A_558 = arith.constant 12 : i32
        %get3A_559 = arith.index_cast %get3A_558 : i32 to index
        %get3A_560 = arith.index_cast %mul3A_411 : i32 to index
        %get3A_561 = tpu.vector_load %arg10[%get3A_559, %get3A_560] {strides = array<i32>} : memref<16x1024xf32, #tpu.memory_space<vmem>>, vector<16xf32>,
        %sub3A_562 = arith.subf %get3A_561, %broadcast_in_dim3A_172 : vector<16xf32>
        %mul3A_563 = arith.mulf %sub3A_562, %broadcast_in_dim3A_220 : vector<16xf32>
        %mul3A_564 = arith.mulf %mul3A_563, %get3A_412 : vector<16xf32>
        %add3A_565 = arith.addf %mul3A_564, %get3A_414 : vector<16xf32>
        %swap3A_566 = arith.constant 12 : i32
        %swap3A_567 = arith.index_cast %swap3A_566 : i32 to index
        %swap3A_568 = arith.index_cast %mul3A_411 : i32 to index
        %swap3A_569 = tpu.vector_load %arg10[%swap3A_567, %swap3A_568] {strides = array<i32>} : memref<16x1024xf32, #tpu.memory_space<vmem>>, vector<16xf32>,
        tpu.vector_store %arg10[%swap3A_567, %swap3A_568], %add3A_565 {strides = array<i32>} : memref<16x1024xf32, #tpu.memory_space<vmem>>, vector<16xf32>,
        %get3A_570 = arith.constant 13 : i32
        %get3A_571 = arith.index_cast %get3A_570 : i32 to index
        %get3A_572 = arith.index_cast %mul3A_411 : i32 to index
        %get3A_573 = tpu.vector_load %arg10[%get3A_571, %get3A_572] {strides = array<i32>} : memref<16x1024xf32, #tpu.memory_space<vmem>>, vector<16xf32>,
        %sub3A_574 = arith.subf %get3A_573, %broadcast_in_dim3A_175 : vector<16xf32>
        %mul3A_575 = arith.mulf %sub3A_574, %broadcast_in_dim3A_223 : vector<16xf32>
        %mul3A_576 = arith.mulf %mul3A_575, %get3A_412 : vector<16xf32>
        %add3A_577 = arith.addf %mul3A_576, %get3A_414 : vector<16xf32>
        %swap3A_578 = arith.constant 13 : i32
        %swap3A_579 = arith.index_cast %swap3A_578 : i32 to index
        %swap3A_580 = arith.index_cast %mul3A_411 : i32 to index
        %swap3A_581 = tpu.vector_load %arg10[%swap3A_579, %swap3A_580] {strides = array<i32>} : memref<16x1024xf32, #tpu.memory_space<vmem>>, vector<16xf32>,
        tpu.vector_store %arg10[%swap3A_579, %swap3A_580], %add3A_577 {strides = array<i32>} : memref<16x1024xf32, #tpu.memory_space<vmem>>, vector<16xf32>,
        %get3A_582 = arith.constant 14 : i32
        %get3A_583 = arith.index_cast %get3A_582 : i32 to index
        %get3A_584 = arith.index_cast %mul3A_411 : i32 to index
        %get3A_585 = tpu.vector_load %arg10[%get3A_583, %get3A_584] {strides = array<i32>} : memref<16x1024xf32, #tpu.memory_space<vmem>>, vector<16xf32>,
        %sub3A_586 = arith.subf %get3A_585, %broadcast_in_dim3A_178 : vector<16xf32>
        %mul3A_587 = arith.mulf %sub3A_586, %broadcast_in_dim3A_226 : vector<16xf32>
        %mul3A_588 = arith.mulf %mul3A_587, %get3A_412 : vector<16xf32>
        %add3A_589 = arith.addf %mul3A_588, %get3A_414 : vector<16xf32>
        %swap3A_590 = arith.constant 14 : i32
        %swap3A_591 = arith.index_cast %swap3A_590 : i32 to index
        %swap3A_592 = arith.index_cast %mul3A_411 : i32 to index
        %swap3A_593 = tpu.vector_load %arg10[%swap3A_591, %swap3A_592] {strides = array<i32>} : memref<16x1024xf32, #tpu.memory_space<vmem>>, vector<16xf32>,
        tpu.vector_store %arg10[%swap3A_591, %swap3A_592], %add3A_589 {strides = array<i32>} : memref<16x1024xf32, #tpu.memory_space<vmem>>, vector<16xf32>,
        %get3A_594 = arith.constant 15 : i32
        %get3A_595 = arith.index_cast %get3A_594 : i32 to index
        %get3A_596 = arith.index_cast %mul3A_411 : i32 to index
        %get3A_597 = tpu.vector_load %arg10[%get3A_595, %get3A_596] {strides = array<i32>} : memref<16x1024xf32, #tpu.memory_space<vmem>>, vector<16xf32>,
        %sub3A_598 = arith.subf %get3A_597, %broadcast_in_dim3A_181 : vector<16xf32>
        %mul3A_599 = arith.mulf %sub3A_598, %broadcast_in_dim3A_229 : vector<16xf32>
        %mul3A_600 = arith.mulf %mul3A_599, %get3A_412 : vector<16xf32>
        %add3A_601 = arith.addf %mul3A_600, %get3A_414 : vector<16xf32>
        %swap3A_602 = arith.constant 15 : i32
        %swap3A_603 = arith.index_cast %swap3A_602 : i32 to index
        %swap3A_604 = arith.index_cast %mul3A_411 : i32 to index
        %swap3A_605 = tpu.vector_load %arg10[%swap3A_603, %swap3A_604] {strides = array<i32>} : memref<16x1024xf32, #tpu.memory_space<vmem>>, vector<16xf32>,
        tpu.vector_store %arg10[%swap3A_603, %swap3A_604], %add3A_601 {strides = array<i32>} : memref<16x1024xf32, #tpu.memory_space<vmem>>, vector<16xf32>,
        %scan3A_606 = arith.constant 0 : i32
        scf.yield %scan3A_606 : i32
      }
      %scan3A_236 = arith.constant 64 : i32
      %dma_start3A_237 = arith.constant 0 : i32
      %dma_start3A_238 = tpu.memref_slice %arg7[%select_n3A_47, %add3A_73, %dma_start3A_237] : memref<4x4096x1024xf32, #tpu.memory_space<hbm>> -> memref<1x16x1024xf32, #tpu.memory_space<hbm>>
      %dma_start3A_239 = tpu.memref_squeeze %dma_start3A_238 : memref<1x16x1024xf32, #tpu.memory_space<hbm>> -> memref<16x1024xf32, #tpu.memory_space<hbm>>
      %dma_start3A_240 = arith.constant 0 : i32
      %dma_start3A_241 = tpu.memref_slice %arg7[%select_n3A_47, %add3A_73, %dma_start3A_240] : memref<4x4096x1024xf32, #tpu.memory_space<hbm>> -> memref<1x16x1024xf32, #tpu.memory_space<hbm>>
      %dma_start3A_242 = tpu.memref_squeeze %dma_start3A_241 : memref<1x16x1024xf32, #tpu.memory_space<hbm>> -> memref<16x1024xf32, #tpu.memory_space<hbm>>
      tpu.enqueue_dma source(%arg10 : memref<16x1024xf32, #tpu.memory_space<vmem>>) target(%dma_start3A_242 : memref<16x1024xf32, #tpu.memory_space<hbm>>) target_semaphore(%arg16 : memref<!tpu.dma_semaphore, #tpu.memory_space<semaphore_mem>>)
      %dma_wait3A_243 = tpu.memref_slice %arg8[%add3A_78] : memref<512xi32, #tpu.memory_space<vmem>> -> memref<16xi32, #tpu.memory_space<vmem>>
      %dma_wait3A_244 = arith.constant 0 : i32
      %dma_wait3A_245 = arith.constant 0 : i32
      %dma_wait3A_246 = tpu.memref_slice %arg2[%dma_wait3A_244, %dma_wait3A_245] : memref<100000x1024xf32, #tpu.memory_space<hbm>> -> memref<100000x1024xf32, #tpu.memory_space<hbm>>
      tpu.wait_indirect_dma semaphore(%arg15 : memref<!tpu.dma_semaphore, #tpu.memory_space<semaphore_mem>>) src(%dma_wait3A_246 : memref<100000x1024xf32, #tpu.memory_space<hbm>>) dst(%arg11 : memref<16x1024xf32, #tpu.memory_space<vmem>>)
      %add3A_247 = arith.constant 1 : i32
      %add3A_248 = arith.addi %scan3A_35, %add3A_247 : i32
      %lt3A_249 = arith.constant 16 : i32
      %lt3A_250 = arith.cmpi slt, %add3A_248, %lt3A_249 : i32
      %convert_element_type3A_251 = arith.extui %lt3A_250 : i1 to i32
      %cond3A_252 = arith.constant 0 : i32
      %cond3A_253 = arith.cmpi ne, %convert_element_type3A_251, %cond3A_252 : i32
      scf.if %cond3A_253 {
        %add3A_408 = arith.constant 2 : i32
        %add3A_409 = arith.addi %mul3A_38, %add3A_408 : i32
        %dma_wait3A_410 = arith.constant 0 : i32
        %dma_wait3A_411 = tpu.memref_slice %arg7[%select_n3A_47, %add3A_73, %dma_wait3A_410] : memref<4x4096x1024xf32, #tpu.memory_space<hbm>> -> memref<1x16x1024xf32, #tpu.memory_space<hbm>>
        %dma_wait3A_412 = tpu.memref_squeeze %dma_wait3A_411 : memref<1x16x1024xf32, #tpu.memory_space<hbm>> -> memref<16x1024xf32, #tpu.memory_space<hbm>>
        %dma_wait3A_413 = arith.constant 0 : i32
        %dma_wait3A_414 = tpu.memref_slice %arg7[%select_n3A_47, %add3A_73, %dma_wait3A_413] : memref<4x4096x1024xf32, #tpu.memory_space<hbm>> -> memref<1x16x1024xf32, #tpu.memory_space<hbm>>
        %dma_wait3A_415 = tpu.memref_squeeze %dma_wait3A_414 : memref<1x16x1024xf32, #tpu.memory_space<hbm>> -> memref<16x1024xf32, #tpu.memory_space<hbm>>
        tpu.wait_dma2 semaphore(%arg16 : memref<!tpu.dma_semaphore, #tpu.memory_space<semaphore_mem>>) src(%arg10 : memref<16x1024xf32, #tpu.memory_space<vmem>>) dst(%dma_wait3A_415 : memref<16x1024xf32, #tpu.memory_space<hbm>>)
        %jit3A_416 = arith.constant 4 : i32
        %eq3A_417 = arith.constant 0 : i32
        %eq3A_418 = arith.cmpi eq, %jit3A_416, %eq3A_417 : i32
        %jit3A_419 = arith.constant 1 : i32
        %select_n3A_420 = arith.select %eq3A_418, %jit3A_419, %jit3A_416 : i32
        %rem3A_421 = arith.remsi %add3A_409, %select_n3A_420 : i32
        %ne3A_422 = arith.constant 0 : i32
        %ne3A_423 = arith.cmpi ne, %rem3A_421, %ne3A_422 : i32
        %lt3A_424 = arith.constant 0 : i32
        %lt3A_425 = arith.cmpi slt, %rem3A_421, %lt3A_424 : i32
        %lt3A_426 = arith.constant 0 : i32
        %lt3A_427 = arith.cmpi slt, %select_n3A_420, %lt3A_426 : i32
        %ne3A_428 = arith.xori %lt3A_425, %lt3A_427 : i1
        %and3A_429 = arith.andi %ne3A_428, %ne3A_423 : i1
        %add3A_430 = arith.addi %rem3A_421, %select_n3A_420 : i32
        %select_n3A_431 = arith.select %and3A_429, %add3A_430, %rem3A_421 : i32
        %mul3A_432 = arith.constant 128 : i32
        %mul3A_433 = arith.muli %select_n3A_431, %mul3A_432 : i32
        %jit3A_434 = arith.constant 4 : i32
        %div3A_435 = arith.divsi %add3A_409, %jit3A_434 : i32
        %sign3A_436 = arith.constant 0 : i32
        %sign3A_437 = arith.cmpi sgt, %add3A_409, %sign3A_436 : i32
        %sign3A_438 = arith.extui %sign3A_437 : i1 to i32
        %sign3A_439 = arith.constant 0 : i32
        %sign3A_440 = arith.cmpi slt, %add3A_409, %sign3A_439 : i32
        %sign3A_441 = arith.extui %sign3A_440 : i1 to i32
        %sign3A_442 = arith.subi %sign3A_438, %sign3A_441 : i32
        %sign3A_443 = arith.constant 0 : i32
        %sign3A_444 = arith.cmpi sgt, %jit3A_434, %sign3A_443 : i32
        %sign3A_445 = arith.extui %sign3A_444 : i1 to i32
        %sign3A_446 = arith.constant 0 : i32
        %sign3A_447 = arith.cmpi slt, %jit3A_434, %sign3A_446 : i32
        %sign3A_448 = arith.extui %sign3A_447 : i1 to i32
        %sign3A_449 = arith.subi %sign3A_445, %sign3A_448 : i32
        %ne3A_450 = arith.cmpi ne, %sign3A_442, %sign3A_449 : i32
        %rem3A_451 = arith.remsi %add3A_409, %jit3A_434 : i32
        %ne3A_452 = arith.constant 0 : i32
        %ne3A_453 = arith.cmpi ne, %rem3A_451, %ne3A_452 : i32
        %and3A_454 = arith.andi %ne3A_450, %ne3A_453 : i1
        %sub3A_455 = arith.constant 1 : i32
        %sub3A_456 = arith.subi %div3A_435, %sub3A_455 : i32
        %select_n3A_457 = arith.select %and3A_454, %sub3A_456, %div3A_435 : i32
        %mul3A_458 = arith.constant 16 : i32
        %mul3A_459 = arith.muli %select_n3A_457, %mul3A_458 : i32
        %add3A_460 = arith.addi %mul3A_433, %mul3A_459 : i32
        %dma_start3A_461 = tpu.memref_slice %arg8[%add3A_460] : memref<512xi32, #tpu.memory_space<vmem>> -> memref<16xi32, #tpu.memory_space<vmem>>
        %dma_start3A_462 = arith.constant 0 : i32
        %dma_start3A_463 = arith.constant 0 : i32
        %dma_start3A_464 = tpu.memref_slice %arg2[%dma_start3A_462, %dma_start3A_463] : memref<100000x1024xf32, #tpu.memory_space<hbm>> -> memref<100000x1024xf32, #tpu.memory_space<hbm>>
        tpu.enqueue_indirect_dma source(%dma_start3A_464 : memref<100000x1024xf32, #tpu.memory_space<hbm>>) target(%arg10 : memref<16x1024xf32, #tpu.memory_space<vmem>>) offsets(%dma_start3A_461 : memref<16xi32, #tpu.memory_space<vmem>>) semaphore(%arg14 : memref<!tpu.dma_semaphore, #tpu.memory_space<semaphore_mem>>)
      } else {
      }
      %scan3A_254 = arith.constant 0 : i32
      %scan3A_255 = arith.constant 16 : i32
      %scan3A_256 = arith.addi %scan3A_254, %scan3A_255 : i32
      %scan3A_257 = arith.constant 1 : i32
      %scan3A_258:2 = scf.for %scan3A_408 = %scan3A_254 to %scan3A_256 step %scan3A_257 iter_args(%scan3A_409 = %broadcast_in_dim3A_6, %scan3A_410 = %broadcast_in_dim3A_6) -> (vector<16xf32>, vector<16xf32>)  : i32 {
        %get3A = arith.index_cast %scan3A_408 : i32 to index
        %get3A_411 = arith.constant 0 : index
        %get3A_412 = tpu.vector_load %arg11[%get3A, %get3A_411] {strides = array<i32>} : memref<16x1024xf32, #tpu.memory_space<vmem>>, vector<16xf32>,
        %get3A_413 = arith.index_cast %scan3A_408 : i32 to index
        %get3A_414 = arith.constant 0 : index
        %get3A_415 = tpu.vector_load %arg9[%get3A_413, %get3A_414] {strides = array<i32>} : memref<16x1024xf32, #tpu.memory_space<vmem>>, vector<16xf32>,
        %add3A_416 = arith.addf %get3A_412, %get3A_415 : vector<16xf32>
        %swap3A = arith.index_cast %scan3A_408 : i32 to index
        %swap3A_417 = arith.constant 0 : index
        %swap3A_418 = tpu.vector_load %arg11[%swap3A, %swap3A_417] {strides = array<i32>} : memref<16x1024xf32, #tpu.memory_space<vmem>>, vector<16xf32>,
        tpu.vector_store %arg11[%swap3A, %swap3A_417], %add3A_416 {strides = array<i32>} : memref<16x1024xf32, #tpu.memory_space<vmem>>, vector<16xf32>,
        %add3A_419 = arith.addf %broadcast_in_dim3A_6, %add3A_416 : vector<16xf32>
        %mul3A_420 = arith.mulf %add3A_416, %add3A_416 : vector<16xf32>
        %add3A_421 = arith.addf %broadcast_in_dim3A_6, %mul3A_420 : vector<16xf32>
        %get3A_422 = arith.index_cast %scan3A_408 : i32 to index
        %get3A_423 = arith.constant 16 : index
        %get3A_424 = tpu.vector_load %arg11[%get3A_422, %get3A_423] {strides = array<i32>} : memref<16x1024xf32, #tpu.memory_space<vmem>>, vector<16xf32>,
        %get3A_425 = arith.index_cast %scan3A_408 : i32 to index
        %get3A_426 = arith.constant 16 : index
        %get3A_427 = tpu.vector_load %arg9[%get3A_425, %get3A_426] {strides = array<i32>} : memref<16x1024xf32, #tpu.memory_space<vmem>>, vector<16xf32>,
        %add3A_428 = arith.addf %get3A_424, %get3A_427 : vector<16xf32>
        %swap3A_429 = arith.index_cast %scan3A_408 : i32 to index
        %swap3A_430 = arith.constant 16 : index
        %swap3A_431 = tpu.vector_load %arg11[%swap3A_429, %swap3A_430] {strides = array<i32>} : memref<16x1024xf32, #tpu.memory_space<vmem>>, vector<16xf32>,
        tpu.vector_store %arg11[%swap3A_429, %swap3A_430], %add3A_428 {strides = array<i32>} : memref<16x1024xf32, #tpu.memory_space<vmem>>, vector<16xf32>,
        %add3A_432 = arith.addf %broadcast_in_dim3A_6, %add3A_428 : vector<16xf32>
        %mul3A_433 = arith.mulf %add3A_428, %add3A_428 : vector<16xf32>
        %add3A_434 = arith.addf %broadcast_in_dim3A_6, %mul3A_433 : vector<16xf32>
        %get3A_435 = arith.index_cast %scan3A_408 : i32 to index
        %get3A_436 = arith.constant 32 : index
        %get3A_437 = tpu.vector_load %arg11[%get3A_435, %get3A_436] {strides = array<i32>} : memref<16x1024xf32, #tpu.memory_space<vmem>>, vector<16xf32>,
        %get3A_438 = arith.index_cast %scan3A_408 : i32 to index
        %get3A_439 = arith.constant 32 : index
        %get3A_440 = tpu.vector_load %arg9[%get3A_438, %get3A_439] {strides = array<i32>} : memref<16x1024xf32, #tpu.memory_space<vmem>>, vector<16xf32>,
        %add3A_441 = arith.addf %get3A_437, %get3A_440 : vector<16xf32>
        %swap3A_442 = arith.index_cast %scan3A_408 : i32 to index
        %swap3A_443 = arith.constant 32 : index
        %swap3A_444 = tpu.vector_load %arg11[%swap3A_442, %swap3A_443] {strides = array<i32>} : memref<16x1024xf32, #tpu.memory_space<vmem>>, vector<16xf32>,
        tpu.vector_store %arg11[%swap3A_442, %swap3A_443], %add3A_441 {strides = array<i32>} : memref<16x1024xf32, #tpu.memory_space<vmem>>, vector<16xf32>,
        %add3A_445 = arith.addf %broadcast_in_dim3A_6, %add3A_441 : vector<16xf32>
        %mul3A_446 = arith.mulf %add3A_441, %add3A_441 : vector<16xf32>
        %add3A_447 = arith.addf %broadcast_in_dim3A_6, %mul3A_446 : vector<16xf32>
        %get3A_448 = arith.index_cast %scan3A_408 : i32 to index
        %get3A_449 = arith.constant 48 : index
        %get3A_450 = tpu.vector_load %arg11[%get3A_448, %get3A_449] {strides = array<i32>} : memref<16x1024xf32, #tpu.memory_space<vmem>>, vector<16xf32>,
        %get3A_451 = arith.index_cast %scan3A_408 : i32 to index
        %get3A_452 = arith.constant 48 : index
        %get3A_453 = tpu.vector_load %arg9[%get3A_451, %get3A_452] {strides = array<i32>} : memref<16x1024xf32, #tpu.memory_space<vmem>>, vector<16xf32>,
        %add3A_454 = arith.addf %get3A_450, %get3A_453 : vector<16xf32>
        %swap3A_455 = arith.index_cast %scan3A_408 : i32 to index
        %swap3A_456 = arith.constant 48 : index
        %swap3A_457 = tpu.vector_load %arg11[%swap3A_455, %swap3A_456] {strides = array<i32>} : memref<16x1024xf32, #tpu.memory_space<vmem>>, vector<16xf32>,
        tpu.vector_store %arg11[%swap3A_455, %swap3A_456], %add3A_454 {strides = array<i32>} : memref<16x1024xf32, #tpu.memory_space<vmem>>, vector<16xf32>,
        %add3A_458 = arith.addf %broadcast_in_dim3A_6, %add3A_454 : vector<16xf32>
        %mul3A_459 = arith.mulf %add3A_454, %add3A_454 : vector<16xf32>
        %add3A_460 = arith.addf %broadcast_in_dim3A_6, %mul3A_459 : vector<16xf32>
        %get3A_461 = arith.index_cast %scan3A_408 : i32 to index
        %get3A_462 = arith.constant 64 : index
        %get3A_463 = tpu.vector_load %arg11[%get3A_461, %get3A_462] {strides = array<i32>} : memref<16x1024xf32, #tpu.memory_space<vmem>>, vector<16xf32>,
        %get3A_464 = arith.index_cast %scan3A_408 : i32 to index
        %get3A_465 = arith.constant 64 : index
        %get3A_466 = tpu.vector_load %arg9[%get3A_464, %get3A_465] {strides = array<i32>} : memref<16x1024xf32, #tpu.memory_space<vmem>>, vector<16xf32>,
        %add3A_467 = arith.addf %get3A_463, %get3A_466 : vector<16xf32>
        %swap3A_468 = arith.index_cast %scan3A_408 : i32 to index
        %swap3A_469 = arith.constant 64 : index
        %swap3A_470 = tpu.vector_load %arg11[%swap3A_468, %swap3A_469] {strides = array<i32>} : memref<16x1024xf32, #tpu.memory_space<vmem>>, vector<16xf32>,
        tpu.vector_store %arg11[%swap3A_468, %swap3A_469], %add3A_467 {strides = array<i32>} : memref<16x1024xf32, #tpu.memory_space<vmem>>, vector<16xf32>,
        %add3A_471 = arith.addf %add3A_419, %add3A_467 : vector<16xf32>
        %mul3A_472 = arith.mulf %add3A_467, %add3A_467 : vector<16xf32>
        %add3A_473 = arith.addf %add3A_421, %mul3A_472 : vector<16xf32>
        %get3A_474 = arith.index_cast %scan3A_408 : i32 to index
        %get3A_475 = arith.constant 80 : index
        %get3A_476 = tpu.vector_load %arg11[%get3A_474, %get3A_475] {strides = array<i32>} : memref<16x1024xf32, #tpu.memory_space<vmem>>, vector<16xf32>,
        %get3A_477 = arith.index_cast %scan3A_408 : i32 to index
        %get3A_478 = arith.constant 80 : index
        %get3A_479 = tpu.vector_load %arg9[%get3A_477, %get3A_478] {strides = array<i32>} : memref<16x1024xf32, #tpu.memory_space<vmem>>, vector<16xf32>,
        %add3A_480 = arith.addf %get3A_476, %get3A_479 : vector<16xf32>
        %swap3A_481 = arith.index_cast %scan3A_408 : i32 to index
        %swap3A_482 = arith.constant 80 : index
        %swap3A_483 = tpu.vector_load %arg11[%swap3A_481, %swap3A_482] {strides = array<i32>} : memref<16x1024xf32, #tpu.memory_space<vmem>>, vector<16xf32>,
        tpu.vector_store %arg11[%swap3A_481, %swap3A_482], %add3A_480 {strides = array<i32>} : memref<16x1024xf32, #tpu.memory_space<vmem>>, vector<16xf32>,
        %add3A_484 = arith.addf %add3A_432, %add3A_480 : vector<16xf32>
        %mul3A_485 = arith.mulf %add3A_480, %add3A_480 : vector<16xf32>
        %add3A_486 = arith.addf %add3A_434, %mul3A_485 : vector<16xf32>
        %get3A_487 = arith.index_cast %scan3A_408 : i32 to index
        %get3A_488 = arith.constant 96 : index
        %get3A_489 = tpu.vector_load %arg11[%get3A_487, %get3A_488] {strides = array<i32>} : memref<16x1024xf32, #tpu.memory_space<vmem>>, vector<16xf32>,
        %get3A_490 = arith.index_cast %scan3A_408 : i32 to index
        %get3A_491 = arith.constant 96 : index
        %get3A_492 = tpu.vector_load %arg9[%get3A_490, %get3A_491] {strides = array<i32>} : memref<16x1024xf32, #tpu.memory_space<vmem>>, vector<16xf32>,
        %add3A_493 = arith.addf %get3A_489, %get3A_492 : vector<16xf32>
        %swap3A_494 = arith.index_cast %scan3A_408 : i32 to index
        %swap3A_495 = arith.constant 96 : index
        %swap3A_496 = tpu.vector_load %arg11[%swap3A_494, %swap3A_495] {strides = array<i32>} : memref<16x1024xf32, #tpu.memory_space<vmem>>, vector<16xf32>,
        tpu.vector_store %arg11[%swap3A_494, %swap3A_495], %add3A_493 {strides = array<i32>} : memref<16x1024xf32, #tpu.memory_space<vmem>>, vector<16xf32>,
        %add3A_497 = arith.addf %add3A_445, %add3A_493 : vector<16xf32>
        %mul3A_498 = arith.mulf %add3A_493, %add3A_493 : vector<16xf32>
        %add3A_499 = arith.addf %add3A_447, %mul3A_498 : vector<16xf32>
        %get3A_500 = arith.index_cast %scan3A_408 : i32 to index
        %get3A_501 = arith.constant 112 : index
        %get3A_502 = tpu.vector_load %arg11[%get3A_500, %get3A_501] {strides = array<i32>} : memref<16x1024xf32, #tpu.memory_space<vmem>>, vector<16xf32>,
        %get3A_503 = arith.index_cast %scan3A_408 : i32 to index
        %get3A_504 = arith.constant 112 : index
        %get3A_505 = tpu.vector_load %arg9[%get3A_503, %get3A_504] {strides = array<i32>} : memref<16x1024xf32, #tpu.memory_space<vmem>>, vector<16xf32>,
        %add3A_506 = arith.addf %get3A_502, %get3A_505 : vector<16xf32>
        %swap3A_507 = arith.index_cast %scan3A_408 : i32 to index
        %swap3A_508 = arith.constant 112 : index
        %swap3A_509 = tpu.vector_load %arg11[%swap3A_507, %swap3A_508] {strides = array<i32>} : memref<16x1024xf32, #tpu.memory_space<vmem>>, vector<16xf32>,
        tpu.vector_store %arg11[%swap3A_507, %swap3A_508], %add3A_506 {strides = array<i32>} : memref<16x1024xf32, #tpu.memory_space<vmem>>, vector<16xf32>,
        %add3A_510 = arith.addf %add3A_458, %add3A_506 : vector<16xf32>
        %mul3A_511 = arith.mulf %add3A_506, %add3A_506 : vector<16xf32>
        %add3A_512 = arith.addf %add3A_460, %mul3A_511 : vector<16xf32>
        %get3A_513 = arith.index_cast %scan3A_408 : i32 to index
        %get3A_514 = arith.constant 128 : index
        %get3A_515 = tpu.vector_load %arg11[%get3A_513, %get3A_514] {strides = array<i32>} : memref<16x1024xf32, #tpu.memory_space<vmem>>, vector<16xf32>,
        %get3A_516 = arith.index_cast %scan3A_408 : i32 to index
        %get3A_517 = arith.constant 128 : index
        %get3A_518 = tpu.vector_load %arg9[%get3A_516, %get3A_517] {strides = array<i32>} : memref<16x1024xf32, #tpu.memory_space<vmem>>, vector<16xf32>,
        %add3A_519 = arith.addf %get3A_515, %get3A_518 : vector<16xf32>
        %swap3A_520 = arith.index_cast %scan3A_408 : i32 to index
        %swap3A_521 = arith.constant 128 : index
        %swap3A_522 = tpu.vector_load %arg11[%swap3A_520, %swap3A_521] {strides = array<i32>} : memref<16x1024xf32, #tpu.memory_space<vmem>>, vector<16xf32>,
        tpu.vector_store %arg11[%swap3A_520, %swap3A_521], %add3A_519 {strides = array<i32>} : memref<16x1024xf32, #tpu.memory_space<vmem>>, vector<16xf32>,
        %add3A_523 = arith.addf %add3A_471, %add3A_519 : vector<16xf32>
        %mul3A_524 = arith.mulf %add3A_519, %add3A_519 : vector<16xf32>
        %add3A_525 = arith.addf %add3A_473, %mul3A_524 : vector<16xf32>
        %get3A_526 = arith.index_cast %scan3A_408 : i32 to index
        %get3A_527 = arith.constant 144 : index
        %get3A_528 = tpu.vector_load %arg11[%get3A_526, %get3A_527] {strides = array<i32>} : memref<16x1024xf32, #tpu.memory_space<vmem>>, vector<16xf32>,
        %get3A_529 = arith.index_cast %scan3A_408 : i32 to index
        %get3A_530 = arith.constant 144 : index
        %get3A_531 = tpu.vector_load %arg9[%get3A_529, %get3A_530] {strides = array<i32>} : memref<16x1024xf32, #tpu.memory_space<vmem>>, vector<16xf32>,
        %add3A_532 = arith.addf %get3A_528, %get3A_531 : vector<16xf32>
        %swap3A_533 = arith.index_cast %scan3A_408 : i32 to index
        %swap3A_534 = arith.constant 144 : index
        %swap3A_535 = tpu.vector_load %arg11[%swap3A_533, %swap3A_534] {strides = array<i32>} : memref<16x1024xf32, #tpu.memory_space<vmem>>, vector<16xf32>,
        tpu.vector_store %arg11[%swap3A_533, %swap3A_534], %add3A_532 {strides = array<i32>} : memref<16x1024xf32, #tpu.memory_space<vmem>>, vector<16xf32>,
        %add3A_536 = arith.addf %add3A_484, %add3A_532 : vector<16xf32>
        %mul3A_537 = arith.mulf %add3A_532, %add3A_532 : vector<16xf32>
        %add3A_538 = arith.addf %add3A_486, %mul3A_537 : vector<16xf32>
        %get3A_539 = arith.index_cast %scan3A_408 : i32 to index
        %get3A_540 = arith.constant 160 : index
        %get3A_541 = tpu.vector_load %arg11[%get3A_539, %get3A_540] {strides = array<i32>} : memref<16x1024xf32, #tpu.memory_space<vmem>>, vector<16xf32>,
        %get3A_542 = arith.index_cast %scan3A_408 : i32 to index
        %get3A_543 = arith.constant 160 : index
        %get3A_544 = tpu.vector_load %arg9[%get3A_542, %get3A_543] {strides = array<i32>} : memref<16x1024xf32, #tpu.memory_space<vmem>>, vector<16xf32>,
        %add3A_545 = arith.addf %get3A_541, %get3A_544 : vector<16xf32>
        %swap3A_546 = arith.index_cast %scan3A_408 : i32 to index
        %swap3A_547 = arith.constant 160 : index
        %swap3A_548 = tpu.vector_load %arg11[%swap3A_546, %swap3A_547] {strides = array<i32>} : memref<16x1024xf32, #tpu.memory_space<vmem>>, vector<16xf32>,
        tpu.vector_store %arg11[%swap3A_546, %swap3A_547], %add3A_545 {strides = array<i32>} : memref<16x1024xf32, #tpu.memory_space<vmem>>, vector<16xf32>,
        %add3A_549 = arith.addf %add3A_497, %add3A_545 : vector<16xf32>
        %mul3A_550 = arith.mulf %add3A_545, %add3A_545 : vector<16xf32>
        %add3A_551 = arith.addf %add3A_499, %mul3A_550 : vector<16xf32>
        %get3A_552 = arith.index_cast %scan3A_408 : i32 to index
        %get3A_553 = arith.constant 176 : index
        %get3A_554 = tpu.vector_load %arg11[%get3A_552, %get3A_553] {strides = array<i32>} : memref<16x1024xf32, #tpu.memory_space<vmem>>, vector<16xf32>,
        %get3A_555 = arith.index_cast %scan3A_408 : i32 to index
        %get3A_556 = arith.constant 176 : index
        %get3A_557 = tpu.vector_load %arg9[%get3A_555, %get3A_556] {strides = array<i32>} : memref<16x1024xf32, #tpu.memory_space<vmem>>, vector<16xf32>,
        %add3A_558 = arith.addf %get3A_554, %get3A_557 : vector<16xf32>
        %swap3A_559 = arith.index_cast %scan3A_408 : i32 to index
        %swap3A_560 = arith.constant 176 : index
        %swap3A_561 = tpu.vector_load %arg11[%swap3A_559, %swap3A_560] {strides = array<i32>} : memref<16x1024xf32, #tpu.memory_space<vmem>>, vector<16xf32>,
        tpu.vector_store %arg11[%swap3A_559, %swap3A_560], %add3A_558 {strides = array<i32>} : memref<16x1024xf32, #tpu.memory_space<vmem>>, vector<16xf32>,
        %add3A_562 = arith.addf %add3A_510, %add3A_558 : vector<16xf32>
        %mul3A_563 = arith.mulf %add3A_558, %add3A_558 : vector<16xf32>
        %add3A_564 = arith.addf %add3A_512, %mul3A_563 : vector<16xf32>
        %get3A_565 = arith.index_cast %scan3A_408 : i32 to index
        %get3A_566 = arith.constant 192 : index
        %get3A_567 = tpu.vector_load %arg11[%get3A_565, %get3A_566] {strides = array<i32>} : memref<16x1024xf32, #tpu.memory_space<vmem>>, vector<16xf32>,
        %get3A_568 = arith.index_cast %scan3A_408 : i32 to index
        %get3A_569 = arith.constant 192 : index
        %get3A_570 = tpu.vector_load %arg9[%get3A_568, %get3A_569] {strides = array<i32>} : memref<16x1024xf32, #tpu.memory_space<vmem>>, vector<16xf32>,
        %add3A_571 = arith.addf %get3A_567, %get3A_570 : vector<16xf32>
        %swap3A_572 = arith.index_cast %scan3A_408 : i32 to index
        %swap3A_573 = arith.constant 192 : index
        %swap3A_574 = tpu.vector_load %arg11[%swap3A_572, %swap3A_573] {strides = array<i32>} : memref<16x1024xf32, #tpu.memory_space<vmem>>, vector<16xf32>,
        tpu.vector_store %arg11[%swap3A_572, %swap3A_573], %add3A_571 {strides = array<i32>} : memref<16x1024xf32, #tpu.memory_space<vmem>>, vector<16xf32>,
        %add3A_575 = arith.addf %add3A_523, %add3A_571 : vector<16xf32>
        %mul3A_576 = arith.mulf %add3A_571, %add3A_571 : vector<16xf32>
        %add3A_577 = arith.addf %add3A_525, %mul3A_576 : vector<16xf32>
        %get3A_578 = arith.index_cast %scan3A_408 : i32 to index
        %get3A_579 = arith.constant 208 : index
        %get3A_580 = tpu.vector_load %arg11[%get3A_578, %get3A_579] {strides = array<i32>} : memref<16x1024xf32, #tpu.memory_space<vmem>>, vector<16xf32>,
        %get3A_581 = arith.index_cast %scan3A_408 : i32 to index
        %get3A_582 = arith.constant 208 : index
        %get3A_583 = tpu.vector_load %arg9[%get3A_581, %get3A_582] {strides = array<i32>} : memref<16x1024xf32, #tpu.memory_space<vmem>>, vector<16xf32>,
        %add3A_584 = arith.addf %get3A_580, %get3A_583 : vector<16xf32>
        %swap3A_585 = arith.index_cast %scan3A_408 : i32 to index
        %swap3A_586 = arith.constant 208 : index
        %swap3A_587 = tpu.vector_load %arg11[%swap3A_585, %swap3A_586] {strides = array<i32>} : memref<16x1024xf32, #tpu.memory_space<vmem>>, vector<16xf32>,
        tpu.vector_store %arg11[%swap3A_585, %swap3A_586], %add3A_584 {strides = array<i32>} : memref<16x1024xf32, #tpu.memory_space<vmem>>, vector<16xf32>,
        %add3A_588 = arith.addf %add3A_536, %add3A_584 : vector<16xf32>
        %mul3A_589 = arith.mulf %add3A_584, %add3A_584 : vector<16xf32>
        %add3A_590 = arith.addf %add3A_538, %mul3A_589 : vector<16xf32>
        %get3A_591 = arith.index_cast %scan3A_408 : i32 to index
        %get3A_592 = arith.constant 224 : index
        %get3A_593 = tpu.vector_load %arg11[%get3A_591, %get3A_592] {strides = array<i32>} : memref<16x1024xf32, #tpu.memory_space<vmem>>, vector<16xf32>,
        %get3A_594 = arith.index_cast %scan3A_408 : i32 to index
        %get3A_595 = arith.constant 224 : index
        %get3A_596 = tpu.vector_load %arg9[%get3A_594, %get3A_595] {strides = array<i32>} : memref<16x1024xf32, #tpu.memory_space<vmem>>, vector<16xf32>,
        %add3A_597 = arith.addf %get3A_593, %get3A_596 : vector<16xf32>
        %swap3A_598 = arith.index_cast %scan3A_408 : i32 to index
        %swap3A_599 = arith.constant 224 : index
        %swap3A_600 = tpu.vector_load %arg11[%swap3A_598, %swap3A_599] {strides = array<i32>} : memref<16x1024xf32, #tpu.memory_space<vmem>>, vector<16xf32>,
        tpu.vector_store %arg11[%swap3A_598, %swap3A_599], %add3A_597 {strides = array<i32>} : memref<16x1024xf32, #tpu.memory_space<vmem>>, vector<16xf32>,
        %add3A_601 = arith.addf %add3A_549, %add3A_597 : vector<16xf32>
        %mul3A_602 = arith.mulf %add3A_597, %add3A_597 : vector<16xf32>
        %add3A_603 = arith.addf %add3A_551, %mul3A_602 : vector<16xf32>
        %get3A_604 = arith.index_cast %scan3A_408 : i32 to index
        %get3A_605 = arith.constant 240 : index
        %get3A_606 = tpu.vector_load %arg11[%get3A_604, %get3A_605] {strides = array<i32>} : memref<16x1024xf32, #tpu.memory_space<vmem>>, vector<16xf32>,
        %get3A_607 = arith.index_cast %scan3A_408 : i32 to index
        %get3A_608 = arith.constant 240 : index
        %get3A_609 = tpu.vector_load %arg9[%get3A_607, %get3A_608] {strides = array<i32>} : memref<16x1024xf32, #tpu.memory_space<vmem>>, vector<16xf32>,
        %add3A_610 = arith.addf %get3A_606, %get3A_609 : vector<16xf32>
        %swap3A_611 = arith.index_cast %scan3A_408 : i32 to index
        %swap3A_612 = arith.constant 240 : index
        %swap3A_613 = tpu.vector_load %arg11[%swap3A_611, %swap3A_612] {strides = array<i32>} : memref<16x1024xf32, #tpu.memory_space<vmem>>, vector<16xf32>,
        tpu.vector_store %arg11[%swap3A_611, %swap3A_612], %add3A_610 {strides = array<i32>} : memref<16x1024xf32, #tpu.memory_space<vmem>>, vector<16xf32>,
        %add3A_614 = arith.addf %add3A_562, %add3A_610 : vector<16xf32>
        %mul3A_615 = arith.mulf %add3A_610, %add3A_610 : vector<16xf32>
        %add3A_616 = arith.addf %add3A_564, %mul3A_615 : vector<16xf32>
        %get3A_617 = arith.index_cast %scan3A_408 : i32 to index
        %get3A_618 = arith.constant 256 : index
        %get3A_619 = tpu.vector_load %arg11[%get3A_617, %get3A_618] {strides = array<i32>} : memref<16x1024xf32, #tpu.memory_space<vmem>>, vector<16xf32>,
        %get3A_620 = arith.index_cast %scan3A_408 : i32 to index
        %get3A_621 = arith.constant 256 : index
        %get3A_622 = tpu.vector_load %arg9[%get3A_620, %get3A_621] {strides = array<i32>} : memref<16x1024xf32, #tpu.memory_space<vmem>>, vector<16xf32>,
        %add3A_623 = arith.addf %get3A_619, %get3A_622 : vector<16xf32>
        %swap3A_624 = arith.index_cast %scan3A_408 : i32 to index
        %swap3A_625 = arith.constant 256 : index
        %swap3A_626 = tpu.vector_load %arg11[%swap3A_624, %swap3A_625] {strides = array<i32>} : memref<16x1024xf32, #tpu.memory_space<vmem>>, vector<16xf32>,
        tpu.vector_store %arg11[%swap3A_624, %swap3A_625], %add3A_623 {strides = array<i32>} : memref<16x1024xf32, #tpu.memory_space<vmem>>, vector<16xf32>,
        %add3A_627 = arith.addf %add3A_575, %add3A_623 : vector<16xf32>
        %mul3A_628 = arith.mulf %add3A_623, %add3A_623 : vector<16xf32>
        %add3A_629 = arith.addf %add3A_577, %mul3A_628 : vector<16xf32>
        %get3A_630 = arith.index_cast %scan3A_408 : i32 to index
        %get3A_631 = arith.constant 272 : index
        %get3A_632 = tpu.vector_load %arg11[%get3A_630, %get3A_631] {strides = array<i32>} : memref<16x1024xf32, #tpu.memory_space<vmem>>, vector<16xf32>,
        %get3A_633 = arith.index_cast %scan3A_408 : i32 to index
        %get3A_634 = arith.constant 272 : index
        %get3A_635 = tpu.vector_load %arg9[%get3A_633, %get3A_634] {strides = array<i32>} : memref<16x1024xf32, #tpu.memory_space<vmem>>, vector<16xf32>,
        %add3A_636 = arith.addf %get3A_632, %get3A_635 : vector<16xf32>
        %swap3A_637 = arith.index_cast %scan3A_408 : i32 to index
        %swap3A_638 = arith.constant 272 : index
        %swap3A_639 = tpu.vector_load %arg11[%swap3A_637, %swap3A_638] {strides = array<i32>} : memref<16x1024xf32, #tpu.memory_space<vmem>>, vector<16xf32>,
        tpu.vector_store %arg11[%swap3A_637, %swap3A_638], %add3A_636 {strides = array<i32>} : memref<16x1024xf32, #tpu.memory_space<vmem>>, vector<16xf32>,
        %add3A_640 = arith.addf %add3A_588, %add3A_636 : vector<16xf32>
        %mul3A_641 = arith.mulf %add3A_636, %add3A_636 : vector<16xf32>
        %add3A_642 = arith.addf %add3A_590, %mul3A_641 : vector<16xf32>
        %get3A_643 = arith.index_cast %scan3A_408 : i32 to index
        %get3A_644 = arith.constant 288 : index
        %get3A_645 = tpu.vector_load %arg11[%get3A_643, %get3A_644] {strides = array<i32>} : memref<16x1024xf32, #tpu.memory_space<vmem>>, vector<16xf32>,
        %get3A_646 = arith.index_cast %scan3A_408 : i32 to index
        %get3A_647 = arith.constant 288 : index
        %get3A_648 = tpu.vector_load %arg9[%get3A_646, %get3A_647] {strides = array<i32>} : memref<16x1024xf32, #tpu.memory_space<vmem>>, vector<16xf32>,
        %add3A_649 = arith.addf %get3A_645, %get3A_648 : vector<16xf32>
        %swap3A_650 = arith.index_cast %scan3A_408 : i32 to index
        %swap3A_651 = arith.constant 288 : index
        %swap3A_652 = tpu.vector_load %arg11[%swap3A_650, %swap3A_651] {strides = array<i32>} : memref<16x1024xf32, #tpu.memory_space<vmem>>, vector<16xf32>,
        tpu.vector_store %arg11[%swap3A_650, %swap3A_651], %add3A_649 {strides = array<i32>} : memref<16x1024xf32, #tpu.memory_space<vmem>>, vector<16xf32>,
        %add3A_653 = arith.addf %add3A_601, %add3A_649 : vector<16xf32>
        %mul3A_654 = arith.mulf %add3A_649, %add3A_649 : vector<16xf32>
        %add3A_655 = arith.addf %add3A_603, %mul3A_654 : vector<16xf32>
        %get3A_656 = arith.index_cast %scan3A_408 : i32 to index
        %get3A_657 = arith.constant 304 : index
        %get3A_658 = tpu.vector_load %arg11[%get3A_656, %get3A_657] {strides = array<i32>} : memref<16x1024xf32, #tpu.memory_space<vmem>>, vector<16xf32>,
        %get3A_659 = arith.index_cast %scan3A_408 : i32 to index
        %get3A_660 = arith.constant 304 : index
        %get3A_661 = tpu.vector_load %arg9[%get3A_659, %get3A_660] {strides = array<i32>} : memref<16x1024xf32, #tpu.memory_space<vmem>>, vector<16xf32>,
        %add3A_662 = arith.addf %get3A_658, %get3A_661 : vector<16xf32>
        %swap3A_663 = arith.index_cast %scan3A_408 : i32 to index
        %swap3A_664 = arith.constant 304 : index
        %swap3A_665 = tpu.vector_load %arg11[%swap3A_663, %swap3A_664] {strides = array<i32>} : memref<16x1024xf32, #tpu.memory_space<vmem>>, vector<16xf32>,
        tpu.vector_store %arg11[%swap3A_663, %swap3A_664], %add3A_662 {strides = array<i32>} : memref<16x1024xf32, #tpu.memory_space<vmem>>, vector<16xf32>,
        %add3A_666 = arith.addf %add3A_614, %add3A_662 : vector<16xf32>
        %mul3A_667 = arith.mulf %add3A_662, %add3A_662 : vector<16xf32>
        %add3A_668 = arith.addf %add3A_616, %mul3A_667 : vector<16xf32>
        %get3A_669 = arith.index_cast %scan3A_408 : i32 to index
        %get3A_670 = arith.constant 320 : index
        %get3A_671 = tpu.vector_load %arg11[%get3A_669, %get3A_670] {strides = array<i32>} : memref<16x1024xf32, #tpu.memory_space<vmem>>, vector<16xf32>,
        %get3A_672 = arith.index_cast %scan3A_408 : i32 to index
        %get3A_673 = arith.constant 320 : index
        %get3A_674 = tpu.vector_load %arg9[%get3A_672, %get3A_673] {strides = array<i32>} : memref<16x1024xf32, #tpu.memory_space<vmem>>, vector<16xf32>,
        %add3A_675 = arith.addf %get3A_671, %get3A_674 : vector<16xf32>
        %swap3A_676 = arith.index_cast %scan3A_408 : i32 to index
        %swap3A_677 = arith.constant 320 : index
        %swap3A_678 = tpu.vector_load %arg11[%swap3A_676, %swap3A_677] {strides = array<i32>} : memref<16x1024xf32, #tpu.memory_space<vmem>>, vector<16xf32>,
        tpu.vector_store %arg11[%swap3A_676, %swap3A_677], %add3A_675 {strides = array<i32>} : memref<16x1024xf32, #tpu.memory_space<vmem>>, vector<16xf32>,
        %add3A_679 = arith.addf %add3A_627, %add3A_675 : vector<16xf32>
        %mul3A_680 = arith.mulf %add3A_675, %add3A_675 : vector<16xf32>
        %add3A_681 = arith.addf %add3A_629, %mul3A_680 : vector<16xf32>
        %get3A_682 = arith.index_cast %scan3A_408 : i32 to index
        %get3A_683 = arith.constant 336 : index
        %get3A_684 = tpu.vector_load %arg11[%get3A_682, %get3A_683] {strides = array<i32>} : memref<16x1024xf32, #tpu.memory_space<vmem>>, vector<16xf32>,
        %get3A_685 = arith.index_cast %scan3A_408 : i32 to index
        %get3A_686 = arith.constant 336 : index
        %get3A_687 = tpu.vector_load %arg9[%get3A_685, %get3A_686] {strides = array<i32>} : memref<16x1024xf32, #tpu.memory_space<vmem>>, vector<16xf32>,
        %add3A_688 = arith.addf %get3A_684, %get3A_687 : vector<16xf32>
        %swap3A_689 = arith.index_cast %scan3A_408 : i32 to index
        %swap3A_690 = arith.constant 336 : index
        %swap3A_691 = tpu.vector_load %arg11[%swap3A_689, %swap3A_690] {strides = array<i32>} : memref<16x1024xf32, #tpu.memory_space<vmem>>, vector<16xf32>,
        tpu.vector_store %arg11[%swap3A_689, %swap3A_690], %add3A_688 {strides = array<i32>} : memref<16x1024xf32, #tpu.memory_space<vmem>>, vector<16xf32>,
        %add3A_692 = arith.addf %add3A_640, %add3A_688 : vector<16xf32>
        %mul3A_693 = arith.mulf %add3A_688, %add3A_688 : vector<16xf32>
        %add3A_694 = arith.addf %add3A_642, %mul3A_693 : vector<16xf32>
        %get3A_695 = arith.index_cast %scan3A_408 : i32 to index
        %get3A_696 = arith.constant 352 : index
        %get3A_697 = tpu.vector_load %arg11[%get3A_695, %get3A_696] {strides = array<i32>} : memref<16x1024xf32, #tpu.memory_space<vmem>>, vector<16xf32>,
        %get3A_698 = arith.index_cast %scan3A_408 : i32 to index
        %get3A_699 = arith.constant 352 : index
        %get3A_700 = tpu.vector_load %arg9[%get3A_698, %get3A_699] {strides = array<i32>} : memref<16x1024xf32, #tpu.memory_space<vmem>>, vector<16xf32>,
        %add3A_701 = arith.addf %get3A_697, %get3A_700 : vector<16xf32>
        %swap3A_702 = arith.index_cast %scan3A_408 : i32 to index
        %swap3A_703 = arith.constant 352 : index
        %swap3A_704 = tpu.vector_load %arg11[%swap3A_702, %swap3A_703] {strides = array<i32>} : memref<16x1024xf32, #tpu.memory_space<vmem>>, vector<16xf32>,
        tpu.vector_store %arg11[%swap3A_702, %swap3A_703], %add3A_701 {strides = array<i32>} : memref<16x1024xf32, #tpu.memory_space<vmem>>, vector<16xf32>,
        %add3A_705 = arith.addf %add3A_653, %add3A_701 : vector<16xf32>
        %mul3A_706 = arith.mulf %add3A_701, %add3A_701 : vector<16xf32>
        %add3A_707 = arith.addf %add3A_655, %mul3A_706 : vector<16xf32>
        %get3A_708 = arith.index_cast %scan3A_408 : i32 to index
        %get3A_709 = arith.constant 368 : index
        %get3A_710 = tpu.vector_load %arg11[%get3A_708, %get3A_709] {strides = array<i32>} : memref<16x1024xf32, #tpu.memory_space<vmem>>, vector<16xf32>,
        %get3A_711 = arith.index_cast %scan3A_408 : i32 to index
        %get3A_712 = arith.constant 368 : index
        %get3A_713 = tpu.vector_load %arg9[%get3A_711, %get3A_712] {strides = array<i32>} : memref<16x1024xf32, #tpu.memory_space<vmem>>, vector<16xf32>,
        %add3A_714 = arith.addf %get3A_710, %get3A_713 : vector<16xf32>
        %swap3A_715 = arith.index_cast %scan3A_408 : i32 to index
        %swap3A_716 = arith.constant 368 : index
        %swap3A_717 = tpu.vector_load %arg11[%swap3A_715, %swap3A_716] {strides = array<i32>} : memref<16x1024xf32, #tpu.memory_space<vmem>>, vector<16xf32>,
        tpu.vector_store %arg11[%swap3A_715, %swap3A_716], %add3A_714 {strides = array<i32>} : memref<16x1024xf32, #tpu.memory_space<vmem>>, vector<16xf32>,
        %add3A_718 = arith.addf %add3A_666, %add3A_714 : vector<16xf32>
        %mul3A_719 = arith.mulf %add3A_714, %add3A_714 : vector<16xf32>
        %add3A_720 = arith.addf %add3A_668, %mul3A_719 : vector<16xf32>
        %get3A_721 = arith.index_cast %scan3A_408 : i32 to index
        %get3A_722 = arith.constant 384 : index
        %get3A_723 = tpu.vector_load %arg11[%get3A_721, %get3A_722] {strides = array<i32>} : memref<16x1024xf32, #tpu.memory_space<vmem>>, vector<16xf32>,
        %get3A_724 = arith.index_cast %scan3A_408 : i32 to index
        %get3A_725 = arith.constant 384 : index
        %get3A_726 = tpu.vector_load %arg9[%get3A_724, %get3A_725] {strides = array<i32>} : memref<16x1024xf32, #tpu.memory_space<vmem>>, vector<16xf32>,
        %add3A_727 = arith.addf %get3A_723, %get3A_726 : vector<16xf32>
        %swap3A_728 = arith.index_cast %scan3A_408 : i32 to index
        %swap3A_729 = arith.constant 384 : index
        %swap3A_730 = tpu.vector_load %arg11[%swap3A_728, %swap3A_729] {strides = array<i32>} : memref<16x1024xf32, #tpu.memory_space<vmem>>, vector<16xf32>,
        tpu.vector_store %arg11[%swap3A_728, %swap3A_729], %add3A_727 {strides = array<i32>} : memref<16x1024xf32, #tpu.memory_space<vmem>>, vector<16xf32>,
        %add3A_731 = arith.addf %add3A_679, %add3A_727 : vector<16xf32>
        %mul3A_732 = arith.mulf %add3A_727, %add3A_727 : vector<16xf32>
        %add3A_733 = arith.addf %add3A_681, %mul3A_732 : vector<16xf32>
        %get3A_734 = arith.index_cast %scan3A_408 : i32 to index
        %get3A_735 = arith.constant 400 : index
        %get3A_736 = tpu.vector_load %arg11[%get3A_734, %get3A_735] {strides = array<i32>} : memref<16x1024xf32, #tpu.memory_space<vmem>>, vector<16xf32>,
        %get3A_737 = arith.index_cast %scan3A_408 : i32 to index
        %get3A_738 = arith.constant 400 : index
        %get3A_739 = tpu.vector_load %arg9[%get3A_737, %get3A_738] {strides = array<i32>} : memref<16x1024xf32, #tpu.memory_space<vmem>>, vector<16xf32>,
        %add3A_740 = arith.addf %get3A_736, %get3A_739 : vector<16xf32>
        %swap3A_741 = arith.index_cast %scan3A_408 : i32 to index
        %swap3A_742 = arith.constant 400 : index
        %swap3A_743 = tpu.vector_load %arg11[%swap3A_741, %swap3A_742] {strides = array<i32>} : memref<16x1024xf32, #tpu.memory_space<vmem>>, vector<16xf32>,
        tpu.vector_store %arg11[%swap3A_741, %swap3A_742], %add3A_740 {strides = array<i32>} : memref<16x1024xf32, #tpu.memory_space<vmem>>, vector<16xf32>,
        %add3A_744 = arith.addf %add3A_692, %add3A_740 : vector<16xf32>
        %mul3A_745 = arith.mulf %add3A_740, %add3A_740 : vector<16xf32>
        %add3A_746 = arith.addf %add3A_694, %mul3A_745 : vector<16xf32>
        %get3A_747 = arith.index_cast %scan3A_408 : i32 to index
        %get3A_748 = arith.constant 416 : index
        %get3A_749 = tpu.vector_load %arg11[%get3A_747, %get3A_748] {strides = array<i32>} : memref<16x1024xf32, #tpu.memory_space<vmem>>, vector<16xf32>,
        %get3A_750 = arith.index_cast %scan3A_408 : i32 to index
        %get3A_751 = arith.constant 416 : index
        %get3A_752 = tpu.vector_load %arg9[%get3A_750, %get3A_751] {strides = array<i32>} : memref<16x1024xf32, #tpu.memory_space<vmem>>, vector<16xf32>,
        %add3A_753 = arith.addf %get3A_749, %get3A_752 : vector<16xf32>
        %swap3A_754 = arith.index_cast %scan3A_408 : i32 to index
        %swap3A_755 = arith.constant 416 : index
        %swap3A_756 = tpu.vector_load %arg11[%swap3A_754, %swap3A_755] {strides = array<i32>} : memref<16x1024xf32, #tpu.memory_space<vmem>>, vector<16xf32>,
        tpu.vector_store %arg11[%swap3A_754, %swap3A_755], %add3A_753 {strides = array<i32>} : memref<16x1024xf32, #tpu.memory_space<vmem>>, vector<16xf32>,
        %add3A_757 = arith.addf %add3A_705, %add3A_753 : vector<16xf32>
        %mul3A_758 = arith.mulf %add3A_753, %add3A_753 : vector<16xf32>
        %add3A_759 = arith.addf %add3A_707, %mul3A_758 : vector<16xf32>
        %get3A_760 = arith.index_cast %scan3A_408 : i32 to index
        %get3A_761 = arith.constant 432 : index
        %get3A_762 = tpu.vector_load %arg11[%get3A_760, %get3A_761] {strides = array<i32>} : memref<16x1024xf32, #tpu.memory_space<vmem>>, vector<16xf32>,
        %get3A_763 = arith.index_cast %scan3A_408 : i32 to index
        %get3A_764 = arith.constant 432 : index
        %get3A_765 = tpu.vector_load %arg9[%get3A_763, %get3A_764] {strides = array<i32>} : memref<16x1024xf32, #tpu.memory_space<vmem>>, vector<16xf32>,
        %add3A_766 = arith.addf %get3A_762, %get3A_765 : vector<16xf32>
        %swap3A_767 = arith.index_cast %scan3A_408 : i32 to index
        %swap3A_768 = arith.constant 432 : index
        %swap3A_769 = tpu.vector_load %arg11[%swap3A_767, %swap3A_768] {strides = array<i32>} : memref<16x1024xf32, #tpu.memory_space<vmem>>, vector<16xf32>,
        tpu.vector_store %arg11[%swap3A_767, %swap3A_768], %add3A_766 {strides = array<i32>} : memref<16x1024xf32, #tpu.memory_space<vmem>>, vector<16xf32>,
        %add3A_770 = arith.addf %add3A_718, %add3A_766 : vector<16xf32>
        %mul3A_771 = arith.mulf %add3A_766, %add3A_766 : vector<16xf32>
        %add3A_772 = arith.addf %add3A_720, %mul3A_771 : vector<16xf32>
        %get3A_773 = arith.index_cast %scan3A_408 : i32 to index
        %get3A_774 = arith.constant 448 : index
        %get3A_775 = tpu.vector_load %arg11[%get3A_773, %get3A_774] {strides = array<i32>} : memref<16x1024xf32, #tpu.memory_space<vmem>>, vector<16xf32>,
        %get3A_776 = arith.index_cast %scan3A_408 : i32 to index
        %get3A_777 = arith.constant 448 : index
        %get3A_778 = tpu.vector_load %arg9[%get3A_776, %get3A_777] {strides = array<i32>} : memref<16x1024xf32, #tpu.memory_space<vmem>>, vector<16xf32>,
        %add3A_779 = arith.addf %get3A_775, %get3A_778 : vector<16xf32>
        %swap3A_780 = arith.index_cast %scan3A_408 : i32 to index
        %swap3A_781 = arith.constant 448 : index
        %swap3A_782 = tpu.vector_load %arg11[%swap3A_780, %swap3A_781] {strides = array<i32>} : memref<16x1024xf32, #tpu.memory_space<vmem>>, vector<16xf32>,
        tpu.vector_store %arg11[%swap3A_780, %swap3A_781], %add3A_779 {strides = array<i32>} : memref<16x1024xf32, #tpu.memory_space<vmem>>, vector<16xf32>,
        %add3A_783 = arith.addf %add3A_731, %add3A_779 : vector<16xf32>
        %mul3A_784 = arith.mulf %add3A_779, %add3A_779 : vector<16xf32>
        %add3A_785 = arith.addf %add3A_733, %mul3A_784 : vector<16xf32>
        %get3A_786 = arith.index_cast %scan3A_408 : i32 to index
        %get3A_787 = arith.constant 464 : index
        %get3A_788 = tpu.vector_load %arg11[%get3A_786, %get3A_787] {strides = array<i32>} : memref<16x1024xf32, #tpu.memory_space<vmem>>, vector<16xf32>,
        %get3A_789 = arith.index_cast %scan3A_408 : i32 to index
        %get3A_790 = arith.constant 464 : index
        %get3A_791 = tpu.vector_load %arg9[%get3A_789, %get3A_790] {strides = array<i32>} : memref<16x1024xf32, #tpu.memory_space<vmem>>, vector<16xf32>,
        %add3A_792 = arith.addf %get3A_788, %get3A_791 : vector<16xf32>
        %swap3A_793 = arith.index_cast %scan3A_408 : i32 to index
        %swap3A_794 = arith.constant 464 : index
        %swap3A_795 = tpu.vector_load %arg11[%swap3A_793, %swap3A_794] {strides = array<i32>} : memref<16x1024xf32, #tpu.memory_space<vmem>>, vector<16xf32>,
        tpu.vector_store %arg11[%swap3A_793, %swap3A_794], %add3A_792 {strides = array<i32>} : memref<16x1024xf32, #tpu.memory_space<vmem>>, vector<16xf32>,
        %add3A_796 = arith.addf %add3A_744, %add3A_792 : vector<16xf32>
        %mul3A_797 = arith.mulf %add3A_792, %add3A_792 : vector<16xf32>
        %add3A_798 = arith.addf %add3A_746, %mul3A_797 : vector<16xf32>
        %get3A_799 = arith.index_cast %scan3A_408 : i32 to index
        %get3A_800 = arith.constant 480 : index
        %get3A_801 = tpu.vector_load %arg11[%get3A_799, %get3A_800] {strides = array<i32>} : memref<16x1024xf32, #tpu.memory_space<vmem>>, vector<16xf32>,
        %get3A_802 = arith.index_cast %scan3A_408 : i32 to index
        %get3A_803 = arith.constant 480 : index
        %get3A_804 = tpu.vector_load %arg9[%get3A_802, %get3A_803] {strides = array<i32>} : memref<16x1024xf32, #tpu.memory_space<vmem>>, vector<16xf32>,
        %add3A_805 = arith.addf %get3A_801, %get3A_804 : vector<16xf32>
        %swap3A_806 = arith.index_cast %scan3A_408 : i32 to index
        %swap3A_807 = arith.constant 480 : index
        %swap3A_808 = tpu.vector_load %arg11[%swap3A_806, %swap3A_807] {strides = array<i32>} : memref<16x1024xf32, #tpu.memory_space<vmem>>, vector<16xf32>,
        tpu.vector_store %arg11[%swap3A_806, %swap3A_807], %add3A_805 {strides = array<i32>} : memref<16x1024xf32, #tpu.memory_space<vmem>>, vector<16xf32>,
        %add3A_809 = arith.addf %add3A_757, %add3A_805 : vector<16xf32>
        %mul3A_810 = arith.mulf %add3A_805, %add3A_805 : vector<16xf32>
        %add3A_811 = arith.addf %add3A_759, %mul3A_810 : vector<16xf32>
        %get3A_812 = arith.index_cast %scan3A_408 : i32 to index
        %get3A_813 = arith.constant 496 : index
        %get3A_814 = tpu.vector_load %arg11[%get3A_812, %get3A_813] {strides = array<i32>} : memref<16x1024xf32, #tpu.memory_space<vmem>>, vector<16xf32>,
        %get3A_815 = arith.index_cast %scan3A_408 : i32 to index
        %get3A_816 = arith.constant 496 : index
        %get3A_817 = tpu.vector_load %arg9[%get3A_815, %get3A_816] {strides = array<i32>} : memref<16x1024xf32, #tpu.memory_space<vmem>>, vector<16xf32>,
        %add3A_818 = arith.addf %get3A_814, %get3A_817 : vector<16xf32>
        %swap3A_819 = arith.index_cast %scan3A_408 : i32 to index
        %swap3A_820 = arith.constant 496 : index
        %swap3A_821 = tpu.vector_load %arg11[%swap3A_819, %swap3A_820] {strides = array<i32>} : memref<16x1024xf32, #tpu.memory_space<vmem>>, vector<16xf32>,
        tpu.vector_store %arg11[%swap3A_819, %swap3A_820], %add3A_818 {strides = array<i32>} : memref<16x1024xf32, #tpu.memory_space<vmem>>, vector<16xf32>,
        %add3A_822 = arith.addf %add3A_770, %add3A_818 : vector<16xf32>
        %mul3A_823 = arith.mulf %add3A_818, %add3A_818 : vector<16xf32>
        %add3A_824 = arith.addf %add3A_772, %mul3A_823 : vector<16xf32>
        %get3A_825 = arith.index_cast %scan3A_408 : i32 to index
        %get3A_826 = arith.constant 512 : index
        %get3A_827 = tpu.vector_load %arg11[%get3A_825, %get3A_826] {strides = array<i32>} : memref<16x1024xf32, #tpu.memory_space<vmem>>, vector<16xf32>,
        %get3A_828 = arith.index_cast %scan3A_408 : i32 to index
        %get3A_829 = arith.constant 512 : index
        %get3A_830 = tpu.vector_load %arg9[%get3A_828, %get3A_829] {strides = array<i32>} : memref<16x1024xf32, #tpu.memory_space<vmem>>, vector<16xf32>,
        %add3A_831 = arith.addf %get3A_827, %get3A_830 : vector<16xf32>
        %swap3A_832 = arith.index_cast %scan3A_408 : i32 to index
        %swap3A_833 = arith.constant 512 : index
        %swap3A_834 = tpu.vector_load %arg11[%swap3A_832, %swap3A_833] {strides = array<i32>} : memref<16x1024xf32, #tpu.memory_space<vmem>>, vector<16xf32>,
        tpu.vector_store %arg11[%swap3A_832, %swap3A_833], %add3A_831 {strides = array<i32>} : memref<16x1024xf32, #tpu.memory_space<vmem>>, vector<16xf32>,
        %add3A_835 = arith.addf %add3A_783, %add3A_831 : vector<16xf32>
        %mul3A_836 = arith.mulf %add3A_831, %add3A_831 : vector<16xf32>
        %add3A_837 = arith.addf %add3A_785, %mul3A_836 : vector<16xf32>
        %get3A_838 = arith.index_cast %scan3A_408 : i32 to index
        %get3A_839 = arith.constant 528 : index
        %get3A_840 = tpu.vector_load %arg11[%get3A_838, %get3A_839] {strides = array<i32>} : memref<16x1024xf32, #tpu.memory_space<vmem>>, vector<16xf32>,
        %get3A_841 = arith.index_cast %scan3A_408 : i32 to index
        %get3A_842 = arith.constant 528 : index
        %get3A_843 = tpu.vector_load %arg9[%get3A_841, %get3A_842] {strides = array<i32>} : memref<16x1024xf32, #tpu.memory_space<vmem>>, vector<16xf32>,
        %add3A_844 = arith.addf %get3A_840, %get3A_843 : vector<16xf32>
        %swap3A_845 = arith.index_cast %scan3A_408 : i32 to index
        %swap3A_846 = arith.constant 528 : index
        %swap3A_847 = tpu.vector_load %arg11[%swap3A_845, %swap3A_846] {strides = array<i32>} : memref<16x1024xf32, #tpu.memory_space<vmem>>, vector<16xf32>,
        tpu.vector_store %arg11[%swap3A_845, %swap3A_846], %add3A_844 {strides = array<i32>} : memref<16x1024xf32, #tpu.memory_space<vmem>>, vector<16xf32>,
        %add3A_848 = arith.addf %add3A_796, %add3A_844 : vector<16xf32>
        %mul3A_849 = arith.mulf %add3A_844, %add3A_844 : vector<16xf32>
        %add3A_850 = arith.addf %add3A_798, %mul3A_849 : vector<16xf32>
        %get3A_851 = arith.index_cast %scan3A_408 : i32 to index
        %get3A_852 = arith.constant 544 : index
        %get3A_853 = tpu.vector_load %arg11[%get3A_851, %get3A_852] {strides = array<i32>} : memref<16x1024xf32, #tpu.memory_space<vmem>>, vector<16xf32>,
        %get3A_854 = arith.index_cast %scan3A_408 : i32 to index
        %get3A_855 = arith.constant 544 : index
        %get3A_856 = tpu.vector_load %arg9[%get3A_854, %get3A_855] {strides = array<i32>} : memref<16x1024xf32, #tpu.memory_space<vmem>>, vector<16xf32>,
        %add3A_857 = arith.addf %get3A_853, %get3A_856 : vector<16xf32>
        %swap3A_858 = arith.index_cast %scan3A_408 : i32 to index
        %swap3A_859 = arith.constant 544 : index
        %swap3A_860 = tpu.vector_load %arg11[%swap3A_858, %swap3A_859] {strides = array<i32>} : memref<16x1024xf32, #tpu.memory_space<vmem>>, vector<16xf32>,
        tpu.vector_store %arg11[%swap3A_858, %swap3A_859], %add3A_857 {strides = array<i32>} : memref<16x1024xf32, #tpu.memory_space<vmem>>, vector<16xf32>,
        %add3A_861 = arith.addf %add3A_809, %add3A_857 : vector<16xf32>
        %mul3A_862 = arith.mulf %add3A_857, %add3A_857 : vector<16xf32>
        %add3A_863 = arith.addf %add3A_811, %mul3A_862 : vector<16xf32>
        %get3A_864 = arith.index_cast %scan3A_408 : i32 to index
        %get3A_865 = arith.constant 560 : index
        %get3A_866 = tpu.vector_load %arg11[%get3A_864, %get3A_865] {strides = array<i32>} : memref<16x1024xf32, #tpu.memory_space<vmem>>, vector<16xf32>,
        %get3A_867 = arith.index_cast %scan3A_408 : i32 to index
        %get3A_868 = arith.constant 560 : index
        %get3A_869 = tpu.vector_load %arg9[%get3A_867, %get3A_868] {strides = array<i32>} : memref<16x1024xf32, #tpu.memory_space<vmem>>, vector<16xf32>,
        %add3A_870 = arith.addf %get3A_866, %get3A_869 : vector<16xf32>
        %swap3A_871 = arith.index_cast %scan3A_408 : i32 to index
        %swap3A_872 = arith.constant 560 : index
        %swap3A_873 = tpu.vector_load %arg11[%swap3A_871, %swap3A_872] {strides = array<i32>} : memref<16x1024xf32, #tpu.memory_space<vmem>>, vector<16xf32>,
        tpu.vector_store %arg11[%swap3A_871, %swap3A_872], %add3A_870 {strides = array<i32>} : memref<16x1024xf32, #tpu.memory_space<vmem>>, vector<16xf32>,
        %add3A_874 = arith.addf %add3A_822, %add3A_870 : vector<16xf32>
        %mul3A_875 = arith.mulf %add3A_870, %add3A_870 : vector<16xf32>
        %add3A_876 = arith.addf %add3A_824, %mul3A_875 : vector<16xf32>
        %get3A_877 = arith.index_cast %scan3A_408 : i32 to index
        %get3A_878 = arith.constant 576 : index
        %get3A_879 = tpu.vector_load %arg11[%get3A_877, %get3A_878] {strides = array<i32>} : memref<16x1024xf32, #tpu.memory_space<vmem>>, vector<16xf32>,
        %get3A_880 = arith.index_cast %scan3A_408 : i32 to index
        %get3A_881 = arith.constant 576 : index
        %get3A_882 = tpu.vector_load %arg9[%get3A_880, %get3A_881] {strides = array<i32>} : memref<16x1024xf32, #tpu.memory_space<vmem>>, vector<16xf32>,
        %add3A_883 = arith.addf %get3A_879, %get3A_882 : vector<16xf32>
        %swap3A_884 = arith.index_cast %scan3A_408 : i32 to index
        %swap3A_885 = arith.constant 576 : index
        %swap3A_886 = tpu.vector_load %arg11[%swap3A_884, %swap3A_885] {strides = array<i32>} : memref<16x1024xf32, #tpu.memory_space<vmem>>, vector<16xf32>,
        tpu.vector_store %arg11[%swap3A_884, %swap3A_885], %add3A_883 {strides = array<i32>} : memref<16x1024xf32, #tpu.memory_space<vmem>>, vector<16xf32>,
        %add3A_887 = arith.addf %add3A_835, %add3A_883 : vector<16xf32>
        %mul3A_888 = arith.mulf %add3A_883, %add3A_883 : vector<16xf32>
        %add3A_889 = arith.addf %add3A_837, %mul3A_888 : vector<16xf32>
        %get3A_890 = arith.index_cast %scan3A_408 : i32 to index
        %get3A_891 = arith.constant 592 : index
        %get3A_892 = tpu.vector_load %arg11[%get3A_890, %get3A_891] {strides = array<i32>} : memref<16x1024xf32, #tpu.memory_space<vmem>>, vector<16xf32>,
        %get3A_893 = arith.index_cast %scan3A_408 : i32 to index
        %get3A_894 = arith.constant 592 : index
        %get3A_895 = tpu.vector_load %arg9[%get3A_893, %get3A_894] {strides = array<i32>} : memref<16x1024xf32, #tpu.memory_space<vmem>>, vector<16xf32>,
        %add3A_896 = arith.addf %get3A_892, %get3A_895 : vector<16xf32>
        %swap3A_897 = arith.index_cast %scan3A_408 : i32 to index
        %swap3A_898 = arith.constant 592 : index
        %swap3A_899 = tpu.vector_load %arg11[%swap3A_897, %swap3A_898] {strides = array<i32>} : memref<16x1024xf32, #tpu.memory_space<vmem>>, vector<16xf32>,
        tpu.vector_store %arg11[%swap3A_897, %swap3A_898], %add3A_896 {strides = array<i32>} : memref<16x1024xf32, #tpu.memory_space<vmem>>, vector<16xf32>,
        %add3A_900 = arith.addf %add3A_848, %add3A_896 : vector<16xf32>
        %mul3A_901 = arith.mulf %add3A_896, %add3A_896 : vector<16xf32>
        %add3A_902 = arith.addf %add3A_850, %mul3A_901 : vector<16xf32>
        %get3A_903 = arith.index_cast %scan3A_408 : i32 to index
        %get3A_904 = arith.constant 608 : index
        %get3A_905 = tpu.vector_load %arg11[%get3A_903, %get3A_904] {strides = array<i32>} : memref<16x1024xf32, #tpu.memory_space<vmem>>, vector<16xf32>,
        %get3A_906 = arith.index_cast %scan3A_408 : i32 to index
        %get3A_907 = arith.constant 608 : index
        %get3A_908 = tpu.vector_load %arg9[%get3A_906, %get3A_907] {strides = array<i32>} : memref<16x1024xf32, #tpu.memory_space<vmem>>, vector<16xf32>,
        %add3A_909 = arith.addf %get3A_905, %get3A_908 : vector<16xf32>
        %swap3A_910 = arith.index_cast %scan3A_408 : i32 to index
        %swap3A_911 = arith.constant 608 : index
        %swap3A_912 = tpu.vector_load %arg11[%swap3A_910, %swap3A_911] {strides = array<i32>} : memref<16x1024xf32, #tpu.memory_space<vmem>>, vector<16xf32>,
        tpu.vector_store %arg11[%swap3A_910, %swap3A_911], %add3A_909 {strides = array<i32>} : memref<16x1024xf32, #tpu.memory_space<vmem>>, vector<16xf32>,
        %add3A_913 = arith.addf %add3A_861, %add3A_909 : vector<16xf32>
        %mul3A_914 = arith.mulf %add3A_909, %add3A_909 : vector<16xf32>
        %add3A_915 = arith.addf %add3A_863, %mul3A_914 : vector<16xf32>
        %get3A_916 = arith.index_cast %scan3A_408 : i32 to index
        %get3A_917 = arith.constant 624 : index
        %get3A_918 = tpu.vector_load %arg11[%get3A_916, %get3A_917] {strides = array<i32>} : memref<16x1024xf32, #tpu.memory_space<vmem>>, vector<16xf32>,
        %get3A_919 = arith.index_cast %scan3A_408 : i32 to index
        %get3A_920 = arith.constant 624 : index
        %get3A_921 = tpu.vector_load %arg9[%get3A_919, %get3A_920] {strides = array<i32>} : memref<16x1024xf32, #tpu.memory_space<vmem>>, vector<16xf32>,
        %add3A_922 = arith.addf %get3A_918, %get3A_921 : vector<16xf32>
        %swap3A_923 = arith.index_cast %scan3A_408 : i32 to index
        %swap3A_924 = arith.constant 624 : index
        %swap3A_925 = tpu.vector_load %arg11[%swap3A_923, %swap3A_924] {strides = array<i32>} : memref<16x1024xf32, #tpu.memory_space<vmem>>, vector<16xf32>,
        tpu.vector_store %arg11[%swap3A_923, %swap3A_924], %add3A_922 {strides = array<i32>} : memref<16x1024xf32, #tpu.memory_space<vmem>>, vector<16xf32>,
        %add3A_926 = arith.addf %add3A_874, %add3A_922 : vector<16xf32>
        %mul3A_927 = arith.mulf %add3A_922, %add3A_922 : vector<16xf32>
        %add3A_928 = arith.addf %add3A_876, %mul3A_927 : vector<16xf32>
        %get3A_929 = arith.index_cast %scan3A_408 : i32 to index
        %get3A_930 = arith.constant 640 : index
        %get3A_931 = tpu.vector_load %arg11[%get3A_929, %get3A_930] {strides = array<i32>} : memref<16x1024xf32, #tpu.memory_space<vmem>>, vector<16xf32>,
        %get3A_932 = arith.index_cast %scan3A_408 : i32 to index
        %get3A_933 = arith.constant 640 : index
        %get3A_934 = tpu.vector_load %arg9[%get3A_932, %get3A_933] {strides = array<i32>} : memref<16x1024xf32, #tpu.memory_space<vmem>>, vector<16xf32>,
        %add3A_935 = arith.addf %get3A_931, %get3A_934 : vector<16xf32>
        %swap3A_936 = arith.index_cast %scan3A_408 : i32 to index
        %swap3A_937 = arith.constant 640 : index
        %swap3A_938 = tpu.vector_load %arg11[%swap3A_936, %swap3A_937] {strides = array<i32>} : memref<16x1024xf32, #tpu.memory_space<vmem>>, vector<16xf32>,
        tpu.vector_store %arg11[%swap3A_936, %swap3A_937], %add3A_935 {strides = array<i32>} : memref<16x1024xf32, #tpu.memory_space<vmem>>, vector<16xf32>,
        %add3A_939 = arith.addf %add3A_887, %add3A_935 : vector<16xf32>
        %mul3A_940 = arith.mulf %add3A_935, %add3A_935 : vector<16xf32>
        %add3A_941 = arith.addf %add3A_889, %mul3A_940 : vector<16xf32>
        %get3A_942 = arith.index_cast %scan3A_408 : i32 to index
        %get3A_943 = arith.constant 656 : index
        %get3A_944 = tpu.vector_load %arg11[%get3A_942, %get3A_943] {strides = array<i32>} : memref<16x1024xf32, #tpu.memory_space<vmem>>, vector<16xf32>,
        %get3A_945 = arith.index_cast %scan3A_408 : i32 to index
        %get3A_946 = arith.constant 656 : index
        %get3A_947 = tpu.vector_load %arg9[%get3A_945, %get3A_946] {strides = array<i32>} : memref<16x1024xf32, #tpu.memory_space<vmem>>, vector<16xf32>,
        %add3A_948 = arith.addf %get3A_944, %get3A_947 : vector<16xf32>
        %swap3A_949 = arith.index_cast %scan3A_408 : i32 to index
        %swap3A_950 = arith.constant 656 : index
        %swap3A_951 = tpu.vector_load %arg11[%swap3A_949, %swap3A_950] {strides = array<i32>} : memref<16x1024xf32, #tpu.memory_space<vmem>>, vector<16xf32>,
        tpu.vector_store %arg11[%swap3A_949, %swap3A_950], %add3A_948 {strides = array<i32>} : memref<16x1024xf32, #tpu.memory_space<vmem>>, vector<16xf32>,
        %add3A_952 = arith.addf %add3A_900, %add3A_948 : vector<16xf32>
        %mul3A_953 = arith.mulf %add3A_948, %add3A_948 : vector<16xf32>
        %add3A_954 = arith.addf %add3A_902, %mul3A_953 : vector<16xf32>
        %get3A_955 = arith.index_cast %scan3A_408 : i32 to index
        %get3A_956 = arith.constant 672 : index
        %get3A_957 = tpu.vector_load %arg11[%get3A_955, %get3A_956] {strides = array<i32>} : memref<16x1024xf32, #tpu.memory_space<vmem>>, vector<16xf32>,
        %get3A_958 = arith.index_cast %scan3A_408 : i32 to index
        %get3A_959 = arith.constant 672 : index
        %get3A_960 = tpu.vector_load %arg9[%get3A_958, %get3A_959] {strides = array<i32>} : memref<16x1024xf32, #tpu.memory_space<vmem>>, vector<16xf32>,
        %add3A_961 = arith.addf %get3A_957, %get3A_960 : vector<16xf32>
        %swap3A_962 = arith.index_cast %scan3A_408 : i32 to index
        %swap3A_963 = arith.constant 672 : index
        %swap3A_964 = tpu.vector_load %arg11[%swap3A_962, %swap3A_963] {strides = array<i32>} : memref<16x1024xf32, #tpu.memory_space<vmem>>, vector<16xf32>,
        tpu.vector_store %arg11[%swap3A_962, %swap3A_963], %add3A_961 {strides = array<i32>} : memref<16x1024xf32, #tpu.memory_space<vmem>>, vector<16xf32>,
        %add3A_965 = arith.addf %add3A_913, %add3A_961 : vector<16xf32>
        %mul3A_966 = arith.mulf %add3A_961, %add3A_961 : vector<16xf32>
        %add3A_967 = arith.addf %add3A_915, %mul3A_966 : vector<16xf32>
        %get3A_968 = arith.index_cast %scan3A_408 : i32 to index
        %get3A_969 = arith.constant 688 : index
        %get3A_970 = tpu.vector_load %arg11[%get3A_968, %get3A_969] {strides = array<i32>} : memref<16x1024xf32, #tpu.memory_space<vmem>>, vector<16xf32>,
        %get3A_971 = arith.index_cast %scan3A_408 : i32 to index
        %get3A_972 = arith.constant 688 : index
        %get3A_973 = tpu.vector_load %arg9[%get3A_971, %get3A_972] {strides = array<i32>} : memref<16x1024xf32, #tpu.memory_space<vmem>>, vector<16xf32>,
        %add3A_974 = arith.addf %get3A_970, %get3A_973 : vector<16xf32>
        %swap3A_975 = arith.index_cast %scan3A_408 : i32 to index
        %swap3A_976 = arith.constant 688 : index
        %swap3A_977 = tpu.vector_load %arg11[%swap3A_975, %swap3A_976] {strides = array<i32>} : memref<16x1024xf32, #tpu.memory_space<vmem>>, vector<16xf32>,
        tpu.vector_store %arg11[%swap3A_975, %swap3A_976], %add3A_974 {strides = array<i32>} : memref<16x1024xf32, #tpu.memory_space<vmem>>, vector<16xf32>,
        %add3A_978 = arith.addf %add3A_926, %add3A_974 : vector<16xf32>
        %mul3A_979 = arith.mulf %add3A_974, %add3A_974 : vector<16xf32>
        %add3A_980 = arith.addf %add3A_928, %mul3A_979 : vector<16xf32>
        %get3A_981 = arith.index_cast %scan3A_408 : i32 to index
        %get3A_982 = arith.constant 704 : index
        %get3A_983 = tpu.vector_load %arg11[%get3A_981, %get3A_982] {strides = array<i32>} : memref<16x1024xf32, #tpu.memory_space<vmem>>, vector<16xf32>,
        %get3A_984 = arith.index_cast %scan3A_408 : i32 to index
        %get3A_985 = arith.constant 704 : index
        %get3A_986 = tpu.vector_load %arg9[%get3A_984, %get3A_985] {strides = array<i32>} : memref<16x1024xf32, #tpu.memory_space<vmem>>, vector<16xf32>,
        %add3A_987 = arith.addf %get3A_983, %get3A_986 : vector<16xf32>
        %swap3A_988 = arith.index_cast %scan3A_408 : i32 to index
        %swap3A_989 = arith.constant 704 : index
        %swap3A_990 = tpu.vector_load %arg11[%swap3A_988, %swap3A_989] {strides = array<i32>} : memref<16x1024xf32, #tpu.memory_space<vmem>>, vector<16xf32>,
        tpu.vector_store %arg11[%swap3A_988, %swap3A_989], %add3A_987 {strides = array<i32>} : memref<16x1024xf32, #tpu.memory_space<vmem>>, vector<16xf32>,
        %add3A_991 = arith.addf %add3A_939, %add3A_987 : vector<16xf32>
        %mul3A_992 = arith.mulf %add3A_987, %add3A_987 : vector<16xf32>
        %add3A_993 = arith.addf %add3A_941, %mul3A_992 : vector<16xf32>
        %get3A_994 = arith.index_cast %scan3A_408 : i32 to index
        %get3A_995 = arith.constant 720 : index
        %get3A_996 = tpu.vector_load %arg11[%get3A_994, %get3A_995] {strides = array<i32>} : memref<16x1024xf32, #tpu.memory_space<vmem>>, vector<16xf32>,
        %get3A_997 = arith.index_cast %scan3A_408 : i32 to index
        %get3A_998 = arith.constant 720 : index
        %get3A_999 = tpu.vector_load %arg9[%get3A_997, %get3A_998] {strides = array<i32>} : memref<16x1024xf32, #tpu.memory_space<vmem>>, vector<16xf32>,
        %add3A_1000 = arith.addf %get3A_996, %get3A_999 : vector<16xf32>
        %swap3A_1001 = arith.index_cast %scan3A_408 : i32 to index
        %swap3A_1002 = arith.constant 720 : index
        %swap3A_1003 = tpu.vector_load %arg11[%swap3A_1001, %swap3A_1002] {strides = array<i32>} : memref<16x1024xf32, #tpu.memory_space<vmem>>, vector<16xf32>,
        tpu.vector_store %arg11[%swap3A_1001, %swap3A_1002], %add3A_1000 {strides = array<i32>} : memref<16x1024xf32, #tpu.memory_space<vmem>>, vector<16xf32>,
        %add3A_1004 = arith.addf %add3A_952, %add3A_1000 : vector<16xf32>
        %mul3A_1005 = arith.mulf %add3A_1000, %add3A_1000 : vector<16xf32>
        %add3A_1006 = arith.addf %add3A_954, %mul3A_1005 : vector<16xf32>
        %get3A_1007 = arith.index_cast %scan3A_408 : i32 to index
        %get3A_1008 = arith.constant 736 : index
        %get3A_1009 = tpu.vector_load %arg11[%get3A_1007, %get3A_1008] {strides = array<i32>} : memref<16x1024xf32, #tpu.memory_space<vmem>>, vector<16xf32>,
        %get3A_1010 = arith.index_cast %scan3A_408 : i32 to index
        %get3A_1011 = arith.constant 736 : index
        %get3A_1012 = tpu.vector_load %arg9[%get3A_1010, %get3A_1011] {strides = array<i32>} : memref<16x1024xf32, #tpu.memory_space<vmem>>, vector<16xf32>,
        %add3A_1013 = arith.addf %get3A_1009, %get3A_1012 : vector<16xf32>
        %swap3A_1014 = arith.index_cast %scan3A_408 : i32 to index
        %swap3A_1015 = arith.constant 736 : index
        %swap3A_1016 = tpu.vector_load %arg11[%swap3A_1014, %swap3A_1015] {strides = array<i32>} : memref<16x1024xf32, #tpu.memory_space<vmem>>, vector<16xf32>,
        tpu.vector_store %arg11[%swap3A_1014, %swap3A_1015], %add3A_1013 {strides = array<i32>} : memref<16x1024xf32, #tpu.memory_space<vmem>>, vector<16xf32>,
        %add3A_1017 = arith.addf %add3A_965, %add3A_1013 : vector<16xf32>
        %mul3A_1018 = arith.mulf %add3A_1013, %add3A_1013 : vector<16xf32>
        %add3A_1019 = arith.addf %add3A_967, %mul3A_1018 : vector<16xf32>
        %get3A_1020 = arith.index_cast %scan3A_408 : i32 to index
        %get3A_1021 = arith.constant 752 : index
        %get3A_1022 = tpu.vector_load %arg11[%get3A_1020, %get3A_1021] {strides = array<i32>} : memref<16x1024xf32, #tpu.memory_space<vmem>>, vector<16xf32>,
        %get3A_1023 = arith.index_cast %scan3A_408 : i32 to index
        %get3A_1024 = arith.constant 752 : index
        %get3A_1025 = tpu.vector_load %arg9[%get3A_1023, %get3A_1024] {strides = array<i32>} : memref<16x1024xf32, #tpu.memory_space<vmem>>, vector<16xf32>,
        %add3A_1026 = arith.addf %get3A_1022, %get3A_1025 : vector<16xf32>
        %swap3A_1027 = arith.index_cast %scan3A_408 : i32 to index
        %swap3A_1028 = arith.constant 752 : index
        %swap3A_1029 = tpu.vector_load %arg11[%swap3A_1027, %swap3A_1028] {strides = array<i32>} : memref<16x1024xf32, #tpu.memory_space<vmem>>, vector<16xf32>,
        tpu.vector_store %arg11[%swap3A_1027, %swap3A_1028], %add3A_1026 {strides = array<i32>} : memref<16x1024xf32, #tpu.memory_space<vmem>>, vector<16xf32>,
        %add3A_1030 = arith.addf %add3A_978, %add3A_1026 : vector<16xf32>
        %mul3A_1031 = arith.mulf %add3A_1026, %add3A_1026 : vector<16xf32>
        %add3A_1032 = arith.addf %add3A_980, %mul3A_1031 : vector<16xf32>
        %get3A_1033 = arith.index_cast %scan3A_408 : i32 to index
        %get3A_1034 = arith.constant 768 : index
        %get3A_1035 = tpu.vector_load %arg11[%get3A_1033, %get3A_1034] {strides = array<i32>} : memref<16x1024xf32, #tpu.memory_space<vmem>>, vector<16xf32>,
        %get3A_1036 = arith.index_cast %scan3A_408 : i32 to index
        %get3A_1037 = arith.constant 768 : index
        %get3A_1038 = tpu.vector_load %arg9[%get3A_1036, %get3A_1037] {strides = array<i32>} : memref<16x1024xf32, #tpu.memory_space<vmem>>, vector<16xf32>,
        %add3A_1039 = arith.addf %get3A_1035, %get3A_1038 : vector<16xf32>
        %swap3A_1040 = arith.index_cast %scan3A_408 : i32 to index
        %swap3A_1041 = arith.constant 768 : index
        %swap3A_1042 = tpu.vector_load %arg11[%swap3A_1040, %swap3A_1041] {strides = array<i32>} : memref<16x1024xf32, #tpu.memory_space<vmem>>, vector<16xf32>,
        tpu.vector_store %arg11[%swap3A_1040, %swap3A_1041], %add3A_1039 {strides = array<i32>} : memref<16x1024xf32, #tpu.memory_space<vmem>>, vector<16xf32>,
        %add3A_1043 = arith.addf %add3A_991, %add3A_1039 : vector<16xf32>
        %mul3A_1044 = arith.mulf %add3A_1039, %add3A_1039 : vector<16xf32>
        %add3A_1045 = arith.addf %add3A_993, %mul3A_1044 : vector<16xf32>
        %get3A_1046 = arith.index_cast %scan3A_408 : i32 to index
        %get3A_1047 = arith.constant 784 : index
        %get3A_1048 = tpu.vector_load %arg11[%get3A_1046, %get3A_1047] {strides = array<i32>} : memref<16x1024xf32, #tpu.memory_space<vmem>>, vector<16xf32>,
        %get3A_1049 = arith.index_cast %scan3A_408 : i32 to index
        %get3A_1050 = arith.constant 784 : index
        %get3A_1051 = tpu.vector_load %arg9[%get3A_1049, %get3A_1050] {strides = array<i32>} : memref<16x1024xf32, #tpu.memory_space<vmem>>, vector<16xf32>,
        %add3A_1052 = arith.addf %get3A_1048, %get3A_1051 : vector<16xf32>
        %swap3A_1053 = arith.index_cast %scan3A_408 : i32 to index
        %swap3A_1054 = arith.constant 784 : index
        %swap3A_1055 = tpu.vector_load %arg11[%swap3A_1053, %swap3A_1054] {strides = array<i32>} : memref<16x1024xf32, #tpu.memory_space<vmem>>, vector<16xf32>,
        tpu.vector_store %arg11[%swap3A_1053, %swap3A_1054], %add3A_1052 {strides = array<i32>} : memref<16x1024xf32, #tpu.memory_space<vmem>>, vector<16xf32>,
        %add3A_1056 = arith.addf %add3A_1004, %add3A_1052 : vector<16xf32>
        %mul3A_1057 = arith.mulf %add3A_1052, %add3A_1052 : vector<16xf32>
        %add3A_1058 = arith.addf %add3A_1006, %mul3A_1057 : vector<16xf32>
        %get3A_1059 = arith.index_cast %scan3A_408 : i32 to index
        %get3A_1060 = arith.constant 800 : index
        %get3A_1061 = tpu.vector_load %arg11[%get3A_1059, %get3A_1060] {strides = array<i32>} : memref<16x1024xf32, #tpu.memory_space<vmem>>, vector<16xf32>,
        %get3A_1062 = arith.index_cast %scan3A_408 : i32 to index
        %get3A_1063 = arith.constant 800 : index
        %get3A_1064 = tpu.vector_load %arg9[%get3A_1062, %get3A_1063] {strides = array<i32>} : memref<16x1024xf32, #tpu.memory_space<vmem>>, vector<16xf32>,
        %add3A_1065 = arith.addf %get3A_1061, %get3A_1064 : vector<16xf32>
        %swap3A_1066 = arith.index_cast %scan3A_408 : i32 to index
        %swap3A_1067 = arith.constant 800 : index
        %swap3A_1068 = tpu.vector_load %arg11[%swap3A_1066, %swap3A_1067] {strides = array<i32>} : memref<16x1024xf32, #tpu.memory_space<vmem>>, vector<16xf32>,
        tpu.vector_store %arg11[%swap3A_1066, %swap3A_1067], %add3A_1065 {strides = array<i32>} : memref<16x1024xf32, #tpu.memory_space<vmem>>, vector<16xf32>,
        %add3A_1069 = arith.addf %add3A_1017, %add3A_1065 : vector<16xf32>
        %mul3A_1070 = arith.mulf %add3A_1065, %add3A_1065 : vector<16xf32>
        %add3A_1071 = arith.addf %add3A_1019, %mul3A_1070 : vector<16xf32>
        %get3A_1072 = arith.index_cast %scan3A_408 : i32 to index
        %get3A_1073 = arith.constant 816 : index
        %get3A_1074 = tpu.vector_load %arg11[%get3A_1072, %get3A_1073] {strides = array<i32>} : memref<16x1024xf32, #tpu.memory_space<vmem>>, vector<16xf32>,
        %get3A_1075 = arith.index_cast %scan3A_408 : i32 to index
        %get3A_1076 = arith.constant 816 : index
        %get3A_1077 = tpu.vector_load %arg9[%get3A_1075, %get3A_1076] {strides = array<i32>} : memref<16x1024xf32, #tpu.memory_space<vmem>>, vector<16xf32>,
        %add3A_1078 = arith.addf %get3A_1074, %get3A_1077 : vector<16xf32>
        %swap3A_1079 = arith.index_cast %scan3A_408 : i32 to index
        %swap3A_1080 = arith.constant 816 : index
        %swap3A_1081 = tpu.vector_load %arg11[%swap3A_1079, %swap3A_1080] {strides = array<i32>} : memref<16x1024xf32, #tpu.memory_space<vmem>>, vector<16xf32>,
        tpu.vector_store %arg11[%swap3A_1079, %swap3A_1080], %add3A_1078 {strides = array<i32>} : memref<16x1024xf32, #tpu.memory_space<vmem>>, vector<16xf32>,
        %add3A_1082 = arith.addf %add3A_1030, %add3A_1078 : vector<16xf32>
        %mul3A_1083 = arith.mulf %add3A_1078, %add3A_1078 : vector<16xf32>
        %add3A_1084 = arith.addf %add3A_1032, %mul3A_1083 : vector<16xf32>
        %get3A_1085 = arith.index_cast %scan3A_408 : i32 to index
        %get3A_1086 = arith.constant 832 : index
        %get3A_1087 = tpu.vector_load %arg11[%get3A_1085, %get3A_1086] {strides = array<i32>} : memref<16x1024xf32, #tpu.memory_space<vmem>>, vector<16xf32>,
        %get3A_1088 = arith.index_cast %scan3A_408 : i32 to index
        %get3A_1089 = arith.constant 832 : index
        %get3A_1090 = tpu.vector_load %arg9[%get3A_1088, %get3A_1089] {strides = array<i32>} : memref<16x1024xf32, #tpu.memory_space<vmem>>, vector<16xf32>,
        %add3A_1091 = arith.addf %get3A_1087, %get3A_1090 : vector<16xf32>
        %swap3A_1092 = arith.index_cast %scan3A_408 : i32 to index
        %swap3A_1093 = arith.constant 832 : index
        %swap3A_1094 = tpu.vector_load %arg11[%swap3A_1092, %swap3A_1093] {strides = array<i32>} : memref<16x1024xf32, #tpu.memory_space<vmem>>, vector<16xf32>,
        tpu.vector_store %arg11[%swap3A_1092, %swap3A_1093], %add3A_1091 {strides = array<i32>} : memref<16x1024xf32, #tpu.memory_space<vmem>>, vector<16xf32>,
        %add3A_1095 = arith.addf %add3A_1043, %add3A_1091 : vector<16xf32>
        %mul3A_1096 = arith.mulf %add3A_1091, %add3A_1091 : vector<16xf32>
        %add3A_1097 = arith.addf %add3A_1045, %mul3A_1096 : vector<16xf32>
        %get3A_1098 = arith.index_cast %scan3A_408 : i32 to index
        %get3A_1099 = arith.constant 848 : index
        %get3A_1100 = tpu.vector_load %arg11[%get3A_1098, %get3A_1099] {strides = array<i32>} : memref<16x1024xf32, #tpu.memory_space<vmem>>, vector<16xf32>,
        %get3A_1101 = arith.index_cast %scan3A_408 : i32 to index
        %get3A_1102 = arith.constant 848 : index
        %get3A_1103 = tpu.vector_load %arg9[%get3A_1101, %get3A_1102] {strides = array<i32>} : memref<16x1024xf32, #tpu.memory_space<vmem>>, vector<16xf32>,
        %add3A_1104 = arith.addf %get3A_1100, %get3A_1103 : vector<16xf32>
        %swap3A_1105 = arith.index_cast %scan3A_408 : i32 to index
        %swap3A_1106 = arith.constant 848 : index
        %swap3A_1107 = tpu.vector_load %arg11[%swap3A_1105, %swap3A_1106] {strides = array<i32>} : memref<16x1024xf32, #tpu.memory_space<vmem>>, vector<16xf32>,
        tpu.vector_store %arg11[%swap3A_1105, %swap3A_1106], %add3A_1104 {strides = array<i32>} : memref<16x1024xf32, #tpu.memory_space<vmem>>, vector<16xf32>,
        %add3A_1108 = arith.addf %add3A_1056, %add3A_1104 : vector<16xf32>
        %mul3A_1109 = arith.mulf %add3A_1104, %add3A_1104 : vector<16xf32>
        %add3A_1110 = arith.addf %add3A_1058, %mul3A_1109 : vector<16xf32>
        %get3A_1111 = arith.index_cast %scan3A_408 : i32 to index
        %get3A_1112 = arith.constant 864 : index
        %get3A_1113 = tpu.vector_load %arg11[%get3A_1111, %get3A_1112] {strides = array<i32>} : memref<16x1024xf32, #tpu.memory_space<vmem>>, vector<16xf32>,
        %get3A_1114 = arith.index_cast %scan3A_408 : i32 to index
        %get3A_1115 = arith.constant 864 : index
        %get3A_1116 = tpu.vector_load %arg9[%get3A_1114, %get3A_1115] {strides = array<i32>} : memref<16x1024xf32, #tpu.memory_space<vmem>>, vector<16xf32>,
        %add3A_1117 = arith.addf %get3A_1113, %get3A_1116 : vector<16xf32>
        %swap3A_1118 = arith.index_cast %scan3A_408 : i32 to index
        %swap3A_1119 = arith.constant 864 : index
        %swap3A_1120 = tpu.vector_load %arg11[%swap3A_1118, %swap3A_1119] {strides = array<i32>} : memref<16x1024xf32, #tpu.memory_space<vmem>>, vector<16xf32>,
        tpu.vector_store %arg11[%swap3A_1118, %swap3A_1119], %add3A_1117 {strides = array<i32>} : memref<16x1024xf32, #tpu.memory_space<vmem>>, vector<16xf32>,
        %add3A_1121 = arith.addf %add3A_1069, %add3A_1117 : vector<16xf32>
        %mul3A_1122 = arith.mulf %add3A_1117, %add3A_1117 : vector<16xf32>
        %add3A_1123 = arith.addf %add3A_1071, %mul3A_1122 : vector<16xf32>
        %get3A_1124 = arith.index_cast %scan3A_408 : i32 to index
        %get3A_1125 = arith.constant 880 : index
        %get3A_1126 = tpu.vector_load %arg11[%get3A_1124, %get3A_1125] {strides = array<i32>} : memref<16x1024xf32, #tpu.memory_space<vmem>>, vector<16xf32>,
        %get3A_1127 = arith.index_cast %scan3A_408 : i32 to index
        %get3A_1128 = arith.constant 880 : index
        %get3A_1129 = tpu.vector_load %arg9[%get3A_1127, %get3A_1128] {strides = array<i32>} : memref<16x1024xf32, #tpu.memory_space<vmem>>, vector<16xf32>,
        %add3A_1130 = arith.addf %get3A_1126, %get3A_1129 : vector<16xf32>
        %swap3A_1131 = arith.index_cast %scan3A_408 : i32 to index
        %swap3A_1132 = arith.constant 880 : index
        %swap3A_1133 = tpu.vector_load %arg11[%swap3A_1131, %swap3A_1132] {strides = array<i32>} : memref<16x1024xf32, #tpu.memory_space<vmem>>, vector<16xf32>,
        tpu.vector_store %arg11[%swap3A_1131, %swap3A_1132], %add3A_1130 {strides = array<i32>} : memref<16x1024xf32, #tpu.memory_space<vmem>>, vector<16xf32>,
        %add3A_1134 = arith.addf %add3A_1082, %add3A_1130 : vector<16xf32>
        %mul3A_1135 = arith.mulf %add3A_1130, %add3A_1130 : vector<16xf32>
        %add3A_1136 = arith.addf %add3A_1084, %mul3A_1135 : vector<16xf32>
        %get3A_1137 = arith.index_cast %scan3A_408 : i32 to index
        %get3A_1138 = arith.constant 896 : index
        %get3A_1139 = tpu.vector_load %arg11[%get3A_1137, %get3A_1138] {strides = array<i32>} : memref<16x1024xf32, #tpu.memory_space<vmem>>, vector<16xf32>,
        %get3A_1140 = arith.index_cast %scan3A_408 : i32 to index
        %get3A_1141 = arith.constant 896 : index
        %get3A_1142 = tpu.vector_load %arg9[%get3A_1140, %get3A_1141] {strides = array<i32>} : memref<16x1024xf32, #tpu.memory_space<vmem>>, vector<16xf32>,
        %add3A_1143 = arith.addf %get3A_1139, %get3A_1142 : vector<16xf32>
        %swap3A_1144 = arith.index_cast %scan3A_408 : i32 to index
        %swap3A_1145 = arith.constant 896 : index
        %swap3A_1146 = tpu.vector_load %arg11[%swap3A_1144, %swap3A_1145] {strides = array<i32>} : memref<16x1024xf32, #tpu.memory_space<vmem>>, vector<16xf32>,
        tpu.vector_store %arg11[%swap3A_1144, %swap3A_1145], %add3A_1143 {strides = array<i32>} : memref<16x1024xf32, #tpu.memory_space<vmem>>, vector<16xf32>,
        %add3A_1147 = arith.addf %add3A_1095, %add3A_1143 : vector<16xf32>
        %mul3A_1148 = arith.mulf %add3A_1143, %add3A_1143 : vector<16xf32>
        %add3A_1149 = arith.addf %add3A_1097, %mul3A_1148 : vector<16xf32>
        %get3A_1150 = arith.index_cast %scan3A_408 : i32 to index
        %get3A_1151 = arith.constant 912 : index
        %get3A_1152 = tpu.vector_load %arg11[%get3A_1150, %get3A_1151] {strides = array<i32>} : memref<16x1024xf32, #tpu.memory_space<vmem>>, vector<16xf32>,
        %get3A_1153 = arith.index_cast %scan3A_408 : i32 to index
        %get3A_1154 = arith.constant 912 : index
        %get3A_1155 = tpu.vector_load %arg9[%get3A_1153, %get3A_1154] {strides = array<i32>} : memref<16x1024xf32, #tpu.memory_space<vmem>>, vector<16xf32>,
        %add3A_1156 = arith.addf %get3A_1152, %get3A_1155 : vector<16xf32>
        %swap3A_1157 = arith.index_cast %scan3A_408 : i32 to index
        %swap3A_1158 = arith.constant 912 : index
        %swap3A_1159 = tpu.vector_load %arg11[%swap3A_1157, %swap3A_1158] {strides = array<i32>} : memref<16x1024xf32, #tpu.memory_space<vmem>>, vector<16xf32>,
        tpu.vector_store %arg11[%swap3A_1157, %swap3A_1158], %add3A_1156 {strides = array<i32>} : memref<16x1024xf32, #tpu.memory_space<vmem>>, vector<16xf32>,
        %add3A_1160 = arith.addf %add3A_1108, %add3A_1156 : vector<16xf32>
        %mul3A_1161 = arith.mulf %add3A_1156, %add3A_1156 : vector<16xf32>
        %add3A_1162 = arith.addf %add3A_1110, %mul3A_1161 : vector<16xf32>
        %get3A_1163 = arith.index_cast %scan3A_408 : i32 to index
        %get3A_1164 = arith.constant 928 : index
        %get3A_1165 = tpu.vector_load %arg11[%get3A_1163, %get3A_1164] {strides = array<i32>} : memref<16x1024xf32, #tpu.memory_space<vmem>>, vector<16xf32>,
        %get3A_1166 = arith.index_cast %scan3A_408 : i32 to index
        %get3A_1167 = arith.constant 928 : index
        %get3A_1168 = tpu.vector_load %arg9[%get3A_1166, %get3A_1167] {strides = array<i32>} : memref<16x1024xf32, #tpu.memory_space<vmem>>, vector<16xf32>,
        %add3A_1169 = arith.addf %get3A_1165, %get3A_1168 : vector<16xf32>
        %swap3A_1170 = arith.index_cast %scan3A_408 : i32 to index
        %swap3A_1171 = arith.constant 928 : index
        %swap3A_1172 = tpu.vector_load %arg11[%swap3A_1170, %swap3A_1171] {strides = array<i32>} : memref<16x1024xf32, #tpu.memory_space<vmem>>, vector<16xf32>,
        tpu.vector_store %arg11[%swap3A_1170, %swap3A_1171], %add3A_1169 {strides = array<i32>} : memref<16x1024xf32, #tpu.memory_space<vmem>>, vector<16xf32>,
        %add3A_1173 = arith.addf %add3A_1121, %add3A_1169 : vector<16xf32>
        %mul3A_1174 = arith.mulf %add3A_1169, %add3A_1169 : vector<16xf32>
        %add3A_1175 = arith.addf %add3A_1123, %mul3A_1174 : vector<16xf32>
        %get3A_1176 = arith.index_cast %scan3A_408 : i32 to index
        %get3A_1177 = arith.constant 944 : index
        %get3A_1178 = tpu.vector_load %arg11[%get3A_1176, %get3A_1177] {strides = array<i32>} : memref<16x1024xf32, #tpu.memory_space<vmem>>, vector<16xf32>,
        %get3A_1179 = arith.index_cast %scan3A_408 : i32 to index
        %get3A_1180 = arith.constant 944 : index
        %get3A_1181 = tpu.vector_load %arg9[%get3A_1179, %get3A_1180] {strides = array<i32>} : memref<16x1024xf32, #tpu.memory_space<vmem>>, vector<16xf32>,
        %add3A_1182 = arith.addf %get3A_1178, %get3A_1181 : vector<16xf32>
        %swap3A_1183 = arith.index_cast %scan3A_408 : i32 to index
        %swap3A_1184 = arith.constant 944 : index
        %swap3A_1185 = tpu.vector_load %arg11[%swap3A_1183, %swap3A_1184] {strides = array<i32>} : memref<16x1024xf32, #tpu.memory_space<vmem>>, vector<16xf32>,
        tpu.vector_store %arg11[%swap3A_1183, %swap3A_1184], %add3A_1182 {strides = array<i32>} : memref<16x1024xf32, #tpu.memory_space<vmem>>, vector<16xf32>,
        %add3A_1186 = arith.addf %add3A_1134, %add3A_1182 : vector<16xf32>
        %mul3A_1187 = arith.mulf %add3A_1182, %add3A_1182 : vector<16xf32>
        %add3A_1188 = arith.addf %add3A_1136, %mul3A_1187 : vector<16xf32>
        %get3A_1189 = arith.index_cast %scan3A_408 : i32 to index
        %get3A_1190 = arith.constant 960 : index
        %get3A_1191 = tpu.vector_load %arg11[%get3A_1189, %get3A_1190] {strides = array<i32>} : memref<16x1024xf32, #tpu.memory_space<vmem>>, vector<16xf32>,
        %get3A_1192 = arith.index_cast %scan3A_408 : i32 to index
        %get3A_1193 = arith.constant 960 : index
        %get3A_1194 = tpu.vector_load %arg9[%get3A_1192, %get3A_1193] {strides = array<i32>} : memref<16x1024xf32, #tpu.memory_space<vmem>>, vector<16xf32>,
        %add3A_1195 = arith.addf %get3A_1191, %get3A_1194 : vector<16xf32>
        %swap3A_1196 = arith.index_cast %scan3A_408 : i32 to index
        %swap3A_1197 = arith.constant 960 : index
        %swap3A_1198 = tpu.vector_load %arg11[%swap3A_1196, %swap3A_1197] {strides = array<i32>} : memref<16x1024xf32, #tpu.memory_space<vmem>>, vector<16xf32>,
        tpu.vector_store %arg11[%swap3A_1196, %swap3A_1197], %add3A_1195 {strides = array<i32>} : memref<16x1024xf32, #tpu.memory_space<vmem>>, vector<16xf32>,
        %add3A_1199 = arith.addf %add3A_1147, %add3A_1195 : vector<16xf32>
        %mul3A_1200 = arith.mulf %add3A_1195, %add3A_1195 : vector<16xf32>
        %add3A_1201 = arith.addf %add3A_1149, %mul3A_1200 : vector<16xf32>
        %get3A_1202 = arith.index_cast %scan3A_408 : i32 to index
        %get3A_1203 = arith.constant 976 : index
        %get3A_1204 = tpu.vector_load %arg11[%get3A_1202, %get3A_1203] {strides = array<i32>} : memref<16x1024xf32, #tpu.memory_space<vmem>>, vector<16xf32>,
        %get3A_1205 = arith.index_cast %scan3A_408 : i32 to index
        %get3A_1206 = arith.constant 976 : index
        %get3A_1207 = tpu.vector_load %arg9[%get3A_1205, %get3A_1206] {strides = array<i32>} : memref<16x1024xf32, #tpu.memory_space<vmem>>, vector<16xf32>,
        %add3A_1208 = arith.addf %get3A_1204, %get3A_1207 : vector<16xf32>
        %swap3A_1209 = arith.index_cast %scan3A_408 : i32 to index
        %swap3A_1210 = arith.constant 976 : index
        %swap3A_1211 = tpu.vector_load %arg11[%swap3A_1209, %swap3A_1210] {strides = array<i32>} : memref<16x1024xf32, #tpu.memory_space<vmem>>, vector<16xf32>,
        tpu.vector_store %arg11[%swap3A_1209, %swap3A_1210], %add3A_1208 {strides = array<i32>} : memref<16x1024xf32, #tpu.memory_space<vmem>>, vector<16xf32>,
        %add3A_1212 = arith.addf %add3A_1160, %add3A_1208 : vector<16xf32>
        %mul3A_1213 = arith.mulf %add3A_1208, %add3A_1208 : vector<16xf32>
        %add3A_1214 = arith.addf %add3A_1162, %mul3A_1213 : vector<16xf32>
        %get3A_1215 = arith.index_cast %scan3A_408 : i32 to index
        %get3A_1216 = arith.constant 992 : index
        %get3A_1217 = tpu.vector_load %arg11[%get3A_1215, %get3A_1216] {strides = array<i32>} : memref<16x1024xf32, #tpu.memory_space<vmem>>, vector<16xf32>,
        %get3A_1218 = arith.index_cast %scan3A_408 : i32 to index
        %get3A_1219 = arith.constant 992 : index
        %get3A_1220 = tpu.vector_load %arg9[%get3A_1218, %get3A_1219] {strides = array<i32>} : memref<16x1024xf32, #tpu.memory_space<vmem>>, vector<16xf32>,
        %add3A_1221 = arith.addf %get3A_1217, %get3A_1220 : vector<16xf32>
        %swap3A_1222 = arith.index_cast %scan3A_408 : i32 to index
        %swap3A_1223 = arith.constant 992 : index
        %swap3A_1224 = tpu.vector_load %arg11[%swap3A_1222, %swap3A_1223] {strides = array<i32>} : memref<16x1024xf32, #tpu.memory_space<vmem>>, vector<16xf32>,
        tpu.vector_store %arg11[%swap3A_1222, %swap3A_1223], %add3A_1221 {strides = array<i32>} : memref<16x1024xf32, #tpu.memory_space<vmem>>, vector<16xf32>,
        %add3A_1225 = arith.addf %add3A_1173, %add3A_1221 : vector<16xf32>
        %mul3A_1226 = arith.mulf %add3A_1221, %add3A_1221 : vector<16xf32>
        %add3A_1227 = arith.addf %add3A_1175, %mul3A_1226 : vector<16xf32>
        %get3A_1228 = arith.index_cast %scan3A_408 : i32 to index
        %get3A_1229 = arith.constant 1008 : index
        %get3A_1230 = tpu.vector_load %arg11[%get3A_1228, %get3A_1229] {strides = array<i32>} : memref<16x1024xf32, #tpu.memory_space<vmem>>, vector<16xf32>,
        %get3A_1231 = arith.index_cast %scan3A_408 : i32 to index
        %get3A_1232 = arith.constant 1008 : index
        %get3A_1233 = tpu.vector_load %arg9[%get3A_1231, %get3A_1232] {strides = array<i32>} : memref<16x1024xf32, #tpu.memory_space<vmem>>, vector<16xf32>,
        %add3A_1234 = arith.addf %get3A_1230, %get3A_1233 : vector<16xf32>
        %swap3A_1235 = arith.index_cast %scan3A_408 : i32 to index
        %swap3A_1236 = arith.constant 1008 : index
        %swap3A_1237 = tpu.vector_load %arg11[%swap3A_1235, %swap3A_1236] {strides = array<i32>} : memref<16x1024xf32, #tpu.memory_space<vmem>>, vector<16xf32>,
        tpu.vector_store %arg11[%swap3A_1235, %swap3A_1236], %add3A_1234 {strides = array<i32>} : memref<16x1024xf32, #tpu.memory_space<vmem>>, vector<16xf32>,
        %add3A_1238 = arith.addf %add3A_1186, %add3A_1234 : vector<16xf32>
        %mul3A_1239 = arith.mulf %add3A_1234, %add3A_1234 : vector<16xf32>
        %add3A_1240 = arith.addf %add3A_1188, %mul3A_1239 : vector<16xf32>
        %add3A_1241 = arith.addf %add3A_1199, %add3A_1212 : vector<16xf32>
        %add3A_1242 = arith.addf %add3A_1225, %add3A_1238 : vector<16xf32>
        %add3A_1243 = arith.addf %add3A_1241, %add3A_1242 : vector<16xf32>
        %reduce_sum3A = arith.constant true
        %reduce_sum3A_1244 = vector.broadcast %reduce_sum3A : i1 to vector<16xi1>
        %reduce_sum3A_1245 = tpu.scan <sum>, %add3A_1243 masked %reduce_sum3A_1244 : vector<16xf32>, vector<16xi1> -> vector<16xf32>
        %reduce_sum3A_1246 = vector.extract %reduce_sum3A_1245[15] : f32 from vector<16xf32>
        %add3A_1247 = arith.addf %add3A_1201, %add3A_1214 : vector<16xf32>
        %add3A_1248 = arith.addf %add3A_1227, %add3A_1240 : vector<16xf32>
        %add3A_1249 = arith.addf %add3A_1247, %add3A_1248 : vector<16xf32>
        %reduce_sum3A_1250 = arith.constant true
        %reduce_sum3A_1251 = vector.broadcast %reduce_sum3A_1250 : i1 to vector<16xi1>
        %reduce_sum3A_1252 = tpu.scan <sum>, %add3A_1249 masked %reduce_sum3A_1251 : vector<16xf32>, vector<16xi1> -> vector<16xf32>
        %reduce_sum3A_1253 = vector.extract %reduce_sum3A_1252[15] : f32 from vector<16xf32>
        %eq3A_1254 = vector.broadcast %scan3A_408 : i32 to vector<16xi32>
        %eq3A_1255 = arith.cmpi eq, %iota3A, %eq3A_1254 : vector<16xi32>
        %broadcast_in_dim3A_1256 = vector.broadcast %reduce_sum3A_1246 : f32 to vector<16xf32>
        %select_n3A_1257 = arith.select %eq3A_1255, %broadcast_in_dim3A_1256, %scan3A_409 : vector<16xi1>, vector<16xf32>
        %broadcast_in_dim3A_1258 = vector.broadcast %reduce_sum3A_1253 : f32 to vector<16xf32>
        %select_n3A_1259 = arith.select %eq3A_1255, %broadcast_in_dim3A_1258, %scan3A_410 : vector<16xi1>, vector<16xf32>
        scf.yield %select_n3A_1257, %select_n3A_1259 : vector<16xf32>, vector<16xf32>
      }
      %scan3A_259 = arith.constant 16 : i32
      %mul3A_260 = vector.broadcast %scan3A : f32 to vector<16xf32>
      %mul3A_261 = arith.mulf %scan3A_258#0, %mul3A_260 : vector<16xf32>
      %mul3A_262 = vector.broadcast %scan3A : f32 to vector<16xf32>
      %mul3A_263 = arith.mulf %scan3A_258#1, %mul3A_262 : vector<16xf32>
      %mul3A_264 = arith.mulf %mul3A_261, %mul3A_261 : vector<16xf32>
      %sub3A_265 = arith.subf %mul3A_263, %mul3A_264 : vector<16xf32>
      %add3A_266 = arith.constant 9.99999974E-6 : f32
      %add3A_267 = vector.broadcast %add3A_266 : f32 to vector<16xf32>
      %add3A_268 = arith.addf %sub3A_265, %add3A_267 : vector<16xf32>
      %mul3A_269 = arith.constant 5.000000e-01 : f32
      %mul3A_270 = vector.broadcast %mul3A_269 : f32 to vector<16xf32>
      %mul3A_271 = arith.mulf %add3A_268, %mul3A_270 : vector<16xf32>
      %bitcast3A_272 = vector.bitcast %add3A_268 : vector<16xf32> to vector<16xi32>
      %shift_right_arithmetic3A_273 = arith.constant 1 : i32
      %shift_right_arithmetic3A_274 = vector.broadcast %shift_right_arithmetic3A_273 : i32 to vector<16xi32>
      %shift_right_arithmetic3A_275 = arith.shrsi %bitcast3A_272, %shift_right_arithmetic3A_274 : vector<16xi32>
      %sub3A_276 = arith.constant 1597463007 : i32
      %sub3A_277 = vector.broadcast %sub3A_276 : i32 to vector<16xi32>
      %sub3A_278 = arith.subi %sub3A_277, %shift_right_arithmetic3A_275 : vector<16xi32>
      %bitcast3A_279 = vector.bitcast %sub3A_278 : vector<16xi32> to vector<16xf32>
      %mul3A_280 = arith.mulf %mul3A_271, %bitcast3A_279 : vector<16xf32>
      %mul3A_281 = arith.mulf %mul3A_280, %bitcast3A_279 : vector<16xf32>
      %sub3A_282 = arith.constant 1.500000e+00 : f32
      %sub3A_283 = vector.broadcast %sub3A_282 : f32 to vector<16xf32>
      %sub3A_284 = arith.subf %sub3A_283, %mul3A_281 : vector<16xf32>
      %mul3A_285 = arith.mulf %bitcast3A_279, %sub3A_284 : vector<16xf32>
      %mul3A_286 = arith.mulf %mul3A_271, %mul3A_285 : vector<16xf32>
      %mul3A_287 = arith.mulf %mul3A_286, %mul3A_285 : vector<16xf32>
      %sub3A_288 = arith.constant 1.500000e+00 : f32
      %sub3A_289 = vector.broadcast %sub3A_288 : f32 to vector<16xf32>
      %sub3A_290 = arith.subf %sub3A_289, %mul3A_287 : vector<16xf32>
      %mul3A_291 = arith.mulf %mul3A_285, %sub3A_290 : vector<16xf32>
      %mul3A_292 = arith.mulf %mul3A_271, %mul3A_291 : vector<16xf32>
      %mul3A_293 = arith.mulf %mul3A_292, %mul3A_291 : vector<16xf32>
      %sub3A_294 = arith.constant 1.500000e+00 : f32
      %sub3A_295 = vector.broadcast %sub3A_294 : f32 to vector<16xf32>
      %sub3A_296 = arith.subf %sub3A_295, %mul3A_293 : vector<16xf32>
      %mul3A_297 = arith.mulf %mul3A_291, %sub3A_296 : vector<16xf32>
      %slice3A_298 = vector.extract_strided_slice %mul3A_261 {offsets = [0], sizes = [1], strides = [1]} : vector<16xf32> to vector<1xf32>
      %squeeze3A_299 = vector.extract %slice3A_298[0] : f32 from vector<1xf32>
      %broadcast_in_dim3A_300 = vector.broadcast %squeeze3A_299 : f32 to vector<16xf32>
      %slice3A_301 = vector.extract_strided_slice %mul3A_261 {offsets = [1], sizes = [1], strides = [1]} : vector<16xf32> to vector<1xf32>
      %squeeze3A_302 = vector.extract %slice3A_301[0] : f32 from vector<1xf32>
      %broadcast_in_dim3A_303 = vector.broadcast %squeeze3A_302 : f32 to vector<16xf32>
      %slice3A_304 = vector.extract_strided_slice %mul3A_261 {offsets = [2], sizes = [1], strides = [1]} : vector<16xf32> to vector<1xf32>
      %squeeze3A_305 = vector.extract %slice3A_304[0] : f32 from vector<1xf32>
      %broadcast_in_dim3A_306 = vector.broadcast %squeeze3A_305 : f32 to vector<16xf32>
      %slice3A_307 = vector.extract_strided_slice %mul3A_261 {offsets = [3], sizes = [1], strides = [1]} : vector<16xf32> to vector<1xf32>
      %squeeze3A_308 = vector.extract %slice3A_307[0] : f32 from vector<1xf32>
      %broadcast_in_dim3A_309 = vector.broadcast %squeeze3A_308 : f32 to vector<16xf32>
      %slice3A_310 = vector.extract_strided_slice %mul3A_261 {offsets = [4], sizes = [1], strides = [1]} : vector<16xf32> to vector<1xf32>
      %squeeze3A_311 = vector.extract %slice3A_310[0] : f32 from vector<1xf32>
      %broadcast_in_dim3A_312 = vector.broadcast %squeeze3A_311 : f32 to vector<16xf32>
      %slice3A_313 = vector.extract_strided_slice %mul3A_261 {offsets = [5], sizes = [1], strides = [1]} : vector<16xf32> to vector<1xf32>
      %squeeze3A_314 = vector.extract %slice3A_313[0] : f32 from vector<1xf32>
      %broadcast_in_dim3A_315 = vector.broadcast %squeeze3A_314 : f32 to vector<16xf32>
      %slice3A_316 = vector.extract_strided_slice %mul3A_261 {offsets = [6], sizes = [1], strides = [1]} : vector<16xf32> to vector<1xf32>
      %squeeze3A_317 = vector.extract %slice3A_316[0] : f32 from vector<1xf32>
      %broadcast_in_dim3A_318 = vector.broadcast %squeeze3A_317 : f32 to vector<16xf32>
      %slice3A_319 = vector.extract_strided_slice %mul3A_261 {offsets = [7], sizes = [1], strides = [1]} : vector<16xf32> to vector<1xf32>
      %squeeze3A_320 = vector.extract %slice3A_319[0] : f32 from vector<1xf32>
      %broadcast_in_dim3A_321 = vector.broadcast %squeeze3A_320 : f32 to vector<16xf32>
      %slice3A_322 = vector.extract_strided_slice %mul3A_261 {offsets = [8], sizes = [1], strides = [1]} : vector<16xf32> to vector<1xf32>
      %squeeze3A_323 = vector.extract %slice3A_322[0] : f32 from vector<1xf32>
      %broadcast_in_dim3A_324 = vector.broadcast %squeeze3A_323 : f32 to vector<16xf32>
      %slice3A_325 = vector.extract_strided_slice %mul3A_261 {offsets = [9], sizes = [1], strides = [1]} : vector<16xf32> to vector<1xf32>
      %squeeze3A_326 = vector.extract %slice3A_325[0] : f32 from vector<1xf32>
      %broadcast_in_dim3A_327 = vector.broadcast %squeeze3A_326 : f32 to vector<16xf32>
      %slice3A_328 = vector.extract_strided_slice %mul3A_261 {offsets = [10], sizes = [1], strides = [1]} : vector<16xf32> to vector<1xf32>
      %squeeze3A_329 = vector.extract %slice3A_328[0] : f32 from vector<1xf32>
      %broadcast_in_dim3A_330 = vector.broadcast %squeeze3A_329 : f32 to vector<16xf32>
      %slice3A_331 = vector.extract_strided_slice %mul3A_261 {offsets = [11], sizes = [1], strides = [1]} : vector<16xf32> to vector<1xf32>
      %squeeze3A_332 = vector.extract %slice3A_331[0] : f32 from vector<1xf32>
      %broadcast_in_dim3A_333 = vector.broadcast %squeeze3A_332 : f32 to vector<16xf32>
      %slice3A_334 = vector.extract_strided_slice %mul3A_261 {offsets = [12], sizes = [1], strides = [1]} : vector<16xf32> to vector<1xf32>
      %squeeze3A_335 = vector.extract %slice3A_334[0] : f32 from vector<1xf32>
      %broadcast_in_dim3A_336 = vector.broadcast %squeeze3A_335 : f32 to vector<16xf32>
      %slice3A_337 = vector.extract_strided_slice %mul3A_261 {offsets = [13], sizes = [1], strides = [1]} : vector<16xf32> to vector<1xf32>
      %squeeze3A_338 = vector.extract %slice3A_337[0] : f32 from vector<1xf32>
      %broadcast_in_dim3A_339 = vector.broadcast %squeeze3A_338 : f32 to vector<16xf32>
      %slice3A_340 = vector.extract_strided_slice %mul3A_261 {offsets = [14], sizes = [1], strides = [1]} : vector<16xf32> to vector<1xf32>
      %squeeze3A_341 = vector.extract %slice3A_340[0] : f32 from vector<1xf32>
      %broadcast_in_dim3A_342 = vector.broadcast %squeeze3A_341 : f32 to vector<16xf32>
      %slice3A_343 = vector.extract_strided_slice %mul3A_261 {offsets = [15], sizes = [1], strides = [1]} : vector<16xf32> to vector<1xf32>
      %squeeze3A_344 = vector.extract %slice3A_343[0] : f32 from vector<1xf32>
      %broadcast_in_dim3A_345 = vector.broadcast %squeeze3A_344 : f32 to vector<16xf32>
      %slice3A_346 = vector.extract_strided_slice %mul3A_297 {offsets = [0], sizes = [1], strides = [1]} : vector<16xf32> to vector<1xf32>
      %squeeze3A_347 = vector.extract %slice3A_346[0] : f32 from vector<1xf32>
      %broadcast_in_dim3A_348 = vector.broadcast %squeeze3A_347 : f32 to vector<16xf32>
      %slice3A_349 = vector.extract_strided_slice %mul3A_297 {offsets = [1], sizes = [1], strides = [1]} : vector<16xf32> to vector<1xf32>
      %squeeze3A_350 = vector.extract %slice3A_349[0] : f32 from vector<1xf32>
      %broadcast_in_dim3A_351 = vector.broadcast %squeeze3A_350 : f32 to vector<16xf32>
      %slice3A_352 = vector.extract_strided_slice %mul3A_297 {offsets = [2], sizes = [1], strides = [1]} : vector<16xf32> to vector<1xf32>
      %squeeze3A_353 = vector.extract %slice3A_352[0] : f32 from vector<1xf32>
      %broadcast_in_dim3A_354 = vector.broadcast %squeeze3A_353 : f32 to vector<16xf32>
      %slice3A_355 = vector.extract_strided_slice %mul3A_297 {offsets = [3], sizes = [1], strides = [1]} : vector<16xf32> to vector<1xf32>
      %squeeze3A_356 = vector.extract %slice3A_355[0] : f32 from vector<1xf32>
      %broadcast_in_dim3A_357 = vector.broadcast %squeeze3A_356 : f32 to vector<16xf32>
      %slice3A_358 = vector.extract_strided_slice %mul3A_297 {offsets = [4], sizes = [1], strides = [1]} : vector<16xf32> to vector<1xf32>
      %squeeze3A_359 = vector.extract %slice3A_358[0] : f32 from vector<1xf32>
      %broadcast_in_dim3A_360 = vector.broadcast %squeeze3A_359 : f32 to vector<16xf32>
      %slice3A_361 = vector.extract_strided_slice %mul3A_297 {offsets = [5], sizes = [1], strides = [1]} : vector<16xf32> to vector<1xf32>
      %squeeze3A_362 = vector.extract %slice3A_361[0] : f32 from vector<1xf32>
      %broadcast_in_dim3A_363 = vector.broadcast %squeeze3A_362 : f32 to vector<16xf32>
      %slice3A_364 = vector.extract_strided_slice %mul3A_297 {offsets = [6], sizes = [1], strides = [1]} : vector<16xf32> to vector<1xf32>
      %squeeze3A_365 = vector.extract %slice3A_364[0] : f32 from vector<1xf32>
      %broadcast_in_dim3A_366 = vector.broadcast %squeeze3A_365 : f32 to vector<16xf32>
      %slice3A_367 = vector.extract_strided_slice %mul3A_297 {offsets = [7], sizes = [1], strides = [1]} : vector<16xf32> to vector<1xf32>
      %squeeze3A_368 = vector.extract %slice3A_367[0] : f32 from vector<1xf32>
      %broadcast_in_dim3A_369 = vector.broadcast %squeeze3A_368 : f32 to vector<16xf32>
      %slice3A_370 = vector.extract_strided_slice %mul3A_297 {offsets = [8], sizes = [1], strides = [1]} : vector<16xf32> to vector<1xf32>
      %squeeze3A_371 = vector.extract %slice3A_370[0] : f32 from vector<1xf32>
      %broadcast_in_dim3A_372 = vector.broadcast %squeeze3A_371 : f32 to vector<16xf32>
      %slice3A_373 = vector.extract_strided_slice %mul3A_297 {offsets = [9], sizes = [1], strides = [1]} : vector<16xf32> to vector<1xf32>
      %squeeze3A_374 = vector.extract %slice3A_373[0] : f32 from vector<1xf32>
      %broadcast_in_dim3A_375 = vector.broadcast %squeeze3A_374 : f32 to vector<16xf32>
      %slice3A_376 = vector.extract_strided_slice %mul3A_297 {offsets = [10], sizes = [1], strides = [1]} : vector<16xf32> to vector<1xf32>
      %squeeze3A_377 = vector.extract %slice3A_376[0] : f32 from vector<1xf32>
      %broadcast_in_dim3A_378 = vector.broadcast %squeeze3A_377 : f32 to vector<16xf32>
      %slice3A_379 = vector.extract_strided_slice %mul3A_297 {offsets = [11], sizes = [1], strides = [1]} : vector<16xf32> to vector<1xf32>
      %squeeze3A_380 = vector.extract %slice3A_379[0] : f32 from vector<1xf32>
      %broadcast_in_dim3A_381 = vector.broadcast %squeeze3A_380 : f32 to vector<16xf32>
      %slice3A_382 = vector.extract_strided_slice %mul3A_297 {offsets = [12], sizes = [1], strides = [1]} : vector<16xf32> to vector<1xf32>
      %squeeze3A_383 = vector.extract %slice3A_382[0] : f32 from vector<1xf32>
      %broadcast_in_dim3A_384 = vector.broadcast %squeeze3A_383 : f32 to vector<16xf32>
      %slice3A_385 = vector.extract_strided_slice %mul3A_297 {offsets = [13], sizes = [1], strides = [1]} : vector<16xf32> to vector<1xf32>
      %squeeze3A_386 = vector.extract %slice3A_385[0] : f32 from vector<1xf32>
      %broadcast_in_dim3A_387 = vector.broadcast %squeeze3A_386 : f32 to vector<16xf32>
      %slice3A_388 = vector.extract_strided_slice %mul3A_297 {offsets = [14], sizes = [1], strides = [1]} : vector<16xf32> to vector<1xf32>
      %squeeze3A_389 = vector.extract %slice3A_388[0] : f32 from vector<1xf32>
      %broadcast_in_dim3A_390 = vector.broadcast %squeeze3A_389 : f32 to vector<16xf32>
      %slice3A_391 = vector.extract_strided_slice %mul3A_297 {offsets = [15], sizes = [1], strides = [1]} : vector<16xf32> to vector<1xf32>
      %squeeze3A_392 = vector.extract %slice3A_391[0] : f32 from vector<1xf32>
      %broadcast_in_dim3A_393 = vector.broadcast %squeeze3A_392 : f32 to vector<16xf32>
      %scan3A_394 = arith.constant 0 : i32
      %scan3A_395 = arith.constant 0 : i32
      %scan3A_396 = arith.constant 64 : i32
      %scan3A_397 = arith.addi %scan3A_395, %scan3A_396 : i32
      %scan3A_398 = arith.constant 1 : i32
      %scan3A_399 = scf.for %scan3A_408 = %scan3A_395 to %scan3A_397 step %scan3A_398 iter_args(%scan3A_409 = %scan3A_394) -> (i32)  : i32 {
        %mul3A_410 = arith.constant 16 : i32
        %mul3A_411 = arith.muli %scan3A_408, %mul3A_410 : i32
        %get3A = arith.index_cast %mul3A_411 : i32 to index
        %get3A_412 = tpu.vector_load %arg12[%get3A] {strides = array<i32>} : memref<1024xf32, #tpu.memory_space<vmem>>, vector<16xf32>,
        %get3A_413 = arith.index_cast %mul3A_411 : i32 to index
        %get3A_414 = tpu.vector_load %arg13[%get3A_413] {strides = array<i32>} : memref<1024xf32, #tpu.memory_space<vmem>>, vector<16xf32>,
        %get3A_415 = arith.constant 0 : i32
        %get3A_416 = arith.index_cast %get3A_415 : i32 to index
        %get3A_417 = arith.index_cast %mul3A_411 : i32 to index
        %get3A_418 = tpu.vector_load %arg11[%get3A_416, %get3A_417] {strides = array<i32>} : memref<16x1024xf32, #tpu.memory_space<vmem>>, vector<16xf32>,
        %sub3A_419 = arith.subf %get3A_418, %broadcast_in_dim3A_300 : vector<16xf32>
        %mul3A_420 = arith.mulf %sub3A_419, %broadcast_in_dim3A_348 : vector<16xf32>
        %mul3A_421 = arith.mulf %mul3A_420, %get3A_412 : vector<16xf32>
        %add3A_422 = arith.addf %mul3A_421, %get3A_414 : vector<16xf32>
        %swap3A = arith.constant 0 : i32
        %swap3A_423 = arith.index_cast %swap3A : i32 to index
        %swap3A_424 = arith.index_cast %mul3A_411 : i32 to index
        %swap3A_425 = tpu.vector_load %arg11[%swap3A_423, %swap3A_424] {strides = array<i32>} : memref<16x1024xf32, #tpu.memory_space<vmem>>, vector<16xf32>,
        tpu.vector_store %arg11[%swap3A_423, %swap3A_424], %add3A_422 {strides = array<i32>} : memref<16x1024xf32, #tpu.memory_space<vmem>>, vector<16xf32>,
        %get3A_426 = arith.constant 1 : i32
        %get3A_427 = arith.index_cast %get3A_426 : i32 to index
        %get3A_428 = arith.index_cast %mul3A_411 : i32 to index
        %get3A_429 = tpu.vector_load %arg11[%get3A_427, %get3A_428] {strides = array<i32>} : memref<16x1024xf32, #tpu.memory_space<vmem>>, vector<16xf32>,
        %sub3A_430 = arith.subf %get3A_429, %broadcast_in_dim3A_303 : vector<16xf32>
        %mul3A_431 = arith.mulf %sub3A_430, %broadcast_in_dim3A_351 : vector<16xf32>
        %mul3A_432 = arith.mulf %mul3A_431, %get3A_412 : vector<16xf32>
        %add3A_433 = arith.addf %mul3A_432, %get3A_414 : vector<16xf32>
        %swap3A_434 = arith.constant 1 : i32
        %swap3A_435 = arith.index_cast %swap3A_434 : i32 to index
        %swap3A_436 = arith.index_cast %mul3A_411 : i32 to index
        %swap3A_437 = tpu.vector_load %arg11[%swap3A_435, %swap3A_436] {strides = array<i32>} : memref<16x1024xf32, #tpu.memory_space<vmem>>, vector<16xf32>,
        tpu.vector_store %arg11[%swap3A_435, %swap3A_436], %add3A_433 {strides = array<i32>} : memref<16x1024xf32, #tpu.memory_space<vmem>>, vector<16xf32>,
        %get3A_438 = arith.constant 2 : i32
        %get3A_439 = arith.index_cast %get3A_438 : i32 to index
        %get3A_440 = arith.index_cast %mul3A_411 : i32 to index
        %get3A_441 = tpu.vector_load %arg11[%get3A_439, %get3A_440] {strides = array<i32>} : memref<16x1024xf32, #tpu.memory_space<vmem>>, vector<16xf32>,
        %sub3A_442 = arith.subf %get3A_441, %broadcast_in_dim3A_306 : vector<16xf32>
        %mul3A_443 = arith.mulf %sub3A_442, %broadcast_in_dim3A_354 : vector<16xf32>
        %mul3A_444 = arith.mulf %mul3A_443, %get3A_412 : vector<16xf32>
        %add3A_445 = arith.addf %mul3A_444, %get3A_414 : vector<16xf32>
        %swap3A_446 = arith.constant 2 : i32
        %swap3A_447 = arith.index_cast %swap3A_446 : i32 to index
        %swap3A_448 = arith.index_cast %mul3A_411 : i32 to index
        %swap3A_449 = tpu.vector_load %arg11[%swap3A_447, %swap3A_448] {strides = array<i32>} : memref<16x1024xf32, #tpu.memory_space<vmem>>, vector<16xf32>,
        tpu.vector_store %arg11[%swap3A_447, %swap3A_448], %add3A_445 {strides = array<i32>} : memref<16x1024xf32, #tpu.memory_space<vmem>>, vector<16xf32>,
        %get3A_450 = arith.constant 3 : i32
        %get3A_451 = arith.index_cast %get3A_450 : i32 to index
        %get3A_452 = arith.index_cast %mul3A_411 : i32 to index
        %get3A_453 = tpu.vector_load %arg11[%get3A_451, %get3A_452] {strides = array<i32>} : memref<16x1024xf32, #tpu.memory_space<vmem>>, vector<16xf32>,
        %sub3A_454 = arith.subf %get3A_453, %broadcast_in_dim3A_309 : vector<16xf32>
        %mul3A_455 = arith.mulf %sub3A_454, %broadcast_in_dim3A_357 : vector<16xf32>
        %mul3A_456 = arith.mulf %mul3A_455, %get3A_412 : vector<16xf32>
        %add3A_457 = arith.addf %mul3A_456, %get3A_414 : vector<16xf32>
        %swap3A_458 = arith.constant 3 : i32
        %swap3A_459 = arith.index_cast %swap3A_458 : i32 to index
        %swap3A_460 = arith.index_cast %mul3A_411 : i32 to index
        %swap3A_461 = tpu.vector_load %arg11[%swap3A_459, %swap3A_460] {strides = array<i32>} : memref<16x1024xf32, #tpu.memory_space<vmem>>, vector<16xf32>,
        tpu.vector_store %arg11[%swap3A_459, %swap3A_460], %add3A_457 {strides = array<i32>} : memref<16x1024xf32, #tpu.memory_space<vmem>>, vector<16xf32>,
        %get3A_462 = arith.constant 4 : i32
        %get3A_463 = arith.index_cast %get3A_462 : i32 to index
        %get3A_464 = arith.index_cast %mul3A_411 : i32 to index
        %get3A_465 = tpu.vector_load %arg11[%get3A_463, %get3A_464] {strides = array<i32>} : memref<16x1024xf32, #tpu.memory_space<vmem>>, vector<16xf32>,
        %sub3A_466 = arith.subf %get3A_465, %broadcast_in_dim3A_312 : vector<16xf32>
        %mul3A_467 = arith.mulf %sub3A_466, %broadcast_in_dim3A_360 : vector<16xf32>
        %mul3A_468 = arith.mulf %mul3A_467, %get3A_412 : vector<16xf32>
        %add3A_469 = arith.addf %mul3A_468, %get3A_414 : vector<16xf32>
        %swap3A_470 = arith.constant 4 : i32
        %swap3A_471 = arith.index_cast %swap3A_470 : i32 to index
        %swap3A_472 = arith.index_cast %mul3A_411 : i32 to index
        %swap3A_473 = tpu.vector_load %arg11[%swap3A_471, %swap3A_472] {strides = array<i32>} : memref<16x1024xf32, #tpu.memory_space<vmem>>, vector<16xf32>,
        tpu.vector_store %arg11[%swap3A_471, %swap3A_472], %add3A_469 {strides = array<i32>} : memref<16x1024xf32, #tpu.memory_space<vmem>>, vector<16xf32>,
        %get3A_474 = arith.constant 5 : i32
        %get3A_475 = arith.index_cast %get3A_474 : i32 to index
        %get3A_476 = arith.index_cast %mul3A_411 : i32 to index
        %get3A_477 = tpu.vector_load %arg11[%get3A_475, %get3A_476] {strides = array<i32>} : memref<16x1024xf32, #tpu.memory_space<vmem>>, vector<16xf32>,
        %sub3A_478 = arith.subf %get3A_477, %broadcast_in_dim3A_315 : vector<16xf32>
        %mul3A_479 = arith.mulf %sub3A_478, %broadcast_in_dim3A_363 : vector<16xf32>
        %mul3A_480 = arith.mulf %mul3A_479, %get3A_412 : vector<16xf32>
        %add3A_481 = arith.addf %mul3A_480, %get3A_414 : vector<16xf32>
        %swap3A_482 = arith.constant 5 : i32
        %swap3A_483 = arith.index_cast %swap3A_482 : i32 to index
        %swap3A_484 = arith.index_cast %mul3A_411 : i32 to index
        %swap3A_485 = tpu.vector_load %arg11[%swap3A_483, %swap3A_484] {strides = array<i32>} : memref<16x1024xf32, #tpu.memory_space<vmem>>, vector<16xf32>,
        tpu.vector_store %arg11[%swap3A_483, %swap3A_484], %add3A_481 {strides = array<i32>} : memref<16x1024xf32, #tpu.memory_space<vmem>>, vector<16xf32>,
        %get3A_486 = arith.constant 6 : i32
        %get3A_487 = arith.index_cast %get3A_486 : i32 to index
        %get3A_488 = arith.index_cast %mul3A_411 : i32 to index
        %get3A_489 = tpu.vector_load %arg11[%get3A_487, %get3A_488] {strides = array<i32>} : memref<16x1024xf32, #tpu.memory_space<vmem>>, vector<16xf32>,
        %sub3A_490 = arith.subf %get3A_489, %broadcast_in_dim3A_318 : vector<16xf32>
        %mul3A_491 = arith.mulf %sub3A_490, %broadcast_in_dim3A_366 : vector<16xf32>
        %mul3A_492 = arith.mulf %mul3A_491, %get3A_412 : vector<16xf32>
        %add3A_493 = arith.addf %mul3A_492, %get3A_414 : vector<16xf32>
        %swap3A_494 = arith.constant 6 : i32
        %swap3A_495 = arith.index_cast %swap3A_494 : i32 to index
        %swap3A_496 = arith.index_cast %mul3A_411 : i32 to index
        %swap3A_497 = tpu.vector_load %arg11[%swap3A_495, %swap3A_496] {strides = array<i32>} : memref<16x1024xf32, #tpu.memory_space<vmem>>, vector<16xf32>,
        tpu.vector_store %arg11[%swap3A_495, %swap3A_496], %add3A_493 {strides = array<i32>} : memref<16x1024xf32, #tpu.memory_space<vmem>>, vector<16xf32>,
        %get3A_498 = arith.constant 7 : i32
        %get3A_499 = arith.index_cast %get3A_498 : i32 to index
        %get3A_500 = arith.index_cast %mul3A_411 : i32 to index
        %get3A_501 = tpu.vector_load %arg11[%get3A_499, %get3A_500] {strides = array<i32>} : memref<16x1024xf32, #tpu.memory_space<vmem>>, vector<16xf32>,
        %sub3A_502 = arith.subf %get3A_501, %broadcast_in_dim3A_321 : vector<16xf32>
        %mul3A_503 = arith.mulf %sub3A_502, %broadcast_in_dim3A_369 : vector<16xf32>
        %mul3A_504 = arith.mulf %mul3A_503, %get3A_412 : vector<16xf32>
        %add3A_505 = arith.addf %mul3A_504, %get3A_414 : vector<16xf32>
        %swap3A_506 = arith.constant 7 : i32
        %swap3A_507 = arith.index_cast %swap3A_506 : i32 to index
        %swap3A_508 = arith.index_cast %mul3A_411 : i32 to index
        %swap3A_509 = tpu.vector_load %arg11[%swap3A_507, %swap3A_508] {strides = array<i32>} : memref<16x1024xf32, #tpu.memory_space<vmem>>, vector<16xf32>,
        tpu.vector_store %arg11[%swap3A_507, %swap3A_508], %add3A_505 {strides = array<i32>} : memref<16x1024xf32, #tpu.memory_space<vmem>>, vector<16xf32>,
        %get3A_510 = arith.constant 8 : i32
        %get3A_511 = arith.index_cast %get3A_510 : i32 to index
        %get3A_512 = arith.index_cast %mul3A_411 : i32 to index
        %get3A_513 = tpu.vector_load %arg11[%get3A_511, %get3A_512] {strides = array<i32>} : memref<16x1024xf32, #tpu.memory_space<vmem>>, vector<16xf32>,
        %sub3A_514 = arith.subf %get3A_513, %broadcast_in_dim3A_324 : vector<16xf32>
        %mul3A_515 = arith.mulf %sub3A_514, %broadcast_in_dim3A_372 : vector<16xf32>
        %mul3A_516 = arith.mulf %mul3A_515, %get3A_412 : vector<16xf32>
        %add3A_517 = arith.addf %mul3A_516, %get3A_414 : vector<16xf32>
        %swap3A_518 = arith.constant 8 : i32
        %swap3A_519 = arith.index_cast %swap3A_518 : i32 to index
        %swap3A_520 = arith.index_cast %mul3A_411 : i32 to index
        %swap3A_521 = tpu.vector_load %arg11[%swap3A_519, %swap3A_520] {strides = array<i32>} : memref<16x1024xf32, #tpu.memory_space<vmem>>, vector<16xf32>,
        tpu.vector_store %arg11[%swap3A_519, %swap3A_520], %add3A_517 {strides = array<i32>} : memref<16x1024xf32, #tpu.memory_space<vmem>>, vector<16xf32>,
        %get3A_522 = arith.constant 9 : i32
        %get3A_523 = arith.index_cast %get3A_522 : i32 to index
        %get3A_524 = arith.index_cast %mul3A_411 : i32 to index
        %get3A_525 = tpu.vector_load %arg11[%get3A_523, %get3A_524] {strides = array<i32>} : memref<16x1024xf32, #tpu.memory_space<vmem>>, vector<16xf32>,
        %sub3A_526 = arith.subf %get3A_525, %broadcast_in_dim3A_327 : vector<16xf32>
        %mul3A_527 = arith.mulf %sub3A_526, %broadcast_in_dim3A_375 : vector<16xf32>
        %mul3A_528 = arith.mulf %mul3A_527, %get3A_412 : vector<16xf32>
        %add3A_529 = arith.addf %mul3A_528, %get3A_414 : vector<16xf32>
        %swap3A_530 = arith.constant 9 : i32
        %swap3A_531 = arith.index_cast %swap3A_530 : i32 to index
        %swap3A_532 = arith.index_cast %mul3A_411 : i32 to index
        %swap3A_533 = tpu.vector_load %arg11[%swap3A_531, %swap3A_532] {strides = array<i32>} : memref<16x1024xf32, #tpu.memory_space<vmem>>, vector<16xf32>,
        tpu.vector_store %arg11[%swap3A_531, %swap3A_532], %add3A_529 {strides = array<i32>} : memref<16x1024xf32, #tpu.memory_space<vmem>>, vector<16xf32>,
        %get3A_534 = arith.constant 10 : i32
        %get3A_535 = arith.index_cast %get3A_534 : i32 to index
        %get3A_536 = arith.index_cast %mul3A_411 : i32 to index
        %get3A_537 = tpu.vector_load %arg11[%get3A_535, %get3A_536] {strides = array<i32>} : memref<16x1024xf32, #tpu.memory_space<vmem>>, vector<16xf32>,
        %sub3A_538 = arith.subf %get3A_537, %broadcast_in_dim3A_330 : vector<16xf32>
        %mul3A_539 = arith.mulf %sub3A_538, %broadcast_in_dim3A_378 : vector<16xf32>
        %mul3A_540 = arith.mulf %mul3A_539, %get3A_412 : vector<16xf32>
        %add3A_541 = arith.addf %mul3A_540, %get3A_414 : vector<16xf32>
        %swap3A_542 = arith.constant 10 : i32
        %swap3A_543 = arith.index_cast %swap3A_542 : i32 to index
        %swap3A_544 = arith.index_cast %mul3A_411 : i32 to index
        %swap3A_545 = tpu.vector_load %arg11[%swap3A_543, %swap3A_544] {strides = array<i32>} : memref<16x1024xf32, #tpu.memory_space<vmem>>, vector<16xf32>,
        tpu.vector_store %arg11[%swap3A_543, %swap3A_544], %add3A_541 {strides = array<i32>} : memref<16x1024xf32, #tpu.memory_space<vmem>>, vector<16xf32>,
        %get3A_546 = arith.constant 11 : i32
        %get3A_547 = arith.index_cast %get3A_546 : i32 to index
        %get3A_548 = arith.index_cast %mul3A_411 : i32 to index
        %get3A_549 = tpu.vector_load %arg11[%get3A_547, %get3A_548] {strides = array<i32>} : memref<16x1024xf32, #tpu.memory_space<vmem>>, vector<16xf32>,
        %sub3A_550 = arith.subf %get3A_549, %broadcast_in_dim3A_333 : vector<16xf32>
        %mul3A_551 = arith.mulf %sub3A_550, %broadcast_in_dim3A_381 : vector<16xf32>
        %mul3A_552 = arith.mulf %mul3A_551, %get3A_412 : vector<16xf32>
        %add3A_553 = arith.addf %mul3A_552, %get3A_414 : vector<16xf32>
        %swap3A_554 = arith.constant 11 : i32
        %swap3A_555 = arith.index_cast %swap3A_554 : i32 to index
        %swap3A_556 = arith.index_cast %mul3A_411 : i32 to index
        %swap3A_557 = tpu.vector_load %arg11[%swap3A_555, %swap3A_556] {strides = array<i32>} : memref<16x1024xf32, #tpu.memory_space<vmem>>, vector<16xf32>,
        tpu.vector_store %arg11[%swap3A_555, %swap3A_556], %add3A_553 {strides = array<i32>} : memref<16x1024xf32, #tpu.memory_space<vmem>>, vector<16xf32>,
        %get3A_558 = arith.constant 12 : i32
        %get3A_559 = arith.index_cast %get3A_558 : i32 to index
        %get3A_560 = arith.index_cast %mul3A_411 : i32 to index
        %get3A_561 = tpu.vector_load %arg11[%get3A_559, %get3A_560] {strides = array<i32>} : memref<16x1024xf32, #tpu.memory_space<vmem>>, vector<16xf32>,
        %sub3A_562 = arith.subf %get3A_561, %broadcast_in_dim3A_336 : vector<16xf32>
        %mul3A_563 = arith.mulf %sub3A_562, %broadcast_in_dim3A_384 : vector<16xf32>
        %mul3A_564 = arith.mulf %mul3A_563, %get3A_412 : vector<16xf32>
        %add3A_565 = arith.addf %mul3A_564, %get3A_414 : vector<16xf32>
        %swap3A_566 = arith.constant 12 : i32
        %swap3A_567 = arith.index_cast %swap3A_566 : i32 to index
        %swap3A_568 = arith.index_cast %mul3A_411 : i32 to index
        %swap3A_569 = tpu.vector_load %arg11[%swap3A_567, %swap3A_568] {strides = array<i32>} : memref<16x1024xf32, #tpu.memory_space<vmem>>, vector<16xf32>,
        tpu.vector_store %arg11[%swap3A_567, %swap3A_568], %add3A_565 {strides = array<i32>} : memref<16x1024xf32, #tpu.memory_space<vmem>>, vector<16xf32>,
        %get3A_570 = arith.constant 13 : i32
        %get3A_571 = arith.index_cast %get3A_570 : i32 to index
        %get3A_572 = arith.index_cast %mul3A_411 : i32 to index
        %get3A_573 = tpu.vector_load %arg11[%get3A_571, %get3A_572] {strides = array<i32>} : memref<16x1024xf32, #tpu.memory_space<vmem>>, vector<16xf32>,
        %sub3A_574 = arith.subf %get3A_573, %broadcast_in_dim3A_339 : vector<16xf32>
        %mul3A_575 = arith.mulf %sub3A_574, %broadcast_in_dim3A_387 : vector<16xf32>
        %mul3A_576 = arith.mulf %mul3A_575, %get3A_412 : vector<16xf32>
        %add3A_577 = arith.addf %mul3A_576, %get3A_414 : vector<16xf32>
        %swap3A_578 = arith.constant 13 : i32
        %swap3A_579 = arith.index_cast %swap3A_578 : i32 to index
        %swap3A_580 = arith.index_cast %mul3A_411 : i32 to index
        %swap3A_581 = tpu.vector_load %arg11[%swap3A_579, %swap3A_580] {strides = array<i32>} : memref<16x1024xf32, #tpu.memory_space<vmem>>, vector<16xf32>,
        tpu.vector_store %arg11[%swap3A_579, %swap3A_580], %add3A_577 {strides = array<i32>} : memref<16x1024xf32, #tpu.memory_space<vmem>>, vector<16xf32>,
        %get3A_582 = arith.constant 14 : i32
        %get3A_583 = arith.index_cast %get3A_582 : i32 to index
        %get3A_584 = arith.index_cast %mul3A_411 : i32 to index
        %get3A_585 = tpu.vector_load %arg11[%get3A_583, %get3A_584] {strides = array<i32>} : memref<16x1024xf32, #tpu.memory_space<vmem>>, vector<16xf32>,
        %sub3A_586 = arith.subf %get3A_585, %broadcast_in_dim3A_342 : vector<16xf32>
        %mul3A_587 = arith.mulf %sub3A_586, %broadcast_in_dim3A_390 : vector<16xf32>
        %mul3A_588 = arith.mulf %mul3A_587, %get3A_412 : vector<16xf32>
        %add3A_589 = arith.addf %mul3A_588, %get3A_414 : vector<16xf32>
        %swap3A_590 = arith.constant 14 : i32
        %swap3A_591 = arith.index_cast %swap3A_590 : i32 to index
        %swap3A_592 = arith.index_cast %mul3A_411 : i32 to index
        %swap3A_593 = tpu.vector_load %arg11[%swap3A_591, %swap3A_592] {strides = array<i32>} : memref<16x1024xf32, #tpu.memory_space<vmem>>, vector<16xf32>,
        tpu.vector_store %arg11[%swap3A_591, %swap3A_592], %add3A_589 {strides = array<i32>} : memref<16x1024xf32, #tpu.memory_space<vmem>>, vector<16xf32>,
        %get3A_594 = arith.constant 15 : i32
        %get3A_595 = arith.index_cast %get3A_594 : i32 to index
        %get3A_596 = arith.index_cast %mul3A_411 : i32 to index
        %get3A_597 = tpu.vector_load %arg11[%get3A_595, %get3A_596] {strides = array<i32>} : memref<16x1024xf32, #tpu.memory_space<vmem>>, vector<16xf32>,
        %sub3A_598 = arith.subf %get3A_597, %broadcast_in_dim3A_345 : vector<16xf32>
        %mul3A_599 = arith.mulf %sub3A_598, %broadcast_in_dim3A_393 : vector<16xf32>
        %mul3A_600 = arith.mulf %mul3A_599, %get3A_412 : vector<16xf32>
        %add3A_601 = arith.addf %mul3A_600, %get3A_414 : vector<16xf32>
        %swap3A_602 = arith.constant 15 : i32
        %swap3A_603 = arith.index_cast %swap3A_602 : i32 to index
        %swap3A_604 = arith.index_cast %mul3A_411 : i32 to index
        %swap3A_605 = tpu.vector_load %arg11[%swap3A_603, %swap3A_604] {strides = array<i32>} : memref<16x1024xf32, #tpu.memory_space<vmem>>, vector<16xf32>,
        tpu.vector_store %arg11[%swap3A_603, %swap3A_604], %add3A_601 {strides = array<i32>} : memref<16x1024xf32, #tpu.memory_space<vmem>>, vector<16xf32>,
        %scan3A_606 = arith.constant 0 : i32
        scf.yield %scan3A_606 : i32
      }
      %scan3A_400 = arith.constant 64 : i32
      %dma_start3A_401 = arith.constant 0 : i32
      %dma_start3A_402 = tpu.memref_slice %arg7[%add3A_49, %add3A_73, %dma_start3A_401] : memref<4x4096x1024xf32, #tpu.memory_space<hbm>> -> memref<1x16x1024xf32, #tpu.memory_space<hbm>>
      %dma_start3A_403 = tpu.memref_squeeze %dma_start3A_402 : memref<1x16x1024xf32, #tpu.memory_space<hbm>> -> memref<16x1024xf32, #tpu.memory_space<hbm>>
      %dma_start3A_404 = arith.constant 0 : i32
      %dma_start3A_405 = tpu.memref_slice %arg7[%add3A_49, %add3A_73, %dma_start3A_404] : memref<4x4096x1024xf32, #tpu.memory_space<hbm>> -> memref<1x16x1024xf32, #tpu.memory_space<hbm>>
      %dma_start3A_406 = tpu.memref_squeeze %dma_start3A_405 : memref<1x16x1024xf32, #tpu.memory_space<hbm>> -> memref<16x1024xf32, #tpu.memory_space<hbm>>
      tpu.enqueue_dma source(%arg11 : memref<16x1024xf32, #tpu.memory_space<vmem>>) target(%dma_start3A_406 : memref<16x1024xf32, #tpu.memory_space<hbm>>) target_semaphore(%arg17 : memref<!tpu.dma_semaphore, #tpu.memory_space<semaphore_mem>>)
      %scan3A_407 = arith.constant 0 : i32
      scf.yield %scan3A_407 : i32
    }
    %scan3A_17 = arith.constant 16 : i32
    %add3A_18 = arith.constant 112 : i32
    %add3A_19 = arith.addi %mul3A_2, %add3A_18 : i32
    %dma_wait3A = arith.constant 2 : i32
    %dma_wait3A_20 = arith.constant 0 : i32
    %dma_wait3A_21 = tpu.memref_slice %arg7[%dma_wait3A, %add3A_19, %dma_wait3A_20] : memref<4x4096x1024xf32, #tpu.memory_space<hbm>> -> memref<1x16x1024xf32, #tpu.memory_space<hbm>>
    %dma_wait3A_22 = tpu.memref_squeeze %dma_wait3A_21 : memref<1x16x1024xf32, #tpu.memory_space<hbm>> -> memref<16x1024xf32, #tpu.memory_space<hbm>>
    %dma_wait3A_23 = arith.constant 0 : i32
    %dma_wait3A_24 = tpu.memref_slice %arg7[%dma_wait3A, %add3A_19, %dma_wait3A_23] : memref<4x4096x1024xf32, #tpu.memory_space<hbm>> -> memref<1x16x1024xf32, #tpu.memory_space<hbm>>
    %dma_wait3A_25 = tpu.memref_squeeze %dma_wait3A_24 : memref<1x16x1024xf32, #tpu.memory_space<hbm>> -> memref<16x1024xf32, #tpu.memory_space<hbm>>
    tpu.wait_dma2 semaphore(%arg16 : memref<!tpu.dma_semaphore, #tpu.memory_space<semaphore_mem>>) src(%arg10 : memref<16x1024xf32, #tpu.memory_space<vmem>>) dst(%dma_wait3A_25 : memref<16x1024xf32, #tpu.memory_space<hbm>>)
    %add3A_26 = arith.constant 112 : i32
    %add3A_27 = arith.addi %mul3A_2, %add3A_26 : i32
    %dma_wait3A_28 = arith.constant 3 : i32
    %dma_wait3A_29 = arith.constant 0 : i32
    %dma_wait3A_30 = tpu.memref_slice %arg7[%dma_wait3A_28, %add3A_27, %dma_wait3A_29] : memref<4x4096x1024xf32, #tpu.memory_space<hbm>> -> memref<1x16x1024xf32, #tpu.memory_space<hbm>>
    %dma_wait3A_31 = tpu.memref_squeeze %dma_wait3A_30 : memref<1x16x1024xf32, #tpu.memory_space<hbm>> -> memref<16x1024xf32, #tpu.memory_space<hbm>>
    %dma_wait3A_32 = arith.constant 0 : i32
    %dma_wait3A_33 = tpu.memref_slice %arg7[%dma_wait3A_28, %add3A_27, %dma_wait3A_32] : memref<4x4096x1024xf32, #tpu.memory_space<hbm>> -> memref<1x16x1024xf32, #tpu.memory_space<hbm>>
    %dma_wait3A_34 = tpu.memref_squeeze %dma_wait3A_33 : memref<1x16x1024xf32, #tpu.memory_space<hbm>> -> memref<16x1024xf32, #tpu.memory_space<hbm>>
    tpu.wait_dma2 semaphore(%arg17 : memref<!tpu.dma_semaphore, #tpu.memory_space<semaphore_mem>>) src(%arg11 : memref<16x1024xf32, #tpu.memory_space<vmem>>) dst(%dma_wait3A_34 : memref<16x1024xf32, #tpu.memory_space<hbm>>)
    return
  }
}

</mosaic_0001>

<sc_bundles>
// kernel: kernel.3.cloned.1.call-start
scs
__scs_entry_jumppad:
0x0: {  	(pc) =	sbr.rel $0x88, $3  }
0x1: {  	(tag) =	ssettag $0x0;
	lr =	simm.s32 $0x1  }
0x2: {  	[smem:$0x3F9D] =	sst lr;
	_ =	strace $0xD0000000  }
0x3: {  	_ = 	snop  }
0x4: {  	_ = 	snop  }
0x5: {  	_ = 	snop  }
0x6: {  	_ = 	snop  }
0x7: {  	_ = 	snop  }
__scs_overlays_trampoline_lowered:
0x8: {  	[smem:$0x3FAC] =	sst s0  }
0x9: {  	[smem:$0x3FAD] =	sst s1  }
0xa: {  	[smem:$0x3FAE] =	sst s2  }
0xb: {  	[smem:$0x3FAF] =	sst s3  }
0xc: {  	[smem:$0x3FB0] =	sst s4  }
0xd: {  	[smem:$0x3FB1] =	sst s5  }
0xe: {  	[smem:$0x3FB2] =	sst s6  }
0xf: {  	[smem:$0x3FB3] =	sst s7  }
0x10: {  	[smem:$0x3FB4] =	sst s8  }
0x11: {  	[smem:$0x3FB5] =	sst s9;
	s0 =	simm.s32 @!p0 $0x0  }
0x12: {  	s1 =	sld [smem:$0x3F9B];
	s0 =	simm.s32 @p0 $0x1  }
0x13: {  	[smem:$0x3FB6] =	sst s0;
	s0 =	simm.s32 @!p1 $0x0  }
0x14: {  	s2 =	sld [smem:$0x3F9A];
	s0 =	simm.s32 @p1 $0x1  }
0x15: {  	[smem:$0x3FB7] =	sst s0;
	s0 =	simm.s32 @!p2 $0x0  }
0x16: {  	s3 =	sld [smem:$0x3FDB];
	s0 =	simm.s32 @p2 $0x1  }
0x17: {  	s4 =	simm.s32 $0x1BF5;
	[smem:$0x3FB9] =	sst s0  }
0x18: {  	s0 =	sld [smem:$0x3F9C];
	_ =	swait.ge [sflag:s4], $0x0  }
0x19: {  	s7 =	sld [smem:$0x3F9D]  }
0x1a: {  	s8 =	sadd.s32 $0xFFFFE003, lr  }
0x1b: {  	s9 =	sadd.s32 $0xFFFFFEF7, lr;
	s5 =	simm.s32 $0xFFFFFFFF;
	p2 =	slt.u32 s8, $0xFFFFF086  }
0x1c: {  	p1 =	slt.u32 s9, $0xF7A;
	s5 =	simm.s32 @!p2 $0x0  }
0x1d: {  	s5 =	simm.s32 @p1 $0x1;
	p0 =	seq.s32 s7, s2  }
0x1e: {  	s7 =	smul.u32 @!p0 $0xF7A, s2;
	p2 =	seq.s32 @!p0 s5, $0x0  }
0x1f: {  	s9 =	smul.u32 $0xF7A, s1;
	s8 =	simm.s32 @!p0 $0x1BF5;
	p2 =	por !p2, p0  }
0x20: {  	[sflag:s8] =	ssyncset.s32 @!p0 $0xFFFFF086;
	s6 =	sadd.s32 @!p0 s3, s7;
	s7 =	simm.s32 @!p0 $0x108  }
0x21: {  	s3 =	sadd.s32 s3, s9;
	s6 =	sadd.s32 @!p0 $0x88, s6;
	s7 =	simm.s32 @p2 $0x1082  }
0x22: {  	[simem:s7], [sflag:s8] =	dma.local @!p0 [hbm:s6], $0xF7A  }
0x23: {  	s9 =	sor.u32 $0xD0000000, s2;
	s6 =	simm.s32 $0x108;
	_ =	swait.ge @!p0 [sflag:s8], $0x0  }
0x24: {  	s3 =	sadd.s32 $0x88, s3;
	s6 =	simm.s32 @!p1 $0x1082;
	[sflag:s4] =	ssyncset.s32 $0xFFFFF086  }
0x25: {  	[simem:s6], [sflag:s4] =	dma.local [hbm:s3], $0xF7A  }
0x26: {  	[smem:$0x3F9D] =	sst s1;
	(tag) =	ssettag s2;
	_ =	strace s9  }
0x27: {  	s1 =	sld [smem:$0x3FAD]  }
0x28: {  	s2 =	sld [smem:$0x3FAE]  }
0x29: {  	s4 =	sld [smem:$0x3FB0]  }
0x2a: {  	p0 =	seq.s32 s5, $0x0;
	s5 =	sld [smem:$0x3FB1]  }
0x2b: {  	s6 =	sld [smem:$0x3FB2]  }
0x2c: {  	s7 =	sld [smem:$0x3FB3]  }
0x2d: {  	s3 =	simm.s32 $0x108;
	s8 =	sld [smem:$0x3FB4]  }
0x2e: {  	s3 =	simm.s32 @!p0 $0x1082;
	s9 =	sld [smem:$0x3FB5]  }
0x2f: {  	lr =	sadd.s32 s0, s3;
	s0 =	sld [smem:$0x3FAC]  }
0x30: {  	s3 =	sld [smem:$0x3FAF]  }
0x31: {  	[smem:$0x3FB8] =	sst s10  }
0x32: {  	s10 =	sld [smem:$0x3FB6];
	_ =	sdelay $0x3  }
0x33: {  	p0 =	seq.s32 s10, $0x1;
	s10 =	sld [smem:$0x3FB8];
	_ =	sdelay $0x3  }
0x34: {  	[smem:$0x3FB8] =	sst s10  }
0x35: {  	s10 =	sld [smem:$0x3FB7];
	_ =	sdelay $0x3  }
0x36: {  	p1 =	seq.s32 s10, $0x1;
	s10 =	sld [smem:$0x3FB8];
	_ =	sdelay $0x3  }
0x37: {  	[smem:$0x3FB8] =	sst s10  }
0x38: {  	s10 =	sld [smem:$0x3FB9]  }
0x39: {  	_ = 	snop;
	(pc) =	sbr.ind lr, $3  }
0x3a: {  	_ = 	snop  }
0x3b: {  	_ = 	snop  }
0x3c: {  	p2 =	seq.s32 s10, $0x1;
	s10 =	sld [smem:$0x3FB8]  }
0x3d: {  	_ =	shalt  }
0x3e: {  	_ =	shalt  }
0x3f: {  	_ =	shalt  }
0x40: {  	_ =	shalt  }
0x41: {  	_ =	shalt  }
0x42: {  	_ =	shalt  }
0x43: {  	_ =	shalt  }
0x44: {  	_ =	shalt  }
0x45: {  	_ =	shalt  }
0x46: {  	_ =	shalt  }
0x47: {  	_ =	shalt  }
0x48: {  	_ =	shalt  }
0x49: {  	_ =	shalt  }
0x4a: {  	_ =	shalt  }
0x4b: {  	_ =	shalt  }
0x4c: {  	_ =	shalt  }
0x4d: {  	_ =	shalt  }
0x4e: {  	_ =	shalt  }
0x4f: {  	_ =	shalt  }
0x50: {  	_ =	shalt  }
0x51: {  	_ =	shalt  }
0x52: {  	_ =	shalt  }
0x53: {  	_ =	shalt  }
0x54: {  	_ =	shalt  }
0x55: {  	_ =	shalt  }
0x56: {  	_ =	shalt  }
0x57: {  	_ =	shalt  }
0x58: {  	_ =	shalt  }
0x59: {  	_ =	shalt  }
0x5a: {  	_ =	shalt  }
0x5b: {  	_ =	shalt  }
0x5c: {  	_ =	shalt  }
0x5d: {  	_ =	shalt  }
0x5e: {  	_ =	shalt  }
0x5f: {  	_ =	shalt  }
0x60: {  	_ =	shalt  }
0x61: {  	_ =	shalt  }
0x62: {  	_ =	shalt  }
0x63: {  	_ =	shalt  }
0x64: {  	_ =	shalt  }
0x65: {  	_ =	shalt  }
0x66: {  	_ =	shalt  }
0x67: {  	_ =	shalt  }
0x68: {  	_ =	shalt  }
0x69: {  	_ =	shalt  }
0x6a: {  	_ =	shalt  }
0x6b: {  	_ =	shalt  }
0x6c: {  	_ =	shalt  }
0x6d: {  	_ =	shalt  }
0x6e: {  	_ =	shalt  }
0x6f: {  	_ =	shalt  }
0x70: {  	_ =	shalt  }
0x71: {  	_ =	shalt  }
0x72: {  	_ =	shalt  }
0x73: {  	_ =	shalt  }
0x74: {  	_ =	shalt  }
0x75: {  	_ =	shalt  }
0x76: {  	_ =	shalt  }
0x77: {  	_ =	shalt  }
0x78: {  	_ =	shalt  }
0x79: {  	_ =	shalt  }
0x7a: {  	_ =	shalt  }
0x7b: {  	_ =	shalt  }
0x7c: {  	_ =	shalt  }
0x7d: {  	_ =	shalt  }
0x7e: {  	_ =	shalt  }
0x7f: {  	_ =	shalt  }
0x80: {  	_ =	shalt  }
0x81: {  	_ =	shalt  }
0x82: {  	_ =	shalt  }
0x83: {  	_ =	shalt  }
0x84: {  	_ =	shalt  }
0x85: {  	_ =	shalt  }
0x86: {  	_ =	shalt  }
0x87: {  	_ =	shalt  }
.Lfunc_end0:
.L_simem_size_0:
called_computation_lowered:
.L_overlay_start_0:
0x88: {  	s2 =	sld [smem:$0x3FD9]  }
0x89: {  	s3 =	sld [smem:$0x3FFE];
	_ =	sdelay $0x1  }
0x8a: {  	s1 =	srdreg.scid  }
0x8b: {  	s0 =	sand.u32 $0x1, s1  }
0x8c: {  	s17 =	sshll.u32 s0, $0xA;
	s2 =	sadd.s32 s3, s2  }
0x8d: {  	s2 =	sadd.s32 s2, s17  }
0x8e: {  	[smem:$0x3FC4] =	sst s2  }
0x8f: {  	_ = 	snop  }
0x90: {  	s2 =	sld [smem:$0x3FC9]  }
0x91: {  	s18 =	sld [smem:$0x3FC8]  }
0x92: {  	s4 =	sld [smem:$0x3FC7]  }
0x93: {  	s5 =	sld [smem:$0x3FC6]  }
0x94: {  	s6 =	sld [smem:$0x3FD0];
	(tm) =	ssettm $0x1  }
0x95: {  	s7 =	sld [smem:$0x3FFB];
	_ =	sdelay $0x3  }
0x96: {  	_ =	strace s7  }
0x97: {  	s7 =	sld [smem:$0x3FFC];
	_ =	sdelay $0x3  }
0x98: {  	_ =	strace s7  }
0x99: {  	s7 =	sld [smem:$0x3FFD];
	_ =	sdelay $0x3  }
0x9a: {  	_ =	strace s7  }
0x9b: {  	_ =	strace $0x8FFFFFFF  }
0x9c: {  	s19 =	sld [smem:$0x3FDB];
	_ =	sdelay $0x1  }
0x9d: {  	s8 =	simm.s32 $_scs_section_size  }
0x9e: {  	s9 =	simm.s32 $_size__tile_overlayer_lowered;
	s10 =	simm.s32 $_tile_overlayer_lowered  }
0x9f: {  	s22 =	simm.s32 $0x1BFF;
	s21 =	sshll.u32 s10, $0x1;
	s7 =	sadd.s32 s8, s19  }
0xa0: {  	s11 =	simm.s32 $0x0;
	s20 =	sshll.u32 s9, $0x1;
	s9 =	sadd.s32 s21, s7  }
0xa1: {  	[timem:s11], [sflag:s22] =	dma.local [hbm:s9], s20  }
0xa2: {  	_ =	swait.ge [sflag:s22], s20  }
0xa3: {  	s8 =	ssub.s32 $0x0, s20;
	[sflag:s22] =	ssyncset.done $0x0  }
0xa4: {  	[sflag:s22] =	ssyncadd.s32 s8;
	_ =	sdelay $0x1  }
0xa5: {  	s23 =	simm.s32 $0x1B8B  }
0xa6: {  	_ =	swait.ge [sflag:s23], $0x1  }
0xa7: {  	[sflag:s23] =	ssyncset.done $0x0  }
0xa8: {  	s25 =	simm.s32 $0x1B8E;
	s24 =	sld [smem:$0x3FFE];
	[sflag:s23] =	ssyncadd.s32 $0xFFFFFFFF  }
0xa9: {  	s26 =	simm.s32 $execute0_lowered;
	[smem:$0x3FD2] =	sst s25  }
0xaa: {  	s9 =	sshll.u32 s26, $0x1;
	_ =	strace $0x80000046;
	[dreg:$0x1] =	wrdreg $0xFFFFFFFF  }
0xab: {  	s28 =	simm.s32 $_size_execute0_lowered;
	s7 =	sadd.s32 s7, s9;
	[dreg:$0x0] =	wrdreg $0x0  }
0xac: {  	s9 =	sshll.u32 s28, $0x1;
	[dreg:$0x2] =	wrdreg s7  }
0xad: {  	[dreg:$0x3] =	wrdreg s9  }
0xae: {  	[dreg:$0x4] =	wrdreg $0xC0  }
0xaf: {  	_ =	task [dreg:s11], $0x5FFFF  }
0xb0: {  	[dreg:$0x1] =	wrdreg $0xFFFFFFFF  }
0xb1: {  	[dreg:$0x0] =	wrdreg $0x60  }
0xb2: {  	[dreg:$0x2] =	wrdreg s18  }
0xb3: {  	[dreg:$0x3] =	wrdreg s2  }
0xb4: {  	[dreg:$0x4] =	wrdreg s24  }
0xb5: {  	[dreg:$0x5] =	wrdreg s4  }
0xb6: {  	[dreg:$0x6] =	wrdreg s5  }
0xb7: {  	[dreg:$0x7] =	wrdreg s6  }
0xb8: {  	[dreg:$0x8] =	wrdreg $0x9  }
0xb9: {  	_ =	task.clear_ibuf [dreg:s11], $0x9FFFF;
	_ =	strace $0x90000046  }
0xba: {  	s29 =	simm.s32 $0x9;
	_ =	strace $0x80000048  }
0xbb: {  	_ =	swait.ge [sflag:s29], $0x1  }
0xbc: {  	[sflag:s29] =	ssyncadd.s32 $0xFFFFFFFF  }
0xbd: {  	_ =	strace $0x90000048  }
0xbe: {  	_ =	sfence  }
0xbf: {  	s30 =	sld [smem:$0x0];
	_ =	sdelay $0x2  }
0xc0: {  	s31 =	sshll.u32 s1, $0xD;
	s1 =	sshrl.u32 s1, $0x2  }
0xc1: {  	s3 =	sand.u32 $0x4000, s31;
	s1 =	sadd.s32 s1, s30  }
0xc2: {  	s0 =	sor.u32 s3, s0;
	s1 =	sshll.u32 s1, $0x11  }
0xc3: {  	s0 =	sor.u32 s1, s0  }
0xc4: {  	s0 =	sadd.s32 $0x8F2B, s0  }
0xc5: {  	[sflag:s0] =	ssyncadd.remote.s32 $0x1  }
0xc6: {  	_ =	sfence.sel $0xFFFF  }
0xc7: {  	[dreg:$0x0] =	wrdreg $0xFFFFFFFF;
	(pc) =	sbr.abs _section_cstart, $3  }
0xc8: {  	[dreg:$0x1] =	wrdreg $0xFFFFFFFF  }
0xc9: {  	_ =	task.clear_ibuf [dreg:s11], $0x2FFFF;
	_ =	strace $0x9FFFFFFF  }
0xca: {  	(tm) =	ssettm $0x7FFFFFFF  }
0xcb: {  	_ =	shalt  }
tec
execute0_lowered:
.L_overlay_start_1:
0x0: {  	(tag) =	ssettag $0x1  }
0x1: {  	s0 =	rddreg [dreg:$0x0]  }
0x2: {  	s1 =	rddreg [dreg:$0x1]  }
0x3: {  	s2 =	rddreg [dreg:$0x2]  }
0x4: {  	s5 =	rddreg [dreg:$0x5]  }
0x5: {  	s3 =	srdreg.scid;
	s4 =	stileid.u32;
	s6 =	simm.s32 $0x0  }
0x6: {  	s24 =	simm.s32 $0x4200;
	s18 =	simm.s32 $0x9200;
	s20 =	simm.s32 $0x9A00  }
0x7: {  	s21 =	simm.s32 $0xA200;
	s22 =	simm.s32 $0xAA00;
	s23 =	simm.s32 $0xB200  }
0x8: {  	s25 =	simm.s32 $0xBA00;
	s3 =	sand.u32 $0x1, s3;
	s4 =	sshll.u32 s4, $0x8  }
0x9: {  	[smem:$0x7FF] =	sst s6;
	s8 =	sadd.s32 $0x400, s2;
	s7 =	sshll.u32 s3, $0x7  }
0xa: {  	s13 =	sadd.s32 $0x100, s0;
	s3 =	ssub.s32 $0x2, s3;
	s7 =	sor.u32 s7, s4  }
0xb: {  	s14 =	sadd.s32 $0x200, s0;
	s26 =	sshrl.u32 s3, $0x1;
	s4 =	sshrl.u32 s7, $0x1  }
0xc: {  	s15 =	sadd.s32 $0x300, s0;
	s28 =	ssub.s32 s3, s26;
	s4 =	sadd.s32 s1, s4  }
0xd: {  	v0 =	vlaneseq.u32;
	_ =	strace $0x80000047;
	s1 =	smax.u32 s28, $0x1;
	[dreg:$0x7] =	wrdreg s4  }
0xe: {  	s16 =	sadd.s32 $0x80000, s5;
	v1 =	vand.u32 $0x7, v0;
	v2 =	vshrl.u32 v0, $0x3;
	s29 =	sadd.s32 $0x10, s4;
	[dreg:$0xb] =	wrdreg s1  }
0xf: {  	s2 =	simm.s32 $0x8200;
	v0 =	vor.u32 $0x8, v0;
	[tilespmem:$0x1FFD0] =	vst v1;
	v63 =	vmul.u32 $0x8, v2;
	s30 =	sadd.s32 $0x20, s4;
	[dreg:$0x8] =	wrdreg s29  }
0x10: {  	s5 =	simm.s32 $0x0;
	[tilespmem:$0x1FFF0] =	vst v0;
	s31 =	sadd.s32 $0x30, s4;
	[dreg:$0x9] =	wrdreg s30  }
0x11: {  	vm0 =	vmmov $0xffff;
	s3 =	simm.s32 $0x1;
	s26 =	simm.s32 $0x2;
	[tilespmem:$0x1FFE0] =	vst v63;
	[dreg:$0xa] =	wrdreg s31  }
.LBB2_1:
0x12: {  	s1 =	rddreg [dreg:$0x3];
	s4 =	simm.s32 $0xC200  }
0x13: {  	[tilespmem:s4], [sflag:$0x5] =	stream.linear.gather [hbm4b:s1+s6], $0x400, $0x38;
	[tilespmem:$0xCA00] =	vst v63  }
0x14: {  	[dreg:$0xc] =	wrdreg s5;
	s4 =	simm.s32 $0x5  }
0x15: {  	_ =	swait.ge [sflag:s4], $0x400  }
0x16: {  	[sflag:s4] =	ssyncset.done $0x0  }
0x17: {  	[sflag:s4] =	ssyncadd.s32 $0xFFFFFC00  }
0x18: {  	s12 =	simm.s32 $0xC600;
	s11 =	rddreg [dreg:$0x4]  }
0x19: {  	[tilespmem:s12], [sflag:$0x5] =	stream.linear.gather [hbm4b:s11+s6], $0x400, $0x38;
	[tilespmem:$0xCA00] =	vst v63  }
0x1a: {  	_ =	swait.ge [sflag:s4], $0x400  }
0x1b: {  	[sflag:s4] =	ssyncset.done $0x0  }
0x1c: {  	s17 =	rddreg [dreg:$0x7];
	[sflag:s4] =	ssyncadd.s32 $0xFFFFFC00  }
0x1d: {  	[tilespmem:s6], [sflag:$0x5] =	stream.linear.gather [hbm4b:s17+s6], $0x80, $0x38;
	[tilespmem:$0xCA00] =	vst v63  }
0x1e: {  	_ =	swait.ge [sflag:s4], $0x80  }
0x1f: {  	[sflag:s4] =	ssyncset.done $0x0  }
0x20: {  	s28 =	simm.s32 $0x80;
	s19 =	rddreg [dreg:$0x8];
	[sflag:s4] =	ssyncadd.s32 $0xFFFFFF80  }
0x21: {  	[tilespmem:s28], [sflag:$0x5] =	stream.linear.gather [hbm4b:s19+s6], $0x80, $0x38;
	[tilespmem:$0xCA00] =	vst v63  }
0x22: {  	_ =	swait.ge [sflag:s4], $0x80  }
0x23: {  	[sflag:s4] =	ssyncset.done $0x0  }
0x24: {  	s30 =	simm.s32 $0x100;
	s29 =	rddreg [dreg:$0x9];
	[sflag:s4] =	ssyncadd.s32 $0xFFFFFF80  }
0x25: {  	[tilespmem:s30], [sflag:$0x5] =	stream.linear.gather [hbm4b:s29+s6], $0x80, $0x38;
	[tilespmem:$0xCA00] =	vst v63  }
0x26: {  	_ =	swait.ge [sflag:s4], $0x80  }
0x27: {  	[sflag:s4] =	ssyncset.done $0x0  }
0x28: {  	s10 =	simm.s32 $0x180;
	s9 =	rddreg [dreg:$0xa];
	[sflag:s4] =	ssyncadd.s32 $0xFFFFFF80  }
0x29: {  	[tilespmem:s10], [sflag:$0x5] =	stream.linear.gather [hbm4b:s9+s6], $0x80, $0x38;
	[tilespmem:$0xCA00] =	vst v63  }
0x2a: {  	_ =	swait.ge [sflag:s4], $0x80  }
0x2b: {  	[sflag:s4] =	ssyncset.done $0x0  }
0x2c: {  	[sflag:s4] =	ssyncadd.s32 $0xFFFFFF80  }
0x2d: {  	v4 =	vld [tilespmem:$0x0];
	_ =	sdelay $0x2  }
0x2e: {  	v0 =	vld [tilespmem:$0x1FFD0];
	_ =	sdelay $0x1  }
0x2f: {  	v63 =	vld [tilespmem:$0x1FFE0];
	v5 =	vshll.u32 v4, $0x3  }
0x30: {  	v4 =	vand.u32 $0x7, v4;
	v5 =	vand.u32 $0xFFFFFFC0, v5  }
0x31: {  	v4 =	vor.u32 v4, v5  }
0x32: {  	v5 =	vperm.xlane v4, v0;
	_ =	sdelay $0x1  }
0x33: {  	v5 =	vadd.s32 v63, v5  }
0x34: {  	v1 =	vld [tilespmem:$0x1FFF0];
	_ =	sdelay $0x3  }
0x35: {  	[tilespmem:s24], [sflag:$0x1] =	stream.indirect_vreg.gather [hbm4b:s0+s6], $0x80, v5, vm0, $0xb8;
	[tilespmem:$0xCA00] =	vst v63  }
0x36: {  	s11 =	simm.s32 $0x4A00;
	v4 =	vperm.xlane v4, v1  }
0x37: {  	[tilespmem:s11], [sflag:$0x1] =	stream.indirect_vreg.gather [hbm4b:s13+s6], $0x80, v5, vm0, $0xb8;
	[tilespmem:$0xCA00] =	vst v63  }
0x38: {  	s12 =	simm.s32 $0x5200;
	v4 =	vadd.s32 v63, v4  }
0x39: {  	[tilespmem:s12], [sflag:$0x1] =	stream.indirect_vreg.gather [hbm4b:s14+s6], $0x80, v5, vm0, $0xb8;
	[tilespmem:$0xCA00] =	vst v63  }
0x3a: {  	s17 =	simm.s32 $0x5A00  }
0x3b: {  	[tilespmem:s17], [sflag:$0x1] =	stream.indirect_vreg.gather [hbm4b:s15+s6], $0x80, v5, vm0, $0xb8;
	[tilespmem:$0xCA00] =	vst v63  }
0x3c: {  	s19 =	simm.s32 $0x6200  }
0x3d: {  	[tilespmem:s19], [sflag:$0x1] =	stream.indirect_vreg.gather [hbm4b:s0+s6], $0x80, v4, vm0, $0xb8;
	[tilespmem:$0xCA00] =	vst v63  }
0x3e: {  	s28 =	simm.s32 $0x6A00  }
0x3f: {  	[tilespmem:s28], [sflag:$0x1] =	stream.indirect_vreg.gather [hbm4b:s13+s6], $0x80, v4, vm0, $0xb8;
	[tilespmem:$0xCA00] =	vst v63  }
0x40: {  	s29 =	simm.s32 $0x7200  }
0x41: {  	[tilespmem:s29], [sflag:$0x1] =	stream.indirect_vreg.gather [hbm4b:s14+s6], $0x80, v4, vm0, $0xb8;
	[tilespmem:$0xCA00] =	vst v63  }
0x42: {  	s31 =	simm.s32 $0x0;
	s30 =	simm.s32 $0x7A00  }
0x43: {  	[tilespmem:s30], [sflag:$0x1] =	stream.indirect_vreg.gather [hbm4b:s15+s6], $0x80, v4, vm0, $0xb8;
	[tilespmem:$0xCA00] =	vst v63  }
.LBB2_2:
0x44: {  	s1 =	sshll.u32 s31, $0x1;
	s9 =	sshll.u32 s31, $0x3  }
0x45: {  	_ =	swait.ge [sflag:s3], $0x4000;
	s10 =	sand.u32 $0x2, s1;
	s9 =	sand.u32 $0x70, s9  }
0x46: {  	[sflag:s3] =	ssyncset.done $0x0;
	s11 =	sor.u32 s7, s9;
	p0 =	sne.s32 s10, $0x0  }
0x47: {  	[sflag:s3] =	ssyncadd.s32 $0xFFFFC000;
	s12 =	sshll.u32 @!p0 s11, $0x7  }
0x48: {  	s17 =	simm.s32 @!p0 $0x0;
	s19 =	simm.s32 @!p0 $0x200;
	s12 =	sadd.s32 @!p0 s8, s12  }
0x49: {  	[tilespmem:s19], [sflag:$0x5] =	stream.linear.gather @!p0 [hbm4b:s12+s17], $0x4000, $0x38;
	[tilespmem:$0xCA00] =	vst v63  }
0x4a: {  	s12 =	simm.s32 @!p0 $0x5  }
0x4b: {  	_ =	swait.ge @!p0 [sflag:s12], $0x4000  }
0x4c: {  	p1 =	seq.s32 s31, $0x0;
	[sflag:s12] =	ssyncset.done @!p0 $0x0  }
0x4d: {  	[sflag:s12] =	ssyncadd.s32 @!p0 $0xFFFFC000;
	s12 =	simm.s32 @!p1 $0x4  }
0x4e: {  	_ =	swait.ge @!p1 [sflag:s12], $0x4000  }
0x4f: {  	s30 =	sshll.u32 s10, $0x7;
	[sflag:s12] =	ssyncset.done @!p1 $0x0  }
0x50: {  	s9 =	sor.u32 s9, s30;
	[sflag:s12] =	ssyncadd.s32 @!p1 $0xFFFFC000  }
0x51: {  	v4 =	vld [tilespmem:s9+$0x80];
	_ =	sdelay $0x2  }
0x52: {  	v0 =	vld [tilespmem:$0x1FFD0];
	_ =	sdelay $0x1  }
0x53: {  	v5 =	vshll.u32 v4, $0x3  }
0x54: {  	v4 =	vand.u32 $0x7, v4;
	v5 =	vand.u32 $0xFFFFFFC0, v5  }
0x55: {  	v4 =	vor.u32 v4, v5  }
0x56: {  	v5 =	vperm.xlane v4, v0;
	v0 =	vld [tilespmem:$0x1FFE0];
	_ =	sdelay $0x4  }
0x57: {  	v5 =	vadd.s32 v0, v5  }
0x58: {  	v1 =	vld [tilespmem:$0x1FFF0];
	_ =	sdelay $0x2  }
0x59: {  	s12 =	simm.s32 $0x0  }
0x5a: {  	[tilespmem:s2], [sflag:$0x2] =	stream.indirect_vreg.gather [hbm4b:s0+s12], $0x80, v5, vm0, $0xb8;
	[tilespmem:$0xCA00] =	vst v63  }
0x5b: {  	s4 =	simm.s32 $0x8A00;
	v4 =	vperm.xlane v4, v1  }
0x5c: {  	[tilespmem:s4], [sflag:$0x2] =	stream.indirect_vreg.gather [hbm4b:s13+s12], $0x80, v5, vm0, $0xb8;
	[tilespmem:$0xCA00] =	vst v63  }
0x5d: {  	v4 =	vadd.s32 v0, v4  }
0x5e: {  	[tilespmem:s18], [sflag:$0x2] =	stream.indirect_vreg.gather [hbm4b:s14+s12], $0x80, v5, vm0, $0xb8;
	[tilespmem:$0xCA00] =	vst v63  }
0x5f: {  	_ = 	snop  }
0x60: {  	[tilespmem:s20], [sflag:$0x2] =	stream.indirect_vreg.gather [hbm4b:s15+s12], $0x80, v5, vm0, $0xb8;
	[tilespmem:$0xCA00] =	vst v63  }
0x61: {  	_ = 	snop  }
0x62: {  	[tilespmem:s21], [sflag:$0x2] =	stream.indirect_vreg.gather [hbm4b:s0+s12], $0x80, v4, vm0, $0xb8;
	[tilespmem:$0xCA00] =	vst v63  }
0x63: {  	_ = 	snop  }
0x64: {  	[tilespmem:s22], [sflag:$0x2] =	stream.indirect_vreg.gather [hbm4b:s13+s12], $0x80, v4, vm0, $0xb8;
	[tilespmem:$0xCA00] =	vst v63  }
0x65: {  	_ = 	snop  }
0x66: {  	[tilespmem:s23], [sflag:$0x2] =	stream.indirect_vreg.gather [hbm4b:s14+s12], $0x80, v4, vm0, $0xb8;
	[tilespmem:$0xCA00] =	vst v63  }
0x67: {  	s28 =	simm.s32 $0x0;
	s17 =	simm.s32 $0x0;
	s9 =	simm.s32 $0x0  }
0x68: {  	v2 =	vimm.f32 $0.0e+00;
	v1 =	vimm.f32 $0.0e+00;
	[tilespmem:s25], [sflag:$0x2] =	stream.indirect_vreg.gather [hbm4b:s15+s12], $0x80, v4, vm0, $0xb8;
	[tilespmem:$0xCA00] =	vst v63  }
.LBB2_3:
0x69: {  	s19 =	sand.u32 $0x2000, s17;
	s29 =	sand.u32 $0x380, s9  }
0x6a: {  	s29 =	sor.u32 s29, s19  }
0x6b: {  	v6 =	vld [tilespmem:s29+$0x4200]  }
0x6c: {  	v7 =	vld [tilespmem:s29+$0x200]  }
0x6d: {  	v8 =	vld [tilespmem:s29+$0x4210]  }
0x6e: {  	v9 =	vld [tilespmem:s29+$0x210]  }
0x6f: {  	v10 =	vld [tilespmem:s29+$0x4220]  }
0x70: {  	v11 =	vld [tilespmem:s29+$0x220]  }
0x71: {  	v12 =	vld [tilespmem:s29+$0x4230]  }
0x72: {  	v13 =	vld [tilespmem:s29+$0x230]  }
0x73: {  	v14 =	vld [tilespmem:s29+$0x4240]  }
0x74: {  	v15 =	vld [tilespmem:s29+$0x240]  }
0x75: {  	v16 =	vld [tilespmem:s29+$0x4250]  }
0x76: {  	v17 =	vld [tilespmem:s29+$0x250]  }
0x77: {  	v18 =	vld [tilespmem:s29+$0x4260]  }
0x78: {  	v19 =	vld [tilespmem:s29+$0x260]  }
0x79: {  	v20 =	vld [tilespmem:s29+$0x4270]  }
0x7a: {  	v21 =	vld [tilespmem:s29+$0x270]  }
0x7b: {  	v22 =	vld [tilespmem:s29+$0x4600]  }
0x7c: {  	v23 =	vld [tilespmem:s29+$0x600]  }
0x7d: {  	v24 =	vld [tilespmem:s29+$0x4610]  }
0x7e: {  	v25 =	vld [tilespmem:s29+$0x610]  }
0x7f: {  	v26 =	vld [tilespmem:s29+$0x4620]  }
0x80: {  	v27 =	vld [tilespmem:s29+$0x620]  }
0x81: {  	v28 =	vld [tilespmem:s29+$0x4630]  }
0x82: {  	v29 =	vld [tilespmem:s29+$0x630]  }
0x83: {  	v30 =	vld [tilespmem:s29+$0x4640]  }
0x84: {  	v31 =	vld [tilespmem:s29+$0x640]  }
0x85: {  	v32 =	vld [tilespmem:s29+$0x4650]  }
0x86: {  	v33 =	vld [tilespmem:s29+$0x650]  }
0x87: {  	v34 =	vld [tilespmem:s29+$0x4660]  }
0x88: {  	v35 =	vld [tilespmem:s29+$0x660]  }
0x89: {  	v36 =	vld [tilespmem:s29+$0x4670]  }
0x8a: {  	v37 =	vld [tilespmem:s29+$0x670]  }
0x8b: {  	v38 =	vld [tilespmem:s29+$0x4A00]  }
0x8c: {  	v39 =	vld [tilespmem:s29+$0xA00]  }
0x8d: {  	v40 =	vld [tilespmem:s29+$0x4A10]  }
0x8e: {  	v41 =	vld [tilespmem:s29+$0xA10]  }
0x8f: {  	v42 =	vld [tilespmem:s29+$0x4A20]  }
0x90: {  	v44 =	vld [tilespmem:s29+$0xA20]  }
0x91: {  	v45 =	vld [tilespmem:s29+$0x4A30]  }
0x92: {  	v63 =	vld [tilespmem:s29+$0xA30]  }
0x93: {  	v3 =	vld [tilespmem:s29+$0xA40]  }
0x94: {  	[tilespmem:$0x1FFB0] =	vst v2;
	v2 =	vld [tilespmem:s29+$0x4A50]  }
0x95: {  	v0 =	vld [tilespmem:s29+$0xA50]  }
0x96: {  	v4 =	vld [tilespmem:s29+$0x4A60]  }
0x97: {  	v5 =	vld [tilespmem:s29+$0xA60]  }
0x98: {  	v43 =	vld [tilespmem:s29+$0x4A70]  }
0x99: {  	v48 =	vld [tilespmem:s29+$0xA70]  }
0x9a: {  	v49 =	vld [tilespmem:s29+$0x4E00]  }
0x9b: {  	v50 =	vld [tilespmem:s29+$0xE00]  }
0x9c: {  	v51 =	vld [tilespmem:s29+$0x4E10]  }
0x9d: {  	v52 =	vld [tilespmem:s29+$0xE10]  }
0x9e: {  	v53 =	vld [tilespmem:s29+$0x4E20]  }
0x9f: {  	v54 =	vld [tilespmem:s29+$0xE20]  }
0xa0: {  	v55 =	vld [tilespmem:s29+$0x4E30]  }
0xa1: {  	v56 =	vld [tilespmem:s29+$0xE30]  }
0xa2: {  	v57 =	vld [tilespmem:s29+$0x4E40]  }
0xa3: {  	v58 =	vld [tilespmem:s29+$0xE40]  }
0xa4: {  	v59 =	vld [tilespmem:s29+$0x4E50]  }
0xa5: {  	v60 =	vld [tilespmem:s29+$0xE50]  }
0xa6: {  	v61 =	vld [tilespmem:s29+$0x4E60]  }
0xa7: {  	v62 =	vld [tilespmem:s29+$0xE60]  }
0xa8: {  	[tilespmem:$0x1FFC0] =	vst v1;
	v1 =	vld [tilespmem:s29+$0x4A40]  }
0xa9: {  	[tilespmem:$0x1FF40] =	vst v59;
	v59 =	vadd.f32 v9, v8;
	v9 =	vld [tilespmem:s29+$0x4E70]  }
0xaa: {  	[tilespmem:$0x1FF50] =	vst v60;
	v60 =	vadd.f32 v11, v10;
	v11 =	vld [tilespmem:s29+$0xE70]  }
0xab: {  	[tilespmem:$0x1FE80] =	vst v43;
	v43 =	vadd.f32 v13, v12;
	v13 =	vld [tilespmem:s29+$0x5200]  }
0xac: {  	v10 =	vld [tilespmem:s29+$0x1200]  }
0xad: {  	[tilespmem:$0x1FE90] =	vst v48;
	v12 =	vld [tilespmem:s29+$0x1210]  }
0xae: {  	[tilespmem:$0x1FF70] =	vst v62;
	v62 =	vadd.f32 v15, v14;
	v14 =	vld [tilespmem:s29+$0x1220]  }
0xaf: {  	[tilespmem:$0x1FEA0] =	vst v49;
	v48 =	vadd.f32 v39, v38;
	v39 =	vadd.f32 v0, v2;
	v0 =	vld [tilespmem:$0x1FE80]  }
0xb0: {  	[tilespmem:$0x1FEB0] =	vst v50;
	v44 =	vadd.f32 v44, v42;
	v42 =	vadd.f32 v3, v1;
	v1 =	vld [tilespmem:$0x1FE90]  }
0xb1: {  	[tilespmem:$0x1FF20] =	vst v57;
	v57 =	vadd.f32 v25, v24;
	v25 =	vld [tilespmem:s29+$0x5230]  }
0xb2: {  	[tilespmem:$0x1FF60] =	vst v61;
	v61 =	vadd.f32 v17, v16;
	v16 =	vld [tilespmem:s29+$0x1230]  }
0xb3: {  	[tilespmem:$0x1FEF0] =	vst v54;
	v54 =	vadd.f32 v27, v26;
	v27 =	vld [tilespmem:s29+$0x5240]  }
0xb4: {  	[tilespmem:$0x1FED0] =	vst v52;
	v52 =	vadd.f32 v19, v18;
	v18 =	vld [tilespmem:s29+$0x1240]  }
0xb5: {  	[tilespmem:$0x1FEC0] =	vst v51;
	v46 =	vadd.f32 v35, v34;
	v35 =	vadd.f32 v1, v0;
	v0 =	vld [tilespmem:$0x1FEA0]  }
0xb6: {  	[tilespmem:$0x1FEE0] =	vst v53;
	v1 =	vld [tilespmem:$0x1FEB0]  }
0xb7: {  	[tilespmem:$0x1FF00] =	vst v55;
	v19 =	vld [tilespmem:s29+$0x5250]  }
0xb8: {  	[tilespmem:$0x1FF30] =	vst v58;
	v58 =	vadd.f32 v7, v6;
	v53 =	vadd.f32 v21, v20;
	v20 =	vld [tilespmem:s29+$0x1250]  }
0xb9: {  	[tilespmem:$0x1FF10] =	vst v56;
	v21 =	vld [tilespmem:s29+$0x5260]  }
0xba: {  	v56 =	vadd.f32 v23, v22;
	v22 =	vld [tilespmem:s29+$0x1260];
	[tilespmem:s29+$0x4200] =	vst v58  }
0xbb: {  	v47 =	vadd.f32 v37, v36;
	[tilespmem:s29+$0x4210] =	vst v59;
	v36 =	vadd.f32 v1, v0;
	v0 =	vld [tilespmem:$0x1FEC0]  }
0xbc: {  	[tilespmem:s29+$0x4220] =	vst v60;
	v1 =	vld [tilespmem:$0x1FED0]  }
0xbd: {  	v23 =	vld [tilespmem:s29+$0x5270];
	[tilespmem:s29+$0x4230] =	vst v43  }
0xbe: {  	v24 =	vld [tilespmem:s29+$0x1270];
	[tilespmem:s29+$0x4240] =	vst v62  }
0xbf: {  	v45 =	vadd.f32 v63, v45;
	v63 =	vld [tilespmem:s29+$0x5600];
	[tilespmem:s29+$0x4250] =	vst v61  }
0xc0: {  	v8 =	vld [tilespmem:s29+$0x5610];
	[tilespmem:s29+$0x4260] =	vst v52  }
0xc1: {  	v49 =	vadd.f32 v41, v40;
	[tilespmem:s29+$0x4270] =	vst v53;
	v40 =	vadd.f32 v1, v0;
	v0 =	vld [tilespmem:$0x1FEE0]  }
0xc2: {  	[tilespmem:s29+$0x4600] =	vst v56;
	v1 =	vld [tilespmem:$0x1FEF0]  }
0xc3: {  	v55 =	vadd.f32 v29, v28;
	v6 =	vld [tilespmem:s29+$0x1610];
	[tilespmem:s29+$0x4610] =	vst v57  }
0xc4: {  	v51 =	vadd.f32 v31, v30;
	v7 =	vld [tilespmem:s29+$0x5620];
	[tilespmem:s29+$0x4620] =	vst v54  }
0xc5: {  	v50 =	vadd.f32 v33, v32;
	v34 =	vadd.f32 v5, v4;
	v4 =	vld [tilespmem:s29+$0x1620];
	[tilespmem:s29+$0x4630] =	vst v55  }
0xc6: {  	v5 =	vld [tilespmem:s29+$0x5630];
	[tilespmem:s29+$0x4640] =	vst v51  }
0xc7: {  	[tilespmem:s29+$0x4650] =	vst v50;
	v41 =	vadd.f32 v1, v0;
	v0 =	vld [tilespmem:$0x1FF00]  }
0xc8: {  	[tilespmem:s29+$0x4660] =	vst v46;
	v1 =	vld [tilespmem:$0x1FF10]  }
0xc9: {  	v15 =	vld [tilespmem:s29+$0x1630];
	[tilespmem:s29+$0x4670] =	vst v47  }
0xca: {  	v17 =	vld [tilespmem:s29+$0x5640];
	[tilespmem:s29+$0x4A00] =	vst v48  }
0xcb: {  	v2 =	vld [tilespmem:s29+$0x1640];
	[tilespmem:s29+$0x4A10] =	vst v49  }
0xcc: {  	[tilespmem:s29+$0x4A20] =	vst v44;
	v3 =	vld [tilespmem:s29+$0x5650]  }
0xcd: {  	[tilespmem:s29+$0x4A30] =	vst v45;
	v37 =	vadd.f32 v1, v0;
	v0 =	vld [tilespmem:$0x1FF20]  }
0xce: {  	[tilespmem:s29+$0x4A50] =	vst v39;
	v1 =	vld [tilespmem:$0x1FF30]  }
0xcf: {  	[tilespmem:$0x1FF90] =	vst v11;
	v11 =	vld [tilespmem:s29+$0x5210]  }
0xd0: {  	[tilespmem:$0x1FFA0] =	vst v13;
	v13 =	vld [tilespmem:s29+$0x5220]  }
0xd1: {  	[tilespmem:$0x1FF80] =	vst v9;
	v9 =	vld [tilespmem:s29+$0x1600]  }
0xd2: {  	[tilespmem:s29+$0x4A60] =	vst v34;
	v26 =	vadd.f32 v16, v25;
	v25 =	vadd.f32 v20, v19;
	v19 =	vld [tilespmem:s29+$0x5A10]  }
0xd3: {  	[tilespmem:s29+$0x4A40] =	vst v42;
	v27 =	vadd.f32 v18, v27;
	v38 =	vadd.f32 v1, v0;
	v0 =	vld [tilespmem:$0x1FF40]  }
0xd4: {  	[tilespmem:s29+$0x5230] =	vst v26;
	v1 =	vld [tilespmem:$0x1FF50]  }
0xd5: {  	v21 =	vadd.f32 v22, v21;
	v20 =	vld [tilespmem:s29+$0x1A10];
	[tilespmem:s29+$0x5240] =	vst v27  }
0xd6: {  	v16 =	vadd.f32 v24, v23;
	v22 =	vadd.f32 v4, v7;
	v7 =	vld [tilespmem:s29+$0x5A50];
	[tilespmem:s29+$0x5250] =	vst v25  }
0xd7: {  	v18 =	vadd.f32 v6, v8;
	v8 =	vld [tilespmem:s29+$0x1A50];
	[tilespmem:s29+$0x5260] =	vst v21  }
0xd8: {  	v31 =	vld [tilespmem:$0x1FFA0];
	[tilespmem:s29+$0x5270] =	vst v16  }
0xd9: {  	v23 =	vadd.f32 v15, v5;
	[tilespmem:s29+$0x5610] =	vst v18;
	v33 =	vadd.f32 v1, v0;
	v0 =	vld [tilespmem:$0x1FF60]  }
0xda: {  	v2 =	vadd.f32 v2, v17;
	[tilespmem:s29+$0x5620] =	vst v22;
	v1 =	vld [tilespmem:$0x1FF70]  }
0xdb: {  	v24 =	vld [tilespmem:s29+$0x5A20];
	[tilespmem:s29+$0x5630] =	vst v23  }
0xdc: {  	v6 =	vld [tilespmem:s29+$0x5A30];
	[tilespmem:s29+$0x5640] =	vst v2;
	v63 =	vadd.f32 v9, v63  }
0xdd: {  	v4 =	vld [tilespmem:s29+$0x1A30];
	[tilespmem:s29+$0x4A70] =	vst v35;
	v8 =	vadd.f32 v8, v7  }
0xde: {  	v30 =	vld [tilespmem:$0x1FF90];
	v29 =	vadd.f32 v10, v31;
	[tilespmem:s29+$0x5600] =	vst v63  }
0xdf: {  	v31 =	vadd.f32 v14, v13;
	[tilespmem:s29+$0x5A50] =	vst v8;
	v32 =	vadd.f32 v1, v0;
	v1 =	vld [tilespmem:$0x1FF80]  }
0xe0: {  	v10 =	vld [tilespmem:s29+$0x1660];
	[tilespmem:s29+$0x5200] =	vst v29  }
0xe1: {  	v13 =	vld [tilespmem:s29+$0x5A00];
	[tilespmem:s29+$0x5220] =	vst v31  }
0xe2: {  	v14 =	vld [tilespmem:s29+$0x1A00];
	[tilespmem:s29+$0x4E00] =	vst v36  }
0xe3: {  	[tilespmem:s29+$0x4E10] =	vst v40;
	v0 =	vld [tilespmem:s29+$0x1650]  }
0xe4: {  	[tilespmem:s29+$0x4E20] =	vst v41;
	v28 =	vadd.f32 v30, v1;
	v1 =	vld [tilespmem:s29+$0x5660]  }
0xe5: {  	[tilespmem:s29+$0x4E30] =	vst v37;
	v30 =	vadd.f32 v12, v11;
	v11 =	vld [tilespmem:s29+$0x5670]  }
0xe6: {  	[tilespmem:s29+$0x4E40] =	vst v38;
	v12 =	vld [tilespmem:s29+$0x1670]  }
0xe7: {  	v5 =	vld [tilespmem:s29+$0x5A40];
	[tilespmem:s29+$0x4E50] =	vst v33  }
0xe8: {  	v9 =	vld [tilespmem:s29+$0x1A20];
	[tilespmem:s29+$0x4E60] =	vst v32  }
0xe9: {  	v17 =	vld [tilespmem:s29+$0x1A60];
	v3 =	vadd.f32 v0, v3;
	[tilespmem:s29+$0x4E70] =	vst v28  }
0xea: {  	[tilespmem:s29+$0x5210] =	vst v30;
	v15 =	vadd.f32 v10, v1;
	v1 =	vld [tilespmem:s29+$0x5A60]  }
0xeb: {  	[tilespmem:s29+$0x5650] =	vst v3;
	v0 =	vadd.f32 v12, v11;
	v10 =	vadd.f32 v14, v13;
	v14 =	vld [tilespmem:s29+$0x5A70]  }
0xec: {  	v11 =	vadd.f32 v20, v19;
	v19 =	vld [tilespmem:s29+$0x1A70];
	[tilespmem:s29+$0x5660] =	vst v15  }
0xed: {  	v12 =	vadd.f32 v9, v24;
	v24 =	vld [tilespmem:s29+$0x1A40];
	[tilespmem:s29+$0x5670] =	vst v0  }
0xee: {  	[tilespmem:s29+$0x5A00] =	vst v10  }
0xef: {  	v13 =	vadd.f32 v4, v6;
	[tilespmem:s29+$0x5A10] =	vst v11  }
0xf0: {  	s30 =	sand.u32 $0x7, s12;
	[tilespmem:s29+$0x5A20] =	vst v12;
	v7 =	vadd.f32 v17, v1  }
0xf1: {  	s19 =	sshll.u32 s30, $0x7;
	[tilespmem:s29+$0x5A30] =	vst v13;
	v6 =	vadd.f32 v19, v14  }
0xf2: {  	s30 =	sadd.s32 s19, s17;
	v24 =	vadd.f32 v24, v5;
	[tilespmem:s29+$0x5A60] =	vst v7  }
0xf3: {  	s19 =	sor.u32 $0x1C00, s30;
	[tilespmem:s29+$0x5A70] =	vst v6  }
0xf4: {  	[tilespmem:s29+$0x5A40] =	vst v24;
	v1 =	vld [tilespmem:s19+$0x4200]  }
0xf5: {  	v20 =	vld [tilespmem:s19+$0x200];
	_ =	sdelay $0x1  }
0xf6: {  	v4 =	vadd.f32 $0.0e+00, v59;
	_ =	sdelay $0x1  }
0xf7: {  	v4 =	vadd.f32 v61, v4  }
0xf8: {  	v9 =	vadd.f32 v20, v1  }
0xf9: {  	v4 =	vadd.f32 v57, v4;
	v5 =	vadd.f32 $0.0e+00, v58  }
0xfa: {  	s4 =	sor.u32 $0x1C10, s30;
	v14 =	vmul.f32 v59, v59;
	v17 =	vadd.f32 $0.0e+00, v60;
	v59 =	vmul.f32 v61, v61;
	[tilespmem:s19+$0x4200] =	vst v9  }
0xfb: {  	v19 =	vmul.f32 v60, v60;
	v4 =	vadd.f32 v50, v4;
	v5 =	vadd.f32 v62, v5;
	v60 =	vld [tilespmem:s4+$0x4200]  }
0xfc: {  	v14 =	vadd.f32 v59, v14;
	v17 =	vadd.f32 v52, v17;
	v61 =	vld [tilespmem:s4+$0x200]  }
0xfd: {  	v59 =	vmul.f32 v53, v53;
	v4 =	vadd.f32 v49, v4;
	v5 =	vadd.f32 v56, v5  }
0xfe: {  	v1 =	vmul.f32 v58, v58;
	v20 =	vmul.f32 v62, v62;
	v58 =	vadd.f32 $0.0e+00, v43  }
0xff: {  	v17 =	vadd.f32 v54, v17;
	v4 =	vadd.f32 v39, v4;
	v43 =	vmul.f32 v43, v43  }
0x100: {  	v1 =	vadd.f32 v20, v1;
	v20 =	vmul.f32 v52, v52;
	v52 =	vadd.f32 v53, v58  }
0x101: {  	v53 =	vadd.f32 v59, v43;
	v43 =	vadd.f32 v61, v60  }
0x102: {  	v19 =	vadd.f32 v20, v19;
	v20 =	vmul.f32 v57, v57;
	v60 =	vmul.f32 v55, v55  }
0x103: {  	s5 =	sor.u32 $0x1C20, s30;
	v5 =	vadd.f32 v51, v5;
	v17 =	vadd.f32 v46, v17;
	[tilespmem:s4+$0x4200] =	vst v43  }
0x104: {  	v14 =	vadd.f32 v20, v14;
	v20 =	vadd.f32 v60, v53;
	v53 =	vld [tilespmem:s5+$0x4200]  }
0x105: {  	v4 =	vadd.f32 v40, v4;
	v58 =	vld [tilespmem:s5+$0x200]  }
0x106: {  	v5 =	vadd.f32 v48, v5;
	v17 =	vadd.f32 v44, v17  }
0x107: {  	v62 =	vmul.f32 v56, v56;
	v4 =	vadd.f32 v33, v4  }
0x108: {  	v5 =	vadd.f32 v42, v5;
	v17 =	vadd.f32 v34, v17  }
0x109: {  	v4 =	vadd.f32 v30, v4;
	v1 =	vadd.f32 v62, v1;
	v62 =	vmul.f32 v54, v54  }
0x10a: {  	v52 =	vadd.f32 v55, v52;
	v57 =	vmul.f32 v46, v46;
	v46 =	vadd.f32 v58, v53  }
0x10b: {  	v59 =	vmul.f32 v47, v47;
	v5 =	vadd.f32 v36, v5;
	v17 =	vadd.f32 v41, v17  }
0x10c: {  	s29 =	sor.u32 $0x1C30, s30;
	v54 =	vmul.f32 v39, v39;
	v4 =	vadd.f32 v25, v4;
	v19 =	vadd.f32 v62, v19;
	[tilespmem:s5+$0x4200] =	vst v46  }
0x10d: {  	v62 =	vmul.f32 v50, v50;
	v47 =	vadd.f32 v47, v52;
	v5 =	vadd.f32 v38, v5;
	v56 =	vld [tilespmem:s29+$0x4200]  }
0x10e: {  	v52 =	vmul.f32 v45, v45;
	v17 =	vadd.f32 v32, v17;
	v4 =	vadd.f32 v18, v4;
	v58 =	vld [tilespmem:s29+$0x200]  }
0x10f: {  	v61 =	vmul.f32 v51, v51;
	v14 =	vadd.f32 v62, v14;
	v19 =	vadd.f32 v57, v19  }
0x110: {  	v62 =	vmul.f32 v44, v44;
	v45 =	vadd.f32 v45, v47;
	v55 =	vmul.f32 v34, v34  }
0x111: {  	v57 =	vmul.f32 v35, v35;
	v47 =	vmul.f32 v32, v32;
	v5 =	vadd.f32 v29, v5  }
0x112: {  	v17 =	vadd.f32 v31, v17;
	v32 =	vmul.f32 v3, v3;
	v3 =	vadd.f32 v3, v4  }
0x113: {  	v20 =	vadd.f32 v59, v20;
	v59 =	vmul.f32 v36, v36;
	v36 =	vadd.f32 v58, v56  }
0x114: {  	v1 =	vadd.f32 v61, v1;
	v60 =	vmul.f32 v48, v48;
	v19 =	vadd.f32 v62, v19  }
0x115: {  	v61 =	vmul.f32 v49, v49;
	v35 =	vadd.f32 v35, v45;
	s4 =	sor.u32 $0x1C40, s30;
	v5 =	vadd.f32 v27, v5;
	[tilespmem:s29+$0x4200] =	vst v36  }
0x116: {  	v44 =	vmul.f32 v38, v38;
	v17 =	vadd.f32 v21, v17;
	v3 =	vadd.f32 v11, v3;
	v48 =	vld [tilespmem:s4+$0x4200]  }
0x117: {  	v51 =	vmul.f32 v29, v29;
	v1 =	vadd.f32 v60, v1;
	v14 =	vadd.f32 v61, v14;
	v50 =	vld [tilespmem:s4+$0x200]  }
0x118: {  	v19 =	vadd.f32 v55, v19;
	v61 =	vmul.f32 v41, v41;
	v41 =	vadd.f32 v37, v35  }
0x119: {  	v38 =	vmul.f32 v10, v10;
	v5 =	vadd.f32 v63, v5;
	v17 =	vadd.f32 v22, v17  }
0x11a: {  	v49 =	vmul.f32 v28, v28;
	v3 =	vadd.f32 v8, v3;
	v20 =	vadd.f32 v52, v20  }
0x11b: {  	v14 =	vadd.f32 v54, v14;
	v19 =	vadd.f32 v61, v19;
	v53 =	vmul.f32 v42, v42  }
0x11c: {  	v28 =	vadd.f32 v28, v41;
	v52 =	vmul.f32 v30, v30;
	v30 =	vadd.f32 v50, v48  }
0x11d: {  	v60 =	vmul.f32 v40, v40;
	v34 =	vadd.f32 v15, v17;
	v1 =	vadd.f32 v53, v1  }
0x11e: {  	v62 =	vmul.f32 v37, v37;
	v3 =	vadd.f32 v43, v3;
	v20 =	vadd.f32 v57, v20;
	s5 =	sor.u32 $0x1C50, s30;
	[tilespmem:s4+$0x4200] =	vst v30  }
0x11f: {  	v45 =	vmul.f32 v33, v33;
	v14 =	vadd.f32 v60, v14;
	v1 =	vadd.f32 v59, v1;
	v59 =	vld [tilespmem:s5+$0x4200]  }
0x120: {  	v54 =	vmul.f32 v26, v26;
	v19 =	vadd.f32 v47, v19;
	v20 =	vadd.f32 v62, v20;
	v61 =	vld [tilespmem:s5+$0x200]  }
0x121: {  	v26 =	vadd.f32 v26, v28;
	v14 =	vadd.f32 v45, v14;
	v53 =	vmul.f32 v31, v31  }
0x122: {  	v31 =	vmul.f32 v2, v2;
	v2 =	vadd.f32 v2, v5;
	v20 =	vadd.f32 v49, v20  }
0x123: {  	v55 =	vmul.f32 v27, v27;
	v14 =	vadd.f32 v52, v14;
	v19 =	vadd.f32 v53, v19  }
0x124: {  	v57 =	vmul.f32 v21, v21;
	v2 =	vadd.f32 v10, v2;
	v1 =	vadd.f32 v44, v1  }
0x125: {  	v60 =	vmul.f32 v63, v63;
	v20 =	vadd.f32 v54, v20;
	v29 =	vadd.f32 v61, v59  }
0x126: {  	v63 =	vmul.f32 v22, v22;
	v19 =	vadd.f32 v57, v19;
	v44 =	vadd.f32 v12, v34  }
0x127: {  	v2 =	vadd.f32 v24, v2;
	v1 =	vadd.f32 v51, v1;
	v56 =	vmul.f32 v25, v25;
	s29 =	sor.u32 $0x1C60, s30;
	[tilespmem:s5+$0x4200] =	vst v29  }
0x128: {  	v58 =	vmul.f32 v16, v16;
	v16 =	vadd.f32 v16, v26;
	v25 =	vadd.f32 v63, v19;
	v37 =	vld [tilespmem:s29+$0x4200]  }
0x129: {  	v33 =	vmul.f32 v15, v15;
	v2 =	vadd.f32 v9, v2;
	v1 =	vadd.f32 v55, v1;
	v39 =	vld [tilespmem:s29+$0x200]  }
0x12a: {  	v62 =	vmul.f32 v18, v18;
	v14 =	vadd.f32 v56, v14;
	v20 =	vadd.f32 v58, v20  }
0x12b: {  	v26 =	vmul.f32 v23, v23;
	v16 =	vadd.f32 v23, v16;
	v4 =	vadd.f32 v33, v25  }
0x12c: {  	v41 =	vmul.f32 v12, v12;
	v1 =	vadd.f32 v60, v1;
	v14 =	vadd.f32 v62, v14  }
0x12d: {  	v35 =	vmul.f32 v0, v0;
	v19 =	vadd.f32 v26, v20;
	v0 =	vadd.f32 v0, v16  }
0x12e: {  	v40 =	vmul.f32 v11, v11;
	v4 =	vadd.f32 v41, v4;
	v48 =	vadd.f32 v39, v37  }
0x12f: {  	v47 =	vmul.f32 v24, v24;
	v1 =	vadd.f32 v31, v1;
	v5 =	vadd.f32 v32, v14  }
0x130: {  	v45 =	vmul.f32 v13, v13;
	s30 =	sor.u32 $0x1C70, s30;
	v15 =	vadd.f32 v35, v19;
	v0 =	vadd.f32 v13, v0;
	[tilespmem:s29+$0x4200] =	vst v48  }
0x131: {  	v49 =	vmul.f32 v8, v8;
	v1 =	vadd.f32 v38, v1;
	v5 =	vadd.f32 v40, v5;
	v53 =	vld [tilespmem:s30+$0x4200]  }
0x132: {  	v12 =	vadd.f32 v45, v15;
	v50 =	vmul.f32 v7, v7;
	v7 =	vadd.f32 v7, v44;
	v56 =	vld [tilespmem:s30+$0x200]  }
0x133: {  	v51 =	vmul.f32 v6, v6;
	v0 =	vadd.f32 v6, v0;
	v1 =	vadd.f32 v47, v1  }
0x134: {  	v5 =	vadd.f32 v49, v5;
	v4 =	vadd.f32 v50, v4  }
0x135: {  	v52 =	vmul.f32 v9, v9;
	v54 =	vadd.f32 v51, v12;
	v7 =	vadd.f32 v46, v7  }
0x136: {  	v55 =	vmul.f32 v43, v43;
	v0 =	vadd.f32 v36, v0;
	v2 =	vadd.f32 v30, v2  }
0x137: {  	v57 =	vmul.f32 v46, v46;
	v1 =	vadd.f32 v52, v1;
	v60 =	vadd.f32 v56, v53  }
0x138: {  	v58 =	vmul.f32 v36, v36;
	v5 =	vadd.f32 v55, v5;
	v3 =	vadd.f32 v29, v3  }
0x139: {  	v7 =	vadd.f32 v48, v7;
	v0 =	vadd.f32 v60, v0  }
0x13a: {  	v4 =	vadd.f32 v57, v4;
	v6 =	vadd.f32 v58, v54;
	v59 =	vmul.f32 v30, v30  }
0x13b: {  	v61 =	vmul.f32 v29, v29;
	v2 =	vadd.f32 v3, v2;
	v0 =	vadd.f32 v0, v7  }
0x13c: {  	v1 =	vadd.f32 v59, v1;
	v62 =	vmul.f32 v48, v48;
	v63 =	vmul.f32 v60, v60  }
0x13d: {  	v5 =	vadd.f32 v61, v5;
	v0 =	vadd.f32 v0, v2  }
0x13e: {  	v4 =	vadd.f32 v62, v4;
	v6 =	vadd.f32 v63, v6  }
0x13f: {  	(xrf2) =	vadd.scan.msk.f32 $0xffff, v0  }
0x140: {  	v1 =	vadd.f32 v5, v1;
	v3 =	vadd.f32 v6, v4;
	_ =	sdelay $0x1  }
0x141: {  	v1 =	vadd.f32 v3, v1;
	_ =	sdelay $0x1  }
0x142: {  	(xrf2) =	vadd.scan.msk.f32 $0xffff, v1;
	_ =	sdelay $0x1  }
0x143: {  	v42 =	vlaneseq.u32;
	v2 =	vmov s28  }
0x144: {  	vm1 =	veq.s32 v2, v42;
	v2 =	vld [tilespmem:$0x1FFB0];
	_ =	sdelay $0x1  }
0x145: {  	v0, _, _ =	vpop (xrf2)  }
0x146: {  	v0 =	vbroadcast v0, $0xF;
	_ =	sdelay $0x1  }
0x147: {  	v2 =	vsel vm1, v0, v2;
	v0 =	vld [tilespmem:$0x1FFC0];
	_ =	sdelay $0x1  }
0x148: {  	p0 =	sne.s32 s28, $0xF;
	v1, _, _ =	vpop (xrf2)  }
.Ltmp0:
0x149: {  	v1 =	vbroadcast v1, $0xF;
	(pc) =	sbr.rel @p0 .LBB2_3-.Ltmp0, $4  }
0x14a: {  	_ = 	snop  }
0x14b: {  	v0 =	vsel vm1, v1, v0  }
0x14c: {  	s9 =	sadd.s32 $0x80, s9;
	[tilespmem:$0x1FFC0] =	vst v0  }
0x14d: {  	s12 =	sadd.s32 $0x1, s12;
	s17 =	sadd.s32 $0x400, s17;
	[tilespmem:s30+$0x4200] =	vst v60;
	s28 =	sadd.s32 $0x1, s28;
	v1 =	vld [tilespmem:$0x1FFC0]  }
0x14e: {  	_ =	sdelay $0x1  }
0x14f: {  	v0 =	vmul.f32 $9.765625000e-04, v2;
	_ =	sdelay $0x1  }
0x150: {  	v2 =	vmul.f32 v0, v0;
	v1 =	vmul.f32 $9.765625000e-04, v1;
	_ =	sdelay $0x1  }
0x151: {  	v1 =	vsub.f32 v1, v2;
	_ =	sdelay $0x1  }
0x152: {  	v1 =	vadd.f32 $9.999999740e-06, v1;
	_ =	sdelay $0x1  }
0x153: {  	v60 =	vmul.f32 $5.000000000e-01, v1;
	v1 =	vshra.s32 v1, $0x1  }
0x154: {  	v1 =	vsub.s32 $0x5F3759DF, v1  }
0x155: {  	v3 =	vmul.f32 v1, v60;
	_ =	sdelay $0x1  }
0x156: {  	v3 =	vmul.f32 v1, v3;
	_ =	sdelay $0x1  }
0x157: {  	v3 =	vsub.f32 $1.500000000e+00, v3;
	_ =	sdelay $0x1  }
0x158: {  	v1 =	vmul.f32 v1, v3;
	_ =	sdelay $0x1  }
0x159: {  	v3 =	vmul.f32 v1, v60;
	_ =	sdelay $0x1  }
0x15a: {  	v3 =	vmul.f32 v3, v1;
	_ =	sdelay $0x1  }
0x15b: {  	v3 =	vsub.f32 $1.500000000e+00, v3;
	_ =	sdelay $0x1  }
0x15c: {  	v12 =	vbroadcast v0, $0x0;
	v1 =	vmul.f32 v3, v1  }
0x15d: {  	s12 =	simm.s32 $0x0;
	v13 =	vbroadcast v0, $0x1;
	v15 =	vbroadcast v0, $0x2  }
0x15e: {  	s9 =	sand.u32 $0x70, s12;
	s17 =	sand.u32 $0x1C00, s12;
	v17 =	vbroadcast v0, $0x3;
	v2 =	vmul.f32 v1, v60  }
0x15f: {  	v18 =	vbroadcast v0, $0x4;
	s9 =	sor.u32 s9, s17;
	v20 =	vbroadcast v0, $0x5  }
0x160: {  	v21 =	vbroadcast v0, $0x6;
	v61 =	vld [tilespmem:s9+$0x4400];
	v2 =	vmul.f32 v2, v1  }
0x161: {  	v19 =	vbroadcast v0, $0x7;
	v9 =	vbroadcast v0, $0x8;
	v14 =	vld [tilespmem:s9+$0x4280]  }
0x162: {  	v11 =	vbroadcast v0, $0x9;
	v10 =	vbroadcast v0, $0xA;
	v31 =	vld [tilespmem:s9+$0x4200];
	v2 =	vsub.f32 $1.500000000e+00, v2  }
0x163: {  	v8 =	vbroadcast v0, $0xB;
	v7 =	vbroadcast v0, $0xC;
	v3 =	vld [tilespmem:s9+$0x4480]  }
0x164: {  	v6 =	vbroadcast v0, $0xD;
	v24 =	vld [tilespmem:s9+$0x4500];
	v1 =	vmul.f32 v2, v1  }
0x165: {  	v5 =	vbroadcast v0, $0xE;
	v4 =	vbroadcast v0, $0xF;
	s17 =	simm.s32 $0xC200;
	v62 =	vld [tilespmem:s9+$0x4300]  }
0x166: {  	v16 =	vld [tilespmem:s17+$0x0];
	v33 =	vsub.f32 v14, v13;
	v22 =	vbroadcast v1, $0x0;
	v23 =	vbroadcast v1, $0x1  }
0x167: {  	s19 =	simm.s32 $0xC600;
	v32 =	vld [tilespmem:s9+$0x4380];
	v31 =	vsub.f32 v31, v12;
	v25 =	vbroadcast v1, $0x2;
	v26 =	vbroadcast v1, $0x3  }
0x168: {  	v14 =	vld [tilespmem:s19+$0x0];
	v3 =	vsub.f32 v3, v20;
	v27 =	vbroadcast v1, $0x4;
	v29 =	vbroadcast v1, $0x5  }
0x169: {  	v24 =	vsub.f32 v24, v21;
	v30 =	vbroadcast v1, $0x6;
	v33 =	vmul.f32 v33, v23  }
0x16a: {  	v2 =	vsub.f32 v61, v18;
	v28 =	vbroadcast v1, $0x7;
	v3 =	vmul.f32 v3, v29  }
0x16b: {  	v0 =	vsub.f32 v62, v15;
	v31 =	vmul.f32 v31, v22;
	v33 =	vmul.f32 v33, v16  }
0x16c: {  	v32 =	vsub.f32 v32, v17;
	v2 =	vmul.f32 v2, v27;
	v3 =	vmul.f32 v3, v16  }
0x16d: {  	v0 =	vmul.f32 v0, v25;
	v34 =	vmul.f32 v31, v16;
	v33 =	vadd.f32 v33, v14  }
0x16e: {  	v32 =	vmul.f32 v32, v26;
	v2 =	vmul.f32 v2, v16;
	v3 =	vadd.f32 v3, v14  }
0x16f: {  	v63 =	vmul.f32 v24, v30;
	v0 =	vmul.f32 v0, v16;
	v34 =	vadd.f32 v34, v14;
	[tilespmem:s9+$0x4280] =	vst v33  }
0x170: {  	v36 =	vbroadcast v1, $0x9;
	v32 =	vmul.f32 v32, v16;
	v2 =	vadd.f32 v2, v14;
	[tilespmem:s9+$0x4480] =	vst v3  }
0x171: {  	v35 =	vbroadcast v1, $0xA;
	v0 =	vadd.f32 v0, v14;
	[tilespmem:s9+$0x4200] =	vst v34;
	v3 =	vmul.f32 v63, v16  }
0x172: {  	v37 =	vbroadcast v1, $0xC;
	v24 =	vbroadcast v1, $0xB;
	v39 =	vadd.f32 v32, v14;
	[tilespmem:s9+$0x4400] =	vst v2  }
0x173: {  	v31 =	vbroadcast v1, $0x8;
	v32 =	vbroadcast v1, $0xF;
	[tilespmem:s9+$0x4300] =	vst v0;
	v38 =	vadd.f32 v3, v14  }
0x174: {  	s28 =	simm.s32 $0x10;
	s29 =	simm.s32 $0xC610;
	s19 =	sor.u32 s12, s12;
	v34 =	vbroadcast v1, $0xD;
	v33 =	vbroadcast v1, $0xE;
	[tilespmem:s9+$0x4380] =	vst v39  }
.LBB2_5:
0x175: {  	[tilespmem:s9+$0x4500] =	vst v38;
	s5 =	sor.u32 $0x380, s19;
	s12 =	sadd.s32 $0x80, s12;
	s17 =	sadd.s32 $0x10, s17  }
0x176: {  	p0 =	sne.s32 s28, $0x3F0;
	s30 =	smov.u32 s28;
	s28 =	sadd.s32 $0x10, s28;
	v0 =	vld [tilespmem:s5+$0x4200]  }
0x177: {  	_ =	sdelay $0x3  }
0x178: {  	v0 =	vsub.f32 v0, v19;
	_ =	sdelay $0x1  }
0x179: {  	v0 =	vmul.f32 v0, v28  }
0x17a: {  	s19 =	sand.u32 $0x70, s30;
	s4 =	sand.u32 $0x1C00, s12  }
0x17b: {  	s19 =	sor.u32 s19, s4;
	v0 =	vmul.f32 v0, v16;
	_ =	sdelay $0x1  }
0x17c: {  	v0 =	vadd.f32 v0, v14;
	_ =	sdelay $0x1  }
0x17d: {  	[tilespmem:s5+$0x4200] =	vst v0  }
0x17e: {  	v0 =	vld [tilespmem:s9+$0x6200]  }
0x17f: {  	v1 =	vld [tilespmem:s9+$0x6280]  }
0x180: {  	v2 =	vld [tilespmem:s9+$0x6300]  }
0x181: {  	v3 =	vld [tilespmem:s9+$0x6380]  }
0x182: {  	v38 =	vld [tilespmem:s9+$0x6400]  }
0x183: {  	v0 =	vsub.f32 v0, v9;
	v39 =	vld [tilespmem:s9+$0x6480]  }
0x184: {  	v1 =	vsub.f32 v1, v11;
	v40 =	vld [tilespmem:s9+$0x6500]  }
0x185: {  	v0 =	vmul.f32 v0, v31;
	v2 =	vsub.f32 v2, v10;
	v41 =	vld [tilespmem:s9+$0x6580]  }
0x186: {  	v1 =	vmul.f32 v1, v36;
	v3 =	vsub.f32 v3, v8  }
0x187: {  	v0 =	vmul.f32 v0, v16;
	v2 =	vmul.f32 v2, v35;
	v38 =	vsub.f32 v38, v7  }
0x188: {  	v1 =	vmul.f32 v1, v16;
	v3 =	vmul.f32 v3, v24;
	v39 =	vsub.f32 v39, v6  }
0x189: {  	v2 =	vmul.f32 v2, v16;
	v38 =	vmul.f32 v38, v37;
	v40 =	vsub.f32 v40, v5  }
0x18a: {  	v1 =	vadd.f32 v1, v14;
	v39 =	vmul.f32 v39, v34;
	v41 =	vsub.f32 v41, v4  }
0x18b: {  	v2 =	vadd.f32 v2, v14;
	v38 =	vmul.f32 v38, v16;
	v40 =	vmul.f32 v40, v33  }
0x18c: {  	v0 =	vadd.f32 v0, v14;
	[tilespmem:s9+$0x6280] =	vst v1;
	v1 =	vmul.f32 v39, v16;
	v39 =	vmul.f32 v41, v32  }
0x18d: {  	v41 =	vld [tilespmem:s19+$0x4400];
	[tilespmem:s9+$0x6300] =	vst v2;
	v2 =	vadd.f32 v38, v14;
	v38 =	vmul.f32 v40, v16  }
0x18e: {  	v40 =	vld [tilespmem:s19+$0x4480];
	[tilespmem:s9+$0x6200] =	vst v0;
	v0 =	vmul.f32 v3, v16;
	v1 =	vadd.f32 v1, v14;
	v3 =	vmul.f32 v39, v16  }
0x18f: {  	v39 =	vld [tilespmem:s19+$0x4500];
	[tilespmem:s9+$0x6400] =	vst v2;
	v2 =	vadd.f32 v38, v14  }
0x190: {  	v38 =	vld [tilespmem:s19+$0x4280];
	v0 =	vadd.f32 v0, v14;
	[tilespmem:s9+$0x6480] =	vst v1;
	v1 =	vadd.f32 v3, v14  }
0x191: {  	v3 =	vld [tilespmem:s19+$0x4300];
	[tilespmem:s9+$0x6500] =	vst v2  }
0x192: {  	v2 =	vld [tilespmem:s19+$0x4200];
	v41 =	vsub.f32 v41, v18;
	[tilespmem:s9+$0x6580] =	vst v1  }
0x193: {  	v1 =	vld [tilespmem:s19+$0x4380];
	v40 =	vsub.f32 v40, v20;
	[tilespmem:s9+$0x6380] =	vst v0;
	s9 =	smov.u32 s19  }
0x194: {  	v16 =	vld [tilespmem:s17+$0x0];
	v0 =	vsub.f32 v39, v21  }
0x195: {  	v14 =	vld [tilespmem:s29+$0x0];
	v38 =	vsub.f32 v38, v13  }
0x196: {  	v39 =	vmul.f32 v41, v27;
	v3 =	vsub.f32 v3, v15  }
0x197: {  	v0 =	vmul.f32 v0, v30;
	v2 =	vsub.f32 v2, v12;
	v38 =	vmul.f32 v38, v23  }
0x198: {  	v40 =	vmul.f32 v40, v29;
	v3 =	vmul.f32 v3, v25;
	v1 =	vsub.f32 v1, v17  }
0x199: {  	v2 =	vmul.f32 v2, v22;
	v38 =	vmul.f32 v38, v16  }
0x19a: {  	v40 =	vmul.f32 v40, v16;
	v1 =	vmul.f32 v1, v26  }
0x19b: {  	v0 =	vmul.f32 v0, v16;
	v2 =	vmul.f32 v2, v16;
	v38 =	vadd.f32 v38, v14  }
0x19c: {  	v39 =	vmul.f32 v39, v16;
	v40 =	vadd.f32 v40, v14;
	v1 =	vmul.f32 v1, v16  }
0x19d: {  	v3 =	vmul.f32 v3, v16;
	v2 =	vadd.f32 v2, v14;
	[tilespmem:s9+$0x4280] =	vst v38;
	v38 =	vadd.f32 v0, v14  }
.Ltmp1:
0x19e: {  	v0 =	vadd.f32 v1, v14;
	v1 =	vadd.f32 v39, v14;
	[tilespmem:s9+$0x4480] =	vst v40;
	(pc) =	sbr.rel @p0 .LBB2_5-.Ltmp1, $4  }
0x19f: {  	[tilespmem:s9+$0x4200] =	vst v2;
	v2 =	vadd.f32 v3, v14  }
0x1a0: {  	[tilespmem:s9+$0x4400] =	vst v1  }
0x1a1: {  	[tilespmem:s9+$0x4300] =	vst v2  }
0x1a2: {  	s19 =	sor.u32 s12, s30;
	s29 =	sadd.s32 $0x10, s29;
	[tilespmem:s9+$0x4380] =	vst v0  }
0x1a3: {  	[tilespmem:s9+$0x4500] =	vst v38;
	s4 =	sor.u32 $0x380, s19  }
0x1a4: {  	v0 =	vld [tilespmem:s4+$0x4200];
	_ =	sdelay $0x4  }
0x1a5: {  	v0 =	vsub.f32 v0, v19;
	_ =	sdelay $0x1  }
0x1a6: {  	v0 =	vmul.f32 v0, v28;
	_ =	sdelay $0x1  }
0x1a7: {  	v0 =	vmul.f32 v0, v16;
	_ =	sdelay $0x1  }
0x1a8: {  	v0 =	vadd.f32 v0, v14;
	_ =	sdelay $0x1  }
0x1a9: {  	[tilespmem:s4+$0x4200] =	vst v0  }
0x1aa: {  	v0 =	vld [tilespmem:s9+$0x6200]  }
0x1ab: {  	v1 =	vld [tilespmem:s9+$0x6280]  }
0x1ac: {  	v2 =	vld [tilespmem:s9+$0x6300]  }
0x1ad: {  	v3 =	vld [tilespmem:s9+$0x6380]  }
0x1ae: {  	v12 =	vld [tilespmem:s9+$0x6400]  }
0x1af: {  	v13 =	vld [tilespmem:s9+$0x6480]  }
0x1b0: {  	v62 =	vld [tilespmem:s9+$0x6500]  }
0x1b1: {  	v63 =	vld [tilespmem:s9+$0x6580];
	v1 =	vsub.f32 v1, v11  }
0x1b2: {  	v2 =	vsub.f32 v2, v10  }
0x1b3: {  	v0 =	vsub.f32 v0, v9;
	v3 =	vsub.f32 v3, v8;
	v1 =	vmul.f32 v1, v36  }
0x1b4: {  	v7 =	vsub.f32 v12, v7;
	v6 =	vsub.f32 v13, v6;
	v2 =	vmul.f32 v2, v35  }
0x1b5: {  	v5 =	vsub.f32 v62, v5;
	v0 =	vmul.f32 v0, v31;
	v1 =	vmul.f32 v1, v16  }
0x1b6: {  	v4 =	vsub.f32 v63, v4;
	v7 =	vmul.f32 v7, v37;
	v2 =	vmul.f32 v2, v16  }
0x1b7: {  	v6 =	vmul.f32 v6, v34;
	v0 =	vmul.f32 v0, v16;
	v1 =	vadd.f32 v1, v14  }
0x1b8: {  	v5 =	vmul.f32 v5, v33;
	v7 =	vmul.f32 v7, v16;
	v2 =	vadd.f32 v2, v14  }
0x1b9: {  	v4 =	vmul.f32 v4, v32;
	v0 =	vadd.f32 v0, v14;
	[tilespmem:s9+$0x6280] =	vst v1;
	v1 =	vmul.f32 v6, v16  }
0x1ba: {  	v3 =	vmul.f32 v3, v24;
	v5 =	vmul.f32 v5, v16;
	[tilespmem:s9+$0x6300] =	vst v2;
	v2 =	vadd.f32 v7, v14  }
0x1bb: {  	[tilespmem:s9+$0x6200] =	vst v0;
	v0 =	vadd.f32 v1, v14;
	v1 =	vmul.f32 v4, v16  }
0x1bc: {  	v3 =	vmul.f32 v3, v16;
	[tilespmem:s9+$0x6400] =	vst v2;
	v2 =	vadd.f32 v5, v14  }
0x1bd: {  	[tilespmem:s9+$0x6480] =	vst v0;
	v0 =	vadd.f32 v1, v14  }
0x1be: {  	s29 =	sshll.u32 s11, $0x7;
	s5 =	sshll.u32 s10, $0x13;
	v1 =	vadd.f32 v3, v14;
	[tilespmem:s9+$0x6500] =	vst v2  }
0x1bf: {  	s30 =	rddreg [dreg:$0x5];
	s10 =	sor.u32 s5, s29;
	[tilespmem:s9+$0x6580] =	vst v0  }
0x1c0: {  	s4 =	sadd.s32 s30, s10;
	[tilespmem:s9+$0x6380] =	vst v1  }
0x1c1: {  	[hbm4b:s4+s6] =	stream.linear.scatter [tilespmem:s24], [sflag:$0x3], $0x4000, $0x38;
	[tilespmem:$0xCA00] =	vst v63  }
0x1c2: {  	_ =	swait.ge [sflag:s26], $0x4000  }
0x1c3: {  	p0 =	seq.s32 s31, $0xF;
	[sflag:s26] =	ssyncset.done $0x0  }
0x1c4: {  	s1 =	sadd.s32 @!p0 $0x2, s1;
	s4 =	simm.s32 @!p0 $0x3;
	[sflag:s26] =	ssyncadd.s32 $0xFFFFC000  }
0x1c5: {  	s5 =	sshll.u32 @!p0 s1, $0x7;
	s1 =	sshll.u32 @!p0 s1, $0x2;
	_ =	swait.ge @!p0 [sflag:s4], $0x4000  }
0x1c6: {  	s5 =	sand.u32 @!p0 $0x100, s5;
	s1 =	sand.u32 @!p0 $0xF0, s1;
	[sflag:s4] =	ssyncset.done @!p0 $0x0  }
0x1c7: {  	s1 =	sor.u32 @!p0 s1, s5;
	[sflag:s4] =	ssyncadd.s32 @!p0 $0xFFFFC000  }
0x1c8: {  	v0 =	vld @!p0 [tilespmem:s1+$0x0];
	_ =	sdelay $0x4  }
0x1c9: {  	v1 =	vshll.u32 @!p0 v0, $0x3  }
0x1ca: {  	v2 =	vlaneseq.u32 @!p0;
	v0 =	vand.u32 @!p0 $0x7, v0;
	v1 =	vand.u32 @!p0 $0xFFFFFFC0, v1  }
0x1cb: {  	v3 =	vshrl.u32 @!p0 v2, $0x3;
	v0 =	vor.u32 @!p0 v0, v1;
	v1 =	vand.u32 @!p0 $0x7, v2  }
0x1cc: {  	v3 =	vmul.u32 @!p0 $0x8, v3;
	v1 =	vperm.xlane @!p0 v0, v1;
	_ =	sdelay $0x1  }
0x1cd: {  	v1 =	vadd.s32 @!p0 v3, v1;
	_ =	sdelay $0x3  }
0x1ce: {  	vm1 =	vmmov @!p0 $0xffff;
	s4 =	simm.s32 @!p0 $0x4200;
	s1 =	simm.s32 @!p0 $0x0  }
0x1cf: {  	v2 =	vor.u32 @!p0 $0x8, v2;
	[tilespmem:s4], [sflag:$0x1] =	stream.indirect_vreg.gather @!p0 [hbm4b:s0+s1], $0x80, v1, vm1, $0xb8;
	[tilespmem:$0xCA00] =	vst v63  }
0x1d0: {  	v0 =	vperm.xlane @!p0 v0, v2;
	s4 =	simm.s32 @!p0 $0x4A00  }
0x1d1: {  	[tilespmem:s4], [sflag:$0x1] =	stream.indirect_vreg.gather @!p0 [hbm4b:s13+s1], $0x80, v1, vm1, $0xb8;
	[tilespmem:$0xCA00] =	vst v63  }
0x1d2: {  	v0 =	vadd.s32 @!p0 v3, v0;
	s4 =	simm.s32 @!p0 $0x5200  }
0x1d3: {  	[tilespmem:s4], [sflag:$0x1] =	stream.indirect_vreg.gather @!p0 [hbm4b:s14+s1], $0x80, v1, vm1, $0xb8;
	[tilespmem:$0xCA00] =	vst v63  }
0x1d4: {  	s4 =	simm.s32 @!p0 $0x5A00  }
0x1d5: {  	[tilespmem:s4], [sflag:$0x1] =	stream.indirect_vreg.gather @!p0 [hbm4b:s15+s1], $0x80, v1, vm1, $0xb8;
	[tilespmem:$0xCA00] =	vst v63  }
0x1d6: {  	s4 =	simm.s32 @!p0 $0x6200  }
0x1d7: {  	[tilespmem:s4], [sflag:$0x1] =	stream.indirect_vreg.gather @!p0 [hbm4b:s0+s1], $0x80, v0, vm1, $0xb8;
	[tilespmem:$0xCA00] =	vst v63  }
0x1d8: {  	s4 =	simm.s32 @!p0 $0x6A00  }
0x1d9: {  	[tilespmem:s4], [sflag:$0x1] =	stream.indirect_vreg.gather @!p0 [hbm4b:s13+s1], $0x80, v0, vm1, $0xb8;
	[tilespmem:$0xCA00] =	vst v63  }
0x1da: {  	s4 =	simm.s32 @!p0 $0x7200  }
0x1db: {  	[tilespmem:s4], [sflag:$0x1] =	stream.indirect_vreg.gather @!p0 [hbm4b:s14+s1], $0x80, v0, vm1, $0xb8;
	[tilespmem:$0xCA00] =	vst v63  }
0x1dc: {  	s31 =	sadd.s32 $0x1, s31;
	s11 =	simm.s32 $0x0;
	s4 =	simm.s32 @!p0 $0x7A00  }
0x1dd: {  	[tilespmem:s4], [sflag:$0x1] =	stream.indirect_vreg.gather @!p0 [hbm4b:s15+s1], $0x80, v0, vm1, $0xb8;
	[tilespmem:$0xCA00] =	vst v63  }
0x1de: {  	s12 =	simm.s32 $0x0;
	s9 =	simm.s32 $0x0;
	v2 =	vimm.f32 $0.0e+00;
	v1 =	vimm.f32 $0.0e+00;
	s1 =	simm.s32 $0x0  }
.LBB2_7:
0x1df: {  	s4 =	sand.u32 $0x2000, s11;
	s5 =	sand.u32 $0x380, s9  }
0x1e0: {  	s17 =	sor.u32 s5, s4  }
0x1e1: {  	v0 =	vld [tilespmem:s17+$0x8200]  }
0x1e2: {  	[tilespmem:$0x1FE60] =	vst v2;
	v2 =	vld [tilespmem:s17+$0x8210]  }
0x1e3: {  	v3 =	vld [tilespmem:s17+$0x210]  }
0x1e4: {  	v6 =	vld [tilespmem:s17+$0x8220]  }
0x1e5: {  	v7 =	vld [tilespmem:s17+$0x220]  }
0x1e6: {  	v8 =	vld [tilespmem:s17+$0x8230]  }
0x1e7: {  	v9 =	vld [tilespmem:s17+$0x230]  }
0x1e8: {  	v10 =	vld [tilespmem:s17+$0x8240]  }
0x1e9: {  	v11 =	vld [tilespmem:s17+$0x240]  }
0x1ea: {  	v12 =	vld [tilespmem:s17+$0x8250]  }
0x1eb: {  	v13 =	vld [tilespmem:s17+$0x250]  }
0x1ec: {  	v14 =	vld [tilespmem:s17+$0x8260]  }
0x1ed: {  	v15 =	vld [tilespmem:s17+$0x260]  }
0x1ee: {  	v16 =	vld [tilespmem:s17+$0x8270]  }
0x1ef: {  	v17 =	vld [tilespmem:s17+$0x270]  }
0x1f0: {  	v18 =	vld [tilespmem:s17+$0x8600]  }
0x1f1: {  	v19 =	vld [tilespmem:s17+$0x600]  }
0x1f2: {  	v20 =	vld [tilespmem:s17+$0x8610]  }
0x1f3: {  	v21 =	vld [tilespmem:s17+$0x610]  }
0x1f4: {  	v22 =	vld [tilespmem:s17+$0x8620]  }
0x1f5: {  	v23 =	vld [tilespmem:s17+$0x620]  }
0x1f6: {  	v24 =	vld [tilespmem:s17+$0x8630]  }
0x1f7: {  	v25 =	vld [tilespmem:s17+$0x630]  }
0x1f8: {  	v26 =	vld [tilespmem:s17+$0x8640]  }
0x1f9: {  	v27 =	vld [tilespmem:s17+$0x640]  }
0x1fa: {  	v28 =	vld [tilespmem:s17+$0x8650]  }
0x1fb: {  	v29 =	vld [tilespmem:s17+$0x650]  }
0x1fc: {  	v30 =	vld [tilespmem:s17+$0x8660]  }
0x1fd: {  	v31 =	vld [tilespmem:s17+$0x660]  }
0x1fe: {  	v32 =	vld [tilespmem:s17+$0x8670]  }
0x1ff: {  	v33 =	vld [tilespmem:s17+$0x670]  }
0x200: {  	v34 =	vld [tilespmem:s17+$0x8A00]  }
0x201: {  	v35 =	vld [tilespmem:s17+$0xA00]  }
0x202: {  	v36 =	vld [tilespmem:s17+$0x8A10]  }
0x203: {  	v37 =	vld [tilespmem:s17+$0xA10]  }
0x204: {  	v38 =	vld [tilespmem:s17+$0x8A20]  }
0x205: {  	v39 =	vld [tilespmem:s17+$0xA20]  }
0x206: {  	v40 =	vld [tilespmem:s17+$0x8A30]  }
0x207: {  	v41 =	vld [tilespmem:s17+$0xA30]  }
0x208: {  	v42 =	vld [tilespmem:s17+$0x8A40]  }
0x209: {  	v63 =	vld [tilespmem:s17+$0xA40]  }
0x20a: {  	v4 =	vld [tilespmem:s17+$0x8A50]  }
0x20b: {  	v5 =	vld [tilespmem:s17+$0xA50]  }
0x20c: {  	v43 =	vld [tilespmem:s17+$0x8A60]  }
0x20d: {  	v47 =	vld [tilespmem:s17+$0xA60]  }
0x20e: {  	v48 =	vld [tilespmem:s17+$0x8A70]  }
0x20f: {  	v49 =	vld [tilespmem:s17+$0xA70]  }
0x210: {  	v50 =	vld [tilespmem:s17+$0x8E00]  }
0x211: {  	v51 =	vld [tilespmem:s17+$0xE00]  }
0x212: {  	v52 =	vld [tilespmem:s17+$0x8E10]  }
0x213: {  	v53 =	vld [tilespmem:s17+$0xE10]  }
0x214: {  	v54 =	vld [tilespmem:s17+$0x8E20]  }
0x215: {  	v55 =	vld [tilespmem:s17+$0xE20]  }
0x216: {  	v56 =	vld [tilespmem:s17+$0x8E30]  }
0x217: {  	v57 =	vld [tilespmem:s17+$0xE30]  }
0x218: {  	v58 =	vld [tilespmem:s17+$0x8E40]  }
0x219: {  	v59 =	vld [tilespmem:s17+$0xE40]  }
0x21a: {  	v60 =	vld [tilespmem:s17+$0x8E50]  }
0x21b: {  	v61 =	vld [tilespmem:s17+$0xE50]  }
0x21c: {  	v62 =	vld [tilespmem:s17+$0x8E60]  }
0x21d: {  	[tilespmem:$0x1FE70] =	vst v1;
	v1 =	vld [tilespmem:s17+$0x200]  }
0x21e: {  	[tilespmem:$0x1FE00] =	vst v59;
	v59 =	vadd.f32 v3, v2;
	v3 =	vld [tilespmem:s17+$0x8E70]  }
0x21f: {  	[tilespmem:$0x1FE10] =	vst v60;
	v60 =	vadd.f32 v7, v6;
	v7 =	vld [tilespmem:s17+$0x9210]  }
0x220: {  	[tilespmem:$0x1FD30] =	vst v43;
	v43 =	vadd.f32 v9, v8;
	v8 =	vld [tilespmem:s17+$0x1210]  }
0x221: {  	v9 =	vld [tilespmem:s17+$0x9220]  }
0x222: {  	[tilespmem:$0x1FE30] =	vst v62;
	v62 =	vadd.f32 v11, v10;
	v10 =	vld [tilespmem:s17+$0x1220]  }
0x223: {  	v11 =	vld [tilespmem:s17+$0x9230]  }
0x224: {  	[tilespmem:$0x1FE20] =	vst v61;
	v61 =	vadd.f32 v13, v12;
	v12 =	vld [tilespmem:s17+$0x1230]  }
0x225: {  	[tilespmem:$0x1FD40] =	vst v47;
	v13 =	vld [tilespmem:s17+$0x9240]  }
0x226: {  	[tilespmem:$0x1FD80] =	vst v51;
	v51 =	vadd.f32 v27, v26;
	v27 =	vld [tilespmem:s17+$0x1240]  }
0x227: {  	[tilespmem:$0x1FD90] =	vst v52;
	v52 =	vadd.f32 v15, v14;
	v15 =	vld [tilespmem:s17+$0x9250]  }
0x228: {  	[tilespmem:$0x1FDA0] =	vst v53;
	v53 =	vadd.f32 v17, v16;
	v16 =	vld [tilespmem:s17+$0x1250]  }
0x229: {  	[tilespmem:$0x1FD50] =	vst v48;
	v17 =	vld [tilespmem:s17+$0x9260]  }
0x22a: {  	[tilespmem:$0x1FDD0] =	vst v56;
	v56 =	vadd.f32 v19, v18;
	v18 =	vld [tilespmem:s17+$0x1260]  }
0x22b: {  	[tilespmem:$0x1FD60] =	vst v49;
	v19 =	vld [tilespmem:s17+$0x9270]  }
0x22c: {  	[tilespmem:$0x1FD70] =	vst v50;
	v2 =	vld [tilespmem:$0x1FD30]  }
0x22d: {  	[tilespmem:$0x1FDE0] =	vst v57;
	v57 =	vadd.f32 v21, v20;
	v21 =	vld [tilespmem:$0x1FD40]  }
0x22e: {  	[tilespmem:$0x1FDB0] =	vst v54;
	v20 =	vld [tilespmem:s17+$0x1270]  }
0x22f: {  	[tilespmem:$0x1FDC0] =	vst v55;
	v54 =	vadd.f32 v23, v22;
	v22 =	vld [tilespmem:s17+$0x9600]  }
0x230: {  	[tilespmem:$0x1FDF0] =	vst v58;
	v23 =	vld [tilespmem:s17+$0x1600]  }
0x231: {  	v55 =	vadd.f32 v25, v24;
	v24 =	vld [tilespmem:$0x1FD60];
	[tilespmem:s17+$0x8210] =	vst v59  }
0x232: {  	v48 =	vadd.f32 v35, v34;
	[tilespmem:s17+$0x8220] =	vst v60;
	v34 =	vadd.f32 v21, v2;
	v2 =	vld [tilespmem:$0x1FD50]  }
0x233: {  	v6 =	vld [tilespmem:s17+$0x9610];
	[tilespmem:s17+$0x8230] =	vst v43  }
0x234: {  	v44 =	vadd.f32 v39, v38;
	v39 =	vadd.f32 v5, v4;
	v5 =	vld [tilespmem:s17+$0x1610];
	[tilespmem:s17+$0x8240] =	vst v62  }
0x235: {  	v42 =	vadd.f32 v63, v42;
	v63 =	vld [tilespmem:s17+$0x1620];
	[tilespmem:s17+$0x8250] =	vst v61  }
0x236: {  	v25 =	vld [tilespmem:$0x1FD80];
	[tilespmem:s17+$0x8260] =	vst v52  }
0x237: {  	[tilespmem:s17+$0x8270] =	vst v53;
	v35 =	vadd.f32 v24, v2;
	v2 =	vld [tilespmem:$0x1FD70]  }
0x238: {  	v4 =	vld [tilespmem:s17+$0x9630];
	[tilespmem:s17+$0x8600] =	vst v56  }
0x239: {  	v14 =	vld [tilespmem:s17+$0x9650];
	[tilespmem:s17+$0x8610] =	vst v57  }
0x23a: {  	v26 =	vld [tilespmem:$0x1FDA0];
	[tilespmem:s17+$0x8620] =	vst v54  }
0x23b: {  	v50 =	vadd.f32 v29, v28;
	v46 =	vadd.f32 v31, v30;
	v28 =	vld [tilespmem:$0x1FDC0];
	[tilespmem:s17+$0x8630] =	vst v55  }
0x23c: {  	v49 =	vadd.f32 v37, v36;
	[tilespmem:s17+$0x8640] =	vst v51;
	v36 =	vadd.f32 v25, v2;
	v2 =	vld [tilespmem:$0x1FD90]  }
0x23d: {  	v47 =	vadd.f32 v33, v32;
	v29 =	vld [tilespmem:$0x1FDE0];
	[tilespmem:s17+$0x8650] =	vst v50  }
0x23e: {  	v30 =	vld [tilespmem:$0x1FE00];
	[tilespmem:s17+$0x8660] =	vst v46  }
0x23f: {  	v58 =	vadd.f32 v1, v0;
	v0 =	vld [tilespmem:s17+$0xE60];
	[tilespmem:s17+$0x8670] =	vst v47  }
0x240: {  	v31 =	vld [tilespmem:$0x1FE20];
	[tilespmem:s17+$0x8A00] =	vst v48  }
0x241: {  	v45 =	vadd.f32 v41, v40;
	[tilespmem:s17+$0x8A10] =	vst v49;
	v40 =	vadd.f32 v26, v2;
	v2 =	vld [tilespmem:$0x1FDB0]  }
0x242: {  	v1 =	vld [tilespmem:s17+$0xE70];
	[tilespmem:s17+$0x8A20] =	vst v44  }
0x243: {  	[tilespmem:s17+$0x8A30] =	vst v45;
	v27 =	vadd.f32 v27, v13;
	v13 =	vld [tilespmem:s17+$0x9A10]  }
0x244: {  	[tilespmem:$0x1FE40] =	vst v0;
	v0 =	vld [tilespmem:s17+$0x9200]  }
0x245: {  	[tilespmem:s17+$0x8A40] =	vst v42;
	v5 =	vadd.f32 v5, v6;
	v6 =	vld [tilespmem:s17+$0x9A30]  }
0x246: {  	[tilespmem:s17+$0x8A50] =	vst v39;
	v41 =	vadd.f32 v28, v2;
	v2 =	vld [tilespmem:$0x1FDD0]  }
0x247: {  	[tilespmem:s17+$0x8200] =	vst v58;
	v21 =	vld [tilespmem:s17+$0x1630]  }
0x248: {  	[tilespmem:s17+$0x9240] =	vst v27;
	v32 =	vld [tilespmem:$0x1FE40]  }
0x249: {  	[tilespmem:$0x1FE50] =	vst v0;
	v0 =	vld [tilespmem:s17+$0x1200]  }
0x24a: {  	[tilespmem:s17+$0x9610] =	vst v5;
	v28 =	vadd.f32 v1, v3;
	v1 =	vld [tilespmem:$0x1FE50]  }
0x24b: {  	[tilespmem:s17+$0x8A60] =	vst v34;
	v37 =	vadd.f32 v29, v2;
	v2 =	vld [tilespmem:$0x1FDF0]  }
0x24c: {  	v24 =	vld [tilespmem:s17+$0x9620];
	[tilespmem:s17+$0x8A70] =	vst v35  }
0x24d: {  	v25 =	vld [tilespmem:s17+$0x9640];
	[tilespmem:s17+$0x8E00] =	vst v36  }
0x24e: {  	v26 =	vld [tilespmem:s17+$0x1640];
	[tilespmem:s17+$0x8E10] =	vst v40  }
0x24f: {  	v3 =	vld [tilespmem:s17+$0x9660];
	[tilespmem:s17+$0x8E20] =	vst v41  }
0x250: {  	[tilespmem:s17+$0x8E70] =	vst v28;
	v29 =	vadd.f32 v0, v1;
	v38 =	vadd.f32 v30, v2;
	v2 =	vld [tilespmem:$0x1FE10]  }
0x251: {  	v0 =	vld [tilespmem:s17+$0x1660];
	[tilespmem:s17+$0x8E30] =	vst v37  }
0x252: {  	v1 =	vld [tilespmem:s17+$0x9670];
	[tilespmem:s17+$0x9200] =	vst v29;
	v30 =	vadd.f32 v8, v7  }
0x253: {  	v8 =	vadd.f32 v12, v11;
	v11 =	vld [tilespmem:s17+$0x9A00];
	[tilespmem:s17+$0x8E40] =	vst v38  }
0x254: {  	v12 =	vld [tilespmem:s17+$0x1A00];
	v7 =	vadd.f32 v16, v15;
	[tilespmem:s17+$0x9210] =	vst v30  }
0x255: {  	v16 =	vadd.f32 v20, v19;
	[tilespmem:s17+$0x9230] =	vst v8;
	v33 =	vadd.f32 v31, v2;
	v2 =	vld [tilespmem:$0x1FE30]  }
0x256: {  	v15 =	vld [tilespmem:s17+$0x1A10];
	[tilespmem:s17+$0x9250] =	vst v7  }
0x257: {  	v19 =	vld [tilespmem:s17+$0x1A20];
	[tilespmem:s17+$0x9270] =	vst v16;
	v31 =	vadd.f32 v10, v9  }
0x258: {  	v10 =	vld [tilespmem:s17+$0x1670];
	v9 =	vadd.f32 v18, v17;
	[tilespmem:s17+$0x8E50] =	vst v33  }
0x259: {  	v18 =	vld [tilespmem:s17+$0x9A20];
	v17 =	vadd.f32 v23, v22;
	[tilespmem:s17+$0x9220] =	vst v31  }
0x25a: {  	v22 =	vadd.f32 v63, v24;
	[tilespmem:s17+$0x9260] =	vst v9;
	v32 =	vadd.f32 v32, v2;
	v2 =	vld [tilespmem:s17+$0x1650]  }
0x25b: {  	v24 =	vld [tilespmem:s17+$0x1A30];
	v23 =	vadd.f32 v21, v4;
	[tilespmem:s17+$0x9600] =	vst v17  }
0x25c: {  	v63 =	vld [tilespmem:s17+$0x9A40];
	v21 =	vadd.f32 v26, v25;
	[tilespmem:s17+$0x9620] =	vst v22  }
0x25d: {  	v25 =	vld [tilespmem:s17+$0x9A50];
	v4 =	vadd.f32 v0, v3;
	[tilespmem:s17+$0x9630] =	vst v23  }
0x25e: {  	v0 =	vld [tilespmem:s17+$0x9A60];
	[tilespmem:s17+$0x9640] =	vst v21  }
0x25f: {  	v3 =	vld [tilespmem:s17+$0x9A70];
	[tilespmem:s17+$0x9660] =	vst v4;
	v20 =	vadd.f32 v2, v14  }
0x260: {  	[tilespmem:s17+$0x8E60] =	vst v32;
	v2 =	vld [tilespmem:s17+$0x1A50];
	v14 =	vadd.f32 v10, v1  }
0x261: {  	v1 =	vld [tilespmem:s17+$0x1A60];
	v10 =	vadd.f32 v12, v11;
	[tilespmem:s17+$0x9650] =	vst v20  }
0x262: {  	v11 =	vadd.f32 v15, v13;
	v15 =	vld [tilespmem:s17+$0x1A70];
	[tilespmem:s17+$0x9670] =	vst v14  }
0x263: {  	v26 =	vld [tilespmem:s17+$0x1A40];
	v12 =	vadd.f32 v19, v18;
	[tilespmem:s17+$0x9A00] =	vst v10  }
0x264: {  	v13 =	vadd.f32 v24, v6;
	[tilespmem:s17+$0x9A10] =	vst v11  }
0x265: {  	[tilespmem:s17+$0x9A20] =	vst v12;
	v2 =	vadd.f32 v2, v25  }
0x266: {  	s28 =	sand.u32 $0x7, s1;
	[tilespmem:s17+$0x9A30] =	vst v13;
	v1 =	vadd.f32 v1, v0  }
0x267: {  	s4 =	sshll.u32 s28, $0x7;
	v0 =	vadd.f32 v15, v3;
	[tilespmem:s17+$0x9A50] =	vst v2  }
0x268: {  	s28 =	sadd.s32 s4, s11;
	v24 =	vadd.f32 v26, v63;
	[tilespmem:s17+$0x9A60] =	vst v1  }
0x269: {  	s4 =	sor.u32 $0x1C00, s28;
	[tilespmem:s17+$0x9A70] =	vst v0  }
0x26a: {  	[tilespmem:s17+$0x9A40] =	vst v24;
	v3 =	vld [tilespmem:s4+$0x8200]  }
0x26b: {  	v26 =	vld [tilespmem:s4+$0x200];
	_ =	sdelay $0x3  }
0x26c: {  	v18 =	vadd.f32 $0.0e+00, v59  }
0x26d: {  	v3 =	vadd.f32 v26, v3  }
0x26e: {  	v63 =	vadd.f32 $0.0e+00, v58;
	v18 =	vadd.f32 v61, v18  }
0x26f: {  	s29 =	sor.u32 $0x1C10, s28;
	v6 =	vmul.f32 v58, v58;
	v19 =	vmul.f32 v59, v59;
	[tilespmem:s4+$0x8200] =	vst v3  }
0x270: {  	v58 =	vmul.f32 v62, v62;
	v18 =	vadd.f32 v57, v18;
	v15 =	vadd.f32 v62, v63;
	v62 =	vld [tilespmem:s29+$0x8200]  }
0x271: {  	v25 =	vadd.f32 $0.0e+00, v60;
	v26 =	vmul.f32 v60, v60;
	v60 =	vmul.f32 v61, v61;
	v61 =	vld [tilespmem:s29+$0x200]  }
0x272: {  	v59 =	vadd.f32 $0.0e+00, v43;
	v43 =	vmul.f32 v43, v43;
	v6 =	vadd.f32 v58, v6  }
0x273: {  	v58 =	vmul.f32 v52, v52;
	v18 =	vadd.f32 v50, v18;
	v25 =	vadd.f32 v52, v25  }
0x274: {  	v15 =	vadd.f32 v56, v15;
	v19 =	vadd.f32 v60, v19;
	v60 =	vmul.f32 v53, v53  }
0x275: {  	v18 =	vadd.f32 v49, v18;
	v26 =	vadd.f32 v58, v26  }
0x276: {  	v63 =	vmul.f32 v56, v56;
	v58 =	vadd.f32 v60, v43;
	v43 =	vadd.f32 v61, v62  }
0x277: {  	v25 =	vadd.f32 v54, v25;
	v15 =	vadd.f32 v51, v15  }
0x278: {  	s30 =	sor.u32 $0x1C20, s28;
	v6 =	vadd.f32 v63, v6;
	v63 =	vmul.f32 v54, v54;
	v18 =	vadd.f32 v39, v18;
	[tilespmem:s29+$0x8200] =	vst v43  }
0x279: {  	v25 =	vadd.f32 v46, v25;
	v15 =	vadd.f32 v48, v15;
	v61 =	vld [tilespmem:s30+$0x8200]  }
0x27a: {  	v18 =	vadd.f32 v40, v18;
	v26 =	vadd.f32 v63, v26;
	v63 =	vld [tilespmem:s30+$0x200]  }
0x27b: {  	v25 =	vadd.f32 v44, v25;
	v15 =	vadd.f32 v42, v15  }
0x27c: {  	v56 =	vmul.f32 v47, v47;
	v18 =	vadd.f32 v33, v18;
	v53 =	vadd.f32 v53, v59  }
0x27d: {  	v59 =	vmul.f32 v51, v51;
	v25 =	vadd.f32 v34, v25;
	v15 =	vadd.f32 v36, v15  }
0x27e: {  	v51 =	vmul.f32 v8, v8;
	v18 =	vadd.f32 v30, v18;
	v60 =	vmul.f32 v57, v57  }
0x27f: {  	v57 =	vmul.f32 v55, v55;
	v62 =	vmul.f32 v46, v46;
	v46 =	vadd.f32 v63, v61  }
0x280: {  	v53 =	vadd.f32 v55, v53;
	v6 =	vadd.f32 v59, v6;
	v59 =	vmul.f32 v49, v49  }
0x281: {  	s5 =	sor.u32 $0x1C30, s28;
	v55 =	vmul.f32 v35, v35;
	v25 =	vadd.f32 v41, v25;
	v52 =	vadd.f32 v57, v58;
	[tilespmem:s30+$0x8200] =	vst v46  }
0x282: {  	v15 =	vadd.f32 v38, v15;
	v19 =	vadd.f32 v60, v19;
	v60 =	vmul.f32 v50, v50;
	v54 =	vld [tilespmem:s5+$0x8200]  }
0x283: {  	v47 =	vadd.f32 v47, v53;
	v57 =	vmul.f32 v48, v48;
	v58 =	vadd.f32 v56, v52;
	v56 =	vld [tilespmem:s5+$0x200]  }
0x284: {  	v49 =	vmul.f32 v30, v30;
	v25 =	vadd.f32 v32, v25;
	v15 =	vadd.f32 v29, v15  }
0x285: {  	v53 =	vmul.f32 v34, v34;
	v19 =	vadd.f32 v60, v19;
	v6 =	vadd.f32 v57, v6  }
0x286: {  	v60 =	vmul.f32 v44, v44;
	v52 =	vmul.f32 v39, v39;
	v25 =	vadd.f32 v31, v25  }
0x287: {  	v15 =	vadd.f32 v27, v15;
	v26 =	vadd.f32 v62, v26;
	v62 =	vmul.f32 v42, v42  }
0x288: {  	v57 =	vmul.f32 v36, v36;
	v19 =	vadd.f32 v59, v19;
	v36 =	vadd.f32 v56, v54  }
0x289: {  	v48 =	vmul.f32 v29, v29;
	v26 =	vadd.f32 v60, v26;
	v6 =	vadd.f32 v62, v6  }
0x28a: {  	s17 =	sor.u32 $0x1C40, s28;
	v59 =	vmul.f32 v41, v41;
	v15 =	vadd.f32 v17, v15;
	v19 =	vadd.f32 v52, v19;
	[tilespmem:s5+$0x8200] =	vst v36  }
0x28b: {  	v62 =	vmul.f32 v38, v38;
	v26 =	vadd.f32 v53, v26;
	v6 =	vadd.f32 v57, v6;
	v44 =	vld [tilespmem:s17+$0x8200]  }
0x28c: {  	v15 =	vadd.f32 v21, v15;
	v61 =	vmul.f32 v45, v45;
	v45 =	vadd.f32 v45, v47;
	v47 =	vld [tilespmem:s17+$0x200]  }
0x28d: {  	v41 =	vmul.f32 v32, v32;
	v26 =	vadd.f32 v59, v26;
	v6 =	vadd.f32 v62, v6  }
0x28e: {  	v63 =	vadd.f32 v61, v58;
	v35 =	vadd.f32 v35, v45;
	v58 =	vmul.f32 v40, v40  }
0x28f: {  	v50 =	vmul.f32 v31, v31;
	v26 =	vadd.f32 v41, v26;
	v6 =	vadd.f32 v48, v6  }
0x290: {  	v52 =	vmul.f32 v27, v27;
	v39 =	vadd.f32 v55, v63;
	v19 =	vadd.f32 v58, v19  }
0x291: {  	v60 =	vmul.f32 v37, v37;
	v61 =	vadd.f32 v37, v35;
	v30 =	vadd.f32 v47, v44  }
0x292: {  	v40 =	vmul.f32 v33, v33;
	v26 =	vadd.f32 v50, v26;
	v6 =	vadd.f32 v52, v6  }
0x293: {  	s19 =	sor.u32 $0x1C50, s28;
	v55 =	vmul.f32 v9, v9;
	v9 =	vadd.f32 v9, v25;
	v63 =	vadd.f32 v60, v39;
	[tilespmem:s17+$0x8200] =	vst v30  }
0x294: {  	v45 =	vmul.f32 v28, v28;
	v19 =	vadd.f32 v40, v19;
	v28 =	vadd.f32 v28, v61;
	v58 =	vld [tilespmem:s19+$0x8200]  }
0x295: {  	v59 =	vadd.f32 v55, v26;
	v60 =	vmul.f32 v17, v17;
	v9 =	vadd.f32 v22, v9;
	v61 =	vld [tilespmem:s19+$0x200]  }
0x296: {  	v39 =	vmul.f32 v10, v10;
	v10 =	vadd.f32 v10, v15;
	v32 =	vadd.f32 v45, v63  }
0x297: {  	v26 =	vmul.f32 v22, v22;
	v19 =	vadd.f32 v49, v19;
	v8 =	vadd.f32 v8, v28  }
0x298: {  	v54 =	vmul.f32 v7, v7;
	v7 =	vadd.f32 v7, v18;
	v6 =	vadd.f32 v60, v6  }
0x299: {  	v35 =	vmul.f32 v4, v4;
	v17 =	vadd.f32 v26, v59;
	v4 =	vadd.f32 v4, v9  }
0x29a: {  	v34 =	vmul.f32 v20, v20;
	v53 =	vadd.f32 v51, v32;
	v32 =	vadd.f32 v61, v58  }
0x29b: {  	v33 =	vmul.f32 v21, v21;
	v10 =	vadd.f32 v24, v10;
	v56 =	vadd.f32 v54, v19  }
0x29c: {  	s29 =	sor.u32 $0x1C60, s28;
	v63 =	vmul.f32 v5, v5;
	v8 =	vadd.f32 v16, v8;
	v5 =	vadd.f32 v5, v7;
	[tilespmem:s19+$0x8200] =	vst v32  }
0x29d: {  	v57 =	vmul.f32 v16, v16;
	v6 =	vadd.f32 v33, v6;
	v17 =	vadd.f32 v35, v17;
	v38 =	vld [tilespmem:s29+$0x8200]  }
0x29e: {  	v4 =	vadd.f32 v12, v4;
	v54 =	vmul.f32 v3, v3;
	v3 =	vadd.f32 v3, v10;
	v40 =	vld [tilespmem:s29+$0x200]  }
0x29f: {  	v31 =	vmul.f32 v23, v23;
	v62 =	vadd.f32 v57, v53;
	v28 =	vadd.f32 v63, v56  }
0x2a0: {  	v41 =	vmul.f32 v11, v11;
	v8 =	vadd.f32 v23, v8;
	v5 =	vadd.f32 v20, v5  }
0x2a1: {  	v50 =	vmul.f32 v1, v1;
	v6 =	vadd.f32 v39, v6;
	v1 =	vadd.f32 v1, v4  }
0x2a2: {  	v37 =	vmul.f32 v14, v14;
	v16 =	vadd.f32 v31, v62;
	v7 =	vadd.f32 v34, v28  }
0x2a3: {  	v45 =	vmul.f32 v13, v13;
	v8 =	vadd.f32 v14, v8;
	v48 =	vadd.f32 v40, v38  }
0x2a4: {  	v49 =	vmul.f32 v2, v2;
	v5 =	vadd.f32 v11, v5;
	v1 =	vadd.f32 v46, v1  }
0x2a5: {  	s30 =	sor.u32 $0x1C70, s28;
	v9 =	vadd.f32 v37, v16;
	v44 =	vmul.f32 v12, v12;
	v7 =	vadd.f32 v41, v7;
	[tilespmem:s29+$0x8200] =	vst v48  }
0x2a6: {  	v8 =	vadd.f32 v13, v8;
	v47 =	vmul.f32 v24, v24;
	v2 =	vadd.f32 v2, v5;
	v55 =	vld [tilespmem:s30+$0x8200]  }
0x2a7: {  	v11 =	vadd.f32 v44, v17;
	v9 =	vadd.f32 v45, v9;
	v57 =	vld [tilespmem:s30+$0x200]  }
0x2a8: {  	v6 =	vadd.f32 v47, v6;
	v51 =	vadd.f32 v49, v7  }
0x2a9: {  	v52 =	vmul.f32 v0, v0;
	v0 =	vadd.f32 v0, v8;
	v2 =	vadd.f32 v43, v2  }
0x2aa: {  	v3 =	vadd.f32 v30, v3;
	v53 =	vadd.f32 v50, v11  }
0x2ab: {  	v56 =	vmul.f32 v43, v43;
	v7 =	vadd.f32 v52, v9;
	v6 =	vadd.f32 v54, v6  }
0x2ac: {  	v59 =	vmul.f32 v36, v36;
	v0 =	vadd.f32 v36, v0;
	v9 =	vadd.f32 v57, v55  }
0x2ad: {  	v60 =	vmul.f32 v30, v30;
	v5 =	vadd.f32 v56, v51;
	v2 =	vadd.f32 v32, v2  }
0x2ae: {  	v1 =	vadd.f32 v48, v1;
	v0 =	vadd.f32 v9, v0  }
0x2af: {  	v7 =	vadd.f32 v59, v7;
	v6 =	vadd.f32 v60, v6;
	v58 =	vmul.f32 v46, v46  }
0x2b0: {  	v61 =	vmul.f32 v32, v32;
	v2 =	vadd.f32 v2, v3;
	v0 =	vadd.f32 v0, v1  }
0x2b1: {  	v4 =	vadd.f32 v58, v53;
	v62 =	vmul.f32 v48, v48;
	v63 =	vmul.f32 v9, v9  }
0x2b2: {  	v5 =	vadd.f32 v61, v5;
	v0 =	vadd.f32 v0, v2  }
0x2b3: {  	v4 =	vadd.f32 v62, v4;
	v7 =	vadd.f32 v63, v7  }
0x2b4: {  	(xrf2) =	vadd.scan.msk.f32 $0xffff, v0  }
0x2b5: {  	v1 =	vadd.f32 v5, v6;
	v3 =	vadd.f32 v7, v4;
	_ =	sdelay $0x1  }
0x2b6: {  	v1 =	vadd.f32 v3, v1;
	_ =	sdelay $0x1  }
0x2b7: {  	(xrf2) =	vadd.scan.msk.f32 $0xffff, v1;
	_ =	sdelay $0x1  }
0x2b8: {  	v42 =	vlaneseq.u32;
	v2 =	vmov s12  }
0x2b9: {  	vm1 =	veq.s32 v2, v42;
	v2 =	vld [tilespmem:$0x1FE60];
	_ =	sdelay $0x1  }
0x2ba: {  	v0, _, _ =	vpop (xrf2)  }
0x2bb: {  	v0 =	vbroadcast v0, $0xF;
	_ =	sdelay $0x1  }
0x2bc: {  	v2 =	vsel vm1, v0, v2;
	v0 =	vld [tilespmem:$0x1FE70];
	_ =	sdelay $0x1  }
0x2bd: {  	p0 =	sne.s32 s12, $0xF;
	v1, _, _ =	vpop (xrf2)  }
.Ltmp2:
0x2be: {  	v1 =	vbroadcast v1, $0xF;
	(pc) =	sbr.rel @p0 .LBB2_7-.Ltmp2, $4  }
0x2bf: {  	_ = 	snop  }
0x2c0: {  	v0 =	vsel vm1, v1, v0  }
0x2c1: {  	s9 =	sadd.s32 $0x80, s9;
	[tilespmem:$0x1FE70] =	vst v0  }
0x2c2: {  	s1 =	sadd.s32 $0x1, s1;
	s11 =	sadd.s32 $0x400, s11;
	[tilespmem:s30+$0x8200] =	vst v9;
	s12 =	sadd.s32 $0x1, s12;
	v1 =	vld [tilespmem:$0x1FE70]  }
0x2c3: {  	_ =	sdelay $0x1  }
0x2c4: {  	v0 =	vmul.f32 $9.765625000e-04, v2;
	_ =	sdelay $0x1  }
0x2c5: {  	v2 =	vmul.f32 v0, v0;
	v1 =	vmul.f32 $9.765625000e-04, v1;
	_ =	sdelay $0x1  }
0x2c6: {  	v1 =	vsub.f32 v1, v2;
	_ =	sdelay $0x1  }
0x2c7: {  	v1 =	vadd.f32 $9.999999740e-06, v1;
	_ =	sdelay $0x1  }
0x2c8: {  	v60 =	vmul.f32 $5.000000000e-01, v1;
	v1 =	vshra.s32 v1, $0x1  }
0x2c9: {  	v1 =	vsub.s32 $0x5F3759DF, v1  }
0x2ca: {  	v3 =	vmul.f32 v1, v60;
	_ =	sdelay $0x1  }
0x2cb: {  	v3 =	vmul.f32 v1, v3;
	_ =	sdelay $0x1  }
0x2cc: {  	v3 =	vsub.f32 $1.500000000e+00, v3;
	_ =	sdelay $0x1  }
0x2cd: {  	v1 =	vmul.f32 v1, v3;
	_ =	sdelay $0x1  }
0x2ce: {  	v3 =	vmul.f32 v1, v60;
	_ =	sdelay $0x1  }
0x2cf: {  	v3 =	vmul.f32 v3, v1;
	_ =	sdelay $0x1  }
0x2d0: {  	v3 =	vsub.f32 $1.500000000e+00, v3;
	_ =	sdelay $0x1  }
0x2d1: {  	v12 =	vbroadcast v0, $0x0;
	v1 =	vmul.f32 v3, v1  }
0x2d2: {  	v13 =	vbroadcast v0, $0x1;
	v15 =	vbroadcast v0, $0x2  }
0x2d3: {  	s9 =	simm.s32 $0x0;
	v17 =	vbroadcast v0, $0x3;
	v2 =	vmul.f32 v1, v60  }
0x2d4: {  	s11 =	simm.s32 $0xC200;
	s1 =	sand.u32 $0x70, s9;
	s4 =	sand.u32 $0x1C00, s9;
	v18 =	vbroadcast v0, $0x4;
	v20 =	vbroadcast v0, $0x5  }
0x2d5: {  	v16 =	vld [tilespmem:s11+$0x0];
	s1 =	sor.u32 s1, s4;
	v21 =	vbroadcast v0, $0x6;
	v2 =	vmul.f32 v2, v1  }
0x2d6: {  	v19 =	vbroadcast v0, $0x7;
	v9 =	vbroadcast v0, $0x8;
	v14 =	vld [tilespmem:s1+$0x8280]  }
0x2d7: {  	v11 =	vbroadcast v0, $0x9;
	v10 =	vbroadcast v0, $0xA;
	v31 =	vld [tilespmem:s1+$0x8200];
	v2 =	vsub.f32 $1.500000000e+00, v2  }
0x2d8: {  	v8 =	vbroadcast v0, $0xB;
	v7 =	vbroadcast v0, $0xC;
	v3 =	vld [tilespmem:s1+$0x8480]  }
0x2d9: {  	v6 =	vbroadcast v0, $0xD;
	v24 =	vld [tilespmem:s1+$0x8500];
	v1 =	vmul.f32 v2, v1  }
0x2da: {  	v5 =	vbroadcast v0, $0xE;
	v4 =	vbroadcast v0, $0xF;
	v61 =	vld [tilespmem:s1+$0x8400]  }
0x2db: {  	v62 =	vld [tilespmem:s1+$0x8300];
	v33 =	vsub.f32 v14, v13;
	v22 =	vbroadcast v1, $0x0;
	v23 =	vbroadcast v1, $0x1  }
0x2dc: {  	s30 =	simm.s32 $0xC600;
	v32 =	vld [tilespmem:s1+$0x8380];
	v31 =	vsub.f32 v31, v12;
	v25 =	vbroadcast v1, $0x2;
	v26 =	vbroadcast v1, $0x3  }
0x2dd: {  	v14 =	vld [tilespmem:s30+$0x0];
	v3 =	vsub.f32 v3, v20;
	v27 =	vbroadcast v1, $0x4;
	v29 =	vbroadcast v1, $0x5  }
0x2de: {  	v24 =	vsub.f32 v24, v21;
	v30 =	vbroadcast v1, $0x6;
	v33 =	vmul.f32 v33, v23  }
0x2df: {  	v2 =	vsub.f32 v61, v18;
	v28 =	vbroadcast v1, $0x7;
	v3 =	vmul.f32 v3, v29  }
0x2e0: {  	v0 =	vsub.f32 v62, v15;
	v31 =	vmul.f32 v31, v22;
	v33 =	vmul.f32 v33, v16  }
0x2e1: {  	v32 =	vsub.f32 v32, v17;
	v2 =	vmul.f32 v2, v27;
	v3 =	vmul.f32 v3, v16  }
0x2e2: {  	v0 =	vmul.f32 v0, v25;
	v34 =	vmul.f32 v31, v16;
	v33 =	vadd.f32 v33, v14  }
0x2e3: {  	v32 =	vmul.f32 v32, v26;
	v2 =	vmul.f32 v2, v16;
	v3 =	vadd.f32 v3, v14  }
0x2e4: {  	v63 =	vmul.f32 v24, v30;
	v0 =	vmul.f32 v0, v16;
	v34 =	vadd.f32 v34, v14;
	[tilespmem:s1+$0x8280] =	vst v33  }
0x2e5: {  	v36 =	vbroadcast v1, $0x9;
	v32 =	vmul.f32 v32, v16;
	v2 =	vadd.f32 v2, v14;
	[tilespmem:s1+$0x8480] =	vst v3  }
0x2e6: {  	v35 =	vbroadcast v1, $0xA;
	v0 =	vadd.f32 v0, v14;
	[tilespmem:s1+$0x8200] =	vst v34;
	v3 =	vmul.f32 v63, v16  }
0x2e7: {  	v37 =	vbroadcast v1, $0xC;
	v24 =	vbroadcast v1, $0xB;
	v39 =	vadd.f32 v32, v14;
	[tilespmem:s1+$0x8400] =	vst v2  }
0x2e8: {  	v31 =	vbroadcast v1, $0x8;
	v32 =	vbroadcast v1, $0xF;
	[tilespmem:s1+$0x8300] =	vst v0;
	v38 =	vadd.f32 v3, v14  }
0x2e9: {  	s12 =	simm.s32 $0x10;
	s17 =	simm.s32 $0xC610;
	s19 =	sor.u32 s9, s9;
	v34 =	vbroadcast v1, $0xD;
	v33 =	vbroadcast v1, $0xE;
	[tilespmem:s1+$0x8380] =	vst v39  }
.LBB2_9:
0x2ea: {  	[tilespmem:s1+$0x8500] =	vst v38;
	s4 =	sor.u32 $0x380, s19;
	s9 =	sadd.s32 $0x80, s9;
	s11 =	sadd.s32 $0x10, s11  }
0x2eb: {  	p0 =	sne.s32 s12, $0x3F0;
	s28 =	smov.u32 s12;
	s12 =	sadd.s32 $0x10, s12;
	v0 =	vld [tilespmem:s4+$0x8200]  }
0x2ec: {  	_ =	sdelay $0x3  }
0x2ed: {  	v0 =	vsub.f32 v0, v19;
	_ =	sdelay $0x1  }
0x2ee: {  	v0 =	vmul.f32 v0, v28  }
0x2ef: {  	s5 =	sand.u32 $0x70, s28;
	s19 =	sand.u32 $0x1C00, s9  }
0x2f0: {  	s19 =	sor.u32 s5, s19;
	v0 =	vmul.f32 v0, v16;
	_ =	sdelay $0x1  }
0x2f1: {  	v0 =	vadd.f32 v0, v14;
	_ =	sdelay $0x1  }
0x2f2: {  	[tilespmem:s4+$0x8200] =	vst v0  }
0x2f3: {  	v0 =	vld [tilespmem:s1+$0xA200]  }
0x2f4: {  	v1 =	vld [tilespmem:s1+$0xA280]  }
0x2f5: {  	v2 =	vld [tilespmem:s1+$0xA300]  }
0x2f6: {  	v3 =	vld [tilespmem:s1+$0xA380]  }
0x2f7: {  	v38 =	vld [tilespmem:s1+$0xA400]  }
0x2f8: {  	v0 =	vsub.f32 v0, v9;
	v39 =	vld [tilespmem:s1+$0xA480]  }
0x2f9: {  	v1 =	vsub.f32 v1, v11;
	v40 =	vld [tilespmem:s1+$0xA500]  }
0x2fa: {  	v0 =	vmul.f32 v0, v31;
	v2 =	vsub.f32 v2, v10;
	v41 =	vld [tilespmem:s1+$0xA580]  }
0x2fb: {  	v1 =	vmul.f32 v1, v36;
	v3 =	vsub.f32 v3, v8  }
0x2fc: {  	v0 =	vmul.f32 v0, v16;
	v2 =	vmul.f32 v2, v35;
	v38 =	vsub.f32 v38, v7  }
0x2fd: {  	v1 =	vmul.f32 v1, v16;
	v3 =	vmul.f32 v3, v24;
	v39 =	vsub.f32 v39, v6  }
0x2fe: {  	v2 =	vmul.f32 v2, v16;
	v38 =	vmul.f32 v38, v37;
	v40 =	vsub.f32 v40, v5  }
0x2ff: {  	v1 =	vadd.f32 v1, v14;
	v39 =	vmul.f32 v39, v34;
	v41 =	vsub.f32 v41, v4  }
0x300: {  	v2 =	vadd.f32 v2, v14;
	v38 =	vmul.f32 v38, v16;
	v40 =	vmul.f32 v40, v33  }
0x301: {  	v0 =	vadd.f32 v0, v14;
	[tilespmem:s1+$0xA280] =	vst v1;
	v1 =	vmul.f32 v39, v16;
	v39 =	vmul.f32 v41, v32  }
0x302: {  	v41 =	vld [tilespmem:s19+$0x8400];
	[tilespmem:s1+$0xA300] =	vst v2;
	v2 =	vadd.f32 v38, v14;
	v38 =	vmul.f32 v40, v16  }
0x303: {  	v40 =	vld [tilespmem:s19+$0x8480];
	[tilespmem:s1+$0xA200] =	vst v0;
	v0 =	vmul.f32 v3, v16;
	v1 =	vadd.f32 v1, v14;
	v3 =	vmul.f32 v39, v16  }
0x304: {  	v39 =	vld [tilespmem:s19+$0x8500];
	[tilespmem:s1+$0xA400] =	vst v2;
	v2 =	vadd.f32 v38, v14  }
0x305: {  	v38 =	vld [tilespmem:s19+$0x8280];
	v0 =	vadd.f32 v0, v14;
	[tilespmem:s1+$0xA480] =	vst v1;
	v1 =	vadd.f32 v3, v14  }
0x306: {  	v3 =	vld [tilespmem:s19+$0x8300];
	[tilespmem:s1+$0xA500] =	vst v2  }
0x307: {  	v2 =	vld [tilespmem:s19+$0x8200];
	v41 =	vsub.f32 v41, v18;
	[tilespmem:s1+$0xA580] =	vst v1  }
0x308: {  	v1 =	vld [tilespmem:s19+$0x8380];
	v40 =	vsub.f32 v40, v20;
	[tilespmem:s1+$0xA380] =	vst v0;
	s1 =	smov.u32 s19  }
0x309: {  	v16 =	vld [tilespmem:s11+$0x0];
	v0 =	vsub.f32 v39, v21  }
0x30a: {  	v14 =	vld [tilespmem:s17+$0x0];
	v38 =	vsub.f32 v38, v13  }
0x30b: {  	v39 =	vmul.f32 v41, v27;
	v3 =	vsub.f32 v3, v15  }
0x30c: {  	v0 =	vmul.f32 v0, v30;
	v2 =	vsub.f32 v2, v12;
	v38 =	vmul.f32 v38, v23  }
0x30d: {  	v40 =	vmul.f32 v40, v29;
	v3 =	vmul.f32 v3, v25;
	v1 =	vsub.f32 v1, v17  }
0x30e: {  	v2 =	vmul.f32 v2, v22;
	v38 =	vmul.f32 v38, v16  }
0x30f: {  	v40 =	vmul.f32 v40, v16;
	v1 =	vmul.f32 v1, v26  }
0x310: {  	v0 =	vmul.f32 v0, v16;
	v2 =	vmul.f32 v2, v16;
	v38 =	vadd.f32 v38, v14  }
0x311: {  	v39 =	vmul.f32 v39, v16;
	v40 =	vadd.f32 v40, v14;
	v1 =	vmul.f32 v1, v16  }
0x312: {  	v3 =	vmul.f32 v3, v16;
	v2 =	vadd.f32 v2, v14;
	[tilespmem:s1+$0x8280] =	vst v38;
	v38 =	vadd.f32 v0, v14  }
.Ltmp3:
0x313: {  	v0 =	vadd.f32 v1, v14;
	v1 =	vadd.f32 v39, v14;
	[tilespmem:s1+$0x8480] =	vst v40;
	(pc) =	sbr.rel @p0 .LBB2_9-.Ltmp3, $4  }
0x314: {  	[tilespmem:s1+$0x8200] =	vst v2;
	v2 =	vadd.f32 v3, v14  }
0x315: {  	[tilespmem:s1+$0x8400] =	vst v1  }
0x316: {  	[tilespmem:s1+$0x8300] =	vst v2  }
0x317: {  	s19 =	sor.u32 s9, s28;
	s17 =	sadd.s32 $0x10, s17;
	[tilespmem:s1+$0x8380] =	vst v0  }
0x318: {  	[tilespmem:s1+$0x8500] =	vst v38;
	s4 =	sor.u32 $0x380, s19  }
0x319: {  	v0 =	vld [tilespmem:s4+$0x8200];
	_ =	sdelay $0x4  }
0x31a: {  	v0 =	vsub.f32 v0, v19;
	_ =	sdelay $0x1  }
0x31b: {  	v0 =	vmul.f32 v0, v28;
	_ =	sdelay $0x1  }
0x31c: {  	v0 =	vmul.f32 v0, v16;
	_ =	sdelay $0x1  }
0x31d: {  	v0 =	vadd.f32 v0, v14;
	_ =	sdelay $0x1  }
0x31e: {  	[tilespmem:s4+$0x8200] =	vst v0  }
0x31f: {  	v0 =	vld [tilespmem:s1+$0xA200]  }
0x320: {  	v1 =	vld [tilespmem:s1+$0xA280]  }
0x321: {  	v2 =	vld [tilespmem:s1+$0xA300]  }
0x322: {  	v3 =	vld [tilespmem:s1+$0xA380]  }
0x323: {  	v12 =	vld [tilespmem:s1+$0xA400]  }
0x324: {  	v13 =	vld [tilespmem:s1+$0xA480]  }
0x325: {  	v55 =	vld [tilespmem:s1+$0xA500]  }
0x326: {  	v56 =	vld [tilespmem:s1+$0xA580];
	v1 =	vsub.f32 v1, v11  }
0x327: {  	v2 =	vsub.f32 v2, v10  }
0x328: {  	v0 =	vsub.f32 v0, v9;
	v3 =	vsub.f32 v3, v8;
	v1 =	vmul.f32 v1, v36  }
0x329: {  	v7 =	vsub.f32 v12, v7;
	v6 =	vsub.f32 v13, v6;
	v2 =	vmul.f32 v2, v35  }
0x32a: {  	v5 =	vsub.f32 v55, v5;
	v0 =	vmul.f32 v0, v31;
	v1 =	vmul.f32 v1, v16  }
0x32b: {  	v4 =	vsub.f32 v56, v4;
	v7 =	vmul.f32 v7, v37;
	v2 =	vmul.f32 v2, v16  }
0x32c: {  	v6 =	vmul.f32 v6, v34;
	v0 =	vmul.f32 v0, v16;
	v1 =	vadd.f32 v1, v14  }
0x32d: {  	v5 =	vmul.f32 v5, v33;
	v7 =	vmul.f32 v7, v16;
	v2 =	vadd.f32 v2, v14  }
0x32e: {  	v4 =	vmul.f32 v4, v32;
	v57 =	vmul.f32 v6, v16;
	v0 =	vadd.f32 v0, v14;
	[tilespmem:s1+$0xA280] =	vst v1  }
0x32f: {  	v3 =	vmul.f32 v3, v24;
	v5 =	vmul.f32 v5, v16;
	v58 =	vadd.f32 v7, v14;
	[tilespmem:s1+$0xA300] =	vst v2  }
0x330: {  	v60 =	vmul.f32 v4, v16;
	v59 =	vadd.f32 v57, v14;
	[tilespmem:s1+$0xA200] =	vst v0  }
0x331: {  	p0 =	sne.s32 s31, $0x10;
	v3 =	vmul.f32 v3, v16;
	v61 =	vadd.f32 v5, v14;
	[tilespmem:s1+$0xA400] =	vst v58  }
.Ltmp4:
0x332: {  	v62 =	vadd.f32 v60, v14;
	[tilespmem:s1+$0xA480] =	vst v59;
	(pc) =	sbr.rel @p0 .LBB2_2-.Ltmp4, $4  }
0x333: {  	v63 =	vadd.f32 v3, v14;
	[tilespmem:s1+$0xA500] =	vst v61  }
0x334: {  	[tilespmem:s1+$0xA580] =	vst v62  }
0x335: {  	s30 =	sadd.s32 s10, s16;
	[tilespmem:s1+$0xA380] =	vst v63  }
0x336: {  	[hbm4b:s30+s6] =	stream.linear.scatter [tilespmem:s2], [sflag:$0x4], $0x4000, $0x38;
	[tilespmem:$0xCA00] =	vst v63  }
0x337: {  	s1 =	simm.s32 $0x3  }
0x338: {  	_ =	swait.ge [sflag:s1], $0x4000  }
0x339: {  	[sflag:s1] =	ssyncset.done $0x0  }
0x33a: {  	s4 =	simm.s32 $0x4;
	[sflag:s1] =	ssyncadd.s32 $0xFFFFC000  }
0x33b: {  	_ =	swait.ge [sflag:s4], $0x4000  }
0x33c: {  	s5 =	rddreg [dreg:$0xc]  }
0x33d: {  	s31 =	rddreg [dreg:$0xb];
	s5 =	sadd.s32 $0x1, s5  }
0x33e: {  	p0 =	sne.s32 s5, s31  }
.Ltmp5:
0x33f: {  	_ = 	snop;
	(pc) =	sbr.rel @p0 .LBB2_1-.Ltmp5, $3  }
0x340: {  	_ =	sdelay $0x1  }
0x341: {  	[sflag:s4] =	ssyncset.done $0x0  }
0x342: {  	[sflag:s4] =	ssyncadd.s32 $0xFFFFC000  }
0x343: {  	_ =	sfence.sel $0x180000  }
0x344: {  	[bflag:$0x0] =	sbarrier.arrive $0xFFFF  }
0x345: {  	_ =	strace $0x90000047  }
0x346: {  	s0 =	stileid.u32;
	[bflag:$0x2] =	sbarrier.arrive $0xFFFF  }
0x347: {  	p0 =	sne.s32 s0, $0x0;
	s0 =	rddreg [dreg:$0x6]  }
0x348: {  	s0 =	sadd.s32 @!p0 $0x100000, s0  }
0x349: {  	[sflag:s0] =	ssyncadd.tile.s32 @!p0 $0x1;
	_ =	shalt  }
.Lfunc_end2:
_tile_overlayer_lowered:
.L_overlay_start_2:
0x34a: {  	(tag) =	ssettag $0x2  }
0x34b: {  	s0 =	rddreg [dreg:$0x0];
	s2 =	stileid.u32  }
0x34c: {  	s1 =	rddreg [dreg:$0x1];
	p0 =	sne.s32 s2, $0x0  }
0x34d: {  	s3 =	rddreg [dreg:$0x2];
	[bflag:$0x3] =	sbarrier.arrive $0xFFFF;
	s2 =	simm.s32 @!p0 $0x1C05  }
0x34e: {  	[timem:s3], [sflag:s2] =	dma.local @!p0 [hbm:s0], s1  }
0x34f: {  	s0 =	simm.s32 @!p0 $0x5  }
0x350: {  	_ =	swait.ge @!p0 [sflag:s0], s1  }
0x351: {  	s1 =	ssub.s32 @!p0 $0x0, s1;
	[sflag:s0] =	ssyncset.done @!p0 $0x0  }
0x352: {  	[sflag:s0] =	ssyncadd.s32 @!p0 s1  }
0x353: {  	[bflag:$0x3] =	sbarrier.arrive $0xFFFF  }
0x354: {  	_ =	shalt  }

</sc_bundles>
